<compile_context>
chip_gen: v7x
topology: tpu7x:2x2x1
jax: 0.10.2.dev20260603
libtpu: 0.0.44.dev20260713+nightly
codegen_flags: <defaults>
</compile_context>

<pallas_src>
import functools

import jax
import jax.numpy as jnp
from jax import lax
from jax.experimental import pallas as pl
from jax.experimental.pallas import tpu as pltpu
from jax.experimental.pallas import tpu_sc as plsc

N = 10000
D = 128
E = 320000
BM = 1000
GRID = N // BM

NC, NS, L = 2, 16, 16
NW = NC * NS
CHUNK = 128
CPW = 80
EPW = CPW * CHUNK
E_PAD = NW * EPW
NB = 2
N_PAD = 10240
RPW = N_PAD // NS
SINK = N

_sc_mesh = plsc.VectorSubcoreMesh(core_axis_name="c", subcore_axis_name="s")


def _sc_aggregate_body(h_hbm, src_hbm, dst_hbm, w_hbm, out_hbm,
                       acc, src0, src1, dst0, dst1, w0, w1,
                       rows0, rows1,
                       sg0, sg1, ss0, ss1, si0, si1):
    srcs, dsts, ws = [src0, src1], [dst0, dst1], [w0, w1]
    rowss = [rows0, rows1]
    sgs, sss, sis = [sg0, sg1], [ss0, ss1], [si0, si1]
    cid = lax.axis_index("c")
    sid = lax.axis_index("s")
    wid = cid * NS + sid

    def zrow(i, carry):
        z = jnp.zeros((L,), jnp.float32)
        for g in range(D // L):
            rows0[i, pl.ds(g * L, L)] = z
        return carry

    lax.fori_loop(0, CHUNK, zrow, 0)
    rbase = sid * RPW
    for k in range(RPW // CHUNK):
        pltpu.sync_copy(rows0, acc.at[pl.ds(rbase + k * CHUNK, CHUNK)])
    plsc.subcore_barrier()

    ebase = wid * EPW
    pltpu.sync_copy(src_hbm.at[pl.ds(ebase, CHUNK)], src0)
    pltpu.sync_copy(dst_hbm.at[pl.ds(ebase, CHUNK)], dst0)
    pltpu.sync_copy(w_hbm.at[pl.ds(ebase, CHUNK)], w0.at[pl.ds(0, CHUNK)])
    pltpu.async_copy(h_hbm.at[src0], rows0, sg0)

    def outer(k0, carry):
        for j in range(NB):
            k = k0 * NB + j
            b, p, b1, p1 = j, j % 2, (j + 1) % NB, (j + 1) % 2
            off1 = ebase + (k + 1) * CHUNK
            more = k + 1 < CPW

            @pl.when(more)
            def _():
                pltpu.async_copy(src_hbm.at[pl.ds(off1, CHUNK)], srcs[p1], sis[p1])
                pltpu.async_copy(dst_hbm.at[pl.ds(off1, CHUNK)], dsts[p1], sis[p1])
                pltpu.async_copy(w_hbm.at[pl.ds(off1, CHUNK)],
                                 ws[p1].at[pl.ds(0, CHUNK)], sis[p1])

            pltpu.make_async_copy(h_hbm.at[srcs[p]], rowss[b], sgs[b]).wait()
            rb, wb = rowss[b], ws[p]

            def mul_body(e, c2):
                wsc = wb[pl.ds(e, L)][0]
                for g in range(D // L):
                    sl = pl.ds(g * L, L)
                    rb[e, sl] = rb[e, sl] * wsc
                return c2

            lax.fori_loop(0, CHUNK, mul_body, 0, unroll=2)

            pltpu.async_copy(rowss[b], acc.at[dsts[p]], sss[b], add=True)

            @pl.when(more)
            def _():
                @pl.when(k >= NB - 1)
                def _():
                    pltpu.make_async_copy(rowss[b1], acc.at[dsts[p1]], sss[b1]).wait()

                pltpu.make_async_copy(src_hbm.at[pl.ds(off1, CHUNK)], srcs[p1], sis[p1]).wait()
                pltpu.make_async_copy(dst_hbm.at[pl.ds(off1, CHUNK)], dsts[p1], sis[p1]).wait()
                pltpu.make_async_copy(w_hbm.at[pl.ds(off1, CHUNK)],
                                      ws[p1].at[pl.ds(0, CHUNK)], sis[p1]).wait()
                pltpu.async_copy(h_hbm.at[srcs[p1]], rowss[b1], sgs[b1])
        return carry

    lax.fori_loop(0, CPW // NB, outer, 0)
    for b in range(NB):
        pltpu.make_async_copy(rowss[b], acc.at[dsts[b % 2]], sss[b]).wait()
    plsc.subcore_barrier()

    pltpu.sync_copy(acc.at[pl.ds(rbase, RPW)],
                    out_hbm.at[cid, pl.ds(rbase, RPW)])


_sc_aggregate = pl.kernel(
    _sc_aggregate_body,
    out_type=jax.ShapeDtypeStruct((NC, N_PAD, D), jnp.float32),
    mesh=_sc_mesh,
    scratch_types=[
        pltpu.VMEM_SHARED((N_PAD, D), jnp.float32),
        pltpu.VMEM((CHUNK,), jnp.int32),
        pltpu.VMEM((CHUNK,), jnp.int32),
        pltpu.VMEM((CHUNK,), jnp.int32),
        pltpu.VMEM((CHUNK,), jnp.int32),
        pltpu.VMEM((CHUNK + L,), jnp.float32),
        pltpu.VMEM((CHUNK + L,), jnp.float32),
        pltpu.VMEM((CHUNK, D), jnp.float32),
        pltpu.VMEM((CHUNK, D), jnp.float32),
        pltpu.SemaphoreType.DMA,
        pltpu.SemaphoreType.DMA,
        pltpu.SemaphoreType.DMA,
        pltpu.SemaphoreType.DMA,
        pltpu.SemaphoreType.DMA,
        pltpu.SemaphoreType.DMA,
    ],
)


OUT_LANE = 0
IN_LANE = 64


def _sc_degrees_body(src_hbm, dst_hbm, deg_hbm,
                     acc, src0, src1, dst0, dst1, vsrc, vdst,
                     ss0, ss1, si0, si1):
    srcs, dsts = [src0, src1], [dst0, dst1]
    sss, sis = [ss0, ss1], [si0, si1]
    cid = lax.axis_index("c")
    sid = lax.axis_index("s")
    wid = cid * NS + sid

    def zfill(i, carry):
        z = jnp.zeros((L,), jnp.float32)
        for g in range(D // L):
            vdst[i, pl.ds(g * L, L)] = z
        return carry

    lax.fori_loop(0, CHUNK, zfill, 0)
    rbase = sid * RPW
    for k in range(RPW // CHUNK):
        pltpu.sync_copy(vdst, acc.at[pl.ds(rbase + k * CHUNK, CHUNK)])

    def fill(i, carry):
        z = jnp.zeros((L,), jnp.float32)
        one = z + 1.0
        for g in range(D // L):
            vsrc[i, pl.ds(g * L, L)] = one if g == OUT_LANE // L else z
            if g == IN_LANE // L:
                vdst[i, pl.ds(g * L, L)] = one
        return carry

    lax.fori_loop(0, CHUNK, fill, 0)
    plsc.subcore_barrier()

    ebase = wid * EPW
    pltpu.sync_copy(src_hbm.at[pl.ds(ebase, CHUNK)], src0)
    pltpu.sync_copy(dst_hbm.at[pl.ds(ebase, CHUNK)], dst0)

    def outer(k0, carry):
        for j in range(2):
            k = k0 * 2 + j
            p, p1 = j, (j + 1) % 2
            off1 = ebase + (k + 1) * CHUNK
            more = k + 1 < CPW

            @pl.when(k >= 1)
            def _():
                pltpu.make_async_copy(vsrc, acc.at[srcs[p1]], sss[p1]).wait()
                pltpu.make_async_copy(vdst, acc.at[dsts[p1]], sss[p1]).wait()

            @pl.when(more)
            def _():
                pltpu.async_copy(src_hbm.at[pl.ds(off1, CHUNK)], srcs[p1], sis[p1])
                pltpu.async_copy(dst_hbm.at[pl.ds(off1, CHUNK)], dsts[p1], sis[p1])

            pltpu.async_copy(vsrc, acc.at[srcs[p]], sss[p], add=True)
            pltpu.async_copy(vdst, acc.at[dsts[p]], sss[p], add=True)

            @pl.when(more)
            def _():
                pltpu.make_async_copy(src_hbm.at[pl.ds(off1, CHUNK)], srcs[p1], sis[p1]).wait()
                pltpu.make_async_copy(dst_hbm.at[pl.ds(off1, CHUNK)], dsts[p1], sis[p1]).wait()
        return carry

    lax.fori_loop(0, CPW // 2, outer, 0)
    pltpu.make_async_copy(vsrc, acc.at[srcs[1]], sss[1]).wait()
    pltpu.make_async_copy(vdst, acc.at[dsts[1]], sss[1]).wait()
    plsc.subcore_barrier()

    pltpu.sync_copy(acc.at[pl.ds(rbase, RPW)],
                    deg_hbm.at[cid, pl.ds(rbase, RPW)])


_sc_degrees = pl.kernel(
    _sc_degrees_body,
    out_type=jax.ShapeDtypeStruct((NC, N_PAD, D), jnp.float32),
    mesh=_sc_mesh,
    scratch_types=[
        pltpu.VMEM_SHARED((N_PAD, D), jnp.float32),
        pltpu.VMEM((CHUNK,), jnp.int32),
        pltpu.VMEM((CHUNK,), jnp.int32),
        pltpu.VMEM((CHUNK,), jnp.int32),
        pltpu.VMEM((CHUNK,), jnp.int32),
        pltpu.VMEM((CHUNK, D), jnp.float32),
        pltpu.VMEM((CHUNK, D), jnp.float32),
        pltpu.SemaphoreType.DMA,
        pltpu.SemaphoreType.DMA,
        pltpu.SemaphoreType.DMA,
        pltpu.SemaphoreType.DMA,
    ],
)


def _tc_matmuls_body(x_ref, w1_ref, wfc_ref, g_ref, b_ref, xw1_ref, f1_ref):
    x = x_ref[...]
    xw1_ref[...] = jnp.dot(x, w1_ref[...], preferred_element_type=jnp.float32)
    f = jnp.dot(x, wfc_ref[...], preferred_element_type=jnp.float32)
    mu = jnp.mean(f, axis=-1, keepdims=True)
    var = jnp.mean((f - mu) * (f - mu), axis=-1, keepdims=True)
    f1_ref[...] = jnp.maximum(
        (f - mu) * jax.lax.rsqrt(var + 1e-5) * g_ref[...] + b_ref[...], 0.0)


def _tc_matmuls(x, W1, Wfc, ln_g, ln_b):
    return pl.pallas_call(
        _tc_matmuls_body,
        grid=(GRID,),
        in_specs=[
            pl.BlockSpec((BM, D), lambda i: (i, 0)),
            pl.BlockSpec((D, D), lambda i: (0, 0)),
            pl.BlockSpec((D, D), lambda i: (0, 0)),
            pl.BlockSpec((1, D), lambda i: (0, 0)),
            pl.BlockSpec((1, D), lambda i: (0, 0)),
        ],
        out_specs=[
            pl.BlockSpec((BM, D), lambda i: (i, 0)),
            pl.BlockSpec((BM, D), lambda i: (i, 0)),
        ],
        out_shape=[
            jax.ShapeDtypeStruct((N, D), jnp.float32),
            jax.ShapeDtypeStruct((N, D), jnp.float32),
        ],
    )(x, W1, Wfc, ln_g.reshape(1, D), ln_b.reshape(1, D))


def _tc_scale_body(xw1_ref, f1_ref, dg_ref, h1_ref, f1s_ref, rio_ref, rsin_ref):
    deg_o = dg_ref[0, :, OUT_LANE:OUT_LANE + 1] + dg_ref[1, :, OUT_LANE:OUT_LANE + 1]
    deg_i = dg_ref[0, :, IN_LANE:IN_LANE + 1] + dg_ref[1, :, IN_LANE:IN_LANE + 1]
    rs_o = jax.lax.rsqrt(jnp.maximum(deg_o, 1.0))
    rs_i = jax.lax.rsqrt(jnp.maximum(deg_i, 1.0))
    h1_ref[...] = xw1_ref[...] * rs_o
    f1s_ref[...] = f1_ref[...] * rs_o
    rio_ref[...] = rs_i * rs_o
    rsin_ref[...] = rs_i


def _tc_scale(xw1, f1, degp):
    return pl.pallas_call(
        _tc_scale_body,
        grid=(GRID,),
        in_specs=[
            pl.BlockSpec((BM, D), lambda i: (i, 0)),
            pl.BlockSpec((BM, D), lambda i: (i, 0)),
            pl.BlockSpec((NC, BM, D), lambda i: (0, i, 0)),
        ],
        out_specs=[
            pl.BlockSpec((BM, D), lambda i: (i, 0)),
            pl.BlockSpec((BM, D), lambda i: (i, 0)),
            pl.BlockSpec((BM, 1), lambda i: (i, 0)),
            pl.BlockSpec((BM, 1), lambda i: (i, 0)),
        ],
        out_shape=[
            jax.ShapeDtypeStruct((N, D), jnp.float32),
            jax.ShapeDtypeStruct((N, D), jnp.float32),
            jax.ShapeDtypeStruct((N, 1), jnp.float32),
            jax.ShapeDtypeStruct((N, 1), jnp.float32),
        ],
    )(xw1, f1, degp)


def _tc_mid2_body(agg_ref, f1s_ref, w2a_ref, w2b_ref, rio_ref, out_ref):
    x1s = jnp.maximum(agg_ref[0] + agg_ref[1], 0.0) * rio_ref[...]
    out_ref[...] = (
        jnp.dot(x1s, w2a_ref[...], preferred_element_type=jnp.float32)
        + jnp.dot(f1s_ref[...], w2b_ref[...], preferred_element_type=jnp.float32))


def _tc_mid2(aggp, f1s, W2a, W2b, rio):
    return pl.pallas_call(
        _tc_mid2_body,
        grid=(GRID,),
        in_specs=[
            pl.BlockSpec((NC, BM, D), lambda i: (0, i, 0)),
            pl.BlockSpec((BM, D), lambda i: (i, 0)),
            pl.BlockSpec((D, D), lambda i: (0, 0)),
            pl.BlockSpec((D, D), lambda i: (0, 0)),
            pl.BlockSpec((BM, 1), lambda i: (i, 0)),
        ],
        out_specs=pl.BlockSpec((BM, D), lambda i: (i, 0)),
        out_shape=jax.ShapeDtypeStruct((N, D), jnp.float32),
    )(aggp, f1s, W2a, W2b, rio)


def _tc_mid3_body(agg_ref, w3_ref, rio_ref, out_ref):
    x2s = jnp.maximum(agg_ref[0] + agg_ref[1], 0.0) * rio_ref[...]
    out_ref[...] = jnp.dot(x2s, w3_ref[...], preferred_element_type=jnp.float32)


def _tc_mid3(aggp, W3, rio):
    return pl.pallas_call(
        _tc_mid3_body,
        grid=(GRID,),
        in_specs=[
            pl.BlockSpec((NC, BM, D), lambda i: (0, i, 0)),
            pl.BlockSpec((D, D), lambda i: (0, 0)),
            pl.BlockSpec((BM, 1), lambda i: (i, 0)),
        ],
        out_specs=pl.BlockSpec((BM, D), lambda i: (i, 0)),
        out_shape=jax.ShapeDtypeStruct((N, D), jnp.float32),
    )(aggp, W3, rio)


def _tc_final_body(agg_ref, rsin_ref, out_ref):
    i = pl.program_id(0)
    x3 = jnp.maximum(agg_ref[0] + agg_ref[1], 0.0) * rsin_ref[...]
    part = jnp.sum(x3, axis=0, keepdims=True)

    @pl.when(i == 0)
    def _():
        out_ref[...] = part

    @pl.when(i != 0)
    def _():
        out_ref[...] += part


def _tc_final(aggp, rs_in):
    return pl.pallas_call(
        _tc_final_body,
        grid=(GRID,),
        in_specs=[
            pl.BlockSpec((NC, BM, D), lambda i: (0, i, 0)),
            pl.BlockSpec((BM, 1), lambda i: (i, 0)),
        ],
        out_specs=pl.BlockSpec((1, D), lambda i: (0, 0)),
        out_shape=jax.ShapeDtypeStruct((1, D), jnp.float32),
    )(aggp, rs_in)


def kernel(x, edge_index, w, W1, Wfc, ln_g, ln_b, W2, W3):
    src = edge_index[0].astype(jnp.int32)
    dst = edge_index[1].astype(jnp.int32)
    pad = E_PAD - E
    zpad_i = jnp.zeros((pad,), jnp.int32)
    src_g = jnp.concatenate([src, zpad_i])
    dst_g = jnp.concatenate([dst, zpad_i])
    w_g = jnp.concatenate([w, jnp.zeros((pad,), jnp.float32)])
    sinkpad = jnp.full((pad,), SINK, jnp.int32)
    src_d = jnp.concatenate([src, sinkpad])
    dst_d = jnp.concatenate([dst, sinkpad])

    degp = _sc_degrees(src_d, dst_d)
    xw1, f1 = _tc_matmuls(x, W1, Wfc, ln_g, ln_b)
    h1, f1s, rio, rs_in = _tc_scale(xw1, f1, degp)
    agg1 = _sc_aggregate(h1, src_g, dst_g, w_g)
    h2 = _tc_mid2(agg1, f1s, W2[:D], W2[D:], rio)
    agg2 = _sc_aggregate(h2, src_g, dst_g, w_g)
    h3 = _tc_mid3(agg2, W3, rio)
    agg3 = _sc_aggregate(h3, src_g, dst_g, w_g)
    return _tc_final(agg3, rs_in)

# --- scband reference (transcript-rebuilt; emitter-appended) ---
"""Pipeline reference for scband-gcn-22213570855120 (READ-ONLY COPY).

The authoritative reference and input builder live on the scoring server;
editing this copy changes nothing except your own understanding.
"""

import jax, jax.numpy as jnp
import numpy as np

N = 10000
E = 320000
D_IN = 128
H4 = 128   # hidden_dim*4 with hidden_dim=32
OUT = 128


def setup_inputs(seed: int = 0) -> dict:
    key = jax.random.key(seed)
    ks = jax.random.split(key, 9)
    x = jax.random.normal(ks[0], (N, D_IN), dtype=jnp.float32)
    edge_index = jax.random.randint(ks[1], (2, E), 0, N)
    w = jax.random.uniform(ks[2], (E,), dtype=jnp.float32)
    W1 = jax.random.normal(ks[3], (D_IN, H4), dtype=jnp.float32) * 0.05
    Wfc = jax.random.normal(ks[4], (D_IN, H4), dtype=jnp.float32) * 0.05
    ln_g = jnp.ones((H4,), dtype=jnp.float32)
    ln_b = jnp.zeros((H4,), dtype=jnp.float32)
    W2 = jax.random.normal(ks[5], (2 * H4, H4), dtype=jnp.float32) * 0.05
    W3 = jax.random.normal(ks[6], (H4, OUT), dtype=jnp.float32) * 0.05
    return {"x": x, "edge_index": edge_index, "w": w, "W1": W1, "Wfc": Wfc,
            "ln_g": ln_g, "ln_b": ln_b, "W2": W2, "W3": W3}


def _graph_conv(x, W, src, dst, w):
    # DGL GraphConv, norm='both', bias=False, with edge_weight:
    # h = D_in^{-1/2} * A_w * D_out^{-1/2} * x * W  (degrees unweighted, clamped >= 1)
    n = x.shape[0]
    deg_out = jnp.clip(jnp.zeros((n,), x.dtype).at[src].add(1.0), 1.0, None)
    deg_in = jnp.clip(jnp.zeros((n,), x.dtype).at[dst].add(1.0), 1.0, None)
    h = x * jax.lax.rsqrt(deg_out)[:, None]
    h = h @ W
    m = h[src] * w[:, None]
    agg = jnp.zeros((n, W.shape[1]), x.dtype).at[dst].add(m)
    return agg * jax.lax.rsqrt(deg_in)[:, None]


def reference(x, edge_index, w, W1, Wfc, ln_g, ln_b, W2, W3):
    src, dst = edge_index[0], edge_index[1]
    # layer1 + relu
    x1 = jax.nn.relu(_graph_conv(x, W1, src, dst, w))
    # fc1: Linear(no bias) -> LayerNorm -> ReLU
    f = x @ Wfc
    mu = jnp.mean(f, axis=-1, keepdims=True)
    var = jnp.var(f, axis=-1, keepdims=True)
    f = (f - mu) * jax.lax.rsqrt(var + 1e-5) * ln_g + ln_b
    f1 = jax.nn.relu(f)
    # concat and two more graph convs
    x1f1 = jnp.concatenate([x1, f1], axis=1)
    x2 = jax.nn.relu(_graph_conv(x1f1, W2, src, dst, w))
    x3 = jax.nn.relu(_graph_conv(x2, W3, src, dst, w))
    # dgl.sum_nodes readout (single graph in batch) -> [1, OUT]
    return jnp.sum(x3, axis=0, keepdims=True)

if __name__ == "__main__":
    import jax
    _d = setup_inputs()
    print(jax.jit(kernel)(*tuple(_d.values())))

</pallas_src>

<mosaic_0001>
#map = affine_map<(d0, d1) -> (0)>
#map1 = affine_map<(d0, d1) -> (0, 0, 0)>
module attributes {stable_mosaic.version = 14 : i64} {
  func.func @_sc_degrees_body(%arg0: i32, %arg1: i32, %arg2: memref<327680xi32, #tpu.memory_space<hbm>>, %arg3: memref<327680xi32, #tpu.memory_space<hbm>>, %arg4: memref<2x10240x128xf32, #tpu.memory_space<hbm>>, %arg5: memref<10240x128xf32, #tpu.memory_space<vmem_shared>>, %arg6: memref<128xi32, #tpu.memory_space<vmem>>, %arg7: memref<128xi32, #tpu.memory_space<vmem>>, %arg8: memref<128xi32, #tpu.memory_space<vmem>>, %arg9: memref<128xi32, #tpu.memory_space<vmem>>, %arg10: memref<128x128xf32, #tpu.memory_space<vmem>>, %arg11: memref<128x128xf32, #tpu.memory_space<vmem>>, %arg12: memref<!tpu.dma_semaphore, #tpu.memory_space<semaphore_mem>>, %arg13: memref<!tpu.dma_semaphore, #tpu.memory_space<semaphore_mem>>, %arg14: memref<!tpu.dma_semaphore, #tpu.memory_space<semaphore_mem>>, %arg15: memref<!tpu.dma_semaphore, #tpu.memory_space<semaphore_mem>>) attributes {dimension_semantics = [#tpu.dimension_semantics<core_parallel>, #tpu.dimension_semantics<subcore_parallel>], iteration_bounds = array<i64: 2, 16>, scalar_prefetch = 0 : i64, scratch_operands = 11 : i64, tpu.core_type = #tpu.core_type<sc_vector_subcore>, window_params = [{transform_indices = #map}, {transform_indices = #map}, {transform_indices = #map1}]} {
    %mul3A = arith.constant 16 : i32
    %mul3A_0 = arith.muli %arg0, %mul3A : i32
    %add3A = arith.addi %mul3A_0, %arg1 : i32
    %scan3A = arith.constant 0 : i32
    %scan3A_1 = arith.constant 0 : i32
    %scan3A_2 = arith.constant 128 : i32
    %scan3A_3 = arith.addi %scan3A_1, %scan3A_2 : i32
    %scan3A_4 = arith.constant 1 : i32
    scf.for %scan3A_38 = %scan3A_1 to %scan3A_3 step %scan3A_4  : i32 {
      %broadcast_in_dim3A = arith.constant 0.000000e+00 : f32
      %broadcast_in_dim3A_39 = vector.broadcast %broadcast_in_dim3A : f32 to vector<16xf32>
      %swap3A = arith.index_cast %scan3A_38 : i32 to index
      %swap3A_40 = arith.constant 0 : index
      %swap3A_41 = tpu.vector_load %arg11[%swap3A, %swap3A_40] {strides = array<i32>} : memref<128x128xf32, #tpu.memory_space<vmem>>, vector<1x16xf32>,
      %swap3A_42 = vector.shape_cast %swap3A_41 : vector<1x16xf32> to vector<16xf32>
      %swap3A_43 = vector.shape_cast %broadcast_in_dim3A_39 : vector<16xf32> to vector<1x16xf32>
      tpu.vector_store %arg11[%swap3A, %swap3A_40], %swap3A_43 {strides = array<i32>} : memref<128x128xf32, #tpu.memory_space<vmem>>, vector<1x16xf32>,
      %swap3A_44 = arith.index_cast %scan3A_38 : i32 to index
      %swap3A_45 = arith.constant 16 : index
      %swap3A_46 = tpu.vector_load %arg11[%swap3A_44, %swap3A_45] {strides = array<i32>} : memref<128x128xf32, #tpu.memory_space<vmem>>, vector<1x16xf32>,
      %swap3A_47 = vector.shape_cast %swap3A_46 : vector<1x16xf32> to vector<16xf32>
      %swap3A_48 = vector.shape_cast %broadcast_in_dim3A_39 : vector<16xf32> to vector<1x16xf32>
      tpu.vector_store %arg11[%swap3A_44, %swap3A_45], %swap3A_48 {strides = array<i32>} : memref<128x128xf32, #tpu.memory_space<vmem>>, vector<1x16xf32>,
      %swap3A_49 = arith.index_cast %scan3A_38 : i32 to index
      %swap3A_50 = arith.constant 32 : index
      %swap3A_51 = tpu.vector_load %arg11[%swap3A_49, %swap3A_50] {strides = array<i32>} : memref<128x128xf32, #tpu.memory_space<vmem>>, vector<1x16xf32>,
      %swap3A_52 = vector.shape_cast %swap3A_51 : vector<1x16xf32> to vector<16xf32>
      %swap3A_53 = vector.shape_cast %broadcast_in_dim3A_39 : vector<16xf32> to vector<1x16xf32>
      tpu.vector_store %arg11[%swap3A_49, %swap3A_50], %swap3A_53 {strides = array<i32>} : memref<128x128xf32, #tpu.memory_space<vmem>>, vector<1x16xf32>,
      %swap3A_54 = arith.index_cast %scan3A_38 : i32 to index
      %swap3A_55 = arith.constant 48 : index
      %swap3A_56 = tpu.vector_load %arg11[%swap3A_54, %swap3A_55] {strides = array<i32>} : memref<128x128xf32, #tpu.memory_space<vmem>>, vector<1x16xf32>,
      %swap3A_57 = vector.shape_cast %swap3A_56 : vector<1x16xf32> to vector<16xf32>
      %swap3A_58 = vector.shape_cast %broadcast_in_dim3A_39 : vector<16xf32> to vector<1x16xf32>
      tpu.vector_store %arg11[%swap3A_54, %swap3A_55], %swap3A_58 {strides = array<i32>} : memref<128x128xf32, #tpu.memory_space<vmem>>, vector<1x16xf32>,
      %swap3A_59 = arith.index_cast %scan3A_38 : i32 to index
      %swap3A_60 = arith.constant 64 : index
      %swap3A_61 = tpu.vector_load %arg11[%swap3A_59, %swap3A_60] {strides = array<i32>} : memref<128x128xf32, #tpu.memory_space<vmem>>, vector<1x16xf32>,
      %swap3A_62 = vector.shape_cast %swap3A_61 : vector<1x16xf32> to vector<16xf32>
      %swap3A_63 = vector.shape_cast %broadcast_in_dim3A_39 : vector<16xf32> to vector<1x16xf32>
      tpu.vector_store %arg11[%swap3A_59, %swap3A_60], %swap3A_63 {strides = array<i32>} : memref<128x128xf32, #tpu.memory_space<vmem>>, vector<1x16xf32>,
      %swap3A_64 = arith.index_cast %scan3A_38 : i32 to index
      %swap3A_65 = arith.constant 80 : index
      %swap3A_66 = tpu.vector_load %arg11[%swap3A_64, %swap3A_65] {strides = array<i32>} : memref<128x128xf32, #tpu.memory_space<vmem>>, vector<1x16xf32>,
      %swap3A_67 = vector.shape_cast %swap3A_66 : vector<1x16xf32> to vector<16xf32>
      %swap3A_68 = vector.shape_cast %broadcast_in_dim3A_39 : vector<16xf32> to vector<1x16xf32>
      tpu.vector_store %arg11[%swap3A_64, %swap3A_65], %swap3A_68 {strides = array<i32>} : memref<128x128xf32, #tpu.memory_space<vmem>>, vector<1x16xf32>,
      %swap3A_69 = arith.index_cast %scan3A_38 : i32 to index
      %swap3A_70 = arith.constant 96 : index
      %swap3A_71 = tpu.vector_load %arg11[%swap3A_69, %swap3A_70] {strides = array<i32>} : memref<128x128xf32, #tpu.memory_space<vmem>>, vector<1x16xf32>,
      %swap3A_72 = vector.shape_cast %swap3A_71 : vector<1x16xf32> to vector<16xf32>
      %swap3A_73 = vector.shape_cast %broadcast_in_dim3A_39 : vector<16xf32> to vector<1x16xf32>
      tpu.vector_store %arg11[%swap3A_69, %swap3A_70], %swap3A_73 {strides = array<i32>} : memref<128x128xf32, #tpu.memory_space<vmem>>, vector<1x16xf32>,
      %swap3A_74 = arith.index_cast %scan3A_38 : i32 to index
      %swap3A_75 = arith.constant 112 : index
      %swap3A_76 = tpu.vector_load %arg11[%swap3A_74, %swap3A_75] {strides = array<i32>} : memref<128x128xf32, #tpu.memory_space<vmem>>, vector<1x16xf32>,
      %swap3A_77 = vector.shape_cast %swap3A_76 : vector<1x16xf32> to vector<16xf32>
      %swap3A_78 = vector.shape_cast %broadcast_in_dim3A_39 : vector<16xf32> to vector<1x16xf32>
      tpu.vector_store %arg11[%swap3A_74, %swap3A_75], %swap3A_78 {strides = array<i32>} : memref<128x128xf32, #tpu.memory_space<vmem>>, vector<1x16xf32>,
    }
    %scan3A_5 = arith.constant 128 : i32
    %mul3A_6 = arith.constant 640 : i32
    %mul3A_7 = arith.muli %arg1, %mul3A_6 : i32
    %add3A_8 = arith.constant 0 : i32
    %add3A_9 = arith.addi %mul3A_7, %add3A_8 : i32
    "tpu.region"() ({
      %run_scoped3A = tpu.sem_alloc : memref<!tpu.dma_semaphore, #tpu.memory_space<semaphore_mem>>
      %dma_start3A = arith.constant 0 : i32
      %dma_start3A_38 = tpu.memref_slice %arg5[%add3A_9, %dma_start3A] : memref<10240x128xf32, #tpu.memory_space<vmem_shared>> -> memref<128x128xf32, #tpu.memory_space<vmem_shared>>
      %dma_start3A_39 = arith.constant 0 : i32
      %dma_start3A_40 = tpu.memref_slice %arg5[%add3A_9, %dma_start3A_39] : memref<10240x128xf32, #tpu.memory_space<vmem_shared>> -> memref<128x128xf32, #tpu.memory_space<vmem_shared>>
      tpu.enqueue_dma source(%arg11 : memref<128x128xf32, #tpu.memory_space<vmem>>) target(%dma_start3A_40 : memref<128x128xf32, #tpu.memory_space<vmem_shared>>) target_semaphore(%run_scoped3A : memref<!tpu.dma_semaphore, #tpu.memory_space<semaphore_mem>>)
      %dma_wait3A_41 = arith.constant 0 : i32
      %dma_wait3A_42 = tpu.memref_slice %arg5[%add3A_9, %dma_wait3A_41] : memref<10240x128xf32, #tpu.memory_space<vmem_shared>> -> memref<128x128xf32, #tpu.memory_space<vmem_shared>>
      %dma_wait3A_43 = arith.constant 0 : i32
      %dma_wait3A_44 = tpu.memref_slice %arg5[%add3A_9, %dma_wait3A_43] : memref<10240x128xf32, #tpu.memory_space<vmem_shared>> -> memref<128x128xf32, #tpu.memory_space<vmem_shared>>
      tpu.wait_dma2 semaphore(%run_scoped3A : memref<!tpu.dma_semaphore, #tpu.memory_space<semaphore_mem>>) src(%arg11 : memref<128x128xf32, #tpu.memory_space<vmem>>) dst(%dma_wait3A_44 : memref<128x128xf32, #tpu.memory_space<vmem_shared>>)
      tpu.yield
    }) : () -> ()
    %add3A_10 = arith.constant 128 : i32
    %add3A_11 = arith.addi %mul3A_7, %add3A_10 : i32
    "tpu.region"() ({
      %run_scoped3A = tpu.sem_alloc : memref<!tpu.dma_semaphore, #tpu.memory_space<semaphore_mem>>
      %dma_start3A = arith.constant 0 : i32
      %dma_start3A_38 = tpu.memref_slice %arg5[%add3A_11, %dma_start3A] : memref<10240x128xf32, #tpu.memory_space<vmem_shared>> -> memref<128x128xf32, #tpu.memory_space<vmem_shared>>
      %dma_start3A_39 = arith.constant 0 : i32
      %dma_start3A_40 = tpu.memref_slice %arg5[%add3A_11, %dma_start3A_39] : memref<10240x128xf32, #tpu.memory_space<vmem_shared>> -> memref<128x128xf32, #tpu.memory_space<vmem_shared>>
      tpu.enqueue_dma source(%arg11 : memref<128x128xf32, #tpu.memory_space<vmem>>) target(%dma_start3A_40 : memref<128x128xf32, #tpu.memory_space<vmem_shared>>) target_semaphore(%run_scoped3A : memref<!tpu.dma_semaphore, #tpu.memory_space<semaphore_mem>>)
      %dma_wait3A_41 = arith.constant 0 : i32
      %dma_wait3A_42 = tpu.memref_slice %arg5[%add3A_11, %dma_wait3A_41] : memref<10240x128xf32, #tpu.memory_space<vmem_shared>> -> memref<128x128xf32, #tpu.memory_space<vmem_shared>>
      %dma_wait3A_43 = arith.constant 0 : i32
      %dma_wait3A_44 = tpu.memref_slice %arg5[%add3A_11, %dma_wait3A_43] : memref<10240x128xf32, #tpu.memory_space<vmem_shared>> -> memref<128x128xf32, #tpu.memory_space<vmem_shared>>
      tpu.wait_dma2 semaphore(%run_scoped3A : memref<!tpu.dma_semaphore, #tpu.memory_space<semaphore_mem>>) src(%arg11 : memref<128x128xf32, #tpu.memory_space<vmem>>) dst(%dma_wait3A_44 : memref<128x128xf32, #tpu.memory_space<vmem_shared>>)
      tpu.yield
    }) : () -> ()
    %add3A_12 = arith.constant 256 : i32
    %add3A_13 = arith.addi %mul3A_7, %add3A_12 : i32
    "tpu.region"() ({
      %run_scoped3A = tpu.sem_alloc : memref<!tpu.dma_semaphore, #tpu.memory_space<semaphore_mem>>
      %dma_start3A = arith.constant 0 : i32
      %dma_start3A_38 = tpu.memref_slice %arg5[%add3A_13, %dma_start3A] : memref<10240x128xf32, #tpu.memory_space<vmem_shared>> -> memref<128x128xf32, #tpu.memory_space<vmem_shared>>
      %dma_start3A_39 = arith.constant 0 : i32
      %dma_start3A_40 = tpu.memref_slice %arg5[%add3A_13, %dma_start3A_39] : memref<10240x128xf32, #tpu.memory_space<vmem_shared>> -> memref<128x128xf32, #tpu.memory_space<vmem_shared>>
      tpu.enqueue_dma source(%arg11 : memref<128x128xf32, #tpu.memory_space<vmem>>) target(%dma_start3A_40 : memref<128x128xf32, #tpu.memory_space<vmem_shared>>) target_semaphore(%run_scoped3A : memref<!tpu.dma_semaphore, #tpu.memory_space<semaphore_mem>>)
      %dma_wait3A_41 = arith.constant 0 : i32
      %dma_wait3A_42 = tpu.memref_slice %arg5[%add3A_13, %dma_wait3A_41] : memref<10240x128xf32, #tpu.memory_space<vmem_shared>> -> memref<128x128xf32, #tpu.memory_space<vmem_shared>>
      %dma_wait3A_43 = arith.constant 0 : i32
      %dma_wait3A_44 = tpu.memref_slice %arg5[%add3A_13, %dma_wait3A_43] : memref<10240x128xf32, #tpu.memory_space<vmem_shared>> -> memref<128x128xf32, #tpu.memory_space<vmem_shared>>
      tpu.wait_dma2 semaphore(%run_scoped3A : memref<!tpu.dma_semaphore, #tpu.memory_space<semaphore_mem>>) src(%arg11 : memref<128x128xf32, #tpu.memory_space<vmem>>) dst(%dma_wait3A_44 : memref<128x128xf32, #tpu.memory_space<vmem_shared>>)
      tpu.yield
    }) : () -> ()
    %add3A_14 = arith.constant 384 : i32
    %add3A_15 = arith.addi %mul3A_7, %add3A_14 : i32
    "tpu.region"() ({
      %run_scoped3A = tpu.sem_alloc : memref<!tpu.dma_semaphore, #tpu.memory_space<semaphore_mem>>
      %dma_start3A = arith.constant 0 : i32
      %dma_start3A_38 = tpu.memref_slice %arg5[%add3A_15, %dma_start3A] : memref<10240x128xf32, #tpu.memory_space<vmem_shared>> -> memref<128x128xf32, #tpu.memory_space<vmem_shared>>
      %dma_start3A_39 = arith.constant 0 : i32
      %dma_start3A_40 = tpu.memref_slice %arg5[%add3A_15, %dma_start3A_39] : memref<10240x128xf32, #tpu.memory_space<vmem_shared>> -> memref<128x128xf32, #tpu.memory_space<vmem_shared>>
      tpu.enqueue_dma source(%arg11 : memref<128x128xf32, #tpu.memory_space<vmem>>) target(%dma_start3A_40 : memref<128x128xf32, #tpu.memory_space<vmem_shared>>) target_semaphore(%run_scoped3A : memref<!tpu.dma_semaphore, #tpu.memory_space<semaphore_mem>>)
      %dma_wait3A_41 = arith.constant 0 : i32
      %dma_wait3A_42 = tpu.memref_slice %arg5[%add3A_15, %dma_wait3A_41] : memref<10240x128xf32, #tpu.memory_space<vmem_shared>> -> memref<128x128xf32, #tpu.memory_space<vmem_shared>>
      %dma_wait3A_43 = arith.constant 0 : i32
      %dma_wait3A_44 = tpu.memref_slice %arg5[%add3A_15, %dma_wait3A_43] : memref<10240x128xf32, #tpu.memory_space<vmem_shared>> -> memref<128x128xf32, #tpu.memory_space<vmem_shared>>
      tpu.wait_dma2 semaphore(%run_scoped3A : memref<!tpu.dma_semaphore, #tpu.memory_space<semaphore_mem>>) src(%arg11 : memref<128x128xf32, #tpu.memory_space<vmem>>) dst(%dma_wait3A_44 : memref<128x128xf32, #tpu.memory_space<vmem_shared>>)
      tpu.yield
    }) : () -> ()
    %add3A_16 = arith.constant 512 : i32
    %add3A_17 = arith.addi %mul3A_7, %add3A_16 : i32
    "tpu.region"() ({
      %run_scoped3A = tpu.sem_alloc : memref<!tpu.dma_semaphore, #tpu.memory_space<semaphore_mem>>
      %dma_start3A = arith.constant 0 : i32
      %dma_start3A_38 = tpu.memref_slice %arg5[%add3A_17, %dma_start3A] : memref<10240x128xf32, #tpu.memory_space<vmem_shared>> -> memref<128x128xf32, #tpu.memory_space<vmem_shared>>
      %dma_start3A_39 = arith.constant 0 : i32
      %dma_start3A_40 = tpu.memref_slice %arg5[%add3A_17, %dma_start3A_39] : memref<10240x128xf32, #tpu.memory_space<vmem_shared>> -> memref<128x128xf32, #tpu.memory_space<vmem_shared>>
      tpu.enqueue_dma source(%arg11 : memref<128x128xf32, #tpu.memory_space<vmem>>) target(%dma_start3A_40 : memref<128x128xf32, #tpu.memory_space<vmem_shared>>) target_semaphore(%run_scoped3A : memref<!tpu.dma_semaphore, #tpu.memory_space<semaphore_mem>>)
      %dma_wait3A_41 = arith.constant 0 : i32
      %dma_wait3A_42 = tpu.memref_slice %arg5[%add3A_17, %dma_wait3A_41] : memref<10240x128xf32, #tpu.memory_space<vmem_shared>> -> memref<128x128xf32, #tpu.memory_space<vmem_shared>>
      %dma_wait3A_43 = arith.constant 0 : i32
      %dma_wait3A_44 = tpu.memref_slice %arg5[%add3A_17, %dma_wait3A_43] : memref<10240x128xf32, #tpu.memory_space<vmem_shared>> -> memref<128x128xf32, #tpu.memory_space<vmem_shared>>
      tpu.wait_dma2 semaphore(%run_scoped3A : memref<!tpu.dma_semaphore, #tpu.memory_space<semaphore_mem>>) src(%arg11 : memref<128x128xf32, #tpu.memory_space<vmem>>) dst(%dma_wait3A_44 : memref<128x128xf32, #tpu.memory_space<vmem_shared>>)
      tpu.yield
    }) : () -> ()
    %scan3A_18 = arith.constant 0 : i32
    %scan3A_19 = arith.constant 0 : i32
    %scan3A_20 = arith.constant 128 : i32
    %scan3A_21 = arith.addi %scan3A_19, %scan3A_20 : i32
    %scan3A_22 = arith.constant 1 : i32
    scf.for %scan3A_38 = %scan3A_19 to %scan3A_21 step %scan3A_22  : i32 {
      %broadcast_in_dim3A = arith.constant 0.000000e+00 : f32
      %broadcast_in_dim3A_39 = vector.broadcast %broadcast_in_dim3A : f32 to vector<16xf32>
      %add3A_40 = arith.constant 1.000000e+00 : f32
      %add3A_41 = vector.broadcast %add3A_40 : f32 to vector<16xf32>
      %add3A_42 = arith.addf %broadcast_in_dim3A_39, %add3A_41 : vector<16xf32>
      %swap3A = arith.index_cast %scan3A_38 : i32 to index
      %swap3A_43 = arith.constant 0 : index
      %swap3A_44 = tpu.vector_load %arg10[%swap3A, %swap3A_43] {strides = array<i32>} : memref<128x128xf32, #tpu.memory_space<vmem>>, vector<1x16xf32>,
      %swap3A_45 = vector.shape_cast %swap3A_44 : vector<1x16xf32> to vector<16xf32>
      %swap3A_46 = vector.shape_cast %add3A_42 : vector<16xf32> to vector<1x16xf32>
      tpu.vector_store %arg10[%swap3A, %swap3A_43], %swap3A_46 {strides = array<i32>} : memref<128x128xf32, #tpu.memory_space<vmem>>, vector<1x16xf32>,
      %swap3A_47 = arith.index_cast %scan3A_38 : i32 to index
      %swap3A_48 = arith.constant 16 : index
      %swap3A_49 = tpu.vector_load %arg10[%swap3A_47, %swap3A_48] {strides = array<i32>} : memref<128x128xf32, #tpu.memory_space<vmem>>, vector<1x16xf32>,
      %swap3A_50 = vector.shape_cast %swap3A_49 : vector<1x16xf32> to vector<16xf32>
      %swap3A_51 = vector.shape_cast %broadcast_in_dim3A_39 : vector<16xf32> to vector<1x16xf32>
      tpu.vector_store %arg10[%swap3A_47, %swap3A_48], %swap3A_51 {strides = array<i32>} : memref<128x128xf32, #tpu.memory_space<vmem>>, vector<1x16xf32>,
      %swap3A_52 = arith.index_cast %scan3A_38 : i32 to index
      %swap3A_53 = arith.constant 32 : index
      %swap3A_54 = tpu.vector_load %arg10[%swap3A_52, %swap3A_53] {strides = array<i32>} : memref<128x128xf32, #tpu.memory_space<vmem>>, vector<1x16xf32>,
      %swap3A_55 = vector.shape_cast %swap3A_54 : vector<1x16xf32> to vector<16xf32>
      %swap3A_56 = vector.shape_cast %broadcast_in_dim3A_39 : vector<16xf32> to vector<1x16xf32>
      tpu.vector_store %arg10[%swap3A_52, %swap3A_53], %swap3A_56 {strides = array<i32>} : memref<128x128xf32, #tpu.memory_space<vmem>>, vector<1x16xf32>,
      %swap3A_57 = arith.index_cast %scan3A_38 : i32 to index
      %swap3A_58 = arith.constant 48 : index
      %swap3A_59 = tpu.vector_load %arg10[%swap3A_57, %swap3A_58] {strides = array<i32>} : memref<128x128xf32, #tpu.memory_space<vmem>>, vector<1x16xf32>,
      %swap3A_60 = vector.shape_cast %swap3A_59 : vector<1x16xf32> to vector<16xf32>
      %swap3A_61 = vector.shape_cast %broadcast_in_dim3A_39 : vector<16xf32> to vector<1x16xf32>
      tpu.vector_store %arg10[%swap3A_57, %swap3A_58], %swap3A_61 {strides = array<i32>} : memref<128x128xf32, #tpu.memory_space<vmem>>, vector<1x16xf32>,
      %swap3A_62 = arith.index_cast %scan3A_38 : i32 to index
      %swap3A_63 = arith.constant 64 : index
      %swap3A_64 = tpu.vector_load %arg10[%swap3A_62, %swap3A_63] {strides = array<i32>} : memref<128x128xf32, #tpu.memory_space<vmem>>, vector<1x16xf32>,
      %swap3A_65 = vector.shape_cast %swap3A_64 : vector<1x16xf32> to vector<16xf32>
      %swap3A_66 = vector.shape_cast %broadcast_in_dim3A_39 : vector<16xf32> to vector<1x16xf32>
      tpu.vector_store %arg10[%swap3A_62, %swap3A_63], %swap3A_66 {strides = array<i32>} : memref<128x128xf32, #tpu.memory_space<vmem>>, vector<1x16xf32>,
      %swap3A_67 = arith.index_cast %scan3A_38 : i32 to index
      %swap3A_68 = arith.constant 64 : index
      %swap3A_69 = tpu.vector_load %arg11[%swap3A_67, %swap3A_68] {strides = array<i32>} : memref<128x128xf32, #tpu.memory_space<vmem>>, vector<1x16xf32>,
      %swap3A_70 = vector.shape_cast %swap3A_69 : vector<1x16xf32> to vector<16xf32>
      %swap3A_71 = vector.shape_cast %add3A_42 : vector<16xf32> to vector<1x16xf32>
      tpu.vector_store %arg11[%swap3A_67, %swap3A_68], %swap3A_71 {strides = array<i32>} : memref<128x128xf32, #tpu.memory_space<vmem>>, vector<1x16xf32>,
      %swap3A_72 = arith.index_cast %scan3A_38 : i32 to index
      %swap3A_73 = arith.constant 80 : index
      %swap3A_74 = tpu.vector_load %arg10[%swap3A_72, %swap3A_73] {strides = array<i32>} : memref<128x128xf32, #tpu.memory_space<vmem>>, vector<1x16xf32>,
      %swap3A_75 = vector.shape_cast %swap3A_74 : vector<1x16xf32> to vector<16xf32>
      %swap3A_76 = vector.shape_cast %broadcast_in_dim3A_39 : vector<16xf32> to vector<1x16xf32>
      tpu.vector_store %arg10[%swap3A_72, %swap3A_73], %swap3A_76 {strides = array<i32>} : memref<128x128xf32, #tpu.memory_space<vmem>>, vector<1x16xf32>,
      %swap3A_77 = arith.index_cast %scan3A_38 : i32 to index
      %swap3A_78 = arith.constant 96 : index
      %swap3A_79 = tpu.vector_load %arg10[%swap3A_77, %swap3A_78] {strides = array<i32>} : memref<128x128xf32, #tpu.memory_space<vmem>>, vector<1x16xf32>,
      %swap3A_80 = vector.shape_cast %swap3A_79 : vector<1x16xf32> to vector<16xf32>
      %swap3A_81 = vector.shape_cast %broadcast_in_dim3A_39 : vector<16xf32> to vector<1x16xf32>
      tpu.vector_store %arg10[%swap3A_77, %swap3A_78], %swap3A_81 {strides = array<i32>} : memref<128x128xf32, #tpu.memory_space<vmem>>, vector<1x16xf32>,
      %swap3A_82 = arith.index_cast %scan3A_38 : i32 to index
      %swap3A_83 = arith.constant 112 : index
      %swap3A_84 = tpu.vector_load %arg10[%swap3A_82, %swap3A_83] {strides = array<i32>} : memref<128x128xf32, #tpu.memory_space<vmem>>, vector<1x16xf32>,
      %swap3A_85 = vector.shape_cast %swap3A_84 : vector<1x16xf32> to vector<16xf32>
      %swap3A_86 = vector.shape_cast %broadcast_in_dim3A_39 : vector<16xf32> to vector<1x16xf32>
      tpu.vector_store %arg10[%swap3A_82, %swap3A_83], %swap3A_86 {strides = array<i32>} : memref<128x128xf32, #tpu.memory_space<vmem>>, vector<1x16xf32>,
    }
    %scan3A_23 = arith.constant 128 : i32
    %barrier3A = arith.constant 0 : index
    tpu.barrier barrier_id(%barrier3A)
    %mul3A_24 = arith.constant 10240 : i32
    %mul3A_25 = arith.muli %add3A, %mul3A_24 : i32
    "tpu.region"() ({
      %run_scoped3A = tpu.sem_alloc : memref<!tpu.dma_semaphore, #tpu.memory_space<semaphore_mem>>
      %dma_start3A = tpu.memref_slice %arg2[%mul3A_25] : memref<327680xi32, #tpu.memory_space<hbm>> -> memref<128xi32, #tpu.memory_space<hbm>>
      %dma_start3A_38 = tpu.memref_slice %arg2[%mul3A_25] : memref<327680xi32, #tpu.memory_space<hbm>> -> memref<128xi32, #tpu.memory_space<hbm>>
      tpu.enqueue_dma source(%dma_start3A_38 : memref<128xi32, #tpu.memory_space<hbm>>) target(%arg6 : memref<128xi32, #tpu.memory_space<vmem>>) target_semaphore(%run_scoped3A : memref<!tpu.dma_semaphore, #tpu.memory_space<semaphore_mem>>)
      %dma_wait3A_39 = tpu.memref_slice %arg2[%mul3A_25] : memref<327680xi32, #tpu.memory_space<hbm>> -> memref<128xi32, #tpu.memory_space<hbm>>
      %dma_wait3A_40 = tpu.memref_slice %arg2[%mul3A_25] : memref<327680xi32, #tpu.memory_space<hbm>> -> memref<128xi32, #tpu.memory_space<hbm>>
      tpu.wait_dma2 semaphore(%run_scoped3A : memref<!tpu.dma_semaphore, #tpu.memory_space<semaphore_mem>>) src(%dma_wait3A_40 : memref<128xi32, #tpu.memory_space<hbm>>) dst(%arg6 : memref<128xi32, #tpu.memory_space<vmem>>)
      tpu.yield
    }) : () -> ()
    "tpu.region"() ({
      %run_scoped3A = tpu.sem_alloc : memref<!tpu.dma_semaphore, #tpu.memory_space<semaphore_mem>>
      %dma_start3A = tpu.memref_slice %arg3[%mul3A_25] : memref<327680xi32, #tpu.memory_space<hbm>> -> memref<128xi32, #tpu.memory_space<hbm>>
      %dma_start3A_38 = tpu.memref_slice %arg3[%mul3A_25] : memref<327680xi32, #tpu.memory_space<hbm>> -> memref<128xi32, #tpu.memory_space<hbm>>
      tpu.enqueue_dma source(%dma_start3A_38 : memref<128xi32, #tpu.memory_space<hbm>>) target(%arg8 : memref<128xi32, #tpu.memory_space<vmem>>) target_semaphore(%run_scoped3A : memref<!tpu.dma_semaphore, #tpu.memory_space<semaphore_mem>>)
      %dma_wait3A_39 = tpu.memref_slice %arg3[%mul3A_25] : memref<327680xi32, #tpu.memory_space<hbm>> -> memref<128xi32, #tpu.memory_space<hbm>>
      %dma_wait3A_40 = tpu.memref_slice %arg3[%mul3A_25] : memref<327680xi32, #tpu.memory_space<hbm>> -> memref<128xi32, #tpu.memory_space<hbm>>
      tpu.wait_dma2 semaphore(%run_scoped3A : memref<!tpu.dma_semaphore, #tpu.memory_space<semaphore_mem>>) src(%dma_wait3A_40 : memref<128xi32, #tpu.memory_space<hbm>>) dst(%arg8 : memref<128xi32, #tpu.memory_space<vmem>>)
      tpu.yield
    }) : () -> ()
    %scan3A_26 = arith.constant 0 : i32
    %scan3A_27 = arith.constant 0 : i32
    %scan3A_28 = arith.constant 40 : i32
    %scan3A_29 = arith.addi %scan3A_27, %scan3A_28 : i32
    %scan3A_30 = arith.constant 1 : i32
    scf.for %scan3A_38 = %scan3A_27 to %scan3A_29 step %scan3A_30  : i32 {
      %mul3A_39 = arith.constant 2 : i32
      %mul3A_40 = arith.muli %scan3A_38, %mul3A_39 : i32
      %add3A_41 = arith.constant 0 : i32
      %add3A_42 = arith.addi %mul3A_40, %add3A_41 : i32
      %add3A_43 = arith.constant 1 : i32
      %add3A_44 = arith.addi %add3A_42, %add3A_43 : i32
      %mul3A_45 = arith.constant 128 : i32
      %mul3A_46 = arith.muli %add3A_44, %mul3A_45 : i32
      %add3A_47 = arith.addi %mul3A_25, %mul3A_46 : i32
      %add3A_48 = arith.constant 1 : i32
      %add3A_49 = arith.addi %add3A_42, %add3A_48 : i32
      %lt3A = arith.constant 80 : i32
      %lt3A_50 = arith.cmpi slt, %add3A_49, %lt3A : i32
      %ge3A = arith.constant 1 : i32
      %ge3A_51 = arith.cmpi sge, %add3A_42, %ge3A : i32
      %convert_element_type3A = arith.extui %ge3A_51 : i1 to i32
      %cond3A = arith.constant 0 : i32
      %cond3A_52 = arith.cmpi ne, %convert_element_type3A, %cond3A : i32
      scf.if %cond3A_52 {
        %dma_wait3A_94 = arith.constant 0 : i32
        %dma_wait3A_95 = arith.constant 0 : i32
        %dma_wait3A_96 = tpu.memref_slice %arg5[%dma_wait3A_94, %dma_wait3A_95] : memref<10240x128xf32, #tpu.memory_space<vmem_shared>> -> memref<10240x128xf32, #tpu.memory_space<vmem_shared>>
        tpu.wait_indirect_dma semaphore(%arg13 : memref<!tpu.dma_semaphore, #tpu.memory_space<semaphore_mem>>) src(%arg10 : memref<128x128xf32, #tpu.memory_space<vmem>>) dst(%dma_wait3A_96 : memref<10240x128xf32, #tpu.memory_space<vmem_shared>>)
        %dma_wait3A_97 = arith.constant 0 : i32
        %dma_wait3A_98 = arith.constant 0 : i32
        %dma_wait3A_99 = tpu.memref_slice %arg5[%dma_wait3A_97, %dma_wait3A_98] : memref<10240x128xf32, #tpu.memory_space<vmem_shared>> -> memref<10240x128xf32, #tpu.memory_space<vmem_shared>>
        tpu.wait_indirect_dma semaphore(%arg13 : memref<!tpu.dma_semaphore, #tpu.memory_space<semaphore_mem>>) src(%arg11 : memref<128x128xf32, #tpu.memory_space<vmem>>) dst(%dma_wait3A_99 : memref<10240x128xf32, #tpu.memory_space<vmem_shared>>)
      } else {
      }
      %convert_element_type3A_53 = arith.extui %lt3A_50 : i1 to i32
      %cond3A_54 = arith.constant 0 : i32
      %cond3A_55 = arith.cmpi ne, %convert_element_type3A_53, %cond3A_54 : i32
      scf.if %cond3A_55 {
        %dma_start3A_94 = tpu.memref_slice %arg2[%add3A_47] : memref<327680xi32, #tpu.memory_space<hbm>> -> memref<128xi32, #tpu.memory_space<hbm>>
        %dma_start3A_95 = tpu.memref_slice %arg2[%add3A_47] : memref<327680xi32, #tpu.memory_space<hbm>> -> memref<128xi32, #tpu.memory_space<hbm>>
        tpu.enqueue_dma source(%dma_start3A_95 : memref<128xi32, #tpu.memory_space<hbm>>) target(%arg7 : memref<128xi32, #tpu.memory_space<vmem>>) target_semaphore(%arg15 : memref<!tpu.dma_semaphore, #tpu.memory_space<semaphore_mem>>)
        %dma_start3A_96 = tpu.memref_slice %arg3[%add3A_47] : memref<327680xi32, #tpu.memory_space<hbm>> -> memref<128xi32, #tpu.memory_space<hbm>>
        %dma_start3A_97 = tpu.memref_slice %arg3[%add3A_47] : memref<327680xi32, #tpu.memory_space<hbm>> -> memref<128xi32, #tpu.memory_space<hbm>>
        tpu.enqueue_dma source(%dma_start3A_97 : memref<128xi32, #tpu.memory_space<hbm>>) target(%arg9 : memref<128xi32, #tpu.memory_space<vmem>>) target_semaphore(%arg15 : memref<!tpu.dma_semaphore, #tpu.memory_space<semaphore_mem>>)
      } else {
      }
      %dma_start3A = arith.constant 0 : i32
      %dma_start3A_56 = arith.constant 0 : i32
      %dma_start3A_57 = tpu.memref_slice %arg5[%dma_start3A, %dma_start3A_56] : memref<10240x128xf32, #tpu.memory_space<vmem_shared>> -> memref<10240x128xf32, #tpu.memory_space<vmem_shared>>
      tpu.enqueue_indirect_dma source(%arg10 : memref<128x128xf32, #tpu.memory_space<vmem>>) target(%dma_start3A_57 : memref<10240x128xf32, #tpu.memory_space<vmem_shared>>) offsets(%arg6 : memref<128xi32, #tpu.memory_space<vmem>>) semaphore(%arg12 : memref<!tpu.dma_semaphore, #tpu.memory_space<semaphore_mem>>) {add = true}
      %dma_start3A_58 = arith.constant 0 : i32
      %dma_start3A_59 = arith.constant 0 : i32
      %dma_start3A_60 = tpu.memref_slice %arg5[%dma_start3A_58, %dma_start3A_59] : memref<10240x128xf32, #tpu.memory_space<vmem_shared>> -> memref<10240x128xf32, #tpu.memory_space<vmem_shared>>
      tpu.enqueue_indirect_dma source(%arg11 : memref<128x128xf32, #tpu.memory_space<vmem>>) target(%dma_start3A_60 : memref<10240x128xf32, #tpu.memory_space<vmem_shared>>) offsets(%arg8 : memref<128xi32, #tpu.memory_space<vmem>>) semaphore(%arg12 : memref<!tpu.dma_semaphore, #tpu.memory_space<semaphore_mem>>) {add = true}
      %convert_element_type3A_61 = arith.extui %lt3A_50 : i1 to i32
      %cond3A_62 = arith.constant 0 : i32
      %cond3A_63 = arith.cmpi ne, %convert_element_type3A_61, %cond3A_62 : i32
      scf.if %cond3A_63 {
        %dma_wait3A_94 = tpu.memref_slice %arg2[%add3A_47] : memref<327680xi32, #tpu.memory_space<hbm>> -> memref<128xi32, #tpu.memory_space<hbm>>
        %dma_wait3A_95 = tpu.memref_slice %arg2[%add3A_47] : memref<327680xi32, #tpu.memory_space<hbm>> -> memref<128xi32, #tpu.memory_space<hbm>>
        tpu.wait_dma2 semaphore(%arg15 : memref<!tpu.dma_semaphore, #tpu.memory_space<semaphore_mem>>) src(%dma_wait3A_95 : memref<128xi32, #tpu.memory_space<hbm>>) dst(%arg7 : memref<128xi32, #tpu.memory_space<vmem>>)
        %dma_wait3A_96 = tpu.memref_slice %arg3[%add3A_47] : memref<327680xi32, #tpu.memory_space<hbm>> -> memref<128xi32, #tpu.memory_space<hbm>>
        %dma_wait3A_97 = tpu.memref_slice %arg3[%add3A_47] : memref<327680xi32, #tpu.memory_space<hbm>> -> memref<128xi32, #tpu.memory_space<hbm>>
        tpu.wait_dma2 semaphore(%arg15 : memref<!tpu.dma_semaphore, #tpu.memory_space<semaphore_mem>>) src(%dma_wait3A_97 : memref<128xi32, #tpu.memory_space<hbm>>) dst(%arg9 : memref<128xi32, #tpu.memory_space<vmem>>)
      } else {
      }
      %mul3A_64 = arith.constant 2 : i32
      %mul3A_65 = arith.muli %scan3A_38, %mul3A_64 : i32
      %add3A_66 = arith.constant 1 : i32
      %add3A_67 = arith.addi %mul3A_65, %add3A_66 : i32
      %add3A_68 = arith.constant 1 : i32
      %add3A_69 = arith.addi %add3A_67, %add3A_68 : i32
      %mul3A_70 = arith.constant 128 : i32
      %mul3A_71 = arith.muli %add3A_69, %mul3A_70 : i32
      %add3A_72 = arith.addi %mul3A_25, %mul3A_71 : i32
      %add3A_73 = arith.constant 1 : i32
      %add3A_74 = arith.addi %add3A_67, %add3A_73 : i32
      %lt3A_75 = arith.constant 80 : i32
      %lt3A_76 = arith.cmpi slt, %add3A_74, %lt3A_75 : i32
      %ge3A_77 = arith.constant 1 : i32
      %ge3A_78 = arith.cmpi sge, %add3A_67, %ge3A_77 : i32
      %convert_element_type3A_79 = arith.extui %ge3A_78 : i1 to i32
      %cond3A_80 = arith.constant 0 : i32
      %cond3A_81 = arith.cmpi ne, %convert_element_type3A_79, %cond3A_80 : i32
      scf.if %cond3A_81 {
        %dma_wait3A_94 = arith.constant 0 : i32
        %dma_wait3A_95 = arith.constant 0 : i32
        %dma_wait3A_96 = tpu.memref_slice %arg5[%dma_wait3A_94, %dma_wait3A_95] : memref<10240x128xf32, #tpu.memory_space<vmem_shared>> -> memref<10240x128xf32, #tpu.memory_space<vmem_shared>>
        tpu.wait_indirect_dma semaphore(%arg12 : memref<!tpu.dma_semaphore, #tpu.memory_space<semaphore_mem>>) src(%arg10 : memref<128x128xf32, #tpu.memory_space<vmem>>) dst(%dma_wait3A_96 : memref<10240x128xf32, #tpu.memory_space<vmem_shared>>)
        %dma_wait3A_97 = arith.constant 0 : i32
        %dma_wait3A_98 = arith.constant 0 : i32
        %dma_wait3A_99 = tpu.memref_slice %arg5[%dma_wait3A_97, %dma_wait3A_98] : memref<10240x128xf32, #tpu.memory_space<vmem_shared>> -> memref<10240x128xf32, #tpu.memory_space<vmem_shared>>
        tpu.wait_indirect_dma semaphore(%arg12 : memref<!tpu.dma_semaphore, #tpu.memory_space<semaphore_mem>>) src(%arg11 : memref<128x128xf32, #tpu.memory_space<vmem>>) dst(%dma_wait3A_99 : memref<10240x128xf32, #tpu.memory_space<vmem_shared>>)
      } else {
      }
      %convert_element_type3A_82 = arith.extui %lt3A_76 : i1 to i32
      %cond3A_83 = arith.constant 0 : i32
      %cond3A_84 = arith.cmpi ne, %convert_element_type3A_82, %cond3A_83 : i32
      scf.if %cond3A_84 {
        %dma_start3A_94 = tpu.memref_slice %arg2[%add3A_72] : memref<327680xi32, #tpu.memory_space<hbm>> -> memref<128xi32, #tpu.memory_space<hbm>>
        %dma_start3A_95 = tpu.memref_slice %arg2[%add3A_72] : memref<327680xi32, #tpu.memory_space<hbm>> -> memref<128xi32, #tpu.memory_space<hbm>>
        tpu.enqueue_dma source(%dma_start3A_95 : memref<128xi32, #tpu.memory_space<hbm>>) target(%arg6 : memref<128xi32, #tpu.memory_space<vmem>>) target_semaphore(%arg14 : memref<!tpu.dma_semaphore, #tpu.memory_space<semaphore_mem>>)
        %dma_start3A_96 = tpu.memref_slice %arg3[%add3A_72] : memref<327680xi32, #tpu.memory_space<hbm>> -> memref<128xi32, #tpu.memory_space<hbm>>
        %dma_start3A_97 = tpu.memref_slice %arg3[%add3A_72] : memref<327680xi32, #tpu.memory_space<hbm>> -> memref<128xi32, #tpu.memory_space<hbm>>
        tpu.enqueue_dma source(%dma_start3A_97 : memref<128xi32, #tpu.memory_space<hbm>>) target(%arg8 : memref<128xi32, #tpu.memory_space<vmem>>) target_semaphore(%arg14 : memref<!tpu.dma_semaphore, #tpu.memory_space<semaphore_mem>>)
      } else {
      }
      %dma_start3A_85 = arith.constant 0 : i32
      %dma_start3A_86 = arith.constant 0 : i32
      %dma_start3A_87 = tpu.memref_slice %arg5[%dma_start3A_85, %dma_start3A_86] : memref<10240x128xf32, #tpu.memory_space<vmem_shared>> -> memref<10240x128xf32, #tpu.memory_space<vmem_shared>>
      tpu.enqueue_indirect_dma source(%arg10 : memref<128x128xf32, #tpu.memory_space<vmem>>) target(%dma_start3A_87 : memref<10240x128xf32, #tpu.memory_space<vmem_shared>>) offsets(%arg7 : memref<128xi32, #tpu.memory_space<vmem>>) semaphore(%arg13 : memref<!tpu.dma_semaphore, #tpu.memory_space<semaphore_mem>>) {add = true}
      %dma_start3A_88 = arith.constant 0 : i32
      %dma_start3A_89 = arith.constant 0 : i32
      %dma_start3A_90 = tpu.memref_slice %arg5[%dma_start3A_88, %dma_start3A_89] : memref<10240x128xf32, #tpu.memory_space<vmem_shared>> -> memref<10240x128xf32, #tpu.memory_space<vmem_shared>>
      tpu.enqueue_indirect_dma source(%arg11 : memref<128x128xf32, #tpu.memory_space<vmem>>) target(%dma_start3A_90 : memref<10240x128xf32, #tpu.memory_space<vmem_shared>>) offsets(%arg9 : memref<128xi32, #tpu.memory_space<vmem>>) semaphore(%arg13 : memref<!tpu.dma_semaphore, #tpu.memory_space<semaphore_mem>>) {add = true}
      %convert_element_type3A_91 = arith.extui %lt3A_76 : i1 to i32
      %cond3A_92 = arith.constant 0 : i32
      %cond3A_93 = arith.cmpi ne, %convert_element_type3A_91, %cond3A_92 : i32
      scf.if %cond3A_93 {
        %dma_wait3A_94 = tpu.memref_slice %arg2[%add3A_72] : memref<327680xi32, #tpu.memory_space<hbm>> -> memref<128xi32, #tpu.memory_space<hbm>>
        %dma_wait3A_95 = tpu.memref_slice %arg2[%add3A_72] : memref<327680xi32, #tpu.memory_space<hbm>> -> memref<128xi32, #tpu.memory_space<hbm>>
        tpu.wait_dma2 semaphore(%arg14 : memref<!tpu.dma_semaphore, #tpu.memory_space<semaphore_mem>>) src(%dma_wait3A_95 : memref<128xi32, #tpu.memory_space<hbm>>) dst(%arg6 : memref<128xi32, #tpu.memory_space<vmem>>)
        %dma_wait3A_96 = tpu.memref_slice %arg3[%add3A_72] : memref<327680xi32, #tpu.memory_space<hbm>> -> memref<128xi32, #tpu.memory_space<hbm>>
        %dma_wait3A_97 = tpu.memref_slice %arg3[%add3A_72] : memref<327680xi32, #tpu.memory_space<hbm>> -> memref<128xi32, #tpu.memory_space<hbm>>
        tpu.wait_dma2 semaphore(%arg14 : memref<!tpu.dma_semaphore, #tpu.memory_space<semaphore_mem>>) src(%dma_wait3A_97 : memref<128xi32, #tpu.memory_space<hbm>>) dst(%arg8 : memref<128xi32, #tpu.memory_space<vmem>>)
      } else {
      }
    }
    %scan3A_31 = arith.constant 40 : i32
    %dma_wait3A = arith.constant 0 : i32
    %dma_wait3A_32 = arith.constant 0 : i32
    %dma_wait3A_33 = tpu.memref_slice %arg5[%dma_wait3A, %dma_wait3A_32] : memref<10240x128xf32, #tpu.memory_space<vmem_shared>> -> memref<10240x128xf32, #tpu.memory_space<vmem_shared>>
    tpu.wait_indirect_dma semaphore(%arg13 : memref<!tpu.dma_semaphore, #tpu.memory_space<semaphore_mem>>) src(%arg10 : memref<128x128xf32, #tpu.memory_space<vmem>>) dst(%dma_wait3A_33 : memref<10240x128xf32, #tpu.memory_space<vmem_shared>>)
    %dma_wait3A_34 = arith.constant 0 : i32
    %dma_wait3A_35 = arith.constant 0 : i32
    %dma_wait3A_36 = tpu.memref_slice %arg5[%dma_wait3A_34, %dma_wait3A_35] : memref<10240x128xf32, #tpu.memory_space<vmem_shared>> -> memref<10240x128xf32, #tpu.memory_space<vmem_shared>>
    tpu.wait_indirect_dma semaphore(%arg13 : memref<!tpu.dma_semaphore, #tpu.memory_space<semaphore_mem>>) src(%arg11 : memref<128x128xf32, #tpu.memory_space<vmem>>) dst(%dma_wait3A_36 : memref<10240x128xf32, #tpu.memory_space<vmem_shared>>)
    %barrier3A_37 = arith.constant 0 : index
    tpu.barrier barrier_id(%barrier3A_37)
    "tpu.region"() ({
      %run_scoped3A = tpu.sem_alloc : memref<!tpu.dma_semaphore, #tpu.memory_space<semaphore_mem>>
      %dma_start3A = arith.constant 0 : i32
      %dma_start3A_38 = tpu.memref_slice %arg4[%arg0, %mul3A_7, %dma_start3A] : memref<2x10240x128xf32, #tpu.memory_space<hbm>> -> memref<1x640x128xf32, #tpu.memory_space<hbm>>
      %dma_start3A_39 = tpu.memref_squeeze %dma_start3A_38 : memref<1x640x128xf32, #tpu.memory_space<hbm>> -> memref<640x128xf32, #tpu.memory_space<hbm>>
      %dma_start3A_40 = arith.constant 0 : i32
      %dma_start3A_41 = tpu.memref_slice %arg5[%mul3A_7, %dma_start3A_40] : memref<10240x128xf32, #tpu.memory_space<vmem_shared>> -> memref<640x128xf32, #tpu.memory_space<vmem_shared>>
      tpu.enqueue_dma source(%dma_start3A_41 : memref<640x128xf32, #tpu.memory_space<vmem_shared>>) target(%dma_start3A_39 : memref<640x128xf32, #tpu.memory_space<hbm>>) target_semaphore(%run_scoped3A : memref<!tpu.dma_semaphore, #tpu.memory_space<semaphore_mem>>)
      %dma_wait3A_42 = arith.constant 0 : i32
      %dma_wait3A_43 = tpu.memref_slice %arg4[%arg0, %mul3A_7, %dma_wait3A_42] : memref<2x10240x128xf32, #tpu.memory_space<hbm>> -> memref<1x640x128xf32, #tpu.memory_space<hbm>>
      %dma_wait3A_44 = tpu.memref_squeeze %dma_wait3A_43 : memref<1x640x128xf32, #tpu.memory_space<hbm>> -> memref<640x128xf32, #tpu.memory_space<hbm>>
      %dma_wait3A_45 = arith.constant 0 : i32
      %dma_wait3A_46 = tpu.memref_slice %arg5[%mul3A_7, %dma_wait3A_45] : memref<10240x128xf32, #tpu.memory_space<vmem_shared>> -> memref<640x128xf32, #tpu.memory_space<vmem_shared>>
      tpu.wait_dma2 semaphore(%run_scoped3A : memref<!tpu.dma_semaphore, #tpu.memory_space<semaphore_mem>>) src(%dma_wait3A_46 : memref<640x128xf32, #tpu.memory_space<vmem_shared>>) dst(%dma_wait3A_44 : memref<640x128xf32, #tpu.memory_space<hbm>>)
      tpu.yield
    }) : () -> ()
    return
  }
}

#map = affine_map<(d0, d1) -> (0, 0)>
#map1 = affine_map<(d0, d1) -> (0)>
#map2 = affine_map<(d0, d1) -> (0, 0, 0)>
module attributes {stable_mosaic.version = 14 : i64} {
  func.func @_sc_aggregate_body(%arg0: i32, %arg1: i32, %arg2: memref<10000x128xf32, #tpu.memory_space<hbm>>, %arg3: memref<327680xi32, #tpu.memory_space<hbm>>, %arg4: memref<327680xi32, #tpu.memory_space<hbm>>, %arg5: memref<327680xf32, #tpu.memory_space<hbm>>, %arg6: memref<2x10240x128xf32, #tpu.memory_space<hbm>>, %arg7: memref<10240x128xf32, #tpu.memory_space<vmem_shared>>, %arg8: memref<128xi32, #tpu.memory_space<vmem>>, %arg9: memref<128xi32, #tpu.memory_space<vmem>>, %arg10: memref<128xi32, #tpu.memory_space<vmem>>, %arg11: memref<128xi32, #tpu.memory_space<vmem>>, %arg12: memref<144xf32, #tpu.memory_space<vmem>>, %arg13: memref<144xf32, #tpu.memory_space<vmem>>, %arg14: memref<128x128xf32, #tpu.memory_space<vmem>>, %arg15: memref<128x128xf32, #tpu.memory_space<vmem>>, %arg16: memref<!tpu.dma_semaphore, #tpu.memory_space<semaphore_mem>>, %arg17: memref<!tpu.dma_semaphore, #tpu.memory_space<semaphore_mem>>, %arg18: memref<!tpu.dma_semaphore, #tpu.memory_space<semaphore_mem>>, %arg19: memref<!tpu.dma_semaphore, #tpu.memory_space<semaphore_mem>>, %arg20: memref<!tpu.dma_semaphore, #tpu.memory_space<semaphore_mem>>, %arg21: memref<!tpu.dma_semaphore, #tpu.memory_space<semaphore_mem>>) attributes {dimension_semantics = [#tpu.dimension_semantics<core_parallel>, #tpu.dimension_semantics<subcore_parallel>], iteration_bounds = array<i64: 2, 16>, scalar_prefetch = 0 : i64, scratch_operands = 15 : i64, tpu.core_type = #tpu.core_type<sc_vector_subcore>, window_params = [{transform_indices = #map}, {transform_indices = #map1}, {transform_indices = #map1}, {transform_indices = #map1}, {transform_indices = #map2}]} {
    %mul3A = arith.constant 16 : i32
    %mul3A_0 = arith.muli %arg0, %mul3A : i32
    %add3A = arith.addi %mul3A_0, %arg1 : i32
    %scan3A = arith.constant 0 : i32
    %scan3A_1 = arith.constant 0 : i32
    %scan3A_2 = arith.constant 128 : i32
    %scan3A_3 = arith.addi %scan3A_1, %scan3A_2 : i32
    %scan3A_4 = arith.constant 1 : i32
    scf.for %scan3A_34 = %scan3A_1 to %scan3A_3 step %scan3A_4  : i32 {
      %broadcast_in_dim3A = arith.constant 0.000000e+00 : f32
      %broadcast_in_dim3A_35 = vector.broadcast %broadcast_in_dim3A : f32 to vector<16xf32>
      %swap3A = arith.index_cast %scan3A_34 : i32 to index
      %swap3A_36 = arith.constant 0 : index
      %swap3A_37 = tpu.vector_load %arg14[%swap3A, %swap3A_36] {strides = array<i32>} : memref<128x128xf32, #tpu.memory_space<vmem>>, vector<1x16xf32>,
      %swap3A_38 = vector.shape_cast %swap3A_37 : vector<1x16xf32> to vector<16xf32>
      %swap3A_39 = vector.shape_cast %broadcast_in_dim3A_35 : vector<16xf32> to vector<1x16xf32>
      tpu.vector_store %arg14[%swap3A, %swap3A_36], %swap3A_39 {strides = array<i32>} : memref<128x128xf32, #tpu.memory_space<vmem>>, vector<1x16xf32>,
      %swap3A_40 = arith.index_cast %scan3A_34 : i32 to index
      %swap3A_41 = arith.constant 16 : index
      %swap3A_42 = tpu.vector_load %arg14[%swap3A_40, %swap3A_41] {strides = array<i32>} : memref<128x128xf32, #tpu.memory_space<vmem>>, vector<1x16xf32>,
      %swap3A_43 = vector.shape_cast %swap3A_42 : vector<1x16xf32> to vector<16xf32>
      %swap3A_44 = vector.shape_cast %broadcast_in_dim3A_35 : vector<16xf32> to vector<1x16xf32>
      tpu.vector_store %arg14[%swap3A_40, %swap3A_41], %swap3A_44 {strides = array<i32>} : memref<128x128xf32, #tpu.memory_space<vmem>>, vector<1x16xf32>,
      %swap3A_45 = arith.index_cast %scan3A_34 : i32 to index
      %swap3A_46 = arith.constant 32 : index
      %swap3A_47 = tpu.vector_load %arg14[%swap3A_45, %swap3A_46] {strides = array<i32>} : memref<128x128xf32, #tpu.memory_space<vmem>>, vector<1x16xf32>,
      %swap3A_48 = vector.shape_cast %swap3A_47 : vector<1x16xf32> to vector<16xf32>
      %swap3A_49 = vector.shape_cast %broadcast_in_dim3A_35 : vector<16xf32> to vector<1x16xf32>
      tpu.vector_store %arg14[%swap3A_45, %swap3A_46], %swap3A_49 {strides = array<i32>} : memref<128x128xf32, #tpu.memory_space<vmem>>, vector<1x16xf32>,
      %swap3A_50 = arith.index_cast %scan3A_34 : i32 to index
      %swap3A_51 = arith.constant 48 : index
      %swap3A_52 = tpu.vector_load %arg14[%swap3A_50, %swap3A_51] {strides = array<i32>} : memref<128x128xf32, #tpu.memory_space<vmem>>, vector<1x16xf32>,
      %swap3A_53 = vector.shape_cast %swap3A_52 : vector<1x16xf32> to vector<16xf32>
      %swap3A_54 = vector.shape_cast %broadcast_in_dim3A_35 : vector<16xf32> to vector<1x16xf32>
      tpu.vector_store %arg14[%swap3A_50, %swap3A_51], %swap3A_54 {strides = array<i32>} : memref<128x128xf32, #tpu.memory_space<vmem>>, vector<1x16xf32>,
      %swap3A_55 = arith.index_cast %scan3A_34 : i32 to index
      %swap3A_56 = arith.constant 64 : index
      %swap3A_57 = tpu.vector_load %arg14[%swap3A_55, %swap3A_56] {strides = array<i32>} : memref<128x128xf32, #tpu.memory_space<vmem>>, vector<1x16xf32>,
      %swap3A_58 = vector.shape_cast %swap3A_57 : vector<1x16xf32> to vector<16xf32>
      %swap3A_59 = vector.shape_cast %broadcast_in_dim3A_35 : vector<16xf32> to vector<1x16xf32>
      tpu.vector_store %arg14[%swap3A_55, %swap3A_56], %swap3A_59 {strides = array<i32>} : memref<128x128xf32, #tpu.memory_space<vmem>>, vector<1x16xf32>,
      %swap3A_60 = arith.index_cast %scan3A_34 : i32 to index
      %swap3A_61 = arith.constant 80 : index
      %swap3A_62 = tpu.vector_load %arg14[%swap3A_60, %swap3A_61] {strides = array<i32>} : memref<128x128xf32, #tpu.memory_space<vmem>>, vector<1x16xf32>,
      %swap3A_63 = vector.shape_cast %swap3A_62 : vector<1x16xf32> to vector<16xf32>
      %swap3A_64 = vector.shape_cast %broadcast_in_dim3A_35 : vector<16xf32> to vector<1x16xf32>
      tpu.vector_store %arg14[%swap3A_60, %swap3A_61], %swap3A_64 {strides = array<i32>} : memref<128x128xf32, #tpu.memory_space<vmem>>, vector<1x16xf32>,
      %swap3A_65 = arith.index_cast %scan3A_34 : i32 to index
      %swap3A_66 = arith.constant 96 : index
      %swap3A_67 = tpu.vector_load %arg14[%swap3A_65, %swap3A_66] {strides = array<i32>} : memref<128x128xf32, #tpu.memory_space<vmem>>, vector<1x16xf32>,
      %swap3A_68 = vector.shape_cast %swap3A_67 : vector<1x16xf32> to vector<16xf32>
      %swap3A_69 = vector.shape_cast %broadcast_in_dim3A_35 : vector<16xf32> to vector<1x16xf32>
      tpu.vector_store %arg14[%swap3A_65, %swap3A_66], %swap3A_69 {strides = array<i32>} : memref<128x128xf32, #tpu.memory_space<vmem>>, vector<1x16xf32>,
      %swap3A_70 = arith.index_cast %scan3A_34 : i32 to index
      %swap3A_71 = arith.constant 112 : index
      %swap3A_72 = tpu.vector_load %arg14[%swap3A_70, %swap3A_71] {strides = array<i32>} : memref<128x128xf32, #tpu.memory_space<vmem>>, vector<1x16xf32>,
      %swap3A_73 = vector.shape_cast %swap3A_72 : vector<1x16xf32> to vector<16xf32>
      %swap3A_74 = vector.shape_cast %broadcast_in_dim3A_35 : vector<16xf32> to vector<1x16xf32>
      tpu.vector_store %arg14[%swap3A_70, %swap3A_71], %swap3A_74 {strides = array<i32>} : memref<128x128xf32, #tpu.memory_space<vmem>>, vector<1x16xf32>,
    }
    %scan3A_5 = arith.constant 128 : i32
    %mul3A_6 = arith.constant 640 : i32
    %mul3A_7 = arith.muli %arg1, %mul3A_6 : i32
    %add3A_8 = arith.constant 0 : i32
    %add3A_9 = arith.addi %mul3A_7, %add3A_8 : i32
    "tpu.region"() ({
      %run_scoped3A = tpu.sem_alloc : memref<!tpu.dma_semaphore, #tpu.memory_space<semaphore_mem>>
      %dma_start3A_34 = arith.constant 0 : i32
      %dma_start3A_35 = tpu.memref_slice %arg7[%add3A_9, %dma_start3A_34] : memref<10240x128xf32, #tpu.memory_space<vmem_shared>> -> memref<128x128xf32, #tpu.memory_space<vmem_shared>>
      %dma_start3A_36 = arith.constant 0 : i32
      %dma_start3A_37 = tpu.memref_slice %arg7[%add3A_9, %dma_start3A_36] : memref<10240x128xf32, #tpu.memory_space<vmem_shared>> -> memref<128x128xf32, #tpu.memory_space<vmem_shared>>
      tpu.enqueue_dma source(%arg14 : memref<128x128xf32, #tpu.memory_space<vmem>>) target(%dma_start3A_37 : memref<128x128xf32, #tpu.memory_space<vmem_shared>>) target_semaphore(%run_scoped3A : memref<!tpu.dma_semaphore, #tpu.memory_space<semaphore_mem>>)
      %dma_wait3A_38 = arith.constant 0 : i32
      %dma_wait3A_39 = tpu.memref_slice %arg7[%add3A_9, %dma_wait3A_38] : memref<10240x128xf32, #tpu.memory_space<vmem_shared>> -> memref<128x128xf32, #tpu.memory_space<vmem_shared>>
      %dma_wait3A_40 = arith.constant 0 : i32
      %dma_wait3A_41 = tpu.memref_slice %arg7[%add3A_9, %dma_wait3A_40] : memref<10240x128xf32, #tpu.memory_space<vmem_shared>> -> memref<128x128xf32, #tpu.memory_space<vmem_shared>>
      tpu.wait_dma2 semaphore(%run_scoped3A : memref<!tpu.dma_semaphore, #tpu.memory_space<semaphore_mem>>) src(%arg14 : memref<128x128xf32, #tpu.memory_space<vmem>>) dst(%dma_wait3A_41 : memref<128x128xf32, #tpu.memory_space<vmem_shared>>)
      tpu.yield
    }) : () -> ()
    %add3A_10 = arith.constant 128 : i32
    %add3A_11 = arith.addi %mul3A_7, %add3A_10 : i32
    "tpu.region"() ({
      %run_scoped3A = tpu.sem_alloc : memref<!tpu.dma_semaphore, #tpu.memory_space<semaphore_mem>>
      %dma_start3A_34 = arith.constant 0 : i32
      %dma_start3A_35 = tpu.memref_slice %arg7[%add3A_11, %dma_start3A_34] : memref<10240x128xf32, #tpu.memory_space<vmem_shared>> -> memref<128x128xf32, #tpu.memory_space<vmem_shared>>
      %dma_start3A_36 = arith.constant 0 : i32
      %dma_start3A_37 = tpu.memref_slice %arg7[%add3A_11, %dma_start3A_36] : memref<10240x128xf32, #tpu.memory_space<vmem_shared>> -> memref<128x128xf32, #tpu.memory_space<vmem_shared>>
      tpu.enqueue_dma source(%arg14 : memref<128x128xf32, #tpu.memory_space<vmem>>) target(%dma_start3A_37 : memref<128x128xf32, #tpu.memory_space<vmem_shared>>) target_semaphore(%run_scoped3A : memref<!tpu.dma_semaphore, #tpu.memory_space<semaphore_mem>>)
      %dma_wait3A_38 = arith.constant 0 : i32
      %dma_wait3A_39 = tpu.memref_slice %arg7[%add3A_11, %dma_wait3A_38] : memref<10240x128xf32, #tpu.memory_space<vmem_shared>> -> memref<128x128xf32, #tpu.memory_space<vmem_shared>>
      %dma_wait3A_40 = arith.constant 0 : i32
      %dma_wait3A_41 = tpu.memref_slice %arg7[%add3A_11, %dma_wait3A_40] : memref<10240x128xf32, #tpu.memory_space<vmem_shared>> -> memref<128x128xf32, #tpu.memory_space<vmem_shared>>
      tpu.wait_dma2 semaphore(%run_scoped3A : memref<!tpu.dma_semaphore, #tpu.memory_space<semaphore_mem>>) src(%arg14 : memref<128x128xf32, #tpu.memory_space<vmem>>) dst(%dma_wait3A_41 : memref<128x128xf32, #tpu.memory_space<vmem_shared>>)
      tpu.yield
    }) : () -> ()
    %add3A_12 = arith.constant 256 : i32
    %add3A_13 = arith.addi %mul3A_7, %add3A_12 : i32
    "tpu.region"() ({
      %run_scoped3A = tpu.sem_alloc : memref<!tpu.dma_semaphore, #tpu.memory_space<semaphore_mem>>
      %dma_start3A_34 = arith.constant 0 : i32
      %dma_start3A_35 = tpu.memref_slice %arg7[%add3A_13, %dma_start3A_34] : memref<10240x128xf32, #tpu.memory_space<vmem_shared>> -> memref<128x128xf32, #tpu.memory_space<vmem_shared>>
      %dma_start3A_36 = arith.constant 0 : i32
      %dma_start3A_37 = tpu.memref_slice %arg7[%add3A_13, %dma_start3A_36] : memref<10240x128xf32, #tpu.memory_space<vmem_shared>> -> memref<128x128xf32, #tpu.memory_space<vmem_shared>>
      tpu.enqueue_dma source(%arg14 : memref<128x128xf32, #tpu.memory_space<vmem>>) target(%dma_start3A_37 : memref<128x128xf32, #tpu.memory_space<vmem_shared>>) target_semaphore(%run_scoped3A : memref<!tpu.dma_semaphore, #tpu.memory_space<semaphore_mem>>)
      %dma_wait3A_38 = arith.constant 0 : i32
      %dma_wait3A_39 = tpu.memref_slice %arg7[%add3A_13, %dma_wait3A_38] : memref<10240x128xf32, #tpu.memory_space<vmem_shared>> -> memref<128x128xf32, #tpu.memory_space<vmem_shared>>
      %dma_wait3A_40 = arith.constant 0 : i32
      %dma_wait3A_41 = tpu.memref_slice %arg7[%add3A_13, %dma_wait3A_40] : memref<10240x128xf32, #tpu.memory_space<vmem_shared>> -> memref<128x128xf32, #tpu.memory_space<vmem_shared>>
      tpu.wait_dma2 semaphore(%run_scoped3A : memref<!tpu.dma_semaphore, #tpu.memory_space<semaphore_mem>>) src(%arg14 : memref<128x128xf32, #tpu.memory_space<vmem>>) dst(%dma_wait3A_41 : memref<128x128xf32, #tpu.memory_space<vmem_shared>>)
      tpu.yield
    }) : () -> ()
    %add3A_14 = arith.constant 384 : i32
    %add3A_15 = arith.addi %mul3A_7, %add3A_14 : i32
    "tpu.region"() ({
      %run_scoped3A = tpu.sem_alloc : memref<!tpu.dma_semaphore, #tpu.memory_space<semaphore_mem>>
      %dma_start3A_34 = arith.constant 0 : i32
      %dma_start3A_35 = tpu.memref_slice %arg7[%add3A_15, %dma_start3A_34] : memref<10240x128xf32, #tpu.memory_space<vmem_shared>> -> memref<128x128xf32, #tpu.memory_space<vmem_shared>>
      %dma_start3A_36 = arith.constant 0 : i32
      %dma_start3A_37 = tpu.memref_slice %arg7[%add3A_15, %dma_start3A_36] : memref<10240x128xf32, #tpu.memory_space<vmem_shared>> -> memref<128x128xf32, #tpu.memory_space<vmem_shared>>
      tpu.enqueue_dma source(%arg14 : memref<128x128xf32, #tpu.memory_space<vmem>>) target(%dma_start3A_37 : memref<128x128xf32, #tpu.memory_space<vmem_shared>>) target_semaphore(%run_scoped3A : memref<!tpu.dma_semaphore, #tpu.memory_space<semaphore_mem>>)
      %dma_wait3A_38 = arith.constant 0 : i32
      %dma_wait3A_39 = tpu.memref_slice %arg7[%add3A_15, %dma_wait3A_38] : memref<10240x128xf32, #tpu.memory_space<vmem_shared>> -> memref<128x128xf32, #tpu.memory_space<vmem_shared>>
      %dma_wait3A_40 = arith.constant 0 : i32
      %dma_wait3A_41 = tpu.memref_slice %arg7[%add3A_15, %dma_wait3A_40] : memref<10240x128xf32, #tpu.memory_space<vmem_shared>> -> memref<128x128xf32, #tpu.memory_space<vmem_shared>>
      tpu.wait_dma2 semaphore(%run_scoped3A : memref<!tpu.dma_semaphore, #tpu.memory_space<semaphore_mem>>) src(%arg14 : memref<128x128xf32, #tpu.memory_space<vmem>>) dst(%dma_wait3A_41 : memref<128x128xf32, #tpu.memory_space<vmem_shared>>)
      tpu.yield
    }) : () -> ()
    %add3A_16 = arith.constant 512 : i32
    %add3A_17 = arith.addi %mul3A_7, %add3A_16 : i32
    "tpu.region"() ({
      %run_scoped3A = tpu.sem_alloc : memref<!tpu.dma_semaphore, #tpu.memory_space<semaphore_mem>>
      %dma_start3A_34 = arith.constant 0 : i32
      %dma_start3A_35 = tpu.memref_slice %arg7[%add3A_17, %dma_start3A_34] : memref<10240x128xf32, #tpu.memory_space<vmem_shared>> -> memref<128x128xf32, #tpu.memory_space<vmem_shared>>
      %dma_start3A_36 = arith.constant 0 : i32
      %dma_start3A_37 = tpu.memref_slice %arg7[%add3A_17, %dma_start3A_36] : memref<10240x128xf32, #tpu.memory_space<vmem_shared>> -> memref<128x128xf32, #tpu.memory_space<vmem_shared>>
      tpu.enqueue_dma source(%arg14 : memref<128x128xf32, #tpu.memory_space<vmem>>) target(%dma_start3A_37 : memref<128x128xf32, #tpu.memory_space<vmem_shared>>) target_semaphore(%run_scoped3A : memref<!tpu.dma_semaphore, #tpu.memory_space<semaphore_mem>>)
      %dma_wait3A_38 = arith.constant 0 : i32
      %dma_wait3A_39 = tpu.memref_slice %arg7[%add3A_17, %dma_wait3A_38] : memref<10240x128xf32, #tpu.memory_space<vmem_shared>> -> memref<128x128xf32, #tpu.memory_space<vmem_shared>>
      %dma_wait3A_40 = arith.constant 0 : i32
      %dma_wait3A_41 = tpu.memref_slice %arg7[%add3A_17, %dma_wait3A_40] : memref<10240x128xf32, #tpu.memory_space<vmem_shared>> -> memref<128x128xf32, #tpu.memory_space<vmem_shared>>
      tpu.wait_dma2 semaphore(%run_scoped3A : memref<!tpu.dma_semaphore, #tpu.memory_space<semaphore_mem>>) src(%arg14 : memref<128x128xf32, #tpu.memory_space<vmem>>) dst(%dma_wait3A_41 : memref<128x128xf32, #tpu.memory_space<vmem_shared>>)
      tpu.yield
    }) : () -> ()
    %barrier3A = arith.constant 0 : index
    tpu.barrier barrier_id(%barrier3A)
    %mul3A_18 = arith.constant 10240 : i32
    %mul3A_19 = arith.muli %add3A, %mul3A_18 : i32
    "tpu.region"() ({
      %run_scoped3A = tpu.sem_alloc : memref<!tpu.dma_semaphore, #tpu.memory_space<semaphore_mem>>
      %dma_start3A_34 = tpu.memref_slice %arg3[%mul3A_19] : memref<327680xi32, #tpu.memory_space<hbm>> -> memref<128xi32, #tpu.memory_space<hbm>>
      %dma_start3A_35 = tpu.memref_slice %arg3[%mul3A_19] : memref<327680xi32, #tpu.memory_space<hbm>> -> memref<128xi32, #tpu.memory_space<hbm>>
      tpu.enqueue_dma source(%dma_start3A_35 : memref<128xi32, #tpu.memory_space<hbm>>) target(%arg8 : memref<128xi32, #tpu.memory_space<vmem>>) target_semaphore(%run_scoped3A : memref<!tpu.dma_semaphore, #tpu.memory_space<semaphore_mem>>)
      %dma_wait3A_36 = tpu.memref_slice %arg3[%mul3A_19] : memref<327680xi32, #tpu.memory_space<hbm>> -> memref<128xi32, #tpu.memory_space<hbm>>
      %dma_wait3A_37 = tpu.memref_slice %arg3[%mul3A_19] : memref<327680xi32, #tpu.memory_space<hbm>> -> memref<128xi32, #tpu.memory_space<hbm>>
      tpu.wait_dma2 semaphore(%run_scoped3A : memref<!tpu.dma_semaphore, #tpu.memory_space<semaphore_mem>>) src(%dma_wait3A_37 : memref<128xi32, #tpu.memory_space<hbm>>) dst(%arg8 : memref<128xi32, #tpu.memory_space<vmem>>)
      tpu.yield
    }) : () -> ()
    "tpu.region"() ({
      %run_scoped3A = tpu.sem_alloc : memref<!tpu.dma_semaphore, #tpu.memory_space<semaphore_mem>>
      %dma_start3A_34 = tpu.memref_slice %arg4[%mul3A_19] : memref<327680xi32, #tpu.memory_space<hbm>> -> memref<128xi32, #tpu.memory_space<hbm>>
      %dma_start3A_35 = tpu.memref_slice %arg4[%mul3A_19] : memref<327680xi32, #tpu.memory_space<hbm>> -> memref<128xi32, #tpu.memory_space<hbm>>
      tpu.enqueue_dma source(%dma_start3A_35 : memref<128xi32, #tpu.memory_space<hbm>>) target(%arg10 : memref<128xi32, #tpu.memory_space<vmem>>) target_semaphore(%run_scoped3A : memref<!tpu.dma_semaphore, #tpu.memory_space<semaphore_mem>>)
      %dma_wait3A_36 = tpu.memref_slice %arg4[%mul3A_19] : memref<327680xi32, #tpu.memory_space<hbm>> -> memref<128xi32, #tpu.memory_space<hbm>>
      %dma_wait3A_37 = tpu.memref_slice %arg4[%mul3A_19] : memref<327680xi32, #tpu.memory_space<hbm>> -> memref<128xi32, #tpu.memory_space<hbm>>
      tpu.wait_dma2 semaphore(%run_scoped3A : memref<!tpu.dma_semaphore, #tpu.memory_space<semaphore_mem>>) src(%dma_wait3A_37 : memref<128xi32, #tpu.memory_space<hbm>>) dst(%arg10 : memref<128xi32, #tpu.memory_space<vmem>>)
      tpu.yield
    }) : () -> ()
    "tpu.region"() ({
      %run_scoped3A = tpu.sem_alloc : memref<!tpu.dma_semaphore, #tpu.memory_space<semaphore_mem>>
      %dma_start3A_34 = arith.constant 0 : i32
      %dma_start3A_35 = tpu.memref_slice %arg12[%dma_start3A_34] : memref<144xf32, #tpu.memory_space<vmem>> -> memref<128xf32, #tpu.memory_space<vmem>>
      %dma_start3A_36 = tpu.memref_slice %arg5[%mul3A_19] : memref<327680xf32, #tpu.memory_space<hbm>> -> memref<128xf32, #tpu.memory_space<hbm>>
      %dma_start3A_37 = arith.constant 0 : i32
      %dma_start3A_38 = tpu.memref_slice %arg12[%dma_start3A_37] : memref<144xf32, #tpu.memory_space<vmem>> -> memref<128xf32, #tpu.memory_space<vmem>>
      %dma_start3A_39 = tpu.memref_slice %arg5[%mul3A_19] : memref<327680xf32, #tpu.memory_space<hbm>> -> memref<128xf32, #tpu.memory_space<hbm>>
      tpu.enqueue_dma source(%dma_start3A_39 : memref<128xf32, #tpu.memory_space<hbm>>) target(%dma_start3A_38 : memref<128xf32, #tpu.memory_space<vmem>>) target_semaphore(%run_scoped3A : memref<!tpu.dma_semaphore, #tpu.memory_space<semaphore_mem>>)
      %dma_wait3A_40 = arith.constant 0 : i32
      %dma_wait3A_41 = tpu.memref_slice %arg12[%dma_wait3A_40] : memref<144xf32, #tpu.memory_space<vmem>> -> memref<128xf32, #tpu.memory_space<vmem>>
      %dma_wait3A_42 = tpu.memref_slice %arg5[%mul3A_19] : memref<327680xf32, #tpu.memory_space<hbm>> -> memref<128xf32, #tpu.memory_space<hbm>>
      %dma_wait3A_43 = arith.constant 0 : i32
      %dma_wait3A_44 = tpu.memref_slice %arg12[%dma_wait3A_43] : memref<144xf32, #tpu.memory_space<vmem>> -> memref<128xf32, #tpu.memory_space<vmem>>
      %dma_wait3A_45 = tpu.memref_slice %arg5[%mul3A_19] : memref<327680xf32, #tpu.memory_space<hbm>> -> memref<128xf32, #tpu.memory_space<hbm>>
      tpu.wait_dma2 semaphore(%run_scoped3A : memref<!tpu.dma_semaphore, #tpu.memory_space<semaphore_mem>>) src(%dma_wait3A_45 : memref<128xf32, #tpu.memory_space<hbm>>) dst(%dma_wait3A_44 : memref<128xf32, #tpu.memory_space<vmem>>)
      tpu.yield
    }) : () -> ()
    %dma_start3A = arith.constant 0 : i32
    %dma_start3A_20 = arith.constant 0 : i32
    %dma_start3A_21 = tpu.memref_slice %arg2[%dma_start3A, %dma_start3A_20] : memref<10000x128xf32, #tpu.memory_space<hbm>> -> memref<10000x128xf32, #tpu.memory_space<hbm>>
    tpu.enqueue_indirect_dma source(%dma_start3A_21 : memref<10000x128xf32, #tpu.memory_space<hbm>>) target(%arg14 : memref<128x128xf32, #tpu.memory_space<vmem>>) offsets(%arg8 : memref<128xi32, #tpu.memory_space<vmem>>) semaphore(%arg16 : memref<!tpu.dma_semaphore, #tpu.memory_space<semaphore_mem>>)
    %scan3A_22 = arith.constant 0 : i32
    %scan3A_23 = arith.constant 0 : i32
    %scan3A_24 = arith.constant 40 : i32
    %scan3A_25 = arith.addi %scan3A_23, %scan3A_24 : i32
    %scan3A_26 = arith.constant 1 : i32
    scf.for %scan3A_34 = %scan3A_23 to %scan3A_25 step %scan3A_26  : i32 {
      %mul3A_35 = arith.constant 2 : i32
      %mul3A_36 = arith.muli %scan3A_34, %mul3A_35 : i32
      %add3A_37 = arith.constant 0 : i32
      %add3A_38 = arith.addi %mul3A_36, %add3A_37 : i32
      %add3A_39 = arith.constant 1 : i32
      %add3A_40 = arith.addi %add3A_38, %add3A_39 : i32
      %mul3A_41 = arith.constant 128 : i32
      %mul3A_42 = arith.muli %add3A_40, %mul3A_41 : i32
      %add3A_43 = arith.addi %mul3A_19, %mul3A_42 : i32
      %add3A_44 = arith.constant 1 : i32
      %add3A_45 = arith.addi %add3A_38, %add3A_44 : i32
      %lt3A = arith.constant 80 : i32
      %lt3A_46 = arith.cmpi slt, %add3A_45, %lt3A : i32
      %convert_element_type3A = arith.extui %lt3A_46 : i1 to i32
      %cond3A = arith.constant 0 : i32
      %cond3A_47 = arith.cmpi ne, %convert_element_type3A, %cond3A : i32
      scf.if %cond3A_47 {
        %dma_start3A_94 = tpu.memref_slice %arg3[%add3A_43] : memref<327680xi32, #tpu.memory_space<hbm>> -> memref<128xi32, #tpu.memory_space<hbm>>
        %dma_start3A_95 = tpu.memref_slice %arg3[%add3A_43] : memref<327680xi32, #tpu.memory_space<hbm>> -> memref<128xi32, #tpu.memory_space<hbm>>
        tpu.enqueue_dma source(%dma_start3A_95 : memref<128xi32, #tpu.memory_space<hbm>>) target(%arg9 : memref<128xi32, #tpu.memory_space<vmem>>) target_semaphore(%arg21 : memref<!tpu.dma_semaphore, #tpu.memory_space<semaphore_mem>>)
        %dma_start3A_96 = tpu.memref_slice %arg4[%add3A_43] : memref<327680xi32, #tpu.memory_space<hbm>> -> memref<128xi32, #tpu.memory_space<hbm>>
        %dma_start3A_97 = tpu.memref_slice %arg4[%add3A_43] : memref<327680xi32, #tpu.memory_space<hbm>> -> memref<128xi32, #tpu.memory_space<hbm>>
        tpu.enqueue_dma source(%dma_start3A_97 : memref<128xi32, #tpu.memory_space<hbm>>) target(%arg11 : memref<128xi32, #tpu.memory_space<vmem>>) target_semaphore(%arg21 : memref<!tpu.dma_semaphore, #tpu.memory_space<semaphore_mem>>)
        %dma_start3A_98 = arith.constant 0 : i32
        %dma_start3A_99 = tpu.memref_slice %arg13[%dma_start3A_98] : memref<144xf32, #tpu.memory_space<vmem>> -> memref<128xf32, #tpu.memory_space<vmem>>
        %dma_start3A_100 = tpu.memref_slice %arg5[%add3A_43] : memref<327680xf32, #tpu.memory_space<hbm>> -> memref<128xf32, #tpu.memory_space<hbm>>
        %dma_start3A_101 = arith.constant 0 : i32
        %dma_start3A_102 = tpu.memref_slice %arg13[%dma_start3A_101] : memref<144xf32, #tpu.memory_space<vmem>> -> memref<128xf32, #tpu.memory_space<vmem>>
        %dma_start3A_103 = tpu.memref_slice %arg5[%add3A_43] : memref<327680xf32, #tpu.memory_space<hbm>> -> memref<128xf32, #tpu.memory_space<hbm>>
        tpu.enqueue_dma source(%dma_start3A_103 : memref<128xf32, #tpu.memory_space<hbm>>) target(%dma_start3A_102 : memref<128xf32, #tpu.memory_space<vmem>>) target_semaphore(%arg21 : memref<!tpu.dma_semaphore, #tpu.memory_space<semaphore_mem>>)
      } else {
      }
      %dma_wait3A_48 = arith.constant 0 : i32
      %dma_wait3A_49 = arith.constant 0 : i32
      %dma_wait3A_50 = tpu.memref_slice %arg2[%dma_wait3A_48, %dma_wait3A_49] : memref<10000x128xf32, #tpu.memory_space<hbm>> -> memref<10000x128xf32, #tpu.memory_space<hbm>>
      tpu.wait_indirect_dma semaphore(%arg16 : memref<!tpu.dma_semaphore, #tpu.memory_space<semaphore_mem>>) src(%dma_wait3A_50 : memref<10000x128xf32, #tpu.memory_space<hbm>>) dst(%arg14 : memref<128x128xf32, #tpu.memory_space<vmem>>)
      %scan3A_51 = arith.constant 0 : i32
      %scan3A_52 = arith.constant 0 : i32
      %scan3A_53 = arith.constant 128 : i32
      %scan3A_54 = arith.addi %scan3A_52, %scan3A_53 : i32
      %scan3A_55 = arith.constant 2 : i32
      scf.for %scan3A_94 = %scan3A_52 to %scan3A_54 step %scan3A_55  : i32 {
        %get3A = arith.index_cast %scan3A_94 : i32 to index
        %get3A_95 = tpu.vector_load %arg12[%get3A] {strides = array<i32>} : memref<144xf32, #tpu.memory_space<vmem>>, vector<16xf32>,
        %get3A_96 = vector.shape_cast %get3A_95 : vector<16xf32> to vector<16xf32>
        %slice3A = vector.extract_strided_slice %get3A_96 {offsets = [0], sizes = [1], strides = [1]} : vector<16xf32> to vector<1xf32>
        %squeeze3A = vector.extract %slice3A[0] : f32 from vector<1xf32>
        %get3A_97 = arith.index_cast %scan3A_94 : i32 to index
        %get3A_98 = arith.constant 0 : index
        %get3A_99 = tpu.vector_load %arg14[%get3A_97, %get3A_98] {strides = array<i32>} : memref<128x128xf32, #tpu.memory_space<vmem>>, vector<1x16xf32>,
        %get3A_100 = vector.shape_cast %get3A_99 : vector<1x16xf32> to vector<16xf32>
        %mul3A_101 = vector.broadcast %squeeze3A : f32 to vector<16xf32>
        %mul3A_102 = arith.mulf %get3A_100, %mul3A_101 : vector<16xf32>
        %swap3A = arith.index_cast %scan3A_94 : i32 to index
        %swap3A_103 = arith.constant 0 : index
        %swap3A_104 = tpu.vector_load %arg14[%swap3A, %swap3A_103] {strides = array<i32>} : memref<128x128xf32, #tpu.memory_space<vmem>>, vector<1x16xf32>,
        %swap3A_105 = vector.shape_cast %swap3A_104 : vector<1x16xf32> to vector<16xf32>
        %swap3A_106 = vector.shape_cast %mul3A_102 : vector<16xf32> to vector<1x16xf32>
        tpu.vector_store %arg14[%swap3A, %swap3A_103], %swap3A_106 {strides = array<i32>} : memref<128x128xf32, #tpu.memory_space<vmem>>, vector<1x16xf32>,
        %get3A_107 = arith.index_cast %scan3A_94 : i32 to index
        %get3A_108 = arith.constant 16 : index
        %get3A_109 = tpu.vector_load %arg14[%get3A_107, %get3A_108] {strides = array<i32>} : memref<128x128xf32, #tpu.memory_space<vmem>>, vector<1x16xf32>,
        %get3A_110 = vector.shape_cast %get3A_109 : vector<1x16xf32> to vector<16xf32>
        %mul3A_111 = vector.broadcast %squeeze3A : f32 to vector<16xf32>
        %mul3A_112 = arith.mulf %get3A_110, %mul3A_111 : vector<16xf32>
        %swap3A_113 = arith.index_cast %scan3A_94 : i32 to index
        %swap3A_114 = arith.constant 16 : index
        %swap3A_115 = tpu.vector_load %arg14[%swap3A_113, %swap3A_114] {strides = array<i32>} : memref<128x128xf32, #tpu.memory_space<vmem>>, vector<1x16xf32>,
        %swap3A_116 = vector.shape_cast %swap3A_115 : vector<1x16xf32> to vector<16xf32>
        %swap3A_117 = vector.shape_cast %mul3A_112 : vector<16xf32> to vector<1x16xf32>
        tpu.vector_store %arg14[%swap3A_113, %swap3A_114], %swap3A_117 {strides = array<i32>} : memref<128x128xf32, #tpu.memory_space<vmem>>, vector<1x16xf32>,
        %get3A_118 = arith.index_cast %scan3A_94 : i32 to index
        %get3A_119 = arith.constant 32 : index
        %get3A_120 = tpu.vector_load %arg14[%get3A_118, %get3A_119] {strides = array<i32>} : memref<128x128xf32, #tpu.memory_space<vmem>>, vector<1x16xf32>,
        %get3A_121 = vector.shape_cast %get3A_120 : vector<1x16xf32> to vector<16xf32>
        %mul3A_122 = vector.broadcast %squeeze3A : f32 to vector<16xf32>
        %mul3A_123 = arith.mulf %get3A_121, %mul3A_122 : vector<16xf32>
        %swap3A_124 = arith.index_cast %scan3A_94 : i32 to index
        %swap3A_125 = arith.constant 32 : index
        %swap3A_126 = tpu.vector_load %arg14[%swap3A_124, %swap3A_125] {strides = array<i32>} : memref<128x128xf32, #tpu.memory_space<vmem>>, vector<1x16xf32>,
        %swap3A_127 = vector.shape_cast %swap3A_126 : vector<1x16xf32> to vector<16xf32>
        %swap3A_128 = vector.shape_cast %mul3A_123 : vector<16xf32> to vector<1x16xf32>
        tpu.vector_store %arg14[%swap3A_124, %swap3A_125], %swap3A_128 {strides = array<i32>} : memref<128x128xf32, #tpu.memory_space<vmem>>, vector<1x16xf32>,
        %get3A_129 = arith.index_cast %scan3A_94 : i32 to index
        %get3A_130 = arith.constant 48 : index
        %get3A_131 = tpu.vector_load %arg14[%get3A_129, %get3A_130] {strides = array<i32>} : memref<128x128xf32, #tpu.memory_space<vmem>>, vector<1x16xf32>,
        %get3A_132 = vector.shape_cast %get3A_131 : vector<1x16xf32> to vector<16xf32>
        %mul3A_133 = vector.broadcast %squeeze3A : f32 to vector<16xf32>
        %mul3A_134 = arith.mulf %get3A_132, %mul3A_133 : vector<16xf32>
        %swap3A_135 = arith.index_cast %scan3A_94 : i32 to index
        %swap3A_136 = arith.constant 48 : index
        %swap3A_137 = tpu.vector_load %arg14[%swap3A_135, %swap3A_136] {strides = array<i32>} : memref<128x128xf32, #tpu.memory_space<vmem>>, vector<1x16xf32>,
        %swap3A_138 = vector.shape_cast %swap3A_137 : vector<1x16xf32> to vector<16xf32>
        %swap3A_139 = vector.shape_cast %mul3A_134 : vector<16xf32> to vector<1x16xf32>
        tpu.vector_store %arg14[%swap3A_135, %swap3A_136], %swap3A_139 {strides = array<i32>} : memref<128x128xf32, #tpu.memory_space<vmem>>, vector<1x16xf32>,
        %get3A_140 = arith.index_cast %scan3A_94 : i32 to index
        %get3A_141 = arith.constant 64 : index
        %get3A_142 = tpu.vector_load %arg14[%get3A_140, %get3A_141] {strides = array<i32>} : memref<128x128xf32, #tpu.memory_space<vmem>>, vector<1x16xf32>,
        %get3A_143 = vector.shape_cast %get3A_142 : vector<1x16xf32> to vector<16xf32>
        %mul3A_144 = vector.broadcast %squeeze3A : f32 to vector<16xf32>
        %mul3A_145 = arith.mulf %get3A_143, %mul3A_144 : vector<16xf32>
        %swap3A_146 = arith.index_cast %scan3A_94 : i32 to index
        %swap3A_147 = arith.constant 64 : index
        %swap3A_148 = tpu.vector_load %arg14[%swap3A_146, %swap3A_147] {strides = array<i32>} : memref<128x128xf32, #tpu.memory_space<vmem>>, vector<1x16xf32>,
        %swap3A_149 = vector.shape_cast %swap3A_148 : vector<1x16xf32> to vector<16xf32>
        %swap3A_150 = vector.shape_cast %mul3A_145 : vector<16xf32> to vector<1x16xf32>
        tpu.vector_store %arg14[%swap3A_146, %swap3A_147], %swap3A_150 {strides = array<i32>} : memref<128x128xf32, #tpu.memory_space<vmem>>, vector<1x16xf32>,
        %get3A_151 = arith.index_cast %scan3A_94 : i32 to index
        %get3A_152 = arith.constant 80 : index
        %get3A_153 = tpu.vector_load %arg14[%get3A_151, %get3A_152] {strides = array<i32>} : memref<128x128xf32, #tpu.memory_space<vmem>>, vector<1x16xf32>,
        %get3A_154 = vector.shape_cast %get3A_153 : vector<1x16xf32> to vector<16xf32>
        %mul3A_155 = vector.broadcast %squeeze3A : f32 to vector<16xf32>
        %mul3A_156 = arith.mulf %get3A_154, %mul3A_155 : vector<16xf32>
        %swap3A_157 = arith.index_cast %scan3A_94 : i32 to index
        %swap3A_158 = arith.constant 80 : index
        %swap3A_159 = tpu.vector_load %arg14[%swap3A_157, %swap3A_158] {strides = array<i32>} : memref<128x128xf32, #tpu.memory_space<vmem>>, vector<1x16xf32>,
        %swap3A_160 = vector.shape_cast %swap3A_159 : vector<1x16xf32> to vector<16xf32>
        %swap3A_161 = vector.shape_cast %mul3A_156 : vector<16xf32> to vector<1x16xf32>
        tpu.vector_store %arg14[%swap3A_157, %swap3A_158], %swap3A_161 {strides = array<i32>} : memref<128x128xf32, #tpu.memory_space<vmem>>, vector<1x16xf32>,
        %get3A_162 = arith.index_cast %scan3A_94 : i32 to index
        %get3A_163 = arith.constant 96 : index
        %get3A_164 = tpu.vector_load %arg14[%get3A_162, %get3A_163] {strides = array<i32>} : memref<128x128xf32, #tpu.memory_space<vmem>>, vector<1x16xf32>,
        %get3A_165 = vector.shape_cast %get3A_164 : vector<1x16xf32> to vector<16xf32>
        %mul3A_166 = vector.broadcast %squeeze3A : f32 to vector<16xf32>
        %mul3A_167 = arith.mulf %get3A_165, %mul3A_166 : vector<16xf32>
        %swap3A_168 = arith.index_cast %scan3A_94 : i32 to index
        %swap3A_169 = arith.constant 96 : index
        %swap3A_170 = tpu.vector_load %arg14[%swap3A_168, %swap3A_169] {strides = array<i32>} : memref<128x128xf32, #tpu.memory_space<vmem>>, vector<1x16xf32>,
        %swap3A_171 = vector.shape_cast %swap3A_170 : vector<1x16xf32> to vector<16xf32>
        %swap3A_172 = vector.shape_cast %mul3A_167 : vector<16xf32> to vector<1x16xf32>
        tpu.vector_store %arg14[%swap3A_168, %swap3A_169], %swap3A_172 {strides = array<i32>} : memref<128x128xf32, #tpu.memory_space<vmem>>, vector<1x16xf32>,
        %get3A_173 = arith.index_cast %scan3A_94 : i32 to index
        %get3A_174 = arith.constant 112 : index
        %get3A_175 = tpu.vector_load %arg14[%get3A_173, %get3A_174] {strides = array<i32>} : memref<128x128xf32, #tpu.memory_space<vmem>>, vector<1x16xf32>,
        %get3A_176 = vector.shape_cast %get3A_175 : vector<1x16xf32> to vector<16xf32>
        %mul3A_177 = vector.broadcast %squeeze3A : f32 to vector<16xf32>
        %mul3A_178 = arith.mulf %get3A_176, %mul3A_177 : vector<16xf32>
        %swap3A_179 = arith.index_cast %scan3A_94 : i32 to index
        %swap3A_180 = arith.constant 112 : index
        %swap3A_181 = tpu.vector_load %arg14[%swap3A_179, %swap3A_180] {strides = array<i32>} : memref<128x128xf32, #tpu.memory_space<vmem>>, vector<1x16xf32>,
        %swap3A_182 = vector.shape_cast %swap3A_181 : vector<1x16xf32> to vector<16xf32>
        %swap3A_183 = vector.shape_cast %mul3A_178 : vector<16xf32> to vector<1x16xf32>
        tpu.vector_store %arg14[%swap3A_179, %swap3A_180], %swap3A_183 {strides = array<i32>} : memref<128x128xf32, #tpu.memory_space<vmem>>, vector<1x16xf32>,
        %scan3A_184 = arith.constant 1 : i32
        %scan3A_185 = arith.addi %scan3A_94, %scan3A_184 : i32
        %get3A_186 = arith.index_cast %scan3A_185 : i32 to index
        %get3A_187 = tpu.vector_load %arg12[%get3A_186] {strides = array<i32>} : memref<144xf32, #tpu.memory_space<vmem>>, vector<16xf32>,
        %get3A_188 = vector.shape_cast %get3A_187 : vector<16xf32> to vector<16xf32>
        %slice3A_189 = vector.extract_strided_slice %get3A_188 {offsets = [0], sizes = [1], strides = [1]} : vector<16xf32> to vector<1xf32>
        %squeeze3A_190 = vector.extract %slice3A_189[0] : f32 from vector<1xf32>
        %get3A_191 = arith.index_cast %scan3A_185 : i32 to index
        %get3A_192 = arith.constant 0 : index
        %get3A_193 = tpu.vector_load %arg14[%get3A_191, %get3A_192] {strides = array<i32>} : memref<128x128xf32, #tpu.memory_space<vmem>>, vector<1x16xf32>,
        %get3A_194 = vector.shape_cast %get3A_193 : vector<1x16xf32> to vector<16xf32>
        %mul3A_195 = vector.broadcast %squeeze3A_190 : f32 to vector<16xf32>
        %mul3A_196 = arith.mulf %get3A_194, %mul3A_195 : vector<16xf32>
        %swap3A_197 = arith.index_cast %scan3A_185 : i32 to index
        %swap3A_198 = arith.constant 0 : index
        %swap3A_199 = tpu.vector_load %arg14[%swap3A_197, %swap3A_198] {strides = array<i32>} : memref<128x128xf32, #tpu.memory_space<vmem>>, vector<1x16xf32>,
        %swap3A_200 = vector.shape_cast %swap3A_199 : vector<1x16xf32> to vector<16xf32>
        %swap3A_201 = vector.shape_cast %mul3A_196 : vector<16xf32> to vector<1x16xf32>
        tpu.vector_store %arg14[%swap3A_197, %swap3A_198], %swap3A_201 {strides = array<i32>} : memref<128x128xf32, #tpu.memory_space<vmem>>, vector<1x16xf32>,
        %get3A_202 = arith.index_cast %scan3A_185 : i32 to index
        %get3A_203 = arith.constant 16 : index
        %get3A_204 = tpu.vector_load %arg14[%get3A_202, %get3A_203] {strides = array<i32>} : memref<128x128xf32, #tpu.memory_space<vmem>>, vector<1x16xf32>,
        %get3A_205 = vector.shape_cast %get3A_204 : vector<1x16xf32> to vector<16xf32>
        %mul3A_206 = vector.broadcast %squeeze3A_190 : f32 to vector<16xf32>
        %mul3A_207 = arith.mulf %get3A_205, %mul3A_206 : vector<16xf32>
        %swap3A_208 = arith.index_cast %scan3A_185 : i32 to index
        %swap3A_209 = arith.constant 16 : index
        %swap3A_210 = tpu.vector_load %arg14[%swap3A_208, %swap3A_209] {strides = array<i32>} : memref<128x128xf32, #tpu.memory_space<vmem>>, vector<1x16xf32>,
        %swap3A_211 = vector.shape_cast %swap3A_210 : vector<1x16xf32> to vector<16xf32>
        %swap3A_212 = vector.shape_cast %mul3A_207 : vector<16xf32> to vector<1x16xf32>
        tpu.vector_store %arg14[%swap3A_208, %swap3A_209], %swap3A_212 {strides = array<i32>} : memref<128x128xf32, #tpu.memory_space<vmem>>, vector<1x16xf32>,
        %get3A_213 = arith.index_cast %scan3A_185 : i32 to index
        %get3A_214 = arith.constant 32 : index
        %get3A_215 = tpu.vector_load %arg14[%get3A_213, %get3A_214] {strides = array<i32>} : memref<128x128xf32, #tpu.memory_space<vmem>>, vector<1x16xf32>,
        %get3A_216 = vector.shape_cast %get3A_215 : vector<1x16xf32> to vector<16xf32>
        %mul3A_217 = vector.broadcast %squeeze3A_190 : f32 to vector<16xf32>
        %mul3A_218 = arith.mulf %get3A_216, %mul3A_217 : vector<16xf32>
        %swap3A_219 = arith.index_cast %scan3A_185 : i32 to index
        %swap3A_220 = arith.constant 32 : index
        %swap3A_221 = tpu.vector_load %arg14[%swap3A_219, %swap3A_220] {strides = array<i32>} : memref<128x128xf32, #tpu.memory_space<vmem>>, vector<1x16xf32>,
        %swap3A_222 = vector.shape_cast %swap3A_221 : vector<1x16xf32> to vector<16xf32>
        %swap3A_223 = vector.shape_cast %mul3A_218 : vector<16xf32> to vector<1x16xf32>
        tpu.vector_store %arg14[%swap3A_219, %swap3A_220], %swap3A_223 {strides = array<i32>} : memref<128x128xf32, #tpu.memory_space<vmem>>, vector<1x16xf32>,
        %get3A_224 = arith.index_cast %scan3A_185 : i32 to index
        %get3A_225 = arith.constant 48 : index
        %get3A_226 = tpu.vector_load %arg14[%get3A_224, %get3A_225] {strides = array<i32>} : memref<128x128xf32, #tpu.memory_space<vmem>>, vector<1x16xf32>,
        %get3A_227 = vector.shape_cast %get3A_226 : vector<1x16xf32> to vector<16xf32>
        %mul3A_228 = vector.broadcast %squeeze3A_190 : f32 to vector<16xf32>
        %mul3A_229 = arith.mulf %get3A_227, %mul3A_228 : vector<16xf32>
        %swap3A_230 = arith.index_cast %scan3A_185 : i32 to index
        %swap3A_231 = arith.constant 48 : index
        %swap3A_232 = tpu.vector_load %arg14[%swap3A_230, %swap3A_231] {strides = array<i32>} : memref<128x128xf32, #tpu.memory_space<vmem>>, vector<1x16xf32>,
        %swap3A_233 = vector.shape_cast %swap3A_232 : vector<1x16xf32> to vector<16xf32>
        %swap3A_234 = vector.shape_cast %mul3A_229 : vector<16xf32> to vector<1x16xf32>
        tpu.vector_store %arg14[%swap3A_230, %swap3A_231], %swap3A_234 {strides = array<i32>} : memref<128x128xf32, #tpu.memory_space<vmem>>, vector<1x16xf32>,
        %get3A_235 = arith.index_cast %scan3A_185 : i32 to index
        %get3A_236 = arith.constant 64 : index
        %get3A_237 = tpu.vector_load %arg14[%get3A_235, %get3A_236] {strides = array<i32>} : memref<128x128xf32, #tpu.memory_space<vmem>>, vector<1x16xf32>,
        %get3A_238 = vector.shape_cast %get3A_237 : vector<1x16xf32> to vector<16xf32>
        %mul3A_239 = vector.broadcast %squeeze3A_190 : f32 to vector<16xf32>
        %mul3A_240 = arith.mulf %get3A_238, %mul3A_239 : vector<16xf32>
        %swap3A_241 = arith.index_cast %scan3A_185 : i32 to index
        %swap3A_242 = arith.constant 64 : index
        %swap3A_243 = tpu.vector_load %arg14[%swap3A_241, %swap3A_242] {strides = array<i32>} : memref<128x128xf32, #tpu.memory_space<vmem>>, vector<1x16xf32>,
        %swap3A_244 = vector.shape_cast %swap3A_243 : vector<1x16xf32> to vector<16xf32>
        %swap3A_245 = vector.shape_cast %mul3A_240 : vector<16xf32> to vector<1x16xf32>
        tpu.vector_store %arg14[%swap3A_241, %swap3A_242], %swap3A_245 {strides = array<i32>} : memref<128x128xf32, #tpu.memory_space<vmem>>, vector<1x16xf32>,
        %get3A_246 = arith.index_cast %scan3A_185 : i32 to index
        %get3A_247 = arith.constant 80 : index
        %get3A_248 = tpu.vector_load %arg14[%get3A_246, %get3A_247] {strides = array<i32>} : memref<128x128xf32, #tpu.memory_space<vmem>>, vector<1x16xf32>,
        %get3A_249 = vector.shape_cast %get3A_248 : vector<1x16xf32> to vector<16xf32>
        %mul3A_250 = vector.broadcast %squeeze3A_190 : f32 to vector<16xf32>
        %mul3A_251 = arith.mulf %get3A_249, %mul3A_250 : vector<16xf32>
        %swap3A_252 = arith.index_cast %scan3A_185 : i32 to index
        %swap3A_253 = arith.constant 80 : index
        %swap3A_254 = tpu.vector_load %arg14[%swap3A_252, %swap3A_253] {strides = array<i32>} : memref<128x128xf32, #tpu.memory_space<vmem>>, vector<1x16xf32>,
        %swap3A_255 = vector.shape_cast %swap3A_254 : vector<1x16xf32> to vector<16xf32>
        %swap3A_256 = vector.shape_cast %mul3A_251 : vector<16xf32> to vector<1x16xf32>
        tpu.vector_store %arg14[%swap3A_252, %swap3A_253], %swap3A_256 {strides = array<i32>} : memref<128x128xf32, #tpu.memory_space<vmem>>, vector<1x16xf32>,
        %get3A_257 = arith.index_cast %scan3A_185 : i32 to index
        %get3A_258 = arith.constant 96 : index
        %get3A_259 = tpu.vector_load %arg14[%get3A_257, %get3A_258] {strides = array<i32>} : memref<128x128xf32, #tpu.memory_space<vmem>>, vector<1x16xf32>,
        %get3A_260 = vector.shape_cast %get3A_259 : vector<1x16xf32> to vector<16xf32>
        %mul3A_261 = vector.broadcast %squeeze3A_190 : f32 to vector<16xf32>
        %mul3A_262 = arith.mulf %get3A_260, %mul3A_261 : vector<16xf32>
        %swap3A_263 = arith.index_cast %scan3A_185 : i32 to index
        %swap3A_264 = arith.constant 96 : index
        %swap3A_265 = tpu.vector_load %arg14[%swap3A_263, %swap3A_264] {strides = array<i32>} : memref<128x128xf32, #tpu.memory_space<vmem>>, vector<1x16xf32>,
        %swap3A_266 = vector.shape_cast %swap3A_265 : vector<1x16xf32> to vector<16xf32>
        %swap3A_267 = vector.shape_cast %mul3A_262 : vector<16xf32> to vector<1x16xf32>
        tpu.vector_store %arg14[%swap3A_263, %swap3A_264], %swap3A_267 {strides = array<i32>} : memref<128x128xf32, #tpu.memory_space<vmem>>, vector<1x16xf32>,
        %get3A_268 = arith.index_cast %scan3A_185 : i32 to index
        %get3A_269 = arith.constant 112 : index
        %get3A_270 = tpu.vector_load %arg14[%get3A_268, %get3A_269] {strides = array<i32>} : memref<128x128xf32, #tpu.memory_space<vmem>>, vector<1x16xf32>,
        %get3A_271 = vector.shape_cast %get3A_270 : vector<1x16xf32> to vector<16xf32>
        %mul3A_272 = vector.broadcast %squeeze3A_190 : f32 to vector<16xf32>
        %mul3A_273 = arith.mulf %get3A_271, %mul3A_272 : vector<16xf32>
        %swap3A_274 = arith.index_cast %scan3A_185 : i32 to index
        %swap3A_275 = arith.constant 112 : index
        %swap3A_276 = tpu.vector_load %arg14[%swap3A_274, %swap3A_275] {strides = array<i32>} : memref<128x128xf32, #tpu.memory_space<vmem>>, vector<1x16xf32>,
        %swap3A_277 = vector.shape_cast %swap3A_276 : vector<1x16xf32> to vector<16xf32>
        %swap3A_278 = vector.shape_cast %mul3A_273 : vector<16xf32> to vector<1x16xf32>
        tpu.vector_store %arg14[%swap3A_274, %swap3A_275], %swap3A_278 {strides = array<i32>} : memref<128x128xf32, #tpu.memory_space<vmem>>, vector<1x16xf32>,
      }
      %scan3A_56 = arith.constant 128 : i32
      %dma_start3A_57 = arith.constant 0 : i32
      %dma_start3A_58 = arith.constant 0 : i32
      %dma_start3A_59 = tpu.memref_slice %arg7[%dma_start3A_57, %dma_start3A_58] : memref<10240x128xf32, #tpu.memory_space<vmem_shared>> -> memref<10240x128xf32, #tpu.memory_space<vmem_shared>>
      tpu.enqueue_indirect_dma source(%arg14 : memref<128x128xf32, #tpu.memory_space<vmem>>) target(%dma_start3A_59 : memref<10240x128xf32, #tpu.memory_space<vmem_shared>>) offsets(%arg10 : memref<128xi32, #tpu.memory_space<vmem>>) semaphore(%arg18 : memref<!tpu.dma_semaphore, #tpu.memory_space<semaphore_mem>>) {add = true}
      %convert_element_type3A_60 = arith.extui %lt3A_46 : i1 to i32
      %cond3A_61 = arith.constant 0 : i32
      %cond3A_62 = arith.cmpi ne, %convert_element_type3A_60, %cond3A_61 : i32
      scf.if %cond3A_62 {
        %ge3A = arith.constant 1 : i32
        %ge3A_94 = arith.cmpi sge, %add3A_38, %ge3A : i32
        %convert_element_type3A_95 = arith.extui %ge3A_94 : i1 to i32
        %cond3A_96 = arith.constant 0 : i32
        %cond3A_97 = arith.cmpi ne, %convert_element_type3A_95, %cond3A_96 : i32
        scf.if %cond3A_97 {
          %dma_wait3A_111 = arith.constant 0 : i32
          %dma_wait3A_112 = arith.constant 0 : i32
          %dma_wait3A_113 = tpu.memref_slice %arg7[%dma_wait3A_111, %dma_wait3A_112] : memref<10240x128xf32, #tpu.memory_space<vmem_shared>> -> memref<10240x128xf32, #tpu.memory_space<vmem_shared>>
          tpu.wait_indirect_dma semaphore(%arg19 : memref<!tpu.dma_semaphore, #tpu.memory_space<semaphore_mem>>) src(%arg15 : memref<128x128xf32, #tpu.memory_space<vmem>>) dst(%dma_wait3A_113 : memref<10240x128xf32, #tpu.memory_space<vmem_shared>>)
        } else {
        }
        %dma_wait3A_98 = tpu.memref_slice %arg3[%add3A_43] : memref<327680xi32, #tpu.memory_space<hbm>> -> memref<128xi32, #tpu.memory_space<hbm>>
        %dma_wait3A_99 = tpu.memref_slice %arg3[%add3A_43] : memref<327680xi32, #tpu.memory_space<hbm>> -> memref<128xi32, #tpu.memory_space<hbm>>
        tpu.wait_dma2 semaphore(%arg21 : memref<!tpu.dma_semaphore, #tpu.memory_space<semaphore_mem>>) src(%dma_wait3A_99 : memref<128xi32, #tpu.memory_space<hbm>>) dst(%arg9 : memref<128xi32, #tpu.memory_space<vmem>>)
        %dma_wait3A_100 = tpu.memref_slice %arg4[%add3A_43] : memref<327680xi32, #tpu.memory_space<hbm>> -> memref<128xi32, #tpu.memory_space<hbm>>
        %dma_wait3A_101 = tpu.memref_slice %arg4[%add3A_43] : memref<327680xi32, #tpu.memory_space<hbm>> -> memref<128xi32, #tpu.memory_space<hbm>>
        tpu.wait_dma2 semaphore(%arg21 : memref<!tpu.dma_semaphore, #tpu.memory_space<semaphore_mem>>) src(%dma_wait3A_101 : memref<128xi32, #tpu.memory_space<hbm>>) dst(%arg11 : memref<128xi32, #tpu.memory_space<vmem>>)
        %dma_wait3A_102 = arith.constant 0 : i32
        %dma_wait3A_103 = tpu.memref_slice %arg13[%dma_wait3A_102] : memref<144xf32, #tpu.memory_space<vmem>> -> memref<128xf32, #tpu.memory_space<vmem>>
        %dma_wait3A_104 = tpu.memref_slice %arg5[%add3A_43] : memref<327680xf32, #tpu.memory_space<hbm>> -> memref<128xf32, #tpu.memory_space<hbm>>
        %dma_wait3A_105 = arith.constant 0 : i32
        %dma_wait3A_106 = tpu.memref_slice %arg13[%dma_wait3A_105] : memref<144xf32, #tpu.memory_space<vmem>> -> memref<128xf32, #tpu.memory_space<vmem>>
        %dma_wait3A_107 = tpu.memref_slice %arg5[%add3A_43] : memref<327680xf32, #tpu.memory_space<hbm>> -> memref<128xf32, #tpu.memory_space<hbm>>
        tpu.wait_dma2 semaphore(%arg21 : memref<!tpu.dma_semaphore, #tpu.memory_space<semaphore_mem>>) src(%dma_wait3A_107 : memref<128xf32, #tpu.memory_space<hbm>>) dst(%dma_wait3A_106 : memref<128xf32, #tpu.memory_space<vmem>>)
        %dma_start3A_108 = arith.constant 0 : i32
        %dma_start3A_109 = arith.constant 0 : i32
        %dma_start3A_110 = tpu.memref_slice %arg2[%dma_start3A_108, %dma_start3A_109] : memref<10000x128xf32, #tpu.memory_space<hbm>> -> memref<10000x128xf32, #tpu.memory_space<hbm>>
        tpu.enqueue_indirect_dma source(%dma_start3A_110 : memref<10000x128xf32, #tpu.memory_space<hbm>>) target(%arg15 : memref<128x128xf32, #tpu.memory_space<vmem>>) offsets(%arg9 : memref<128xi32, #tpu.memory_space<vmem>>) semaphore(%arg17 : memref<!tpu.dma_semaphore, #tpu.memory_space<semaphore_mem>>)
      } else {
      }
      %mul3A_63 = arith.constant 2 : i32
      %mul3A_64 = arith.muli %scan3A_34, %mul3A_63 : i32
      %add3A_65 = arith.constant 1 : i32
      %add3A_66 = arith.addi %mul3A_64, %add3A_65 : i32
      %add3A_67 = arith.constant 1 : i32
      %add3A_68 = arith.addi %add3A_66, %add3A_67 : i32
      %mul3A_69 = arith.constant 128 : i32
      %mul3A_70 = arith.muli %add3A_68, %mul3A_69 : i32
      %add3A_71 = arith.addi %mul3A_19, %mul3A_70 : i32
      %add3A_72 = arith.constant 1 : i32
      %add3A_73 = arith.addi %add3A_66, %add3A_72 : i32
      %lt3A_74 = arith.constant 80 : i32
      %lt3A_75 = arith.cmpi slt, %add3A_73, %lt3A_74 : i32
      %convert_element_type3A_76 = arith.extui %lt3A_75 : i1 to i32
      %cond3A_77 = arith.constant 0 : i32
      %cond3A_78 = arith.cmpi ne, %convert_element_type3A_76, %cond3A_77 : i32
      scf.if %cond3A_78 {
        %dma_start3A_94 = tpu.memref_slice %arg3[%add3A_71] : memref<327680xi32, #tpu.memory_space<hbm>> -> memref<128xi32, #tpu.memory_space<hbm>>
        %dma_start3A_95 = tpu.memref_slice %arg3[%add3A_71] : memref<327680xi32, #tpu.memory_space<hbm>> -> memref<128xi32, #tpu.memory_space<hbm>>
        tpu.enqueue_dma source(%dma_start3A_95 : memref<128xi32, #tpu.memory_space<hbm>>) target(%arg8 : memref<128xi32, #tpu.memory_space<vmem>>) target_semaphore(%arg20 : memref<!tpu.dma_semaphore, #tpu.memory_space<semaphore_mem>>)
        %dma_start3A_96 = tpu.memref_slice %arg4[%add3A_71] : memref<327680xi32, #tpu.memory_space<hbm>> -> memref<128xi32, #tpu.memory_space<hbm>>
        %dma_start3A_97 = tpu.memref_slice %arg4[%add3A_71] : memref<327680xi32, #tpu.memory_space<hbm>> -> memref<128xi32, #tpu.memory_space<hbm>>
        tpu.enqueue_dma source(%dma_start3A_97 : memref<128xi32, #tpu.memory_space<hbm>>) target(%arg10 : memref<128xi32, #tpu.memory_space<vmem>>) target_semaphore(%arg20 : memref<!tpu.dma_semaphore, #tpu.memory_space<semaphore_mem>>)
        %dma_start3A_98 = arith.constant 0 : i32
        %dma_start3A_99 = tpu.memref_slice %arg12[%dma_start3A_98] : memref<144xf32, #tpu.memory_space<vmem>> -> memref<128xf32, #tpu.memory_space<vmem>>
        %dma_start3A_100 = tpu.memref_slice %arg5[%add3A_71] : memref<327680xf32, #tpu.memory_space<hbm>> -> memref<128xf32, #tpu.memory_space<hbm>>
        %dma_start3A_101 = arith.constant 0 : i32
        %dma_start3A_102 = tpu.memref_slice %arg12[%dma_start3A_101] : memref<144xf32, #tpu.memory_space<vmem>> -> memref<128xf32, #tpu.memory_space<vmem>>
        %dma_start3A_103 = tpu.memref_slice %arg5[%add3A_71] : memref<327680xf32, #tpu.memory_space<hbm>> -> memref<128xf32, #tpu.memory_space<hbm>>
        tpu.enqueue_dma source(%dma_start3A_103 : memref<128xf32, #tpu.memory_space<hbm>>) target(%dma_start3A_102 : memref<128xf32, #tpu.memory_space<vmem>>) target_semaphore(%arg20 : memref<!tpu.dma_semaphore, #tpu.memory_space<semaphore_mem>>)
      } else {
      }
      %dma_wait3A_79 = arith.constant 0 : i32
      %dma_wait3A_80 = arith.constant 0 : i32
      %dma_wait3A_81 = tpu.memref_slice %arg2[%dma_wait3A_79, %dma_wait3A_80] : memref<10000x128xf32, #tpu.memory_space<hbm>> -> memref<10000x128xf32, #tpu.memory_space<hbm>>
      tpu.wait_indirect_dma semaphore(%arg17 : memref<!tpu.dma_semaphore, #tpu.memory_space<semaphore_mem>>) src(%dma_wait3A_81 : memref<10000x128xf32, #tpu.memory_space<hbm>>) dst(%arg15 : memref<128x128xf32, #tpu.memory_space<vmem>>)
      %scan3A_82 = arith.constant 0 : i32
      %scan3A_83 = arith.constant 0 : i32
      %scan3A_84 = arith.constant 128 : i32
      %scan3A_85 = arith.addi %scan3A_83, %scan3A_84 : i32
      %scan3A_86 = arith.constant 2 : i32
      scf.for %scan3A_94 = %scan3A_83 to %scan3A_85 step %scan3A_86  : i32 {
        %get3A = arith.index_cast %scan3A_94 : i32 to index
        %get3A_95 = tpu.vector_load %arg13[%get3A] {strides = array<i32>} : memref<144xf32, #tpu.memory_space<vmem>>, vector<16xf32>,
        %get3A_96 = vector.shape_cast %get3A_95 : vector<16xf32> to vector<16xf32>
        %slice3A = vector.extract_strided_slice %get3A_96 {offsets = [0], sizes = [1], strides = [1]} : vector<16xf32> to vector<1xf32>
        %squeeze3A = vector.extract %slice3A[0] : f32 from vector<1xf32>
        %get3A_97 = arith.index_cast %scan3A_94 : i32 to index
        %get3A_98 = arith.constant 0 : index
        %get3A_99 = tpu.vector_load %arg15[%get3A_97, %get3A_98] {strides = array<i32>} : memref<128x128xf32, #tpu.memory_space<vmem>>, vector<1x16xf32>,
        %get3A_100 = vector.shape_cast %get3A_99 : vector<1x16xf32> to vector<16xf32>
        %mul3A_101 = vector.broadcast %squeeze3A : f32 to vector<16xf32>
        %mul3A_102 = arith.mulf %get3A_100, %mul3A_101 : vector<16xf32>
        %swap3A = arith.index_cast %scan3A_94 : i32 to index
        %swap3A_103 = arith.constant 0 : index
        %swap3A_104 = tpu.vector_load %arg15[%swap3A, %swap3A_103] {strides = array<i32>} : memref<128x128xf32, #tpu.memory_space<vmem>>, vector<1x16xf32>,
        %swap3A_105 = vector.shape_cast %swap3A_104 : vector<1x16xf32> to vector<16xf32>
        %swap3A_106 = vector.shape_cast %mul3A_102 : vector<16xf32> to vector<1x16xf32>
        tpu.vector_store %arg15[%swap3A, %swap3A_103], %swap3A_106 {strides = array<i32>} : memref<128x128xf32, #tpu.memory_space<vmem>>, vector<1x16xf32>,
        %get3A_107 = arith.index_cast %scan3A_94 : i32 to index
        %get3A_108 = arith.constant 16 : index
        %get3A_109 = tpu.vector_load %arg15[%get3A_107, %get3A_108] {strides = array<i32>} : memref<128x128xf32, #tpu.memory_space<vmem>>, vector<1x16xf32>,
        %get3A_110 = vector.shape_cast %get3A_109 : vector<1x16xf32> to vector<16xf32>
        %mul3A_111 = vector.broadcast %squeeze3A : f32 to vector<16xf32>
        %mul3A_112 = arith.mulf %get3A_110, %mul3A_111 : vector<16xf32>
        %swap3A_113 = arith.index_cast %scan3A_94 : i32 to index
        %swap3A_114 = arith.constant 16 : index
        %swap3A_115 = tpu.vector_load %arg15[%swap3A_113, %swap3A_114] {strides = array<i32>} : memref<128x128xf32, #tpu.memory_space<vmem>>, vector<1x16xf32>,
        %swap3A_116 = vector.shape_cast %swap3A_115 : vector<1x16xf32> to vector<16xf32>
        %swap3A_117 = vector.shape_cast %mul3A_112 : vector<16xf32> to vector<1x16xf32>
        tpu.vector_store %arg15[%swap3A_113, %swap3A_114], %swap3A_117 {strides = array<i32>} : memref<128x128xf32, #tpu.memory_space<vmem>>, vector<1x16xf32>,
        %get3A_118 = arith.index_cast %scan3A_94 : i32 to index
        %get3A_119 = arith.constant 32 : index
        %get3A_120 = tpu.vector_load %arg15[%get3A_118, %get3A_119] {strides = array<i32>} : memref<128x128xf32, #tpu.memory_space<vmem>>, vector<1x16xf32>,
        %get3A_121 = vector.shape_cast %get3A_120 : vector<1x16xf32> to vector<16xf32>
        %mul3A_122 = vector.broadcast %squeeze3A : f32 to vector<16xf32>
        %mul3A_123 = arith.mulf %get3A_121, %mul3A_122 : vector<16xf32>
        %swap3A_124 = arith.index_cast %scan3A_94 : i32 to index
        %swap3A_125 = arith.constant 32 : index
        %swap3A_126 = tpu.vector_load %arg15[%swap3A_124, %swap3A_125] {strides = array<i32>} : memref<128x128xf32, #tpu.memory_space<vmem>>, vector<1x16xf32>,
        %swap3A_127 = vector.shape_cast %swap3A_126 : vector<1x16xf32> to vector<16xf32>
        %swap3A_128 = vector.shape_cast %mul3A_123 : vector<16xf32> to vector<1x16xf32>
        tpu.vector_store %arg15[%swap3A_124, %swap3A_125], %swap3A_128 {strides = array<i32>} : memref<128x128xf32, #tpu.memory_space<vmem>>, vector<1x16xf32>,
        %get3A_129 = arith.index_cast %scan3A_94 : i32 to index
        %get3A_130 = arith.constant 48 : index
        %get3A_131 = tpu.vector_load %arg15[%get3A_129, %get3A_130] {strides = array<i32>} : memref<128x128xf32, #tpu.memory_space<vmem>>, vector<1x16xf32>,
        %get3A_132 = vector.shape_cast %get3A_131 : vector<1x16xf32> to vector<16xf32>
        %mul3A_133 = vector.broadcast %squeeze3A : f32 to vector<16xf32>
        %mul3A_134 = arith.mulf %get3A_132, %mul3A_133 : vector<16xf32>
        %swap3A_135 = arith.index_cast %scan3A_94 : i32 to index
        %swap3A_136 = arith.constant 48 : index
        %swap3A_137 = tpu.vector_load %arg15[%swap3A_135, %swap3A_136] {strides = array<i32>} : memref<128x128xf32, #tpu.memory_space<vmem>>, vector<1x16xf32>,
        %swap3A_138 = vector.shape_cast %swap3A_137 : vector<1x16xf32> to vector<16xf32>
        %swap3A_139 = vector.shape_cast %mul3A_134 : vector<16xf32> to vector<1x16xf32>
        tpu.vector_store %arg15[%swap3A_135, %swap3A_136], %swap3A_139 {strides = array<i32>} : memref<128x128xf32, #tpu.memory_space<vmem>>, vector<1x16xf32>,
        %get3A_140 = arith.index_cast %scan3A_94 : i32 to index
        %get3A_141 = arith.constant 64 : index
        %get3A_142 = tpu.vector_load %arg15[%get3A_140, %get3A_141] {strides = array<i32>} : memref<128x128xf32, #tpu.memory_space<vmem>>, vector<1x16xf32>,
        %get3A_143 = vector.shape_cast %get3A_142 : vector<1x16xf32> to vector<16xf32>
        %mul3A_144 = vector.broadcast %squeeze3A : f32 to vector<16xf32>
        %mul3A_145 = arith.mulf %get3A_143, %mul3A_144 : vector<16xf32>
        %swap3A_146 = arith.index_cast %scan3A_94 : i32 to index
        %swap3A_147 = arith.constant 64 : index
        %swap3A_148 = tpu.vector_load %arg15[%swap3A_146, %swap3A_147] {strides = array<i32>} : memref<128x128xf32, #tpu.memory_space<vmem>>, vector<1x16xf32>,
        %swap3A_149 = vector.shape_cast %swap3A_148 : vector<1x16xf32> to vector<16xf32>
        %swap3A_150 = vector.shape_cast %mul3A_145 : vector<16xf32> to vector<1x16xf32>
        tpu.vector_store %arg15[%swap3A_146, %swap3A_147], %swap3A_150 {strides = array<i32>} : memref<128x128xf32, #tpu.memory_space<vmem>>, vector<1x16xf32>,
        %get3A_151 = arith.index_cast %scan3A_94 : i32 to index
        %get3A_152 = arith.constant 80 : index
        %get3A_153 = tpu.vector_load %arg15[%get3A_151, %get3A_152] {strides = array<i32>} : memref<128x128xf32, #tpu.memory_space<vmem>>, vector<1x16xf32>,
        %get3A_154 = vector.shape_cast %get3A_153 : vector<1x16xf32> to vector<16xf32>
        %mul3A_155 = vector.broadcast %squeeze3A : f32 to vector<16xf32>
        %mul3A_156 = arith.mulf %get3A_154, %mul3A_155 : vector<16xf32>
        %swap3A_157 = arith.index_cast %scan3A_94 : i32 to index
        %swap3A_158 = arith.constant 80 : index
        %swap3A_159 = tpu.vector_load %arg15[%swap3A_157, %swap3A_158] {strides = array<i32>} : memref<128x128xf32, #tpu.memory_space<vmem>>, vector<1x16xf32>,
        %swap3A_160 = vector.shape_cast %swap3A_159 : vector<1x16xf32> to vector<16xf32>
        %swap3A_161 = vector.shape_cast %mul3A_156 : vector<16xf32> to vector<1x16xf32>
        tpu.vector_store %arg15[%swap3A_157, %swap3A_158], %swap3A_161 {strides = array<i32>} : memref<128x128xf32, #tpu.memory_space<vmem>>, vector<1x16xf32>,
        %get3A_162 = arith.index_cast %scan3A_94 : i32 to index
        %get3A_163 = arith.constant 96 : index
        %get3A_164 = tpu.vector_load %arg15[%get3A_162, %get3A_163] {strides = array<i32>} : memref<128x128xf32, #tpu.memory_space<vmem>>, vector<1x16xf32>,
        %get3A_165 = vector.shape_cast %get3A_164 : vector<1x16xf32> to vector<16xf32>
        %mul3A_166 = vector.broadcast %squeeze3A : f32 to vector<16xf32>
        %mul3A_167 = arith.mulf %get3A_165, %mul3A_166 : vector<16xf32>
        %swap3A_168 = arith.index_cast %scan3A_94 : i32 to index
        %swap3A_169 = arith.constant 96 : index
        %swap3A_170 = tpu.vector_load %arg15[%swap3A_168, %swap3A_169] {strides = array<i32>} : memref<128x128xf32, #tpu.memory_space<vmem>>, vector<1x16xf32>,
        %swap3A_171 = vector.shape_cast %swap3A_170 : vector<1x16xf32> to vector<16xf32>
        %swap3A_172 = vector.shape_cast %mul3A_167 : vector<16xf32> to vector<1x16xf32>
        tpu.vector_store %arg15[%swap3A_168, %swap3A_169], %swap3A_172 {strides = array<i32>} : memref<128x128xf32, #tpu.memory_space<vmem>>, vector<1x16xf32>,
        %get3A_173 = arith.index_cast %scan3A_94 : i32 to index
        %get3A_174 = arith.constant 112 : index
        %get3A_175 = tpu.vector_load %arg15[%get3A_173, %get3A_174] {strides = array<i32>} : memref<128x128xf32, #tpu.memory_space<vmem>>, vector<1x16xf32>,
        %get3A_176 = vector.shape_cast %get3A_175 : vector<1x16xf32> to vector<16xf32>
        %mul3A_177 = vector.broadcast %squeeze3A : f32 to vector<16xf32>
        %mul3A_178 = arith.mulf %get3A_176, %mul3A_177 : vector<16xf32>
        %swap3A_179 = arith.index_cast %scan3A_94 : i32 to index
        %swap3A_180 = arith.constant 112 : index
        %swap3A_181 = tpu.vector_load %arg15[%swap3A_179, %swap3A_180] {strides = array<i32>} : memref<128x128xf32, #tpu.memory_space<vmem>>, vector<1x16xf32>,
        %swap3A_182 = vector.shape_cast %swap3A_181 : vector<1x16xf32> to vector<16xf32>
        %swap3A_183 = vector.shape_cast %mul3A_178 : vector<16xf32> to vector<1x16xf32>
        tpu.vector_store %arg15[%swap3A_179, %swap3A_180], %swap3A_183 {strides = array<i32>} : memref<128x128xf32, #tpu.memory_space<vmem>>, vector<1x16xf32>,
        %scan3A_184 = arith.constant 1 : i32
        %scan3A_185 = arith.addi %scan3A_94, %scan3A_184 : i32
        %get3A_186 = arith.index_cast %scan3A_185 : i32 to index
        %get3A_187 = tpu.vector_load %arg13[%get3A_186] {strides = array<i32>} : memref<144xf32, #tpu.memory_space<vmem>>, vector<16xf32>,
        %get3A_188 = vector.shape_cast %get3A_187 : vector<16xf32> to vector<16xf32>
        %slice3A_189 = vector.extract_strided_slice %get3A_188 {offsets = [0], sizes = [1], strides = [1]} : vector<16xf32> to vector<1xf32>
        %squeeze3A_190 = vector.extract %slice3A_189[0] : f32 from vector<1xf32>
        %get3A_191 = arith.index_cast %scan3A_185 : i32 to index
        %get3A_192 = arith.constant 0 : index
        %get3A_193 = tpu.vector_load %arg15[%get3A_191, %get3A_192] {strides = array<i32>} : memref<128x128xf32, #tpu.memory_space<vmem>>, vector<1x16xf32>,
        %get3A_194 = vector.shape_cast %get3A_193 : vector<1x16xf32> to vector<16xf32>
        %mul3A_195 = vector.broadcast %squeeze3A_190 : f32 to vector<16xf32>
        %mul3A_196 = arith.mulf %get3A_194, %mul3A_195 : vector<16xf32>
        %swap3A_197 = arith.index_cast %scan3A_185 : i32 to index
        %swap3A_198 = arith.constant 0 : index
        %swap3A_199 = tpu.vector_load %arg15[%swap3A_197, %swap3A_198] {strides = array<i32>} : memref<128x128xf32, #tpu.memory_space<vmem>>, vector<1x16xf32>,
        %swap3A_200 = vector.shape_cast %swap3A_199 : vector<1x16xf32> to vector<16xf32>
        %swap3A_201 = vector.shape_cast %mul3A_196 : vector<16xf32> to vector<1x16xf32>
        tpu.vector_store %arg15[%swap3A_197, %swap3A_198], %swap3A_201 {strides = array<i32>} : memref<128x128xf32, #tpu.memory_space<vmem>>, vector<1x16xf32>,
        %get3A_202 = arith.index_cast %scan3A_185 : i32 to index
        %get3A_203 = arith.constant 16 : index
        %get3A_204 = tpu.vector_load %arg15[%get3A_202, %get3A_203] {strides = array<i32>} : memref<128x128xf32, #tpu.memory_space<vmem>>, vector<1x16xf32>,
        %get3A_205 = vector.shape_cast %get3A_204 : vector<1x16xf32> to vector<16xf32>
        %mul3A_206 = vector.broadcast %squeeze3A_190 : f32 to vector<16xf32>
        %mul3A_207 = arith.mulf %get3A_205, %mul3A_206 : vector<16xf32>
        %swap3A_208 = arith.index_cast %scan3A_185 : i32 to index
        %swap3A_209 = arith.constant 16 : index
        %swap3A_210 = tpu.vector_load %arg15[%swap3A_208, %swap3A_209] {strides = array<i32>} : memref<128x128xf32, #tpu.memory_space<vmem>>, vector<1x16xf32>,
        %swap3A_211 = vector.shape_cast %swap3A_210 : vector<1x16xf32> to vector<16xf32>
        %swap3A_212 = vector.shape_cast %mul3A_207 : vector<16xf32> to vector<1x16xf32>
        tpu.vector_store %arg15[%swap3A_208, %swap3A_209], %swap3A_212 {strides = array<i32>} : memref<128x128xf32, #tpu.memory_space<vmem>>, vector<1x16xf32>,
        %get3A_213 = arith.index_cast %scan3A_185 : i32 to index
        %get3A_214 = arith.constant 32 : index
        %get3A_215 = tpu.vector_load %arg15[%get3A_213, %get3A_214] {strides = array<i32>} : memref<128x128xf32, #tpu.memory_space<vmem>>, vector<1x16xf32>,
        %get3A_216 = vector.shape_cast %get3A_215 : vector<1x16xf32> to vector<16xf32>
        %mul3A_217 = vector.broadcast %squeeze3A_190 : f32 to vector<16xf32>
        %mul3A_218 = arith.mulf %get3A_216, %mul3A_217 : vector<16xf32>
        %swap3A_219 = arith.index_cast %scan3A_185 : i32 to index
        %swap3A_220 = arith.constant 32 : index
        %swap3A_221 = tpu.vector_load %arg15[%swap3A_219, %swap3A_220] {strides = array<i32>} : memref<128x128xf32, #tpu.memory_space<vmem>>, vector<1x16xf32>,
        %swap3A_222 = vector.shape_cast %swap3A_221 : vector<1x16xf32> to vector<16xf32>
        %swap3A_223 = vector.shape_cast %mul3A_218 : vector<16xf32> to vector<1x16xf32>
        tpu.vector_store %arg15[%swap3A_219, %swap3A_220], %swap3A_223 {strides = array<i32>} : memref<128x128xf32, #tpu.memory_space<vmem>>, vector<1x16xf32>,
        %get3A_224 = arith.index_cast %scan3A_185 : i32 to index
        %get3A_225 = arith.constant 48 : index
        %get3A_226 = tpu.vector_load %arg15[%get3A_224, %get3A_225] {strides = array<i32>} : memref<128x128xf32, #tpu.memory_space<vmem>>, vector<1x16xf32>,
        %get3A_227 = vector.shape_cast %get3A_226 : vector<1x16xf32> to vector<16xf32>
        %mul3A_228 = vector.broadcast %squeeze3A_190 : f32 to vector<16xf32>
        %mul3A_229 = arith.mulf %get3A_227, %mul3A_228 : vector<16xf32>
        %swap3A_230 = arith.index_cast %scan3A_185 : i32 to index
        %swap3A_231 = arith.constant 48 : index
        %swap3A_232 = tpu.vector_load %arg15[%swap3A_230, %swap3A_231] {strides = array<i32>} : memref<128x128xf32, #tpu.memory_space<vmem>>, vector<1x16xf32>,
        %swap3A_233 = vector.shape_cast %swap3A_232 : vector<1x16xf32> to vector<16xf32>
        %swap3A_234 = vector.shape_cast %mul3A_229 : vector<16xf32> to vector<1x16xf32>
        tpu.vector_store %arg15[%swap3A_230, %swap3A_231], %swap3A_234 {strides = array<i32>} : memref<128x128xf32, #tpu.memory_space<vmem>>, vector<1x16xf32>,
        %get3A_235 = arith.index_cast %scan3A_185 : i32 to index
        %get3A_236 = arith.constant 64 : index
        %get3A_237 = tpu.vector_load %arg15[%get3A_235, %get3A_236] {strides = array<i32>} : memref<128x128xf32, #tpu.memory_space<vmem>>, vector<1x16xf32>,
        %get3A_238 = vector.shape_cast %get3A_237 : vector<1x16xf32> to vector<16xf32>
        %mul3A_239 = vector.broadcast %squeeze3A_190 : f32 to vector<16xf32>
        %mul3A_240 = arith.mulf %get3A_238, %mul3A_239 : vector<16xf32>
        %swap3A_241 = arith.index_cast %scan3A_185 : i32 to index
        %swap3A_242 = arith.constant 64 : index
        %swap3A_243 = tpu.vector_load %arg15[%swap3A_241, %swap3A_242] {strides = array<i32>} : memref<128x128xf32, #tpu.memory_space<vmem>>, vector<1x16xf32>,
        %swap3A_244 = vector.shape_cast %swap3A_243 : vector<1x16xf32> to vector<16xf32>
        %swap3A_245 = vector.shape_cast %mul3A_240 : vector<16xf32> to vector<1x16xf32>
        tpu.vector_store %arg15[%swap3A_241, %swap3A_242], %swap3A_245 {strides = array<i32>} : memref<128x128xf32, #tpu.memory_space<vmem>>, vector<1x16xf32>,
        %get3A_246 = arith.index_cast %scan3A_185 : i32 to index
        %get3A_247 = arith.constant 80 : index
        %get3A_248 = tpu.vector_load %arg15[%get3A_246, %get3A_247] {strides = array<i32>} : memref<128x128xf32, #tpu.memory_space<vmem>>, vector<1x16xf32>,
        %get3A_249 = vector.shape_cast %get3A_248 : vector<1x16xf32> to vector<16xf32>
        %mul3A_250 = vector.broadcast %squeeze3A_190 : f32 to vector<16xf32>
        %mul3A_251 = arith.mulf %get3A_249, %mul3A_250 : vector<16xf32>
        %swap3A_252 = arith.index_cast %scan3A_185 : i32 to index
        %swap3A_253 = arith.constant 80 : index
        %swap3A_254 = tpu.vector_load %arg15[%swap3A_252, %swap3A_253] {strides = array<i32>} : memref<128x128xf32, #tpu.memory_space<vmem>>, vector<1x16xf32>,
        %swap3A_255 = vector.shape_cast %swap3A_254 : vector<1x16xf32> to vector<16xf32>
        %swap3A_256 = vector.shape_cast %mul3A_251 : vector<16xf32> to vector<1x16xf32>
        tpu.vector_store %arg15[%swap3A_252, %swap3A_253], %swap3A_256 {strides = array<i32>} : memref<128x128xf32, #tpu.memory_space<vmem>>, vector<1x16xf32>,
        %get3A_257 = arith.index_cast %scan3A_185 : i32 to index
        %get3A_258 = arith.constant 96 : index
        %get3A_259 = tpu.vector_load %arg15[%get3A_257, %get3A_258] {strides = array<i32>} : memref<128x128xf32, #tpu.memory_space<vmem>>, vector<1x16xf32>,
        %get3A_260 = vector.shape_cast %get3A_259 : vector<1x16xf32> to vector<16xf32>
        %mul3A_261 = vector.broadcast %squeeze3A_190 : f32 to vector<16xf32>
        %mul3A_262 = arith.mulf %get3A_260, %mul3A_261 : vector<16xf32>
        %swap3A_263 = arith.index_cast %scan3A_185 : i32 to index
        %swap3A_264 = arith.constant 96 : index
        %swap3A_265 = tpu.vector_load %arg15[%swap3A_263, %swap3A_264] {strides = array<i32>} : memref<128x128xf32, #tpu.memory_space<vmem>>, vector<1x16xf32>,
        %swap3A_266 = vector.shape_cast %swap3A_265 : vector<1x16xf32> to vector<16xf32>
        %swap3A_267 = vector.shape_cast %mul3A_262 : vector<16xf32> to vector<1x16xf32>
        tpu.vector_store %arg15[%swap3A_263, %swap3A_264], %swap3A_267 {strides = array<i32>} : memref<128x128xf32, #tpu.memory_space<vmem>>, vector<1x16xf32>,
        %get3A_268 = arith.index_cast %scan3A_185 : i32 to index
        %get3A_269 = arith.constant 112 : index
        %get3A_270 = tpu.vector_load %arg15[%get3A_268, %get3A_269] {strides = array<i32>} : memref<128x128xf32, #tpu.memory_space<vmem>>, vector<1x16xf32>,
        %get3A_271 = vector.shape_cast %get3A_270 : vector<1x16xf32> to vector<16xf32>
        %mul3A_272 = vector.broadcast %squeeze3A_190 : f32 to vector<16xf32>
        %mul3A_273 = arith.mulf %get3A_271, %mul3A_272 : vector<16xf32>
        %swap3A_274 = arith.index_cast %scan3A_185 : i32 to index
        %swap3A_275 = arith.constant 112 : index
        %swap3A_276 = tpu.vector_load %arg15[%swap3A_274, %swap3A_275] {strides = array<i32>} : memref<128x128xf32, #tpu.memory_space<vmem>>, vector<1x16xf32>,
        %swap3A_277 = vector.shape_cast %swap3A_276 : vector<1x16xf32> to vector<16xf32>
        %swap3A_278 = vector.shape_cast %mul3A_273 : vector<16xf32> to vector<1x16xf32>
        tpu.vector_store %arg15[%swap3A_274, %swap3A_275], %swap3A_278 {strides = array<i32>} : memref<128x128xf32, #tpu.memory_space<vmem>>, vector<1x16xf32>,
      }
      %scan3A_87 = arith.constant 128 : i32
      %dma_start3A_88 = arith.constant 0 : i32
      %dma_start3A_89 = arith.constant 0 : i32
      %dma_start3A_90 = tpu.memref_slice %arg7[%dma_start3A_88, %dma_start3A_89] : memref<10240x128xf32, #tpu.memory_space<vmem_shared>> -> memref<10240x128xf32, #tpu.memory_space<vmem_shared>>
      tpu.enqueue_indirect_dma source(%arg15 : memref<128x128xf32, #tpu.memory_space<vmem>>) target(%dma_start3A_90 : memref<10240x128xf32, #tpu.memory_space<vmem_shared>>) offsets(%arg11 : memref<128xi32, #tpu.memory_space<vmem>>) semaphore(%arg19 : memref<!tpu.dma_semaphore, #tpu.memory_space<semaphore_mem>>) {add = true}
      %convert_element_type3A_91 = arith.extui %lt3A_75 : i1 to i32
      %cond3A_92 = arith.constant 0 : i32
      %cond3A_93 = arith.cmpi ne, %convert_element_type3A_91, %cond3A_92 : i32
      scf.if %cond3A_93 {
        %ge3A = arith.constant 1 : i32
        %ge3A_94 = arith.cmpi sge, %add3A_66, %ge3A : i32
        %convert_element_type3A_95 = arith.extui %ge3A_94 : i1 to i32
        %cond3A_96 = arith.constant 0 : i32
        %cond3A_97 = arith.cmpi ne, %convert_element_type3A_95, %cond3A_96 : i32
        scf.if %cond3A_97 {
          %dma_wait3A_111 = arith.constant 0 : i32
          %dma_wait3A_112 = arith.constant 0 : i32
          %dma_wait3A_113 = tpu.memref_slice %arg7[%dma_wait3A_111, %dma_wait3A_112] : memref<10240x128xf32, #tpu.memory_space<vmem_shared>> -> memref<10240x128xf32, #tpu.memory_space<vmem_shared>>
          tpu.wait_indirect_dma semaphore(%arg18 : memref<!tpu.dma_semaphore, #tpu.memory_space<semaphore_mem>>) src(%arg14 : memref<128x128xf32, #tpu.memory_space<vmem>>) dst(%dma_wait3A_113 : memref<10240x128xf32, #tpu.memory_space<vmem_shared>>)
        } else {
        }
        %dma_wait3A_98 = tpu.memref_slice %arg3[%add3A_71] : memref<327680xi32, #tpu.memory_space<hbm>> -> memref<128xi32, #tpu.memory_space<hbm>>
        %dma_wait3A_99 = tpu.memref_slice %arg3[%add3A_71] : memref<327680xi32, #tpu.memory_space<hbm>> -> memref<128xi32, #tpu.memory_space<hbm>>
        tpu.wait_dma2 semaphore(%arg20 : memref<!tpu.dma_semaphore, #tpu.memory_space<semaphore_mem>>) src(%dma_wait3A_99 : memref<128xi32, #tpu.memory_space<hbm>>) dst(%arg8 : memref<128xi32, #tpu.memory_space<vmem>>)
        %dma_wait3A_100 = tpu.memref_slice %arg4[%add3A_71] : memref<327680xi32, #tpu.memory_space<hbm>> -> memref<128xi32, #tpu.memory_space<hbm>>
        %dma_wait3A_101 = tpu.memref_slice %arg4[%add3A_71] : memref<327680xi32, #tpu.memory_space<hbm>> -> memref<128xi32, #tpu.memory_space<hbm>>
        tpu.wait_dma2 semaphore(%arg20 : memref<!tpu.dma_semaphore, #tpu.memory_space<semaphore_mem>>) src(%dma_wait3A_101 : memref<128xi32, #tpu.memory_space<hbm>>) dst(%arg10 : memref<128xi32, #tpu.memory_space<vmem>>)
        %dma_wait3A_102 = arith.constant 0 : i32
        %dma_wait3A_103 = tpu.memref_slice %arg12[%dma_wait3A_102] : memref<144xf32, #tpu.memory_space<vmem>> -> memref<128xf32, #tpu.memory_space<vmem>>
        %dma_wait3A_104 = tpu.memref_slice %arg5[%add3A_71] : memref<327680xf32, #tpu.memory_space<hbm>> -> memref<128xf32, #tpu.memory_space<hbm>>
        %dma_wait3A_105 = arith.constant 0 : i32
        %dma_wait3A_106 = tpu.memref_slice %arg12[%dma_wait3A_105] : memref<144xf32, #tpu.memory_space<vmem>> -> memref<128xf32, #tpu.memory_space<vmem>>
        %dma_wait3A_107 = tpu.memref_slice %arg5[%add3A_71] : memref<327680xf32, #tpu.memory_space<hbm>> -> memref<128xf32, #tpu.memory_space<hbm>>
        tpu.wait_dma2 semaphore(%arg20 : memref<!tpu.dma_semaphore, #tpu.memory_space<semaphore_mem>>) src(%dma_wait3A_107 : memref<128xf32, #tpu.memory_space<hbm>>) dst(%dma_wait3A_106 : memref<128xf32, #tpu.memory_space<vmem>>)
        %dma_start3A_108 = arith.constant 0 : i32
        %dma_start3A_109 = arith.constant 0 : i32
        %dma_start3A_110 = tpu.memref_slice %arg2[%dma_start3A_108, %dma_start3A_109] : memref<10000x128xf32, #tpu.memory_space<hbm>> -> memref<10000x128xf32, #tpu.memory_space<hbm>>
        tpu.enqueue_indirect_dma source(%dma_start3A_110 : memref<10000x128xf32, #tpu.memory_space<hbm>>) target(%arg14 : memref<128x128xf32, #tpu.memory_space<vmem>>) offsets(%arg8 : memref<128xi32, #tpu.memory_space<vmem>>) semaphore(%arg16 : memref<!tpu.dma_semaphore, #tpu.memory_space<semaphore_mem>>)
      } else {
      }
    }
    %scan3A_27 = arith.constant 40 : i32
    %dma_wait3A = arith.constant 0 : i32
    %dma_wait3A_28 = arith.constant 0 : i32
    %dma_wait3A_29 = tpu.memref_slice %arg7[%dma_wait3A, %dma_wait3A_28] : memref<10240x128xf32, #tpu.memory_space<vmem_shared>> -> memref<10240x128xf32, #tpu.memory_space<vmem_shared>>
    tpu.wait_indirect_dma semaphore(%arg18 : memref<!tpu.dma_semaphore, #tpu.memory_space<semaphore_mem>>) src(%arg14 : memref<128x128xf32, #tpu.memory_space<vmem>>) dst(%dma_wait3A_29 : memref<10240x128xf32, #tpu.memory_space<vmem_shared>>)
    %dma_wait3A_30 = arith.constant 0 : i32
    %dma_wait3A_31 = arith.constant 0 : i32
    %dma_wait3A_32 = tpu.memref_slice %arg7[%dma_wait3A_30, %dma_wait3A_31] : memref<10240x128xf32, #tpu.memory_space<vmem_shared>> -> memref<10240x128xf32, #tpu.memory_space<vmem_shared>>
    tpu.wait_indirect_dma semaphore(%arg19 : memref<!tpu.dma_semaphore, #tpu.memory_space<semaphore_mem>>) src(%arg15 : memref<128x128xf32, #tpu.memory_space<vmem>>) dst(%dma_wait3A_32 : memref<10240x128xf32, #tpu.memory_space<vmem_shared>>)
    %barrier3A_33 = arith.constant 0 : index
    tpu.barrier barrier_id(%barrier3A_33)
    "tpu.region"() ({
      %run_scoped3A = tpu.sem_alloc : memref<!tpu.dma_semaphore, #tpu.memory_space<semaphore_mem>>
      %dma_start3A_34 = arith.constant 0 : i32
      %dma_start3A_35 = tpu.memref_slice %arg6[%arg0, %mul3A_7, %dma_start3A_34] : memref<2x10240x128xf32, #tpu.memory_space<hbm>> -> memref<1x640x128xf32, #tpu.memory_space<hbm>>
      %dma_start3A_36 = tpu.memref_squeeze %dma_start3A_35 : memref<1x640x128xf32, #tpu.memory_space<hbm>> -> memref<640x128xf32, #tpu.memory_space<hbm>>
      %dma_start3A_37 = arith.constant 0 : i32
      %dma_start3A_38 = tpu.memref_slice %arg7[%mul3A_7, %dma_start3A_37] : memref<10240x128xf32, #tpu.memory_space<vmem_shared>> -> memref<640x128xf32, #tpu.memory_space<vmem_shared>>
      tpu.enqueue_dma source(%dma_start3A_38 : memref<640x128xf32, #tpu.memory_space<vmem_shared>>) target(%dma_start3A_36 : memref<640x128xf32, #tpu.memory_space<hbm>>) target_semaphore(%run_scoped3A : memref<!tpu.dma_semaphore, #tpu.memory_space<semaphore_mem>>)
      %dma_wait3A_39 = arith.constant 0 : i32
      %dma_wait3A_40 = tpu.memref_slice %arg6[%arg0, %mul3A_7, %dma_wait3A_39] : memref<2x10240x128xf32, #tpu.memory_space<hbm>> -> memref<1x640x128xf32, #tpu.memory_space<hbm>>
      %dma_wait3A_41 = tpu.memref_squeeze %dma_wait3A_40 : memref<1x640x128xf32, #tpu.memory_space<hbm>> -> memref<640x128xf32, #tpu.memory_space<hbm>>
      %dma_wait3A_42 = arith.constant 0 : i32
      %dma_wait3A_43 = tpu.memref_slice %arg7[%mul3A_7, %dma_wait3A_42] : memref<10240x128xf32, #tpu.memory_space<vmem_shared>> -> memref<640x128xf32, #tpu.memory_space<vmem_shared>>
      tpu.wait_dma2 semaphore(%run_scoped3A : memref<!tpu.dma_semaphore, #tpu.memory_space<semaphore_mem>>) src(%dma_wait3A_43 : memref<640x128xf32, #tpu.memory_space<vmem_shared>>) dst(%dma_wait3A_41 : memref<640x128xf32, #tpu.memory_space<hbm>>)
      tpu.yield
    }) : () -> ()
    return
  }
}

#map = affine_map<(d0, d1) -> (0, 0)>
#map1 = affine_map<(d0, d1) -> (0)>
#map2 = affine_map<(d0, d1) -> (0, 0, 0)>
module attributes {stable_mosaic.version = 14 : i64} {
  func.func @_sc_aggregate_body(%arg0: i32, %arg1: i32, %arg2: memref<10000x128xf32, #tpu.memory_space<hbm>>, %arg3: memref<327680xi32, #tpu.memory_space<hbm>>, %arg4: memref<327680xi32, #tpu.memory_space<hbm>>, %arg5: memref<327680xf32, #tpu.memory_space<hbm>>, %arg6: memref<2x10240x128xf32, #tpu.memory_space<hbm>>, %arg7: memref<10240x128xf32, #tpu.memory_space<vmem_shared>>, %arg8: memref<128xi32, #tpu.memory_space<vmem>>, %arg9: memref<128xi32, #tpu.memory_space<vmem>>, %arg10: memref<128xi32, #tpu.memory_space<vmem>>, %arg11: memref<128xi32, #tpu.memory_space<vmem>>, %arg12: memref<144xf32, #tpu.memory_space<vmem>>, %arg13: memref<144xf32, #tpu.memory_space<vmem>>, %arg14: memref<128x128xf32, #tpu.memory_space<vmem>>, %arg15: memref<128x128xf32, #tpu.memory_space<vmem>>, %arg16: memref<!tpu.dma_semaphore, #tpu.memory_space<semaphore_mem>>, %arg17: memref<!tpu.dma_semaphore, #tpu.memory_space<semaphore_mem>>, %arg18: memref<!tpu.dma_semaphore, #tpu.memory_space<semaphore_mem>>, %arg19: memref<!tpu.dma_semaphore, #tpu.memory_space<semaphore_mem>>, %arg20: memref<!tpu.dma_semaphore, #tpu.memory_space<semaphore_mem>>, %arg21: memref<!tpu.dma_semaphore, #tpu.memory_space<semaphore_mem>>) attributes {dimension_semantics = [#tpu.dimension_semantics<core_parallel>, #tpu.dimension_semantics<subcore_parallel>], iteration_bounds = array<i64: 2, 16>, scalar_prefetch = 0 : i64, scratch_operands = 15 : i64, tpu.core_type = #tpu.core_type<sc_vector_subcore>, window_params = [{transform_indices = #map}, {transform_indices = #map1}, {transform_indices = #map1}, {transform_indices = #map1}, {transform_indices = #map2}]} {
    %mul3A = arith.constant 16 : i32
    %mul3A_0 = arith.muli %arg0, %mul3A : i32
    %add3A = arith.addi %mul3A_0, %arg1 : i32
    %scan3A = arith.constant 0 : i32
    %scan3A_1 = arith.constant 0 : i32
    %scan3A_2 = arith.constant 128 : i32
    %scan3A_3 = arith.addi %scan3A_1, %scan3A_2 : i32
    %scan3A_4 = arith.constant 1 : i32
    scf.for %scan3A_34 = %scan3A_1 to %scan3A_3 step %scan3A_4  : i32 {
      %broadcast_in_dim3A = arith.constant 0.000000e+00 : f32
      %broadcast_in_dim3A_35 = vector.broadcast %broadcast_in_dim3A : f32 to vector<16xf32>
      %swap3A = arith.index_cast %scan3A_34 : i32 to index
      %swap3A_36 = arith.constant 0 : index
      %swap3A_37 = tpu.vector_load %arg14[%swap3A, %swap3A_36] {strides = array<i32>} : memref<128x128xf32, #tpu.memory_space<vmem>>, vector<1x16xf32>,
      %swap3A_38 = vector.shape_cast %swap3A_37 : vector<1x16xf32> to vector<16xf32>
      %swap3A_39 = vector.shape_cast %broadcast_in_dim3A_35 : vector<16xf32> to vector<1x16xf32>
      tpu.vector_store %arg14[%swap3A, %swap3A_36], %swap3A_39 {strides = array<i32>} : memref<128x128xf32, #tpu.memory_space<vmem>>, vector<1x16xf32>,
      %swap3A_40 = arith.index_cast %scan3A_34 : i32 to index
      %swap3A_41 = arith.constant 16 : index
      %swap3A_42 = tpu.vector_load %arg14[%swap3A_40, %swap3A_41] {strides = array<i32>} : memref<128x128xf32, #tpu.memory_space<vmem>>, vector<1x16xf32>,
      %swap3A_43 = vector.shape_cast %swap3A_42 : vector<1x16xf32> to vector<16xf32>
      %swap3A_44 = vector.shape_cast %broadcast_in_dim3A_35 : vector<16xf32> to vector<1x16xf32>
      tpu.vector_store %arg14[%swap3A_40, %swap3A_41], %swap3A_44 {strides = array<i32>} : memref<128x128xf32, #tpu.memory_space<vmem>>, vector<1x16xf32>,
      %swap3A_45 = arith.index_cast %scan3A_34 : i32 to index
      %swap3A_46 = arith.constant 32 : index
      %swap3A_47 = tpu.vector_load %arg14[%swap3A_45, %swap3A_46] {strides = array<i32>} : memref<128x128xf32, #tpu.memory_space<vmem>>, vector<1x16xf32>,
      %swap3A_48 = vector.shape_cast %swap3A_47 : vector<1x16xf32> to vector<16xf32>
      %swap3A_49 = vector.shape_cast %broadcast_in_dim3A_35 : vector<16xf32> to vector<1x16xf32>
      tpu.vector_store %arg14[%swap3A_45, %swap3A_46], %swap3A_49 {strides = array<i32>} : memref<128x128xf32, #tpu.memory_space<vmem>>, vector<1x16xf32>,
      %swap3A_50 = arith.index_cast %scan3A_34 : i32 to index
      %swap3A_51 = arith.constant 48 : index
      %swap3A_52 = tpu.vector_load %arg14[%swap3A_50, %swap3A_51] {strides = array<i32>} : memref<128x128xf32, #tpu.memory_space<vmem>>, vector<1x16xf32>,
      %swap3A_53 = vector.shape_cast %swap3A_52 : vector<1x16xf32> to vector<16xf32>
      %swap3A_54 = vector.shape_cast %broadcast_in_dim3A_35 : vector<16xf32> to vector<1x16xf32>
      tpu.vector_store %arg14[%swap3A_50, %swap3A_51], %swap3A_54 {strides = array<i32>} : memref<128x128xf32, #tpu.memory_space<vmem>>, vector<1x16xf32>,
      %swap3A_55 = arith.index_cast %scan3A_34 : i32 to index
      %swap3A_56 = arith.constant 64 : index
      %swap3A_57 = tpu.vector_load %arg14[%swap3A_55, %swap3A_56] {strides = array<i32>} : memref<128x128xf32, #tpu.memory_space<vmem>>, vector<1x16xf32>,
      %swap3A_58 = vector.shape_cast %swap3A_57 : vector<1x16xf32> to vector<16xf32>
      %swap3A_59 = vector.shape_cast %broadcast_in_dim3A_35 : vector<16xf32> to vector<1x16xf32>
      tpu.vector_store %arg14[%swap3A_55, %swap3A_56], %swap3A_59 {strides = array<i32>} : memref<128x128xf32, #tpu.memory_space<vmem>>, vector<1x16xf32>,
      %swap3A_60 = arith.index_cast %scan3A_34 : i32 to index
      %swap3A_61 = arith.constant 80 : index
      %swap3A_62 = tpu.vector_load %arg14[%swap3A_60, %swap3A_61] {strides = array<i32>} : memref<128x128xf32, #tpu.memory_space<vmem>>, vector<1x16xf32>,
      %swap3A_63 = vector.shape_cast %swap3A_62 : vector<1x16xf32> to vector<16xf32>
      %swap3A_64 = vector.shape_cast %broadcast_in_dim3A_35 : vector<16xf32> to vector<1x16xf32>
      tpu.vector_store %arg14[%swap3A_60, %swap3A_61], %swap3A_64 {strides = array<i32>} : memref<128x128xf32, #tpu.memory_space<vmem>>, vector<1x16xf32>,
      %swap3A_65 = arith.index_cast %scan3A_34 : i32 to index
      %swap3A_66 = arith.constant 96 : index
      %swap3A_67 = tpu.vector_load %arg14[%swap3A_65, %swap3A_66] {strides = array<i32>} : memref<128x128xf32, #tpu.memory_space<vmem>>, vector<1x16xf32>,
      %swap3A_68 = vector.shape_cast %swap3A_67 : vector<1x16xf32> to vector<16xf32>
      %swap3A_69 = vector.shape_cast %broadcast_in_dim3A_35 : vector<16xf32> to vector<1x16xf32>
      tpu.vector_store %arg14[%swap3A_65, %swap3A_66], %swap3A_69 {strides = array<i32>} : memref<128x128xf32, #tpu.memory_space<vmem>>, vector<1x16xf32>,
      %swap3A_70 = arith.index_cast %scan3A_34 : i32 to index
      %swap3A_71 = arith.constant 112 : index
      %swap3A_72 = tpu.vector_load %arg14[%swap3A_70, %swap3A_71] {strides = array<i32>} : memref<128x128xf32, #tpu.memory_space<vmem>>, vector<1x16xf32>,
      %swap3A_73 = vector.shape_cast %swap3A_72 : vector<1x16xf32> to vector<16xf32>
      %swap3A_74 = vector.shape_cast %broadcast_in_dim3A_35 : vector<16xf32> to vector<1x16xf32>
      tpu.vector_store %arg14[%swap3A_70, %swap3A_71], %swap3A_74 {strides = array<i32>} : memref<128x128xf32, #tpu.memory_space<vmem>>, vector<1x16xf32>,
    }
    %scan3A_5 = arith.constant 128 : i32
    %mul3A_6 = arith.constant 640 : i32
    %mul3A_7 = arith.muli %arg1, %mul3A_6 : i32
    %add3A_8 = arith.constant 0 : i32
    %add3A_9 = arith.addi %mul3A_7, %add3A_8 : i32
    "tpu.region"() ({
      %run_scoped3A = tpu.sem_alloc : memref<!tpu.dma_semaphore, #tpu.memory_space<semaphore_mem>>
      %dma_start3A_34 = arith.constant 0 : i32
      %dma_start3A_35 = tpu.memref_slice %arg7[%add3A_9, %dma_start3A_34] : memref<10240x128xf32, #tpu.memory_space<vmem_shared>> -> memref<128x128xf32, #tpu.memory_space<vmem_shared>>
      %dma_start3A_36 = arith.constant 0 : i32
      %dma_start3A_37 = tpu.memref_slice %arg7[%add3A_9, %dma_start3A_36] : memref<10240x128xf32, #tpu.memory_space<vmem_shared>> -> memref<128x128xf32, #tpu.memory_space<vmem_shared>>
      tpu.enqueue_dma source(%arg14 : memref<128x128xf32, #tpu.memory_space<vmem>>) target(%dma_start3A_37 : memref<128x128xf32, #tpu.memory_space<vmem_shared>>) target_semaphore(%run_scoped3A : memref<!tpu.dma_semaphore, #tpu.memory_space<semaphore_mem>>)
      %dma_wait3A_38 = arith.constant 0 : i32
      %dma_wait3A_39 = tpu.memref_slice %arg7[%add3A_9, %dma_wait3A_38] : memref<10240x128xf32, #tpu.memory_space<vmem_shared>> -> memref<128x128xf32, #tpu.memory_space<vmem_shared>>
      %dma_wait3A_40 = arith.constant 0 : i32
      %dma_wait3A_41 = tpu.memref_slice %arg7[%add3A_9, %dma_wait3A_40] : memref<10240x128xf32, #tpu.memory_space<vmem_shared>> -> memref<128x128xf32, #tpu.memory_space<vmem_shared>>
      tpu.wait_dma2 semaphore(%run_scoped3A : memref<!tpu.dma_semaphore, #tpu.memory_space<semaphore_mem>>) src(%arg14 : memref<128x128xf32, #tpu.memory_space<vmem>>) dst(%dma_wait3A_41 : memref<128x128xf32, #tpu.memory_space<vmem_shared>>)
      tpu.yield
    }) : () -> ()
    %add3A_10 = arith.constant 128 : i32
    %add3A_11 = arith.addi %mul3A_7, %add3A_10 : i32
    "tpu.region"() ({
      %run_scoped3A = tpu.sem_alloc : memref<!tpu.dma_semaphore, #tpu.memory_space<semaphore_mem>>
      %dma_start3A_34 = arith.constant 0 : i32
      %dma_start3A_35 = tpu.memref_slice %arg7[%add3A_11, %dma_start3A_34] : memref<10240x128xf32, #tpu.memory_space<vmem_shared>> -> memref<128x128xf32, #tpu.memory_space<vmem_shared>>
      %dma_start3A_36 = arith.constant 0 : i32
      %dma_start3A_37 = tpu.memref_slice %arg7[%add3A_11, %dma_start3A_36] : memref<10240x128xf32, #tpu.memory_space<vmem_shared>> -> memref<128x128xf32, #tpu.memory_space<vmem_shared>>
      tpu.enqueue_dma source(%arg14 : memref<128x128xf32, #tpu.memory_space<vmem>>) target(%dma_start3A_37 : memref<128x128xf32, #tpu.memory_space<vmem_shared>>) target_semaphore(%run_scoped3A : memref<!tpu.dma_semaphore, #tpu.memory_space<semaphore_mem>>)
      %dma_wait3A_38 = arith.constant 0 : i32
      %dma_wait3A_39 = tpu.memref_slice %arg7[%add3A_11, %dma_wait3A_38] : memref<10240x128xf32, #tpu.memory_space<vmem_shared>> -> memref<128x128xf32, #tpu.memory_space<vmem_shared>>
      %dma_wait3A_40 = arith.constant 0 : i32
      %dma_wait3A_41 = tpu.memref_slice %arg7[%add3A_11, %dma_wait3A_40] : memref<10240x128xf32, #tpu.memory_space<vmem_shared>> -> memref<128x128xf32, #tpu.memory_space<vmem_shared>>
      tpu.wait_dma2 semaphore(%run_scoped3A : memref<!tpu.dma_semaphore, #tpu.memory_space<semaphore_mem>>) src(%arg14 : memref<128x128xf32, #tpu.memory_space<vmem>>) dst(%dma_wait3A_41 : memref<128x128xf32, #tpu.memory_space<vmem_shared>>)
      tpu.yield
    }) : () -> ()
    %add3A_12 = arith.constant 256 : i32
    %add3A_13 = arith.addi %mul3A_7, %add3A_12 : i32
    "tpu.region"() ({
      %run_scoped3A = tpu.sem_alloc : memref<!tpu.dma_semaphore, #tpu.memory_space<semaphore_mem>>
      %dma_start3A_34 = arith.constant 0 : i32
      %dma_start3A_35 = tpu.memref_slice %arg7[%add3A_13, %dma_start3A_34] : memref<10240x128xf32, #tpu.memory_space<vmem_shared>> -> memref<128x128xf32, #tpu.memory_space<vmem_shared>>
      %dma_start3A_36 = arith.constant 0 : i32
      %dma_start3A_37 = tpu.memref_slice %arg7[%add3A_13, %dma_start3A_36] : memref<10240x128xf32, #tpu.memory_space<vmem_shared>> -> memref<128x128xf32, #tpu.memory_space<vmem_shared>>
      tpu.enqueue_dma source(%arg14 : memref<128x128xf32, #tpu.memory_space<vmem>>) target(%dma_start3A_37 : memref<128x128xf32, #tpu.memory_space<vmem_shared>>) target_semaphore(%run_scoped3A : memref<!tpu.dma_semaphore, #tpu.memory_space<semaphore_mem>>)
      %dma_wait3A_38 = arith.constant 0 : i32
      %dma_wait3A_39 = tpu.memref_slice %arg7[%add3A_13, %dma_wait3A_38] : memref<10240x128xf32, #tpu.memory_space<vmem_shared>> -> memref<128x128xf32, #tpu.memory_space<vmem_shared>>
      %dma_wait3A_40 = arith.constant 0 : i32
      %dma_wait3A_41 = tpu.memref_slice %arg7[%add3A_13, %dma_wait3A_40] : memref<10240x128xf32, #tpu.memory_space<vmem_shared>> -> memref<128x128xf32, #tpu.memory_space<vmem_shared>>
      tpu.wait_dma2 semaphore(%run_scoped3A : memref<!tpu.dma_semaphore, #tpu.memory_space<semaphore_mem>>) src(%arg14 : memref<128x128xf32, #tpu.memory_space<vmem>>) dst(%dma_wait3A_41 : memref<128x128xf32, #tpu.memory_space<vmem_shared>>)
      tpu.yield
    }) : () -> ()
    %add3A_14 = arith.constant 384 : i32
    %add3A_15 = arith.addi %mul3A_7, %add3A_14 : i32
    "tpu.region"() ({
      %run_scoped3A = tpu.sem_alloc : memref<!tpu.dma_semaphore, #tpu.memory_space<semaphore_mem>>
      %dma_start3A_34 = arith.constant 0 : i32
      %dma_start3A_35 = tpu.memref_slice %arg7[%add3A_15, %dma_start3A_34] : memref<10240x128xf32, #tpu.memory_space<vmem_shared>> -> memref<128x128xf32, #tpu.memory_space<vmem_shared>>
      %dma_start3A_36 = arith.constant 0 : i32
      %dma_start3A_37 = tpu.memref_slice %arg7[%add3A_15, %dma_start3A_36] : memref<10240x128xf32, #tpu.memory_space<vmem_shared>> -> memref<128x128xf32, #tpu.memory_space<vmem_shared>>
      tpu.enqueue_dma source(%arg14 : memref<128x128xf32, #tpu.memory_space<vmem>>) target(%dma_start3A_37 : memref<128x128xf32, #tpu.memory_space<vmem_shared>>) target_semaphore(%run_scoped3A : memref<!tpu.dma_semaphore, #tpu.memory_space<semaphore_mem>>)
      %dma_wait3A_38 = arith.constant 0 : i32
      %dma_wait3A_39 = tpu.memref_slice %arg7[%add3A_15, %dma_wait3A_38] : memref<10240x128xf32, #tpu.memory_space<vmem_shared>> -> memref<128x128xf32, #tpu.memory_space<vmem_shared>>
      %dma_wait3A_40 = arith.constant 0 : i32
      %dma_wait3A_41 = tpu.memref_slice %arg7[%add3A_15, %dma_wait3A_40] : memref<10240x128xf32, #tpu.memory_space<vmem_shared>> -> memref<128x128xf32, #tpu.memory_space<vmem_shared>>
      tpu.wait_dma2 semaphore(%run_scoped3A : memref<!tpu.dma_semaphore, #tpu.memory_space<semaphore_mem>>) src(%arg14 : memref<128x128xf32, #tpu.memory_space<vmem>>) dst(%dma_wait3A_41 : memref<128x128xf32, #tpu.memory_space<vmem_shared>>)
      tpu.yield
    }) : () -> ()
    %add3A_16 = arith.constant 512 : i32
    %add3A_17 = arith.addi %mul3A_7, %add3A_16 : i32
    "tpu.region"() ({
      %run_scoped3A = tpu.sem_alloc : memref<!tpu.dma_semaphore, #tpu.memory_space<semaphore_mem>>
      %dma_start3A_34 = arith.constant 0 : i32
      %dma_start3A_35 = tpu.memref_slice %arg7[%add3A_17, %dma_start3A_34] : memref<10240x128xf32, #tpu.memory_space<vmem_shared>> -> memref<128x128xf32, #tpu.memory_space<vmem_shared>>
      %dma_start3A_36 = arith.constant 0 : i32
      %dma_start3A_37 = tpu.memref_slice %arg7[%add3A_17, %dma_start3A_36] : memref<10240x128xf32, #tpu.memory_space<vmem_shared>> -> memref<128x128xf32, #tpu.memory_space<vmem_shared>>
      tpu.enqueue_dma source(%arg14 : memref<128x128xf32, #tpu.memory_space<vmem>>) target(%dma_start3A_37 : memref<128x128xf32, #tpu.memory_space<vmem_shared>>) target_semaphore(%run_scoped3A : memref<!tpu.dma_semaphore, #tpu.memory_space<semaphore_mem>>)
      %dma_wait3A_38 = arith.constant 0 : i32
      %dma_wait3A_39 = tpu.memref_slice %arg7[%add3A_17, %dma_wait3A_38] : memref<10240x128xf32, #tpu.memory_space<vmem_shared>> -> memref<128x128xf32, #tpu.memory_space<vmem_shared>>
      %dma_wait3A_40 = arith.constant 0 : i32
      %dma_wait3A_41 = tpu.memref_slice %arg7[%add3A_17, %dma_wait3A_40] : memref<10240x128xf32, #tpu.memory_space<vmem_shared>> -> memref<128x128xf32, #tpu.memory_space<vmem_shared>>
      tpu.wait_dma2 semaphore(%run_scoped3A : memref<!tpu.dma_semaphore, #tpu.memory_space<semaphore_mem>>) src(%arg14 : memref<128x128xf32, #tpu.memory_space<vmem>>) dst(%dma_wait3A_41 : memref<128x128xf32, #tpu.memory_space<vmem_shared>>)
      tpu.yield
    }) : () -> ()
    %barrier3A = arith.constant 0 : index
    tpu.barrier barrier_id(%barrier3A)
    %mul3A_18 = arith.constant 10240 : i32
    %mul3A_19 = arith.muli %add3A, %mul3A_18 : i32
    "tpu.region"() ({
      %run_scoped3A = tpu.sem_alloc : memref<!tpu.dma_semaphore, #tpu.memory_space<semaphore_mem>>
      %dma_start3A_34 = tpu.memref_slice %arg3[%mul3A_19] : memref<327680xi32, #tpu.memory_space<hbm>> -> memref<128xi32, #tpu.memory_space<hbm>>
      %dma_start3A_35 = tpu.memref_slice %arg3[%mul3A_19] : memref<327680xi32, #tpu.memory_space<hbm>> -> memref<128xi32, #tpu.memory_space<hbm>>
      tpu.enqueue_dma source(%dma_start3A_35 : memref<128xi32, #tpu.memory_space<hbm>>) target(%arg8 : memref<128xi32, #tpu.memory_space<vmem>>) target_semaphore(%run_scoped3A : memref<!tpu.dma_semaphore, #tpu.memory_space<semaphore_mem>>)
      %dma_wait3A_36 = tpu.memref_slice %arg3[%mul3A_19] : memref<327680xi32, #tpu.memory_space<hbm>> -> memref<128xi32, #tpu.memory_space<hbm>>
      %dma_wait3A_37 = tpu.memref_slice %arg3[%mul3A_19] : memref<327680xi32, #tpu.memory_space<hbm>> -> memref<128xi32, #tpu.memory_space<hbm>>
      tpu.wait_dma2 semaphore(%run_scoped3A : memref<!tpu.dma_semaphore, #tpu.memory_space<semaphore_mem>>) src(%dma_wait3A_37 : memref<128xi32, #tpu.memory_space<hbm>>) dst(%arg8 : memref<128xi32, #tpu.memory_space<vmem>>)
      tpu.yield
    }) : () -> ()
    "tpu.region"() ({
      %run_scoped3A = tpu.sem_alloc : memref<!tpu.dma_semaphore, #tpu.memory_space<semaphore_mem>>
      %dma_start3A_34 = tpu.memref_slice %arg4[%mul3A_19] : memref<327680xi32, #tpu.memory_space<hbm>> -> memref<128xi32, #tpu.memory_space<hbm>>
      %dma_start3A_35 = tpu.memref_slice %arg4[%mul3A_19] : memref<327680xi32, #tpu.memory_space<hbm>> -> memref<128xi32, #tpu.memory_space<hbm>>
      tpu.enqueue_dma source(%dma_start3A_35 : memref<128xi32, #tpu.memory_space<hbm>>) target(%arg10 : memref<128xi32, #tpu.memory_space<vmem>>) target_semaphore(%run_scoped3A : memref<!tpu.dma_semaphore, #tpu.memory_space<semaphore_mem>>)
      %dma_wait3A_36 = tpu.memref_slice %arg4[%mul3A_19] : memref<327680xi32, #tpu.memory_space<hbm>> -> memref<128xi32, #tpu.memory_space<hbm>>
      %dma_wait3A_37 = tpu.memref_slice %arg4[%mul3A_19] : memref<327680xi32, #tpu.memory_space<hbm>> -> memref<128xi32, #tpu.memory_space<hbm>>
      tpu.wait_dma2 semaphore(%run_scoped3A : memref<!tpu.dma_semaphore, #tpu.memory_space<semaphore_mem>>) src(%dma_wait3A_37 : memref<128xi32, #tpu.memory_space<hbm>>) dst(%arg10 : memref<128xi32, #tpu.memory_space<vmem>>)
      tpu.yield
    }) : () -> ()
    "tpu.region"() ({
      %run_scoped3A = tpu.sem_alloc : memref<!tpu.dma_semaphore, #tpu.memory_space<semaphore_mem>>
      %dma_start3A_34 = arith.constant 0 : i32
      %dma_start3A_35 = tpu.memref_slice %arg12[%dma_start3A_34] : memref<144xf32, #tpu.memory_space<vmem>> -> memref<128xf32, #tpu.memory_space<vmem>>
      %dma_start3A_36 = tpu.memref_slice %arg5[%mul3A_19] : memref<327680xf32, #tpu.memory_space<hbm>> -> memref<128xf32, #tpu.memory_space<hbm>>
      %dma_start3A_37 = arith.constant 0 : i32
      %dma_start3A_38 = tpu.memref_slice %arg12[%dma_start3A_37] : memref<144xf32, #tpu.memory_space<vmem>> -> memref<128xf32, #tpu.memory_space<vmem>>
      %dma_start3A_39 = tpu.memref_slice %arg5[%mul3A_19] : memref<327680xf32, #tpu.memory_space<hbm>> -> memref<128xf32, #tpu.memory_space<hbm>>
      tpu.enqueue_dma source(%dma_start3A_39 : memref<128xf32, #tpu.memory_space<hbm>>) target(%dma_start3A_38 : memref<128xf32, #tpu.memory_space<vmem>>) target_semaphore(%run_scoped3A : memref<!tpu.dma_semaphore, #tpu.memory_space<semaphore_mem>>)
      %dma_wait3A_40 = arith.constant 0 : i32
      %dma_wait3A_41 = tpu.memref_slice %arg12[%dma_wait3A_40] : memref<144xf32, #tpu.memory_space<vmem>> -> memref<128xf32, #tpu.memory_space<vmem>>
      %dma_wait3A_42 = tpu.memref_slice %arg5[%mul3A_19] : memref<327680xf32, #tpu.memory_space<hbm>> -> memref<128xf32, #tpu.memory_space<hbm>>
      %dma_wait3A_43 = arith.constant 0 : i32
      %dma_wait3A_44 = tpu.memref_slice %arg12[%dma_wait3A_43] : memref<144xf32, #tpu.memory_space<vmem>> -> memref<128xf32, #tpu.memory_space<vmem>>
      %dma_wait3A_45 = tpu.memref_slice %arg5[%mul3A_19] : memref<327680xf32, #tpu.memory_space<hbm>> -> memref<128xf32, #tpu.memory_space<hbm>>
      tpu.wait_dma2 semaphore(%run_scoped3A : memref<!tpu.dma_semaphore, #tpu.memory_space<semaphore_mem>>) src(%dma_wait3A_45 : memref<128xf32, #tpu.memory_space<hbm>>) dst(%dma_wait3A_44 : memref<128xf32, #tpu.memory_space<vmem>>)
      tpu.yield
    }) : () -> ()
    %dma_start3A = arith.constant 0 : i32
    %dma_start3A_20 = arith.constant 0 : i32
    %dma_start3A_21 = tpu.memref_slice %arg2[%dma_start3A, %dma_start3A_20] : memref<10000x128xf32, #tpu.memory_space<hbm>> -> memref<10000x128xf32, #tpu.memory_space<hbm>>
    tpu.enqueue_indirect_dma source(%dma_start3A_21 : memref<10000x128xf32, #tpu.memory_space<hbm>>) target(%arg14 : memref<128x128xf32, #tpu.memory_space<vmem>>) offsets(%arg8 : memref<128xi32, #tpu.memory_space<vmem>>) semaphore(%arg16 : memref<!tpu.dma_semaphore, #tpu.memory_space<semaphore_mem>>)
    %scan3A_22 = arith.constant 0 : i32
    %scan3A_23 = arith.constant 0 : i32
    %scan3A_24 = arith.constant 40 : i32
    %scan3A_25 = arith.addi %scan3A_23, %scan3A_24 : i32
    %scan3A_26 = arith.constant 1 : i32
    scf.for %scan3A_34 = %scan3A_23 to %scan3A_25 step %scan3A_26  : i32 {
      %mul3A_35 = arith.constant 2 : i32
      %mul3A_36 = arith.muli %scan3A_34, %mul3A_35 : i32
      %add3A_37 = arith.constant 0 : i32
      %add3A_38 = arith.addi %mul3A_36, %add3A_37 : i32
      %add3A_39 = arith.constant 1 : i32
      %add3A_40 = arith.addi %add3A_38, %add3A_39 : i32
      %mul3A_41 = arith.constant 128 : i32
      %mul3A_42 = arith.muli %add3A_40, %mul3A_41 : i32
      %add3A_43 = arith.addi %mul3A_19, %mul3A_42 : i32
      %add3A_44 = arith.constant 1 : i32
      %add3A_45 = arith.addi %add3A_38, %add3A_44 : i32
      %lt3A = arith.constant 80 : i32
      %lt3A_46 = arith.cmpi slt, %add3A_45, %lt3A : i32
      %convert_element_type3A = arith.extui %lt3A_46 : i1 to i32
      %cond3A = arith.constant 0 : i32
      %cond3A_47 = arith.cmpi ne, %convert_element_type3A, %cond3A : i32
      scf.if %cond3A_47 {
        %dma_start3A_94 = tpu.memref_slice %arg3[%add3A_43] : memref<327680xi32, #tpu.memory_space<hbm>> -> memref<128xi32, #tpu.memory_space<hbm>>
        %dma_start3A_95 = tpu.memref_slice %arg3[%add3A_43] : memref<327680xi32, #tpu.memory_space<hbm>> -> memref<128xi32, #tpu.memory_space<hbm>>
        tpu.enqueue_dma source(%dma_start3A_95 : memref<128xi32, #tpu.memory_space<hbm>>) target(%arg9 : memref<128xi32, #tpu.memory_space<vmem>>) target_semaphore(%arg21 : memref<!tpu.dma_semaphore, #tpu.memory_space<semaphore_mem>>)
        %dma_start3A_96 = tpu.memref_slice %arg4[%add3A_43] : memref<327680xi32, #tpu.memory_space<hbm>> -> memref<128xi32, #tpu.memory_space<hbm>>
        %dma_start3A_97 = tpu.memref_slice %arg4[%add3A_43] : memref<327680xi32, #tpu.memory_space<hbm>> -> memref<128xi32, #tpu.memory_space<hbm>>
        tpu.enqueue_dma source(%dma_start3A_97 : memref<128xi32, #tpu.memory_space<hbm>>) target(%arg11 : memref<128xi32, #tpu.memory_space<vmem>>) target_semaphore(%arg21 : memref<!tpu.dma_semaphore, #tpu.memory_space<semaphore_mem>>)
        %dma_start3A_98 = arith.constant 0 : i32
        %dma_start3A_99 = tpu.memref_slice %arg13[%dma_start3A_98] : memref<144xf32, #tpu.memory_space<vmem>> -> memref<128xf32, #tpu.memory_space<vmem>>
        %dma_start3A_100 = tpu.memref_slice %arg5[%add3A_43] : memref<327680xf32, #tpu.memory_space<hbm>> -> memref<128xf32, #tpu.memory_space<hbm>>
        %dma_start3A_101 = arith.constant 0 : i32
        %dma_start3A_102 = tpu.memref_slice %arg13[%dma_start3A_101] : memref<144xf32, #tpu.memory_space<vmem>> -> memref<128xf32, #tpu.memory_space<vmem>>
        %dma_start3A_103 = tpu.memref_slice %arg5[%add3A_43] : memref<327680xf32, #tpu.memory_space<hbm>> -> memref<128xf32, #tpu.memory_space<hbm>>
        tpu.enqueue_dma source(%dma_start3A_103 : memref<128xf32, #tpu.memory_space<hbm>>) target(%dma_start3A_102 : memref<128xf32, #tpu.memory_space<vmem>>) target_semaphore(%arg21 : memref<!tpu.dma_semaphore, #tpu.memory_space<semaphore_mem>>)
      } else {
      }
      %dma_wait3A_48 = arith.constant 0 : i32
      %dma_wait3A_49 = arith.constant 0 : i32
      %dma_wait3A_50 = tpu.memref_slice %arg2[%dma_wait3A_48, %dma_wait3A_49] : memref<10000x128xf32, #tpu.memory_space<hbm>> -> memref<10000x128xf32, #tpu.memory_space<hbm>>
      tpu.wait_indirect_dma semaphore(%arg16 : memref<!tpu.dma_semaphore, #tpu.memory_space<semaphore_mem>>) src(%dma_wait3A_50 : memref<10000x128xf32, #tpu.memory_space<hbm>>) dst(%arg14 : memref<128x128xf32, #tpu.memory_space<vmem>>)
      %scan3A_51 = arith.constant 0 : i32
      %scan3A_52 = arith.constant 0 : i32
      %scan3A_53 = arith.constant 128 : i32
      %scan3A_54 = arith.addi %scan3A_52, %scan3A_53 : i32
      %scan3A_55 = arith.constant 2 : i32
      scf.for %scan3A_94 = %scan3A_52 to %scan3A_54 step %scan3A_55  : i32 {
        %get3A = arith.index_cast %scan3A_94 : i32 to index
        %get3A_95 = tpu.vector_load %arg12[%get3A] {strides = array<i32>} : memref<144xf32, #tpu.memory_space<vmem>>, vector<16xf32>,
        %get3A_96 = vector.shape_cast %get3A_95 : vector<16xf32> to vector<16xf32>
        %slice3A = vector.extract_strided_slice %get3A_96 {offsets = [0], sizes = [1], strides = [1]} : vector<16xf32> to vector<1xf32>
        %squeeze3A = vector.extract %slice3A[0] : f32 from vector<1xf32>
        %get3A_97 = arith.index_cast %scan3A_94 : i32 to index
        %get3A_98 = arith.constant 0 : index
        %get3A_99 = tpu.vector_load %arg14[%get3A_97, %get3A_98] {strides = array<i32>} : memref<128x128xf32, #tpu.memory_space<vmem>>, vector<1x16xf32>,
        %get3A_100 = vector.shape_cast %get3A_99 : vector<1x16xf32> to vector<16xf32>
        %mul3A_101 = vector.broadcast %squeeze3A : f32 to vector<16xf32>
        %mul3A_102 = arith.mulf %get3A_100, %mul3A_101 : vector<16xf32>
        %swap3A = arith.index_cast %scan3A_94 : i32 to index
        %swap3A_103 = arith.constant 0 : index
        %swap3A_104 = tpu.vector_load %arg14[%swap3A, %swap3A_103] {strides = array<i32>} : memref<128x128xf32, #tpu.memory_space<vmem>>, vector<1x16xf32>,
        %swap3A_105 = vector.shape_cast %swap3A_104 : vector<1x16xf32> to vector<16xf32>
        %swap3A_106 = vector.shape_cast %mul3A_102 : vector<16xf32> to vector<1x16xf32>
        tpu.vector_store %arg14[%swap3A, %swap3A_103], %swap3A_106 {strides = array<i32>} : memref<128x128xf32, #tpu.memory_space<vmem>>, vector<1x16xf32>,
        %get3A_107 = arith.index_cast %scan3A_94 : i32 to index
        %get3A_108 = arith.constant 16 : index
        %get3A_109 = tpu.vector_load %arg14[%get3A_107, %get3A_108] {strides = array<i32>} : memref<128x128xf32, #tpu.memory_space<vmem>>, vector<1x16xf32>,
        %get3A_110 = vector.shape_cast %get3A_109 : vector<1x16xf32> to vector<16xf32>
        %mul3A_111 = vector.broadcast %squeeze3A : f32 to vector<16xf32>
        %mul3A_112 = arith.mulf %get3A_110, %mul3A_111 : vector<16xf32>
        %swap3A_113 = arith.index_cast %scan3A_94 : i32 to index
        %swap3A_114 = arith.constant 16 : index
        %swap3A_115 = tpu.vector_load %arg14[%swap3A_113, %swap3A_114] {strides = array<i32>} : memref<128x128xf32, #tpu.memory_space<vmem>>, vector<1x16xf32>,
        %swap3A_116 = vector.shape_cast %swap3A_115 : vector<1x16xf32> to vector<16xf32>
        %swap3A_117 = vector.shape_cast %mul3A_112 : vector<16xf32> to vector<1x16xf32>
        tpu.vector_store %arg14[%swap3A_113, %swap3A_114], %swap3A_117 {strides = array<i32>} : memref<128x128xf32, #tpu.memory_space<vmem>>, vector<1x16xf32>,
        %get3A_118 = arith.index_cast %scan3A_94 : i32 to index
        %get3A_119 = arith.constant 32 : index
        %get3A_120 = tpu.vector_load %arg14[%get3A_118, %get3A_119] {strides = array<i32>} : memref<128x128xf32, #tpu.memory_space<vmem>>, vector<1x16xf32>,
        %get3A_121 = vector.shape_cast %get3A_120 : vector<1x16xf32> to vector<16xf32>
        %mul3A_122 = vector.broadcast %squeeze3A : f32 to vector<16xf32>
        %mul3A_123 = arith.mulf %get3A_121, %mul3A_122 : vector<16xf32>
        %swap3A_124 = arith.index_cast %scan3A_94 : i32 to index
        %swap3A_125 = arith.constant 32 : index
        %swap3A_126 = tpu.vector_load %arg14[%swap3A_124, %swap3A_125] {strides = array<i32>} : memref<128x128xf32, #tpu.memory_space<vmem>>, vector<1x16xf32>,
        %swap3A_127 = vector.shape_cast %swap3A_126 : vector<1x16xf32> to vector<16xf32>
        %swap3A_128 = vector.shape_cast %mul3A_123 : vector<16xf32> to vector<1x16xf32>
        tpu.vector_store %arg14[%swap3A_124, %swap3A_125], %swap3A_128 {strides = array<i32>} : memref<128x128xf32, #tpu.memory_space<vmem>>, vector<1x16xf32>,
        %get3A_129 = arith.index_cast %scan3A_94 : i32 to index
        %get3A_130 = arith.constant 48 : index
        %get3A_131 = tpu.vector_load %arg14[%get3A_129, %get3A_130] {strides = array<i32>} : memref<128x128xf32, #tpu.memory_space<vmem>>, vector<1x16xf32>,
        %get3A_132 = vector.shape_cast %get3A_131 : vector<1x16xf32> to vector<16xf32>
        %mul3A_133 = vector.broadcast %squeeze3A : f32 to vector<16xf32>
        %mul3A_134 = arith.mulf %get3A_132, %mul3A_133 : vector<16xf32>
        %swap3A_135 = arith.index_cast %scan3A_94 : i32 to index
        %swap3A_136 = arith.constant 48 : index
        %swap3A_137 = tpu.vector_load %arg14[%swap3A_135, %swap3A_136] {strides = array<i32>} : memref<128x128xf32, #tpu.memory_space<vmem>>, vector<1x16xf32>,
        %swap3A_138 = vector.shape_cast %swap3A_137 : vector<1x16xf32> to vector<16xf32>
        %swap3A_139 = vector.shape_cast %mul3A_134 : vector<16xf32> to vector<1x16xf32>
        tpu.vector_store %arg14[%swap3A_135, %swap3A_136], %swap3A_139 {strides = array<i32>} : memref<128x128xf32, #tpu.memory_space<vmem>>, vector<1x16xf32>,
        %get3A_140 = arith.index_cast %scan3A_94 : i32 to index
        %get3A_141 = arith.constant 64 : index
        %get3A_142 = tpu.vector_load %arg14[%get3A_140, %get3A_141] {strides = array<i32>} : memref<128x128xf32, #tpu.memory_space<vmem>>, vector<1x16xf32>,
        %get3A_143 = vector.shape_cast %get3A_142 : vector<1x16xf32> to vector<16xf32>
        %mul3A_144 = vector.broadcast %squeeze3A : f32 to vector<16xf32>
        %mul3A_145 = arith.mulf %get3A_143, %mul3A_144 : vector<16xf32>
        %swap3A_146 = arith.index_cast %scan3A_94 : i32 to index
        %swap3A_147 = arith.constant 64 : index
        %swap3A_148 = tpu.vector_load %arg14[%swap3A_146, %swap3A_147] {strides = array<i32>} : memref<128x128xf32, #tpu.memory_space<vmem>>, vector<1x16xf32>,
        %swap3A_149 = vector.shape_cast %swap3A_148 : vector<1x16xf32> to vector<16xf32>
        %swap3A_150 = vector.shape_cast %mul3A_145 : vector<16xf32> to vector<1x16xf32>
        tpu.vector_store %arg14[%swap3A_146, %swap3A_147], %swap3A_150 {strides = array<i32>} : memref<128x128xf32, #tpu.memory_space<vmem>>, vector<1x16xf32>,
        %get3A_151 = arith.index_cast %scan3A_94 : i32 to index
        %get3A_152 = arith.constant 80 : index
        %get3A_153 = tpu.vector_load %arg14[%get3A_151, %get3A_152] {strides = array<i32>} : memref<128x128xf32, #tpu.memory_space<vmem>>, vector<1x16xf32>,
        %get3A_154 = vector.shape_cast %get3A_153 : vector<1x16xf32> to vector<16xf32>
        %mul3A_155 = vector.broadcast %squeeze3A : f32 to vector<16xf32>
        %mul3A_156 = arith.mulf %get3A_154, %mul3A_155 : vector<16xf32>
        %swap3A_157 = arith.index_cast %scan3A_94 : i32 to index
        %swap3A_158 = arith.constant 80 : index
        %swap3A_159 = tpu.vector_load %arg14[%swap3A_157, %swap3A_158] {strides = array<i32>} : memref<128x128xf32, #tpu.memory_space<vmem>>, vector<1x16xf32>,
        %swap3A_160 = vector.shape_cast %swap3A_159 : vector<1x16xf32> to vector<16xf32>
        %swap3A_161 = vector.shape_cast %mul3A_156 : vector<16xf32> to vector<1x16xf32>
        tpu.vector_store %arg14[%swap3A_157, %swap3A_158], %swap3A_161 {strides = array<i32>} : memref<128x128xf32, #tpu.memory_space<vmem>>, vector<1x16xf32>,
        %get3A_162 = arith.index_cast %scan3A_94 : i32 to index
        %get3A_163 = arith.constant 96 : index
        %get3A_164 = tpu.vector_load %arg14[%get3A_162, %get3A_163] {strides = array<i32>} : memref<128x128xf32, #tpu.memory_space<vmem>>, vector<1x16xf32>,
        %get3A_165 = vector.shape_cast %get3A_164 : vector<1x16xf32> to vector<16xf32>
        %mul3A_166 = vector.broadcast %squeeze3A : f32 to vector<16xf32>
        %mul3A_167 = arith.mulf %get3A_165, %mul3A_166 : vector<16xf32>
        %swap3A_168 = arith.index_cast %scan3A_94 : i32 to index
        %swap3A_169 = arith.constant 96 : index
        %swap3A_170 = tpu.vector_load %arg14[%swap3A_168, %swap3A_169] {strides = array<i32>} : memref<128x128xf32, #tpu.memory_space<vmem>>, vector<1x16xf32>,
        %swap3A_171 = vector.shape_cast %swap3A_170 : vector<1x16xf32> to vector<16xf32>
        %swap3A_172 = vector.shape_cast %mul3A_167 : vector<16xf32> to vector<1x16xf32>
        tpu.vector_store %arg14[%swap3A_168, %swap3A_169], %swap3A_172 {strides = array<i32>} : memref<128x128xf32, #tpu.memory_space<vmem>>, vector<1x16xf32>,
        %get3A_173 = arith.index_cast %scan3A_94 : i32 to index
        %get3A_174 = arith.constant 112 : index
        %get3A_175 = tpu.vector_load %arg14[%get3A_173, %get3A_174] {strides = array<i32>} : memref<128x128xf32, #tpu.memory_space<vmem>>, vector<1x16xf32>,
        %get3A_176 = vector.shape_cast %get3A_175 : vector<1x16xf32> to vector<16xf32>
        %mul3A_177 = vector.broadcast %squeeze3A : f32 to vector<16xf32>
        %mul3A_178 = arith.mulf %get3A_176, %mul3A_177 : vector<16xf32>
        %swap3A_179 = arith.index_cast %scan3A_94 : i32 to index
        %swap3A_180 = arith.constant 112 : index
        %swap3A_181 = tpu.vector_load %arg14[%swap3A_179, %swap3A_180] {strides = array<i32>} : memref<128x128xf32, #tpu.memory_space<vmem>>, vector<1x16xf32>,
        %swap3A_182 = vector.shape_cast %swap3A_181 : vector<1x16xf32> to vector<16xf32>
        %swap3A_183 = vector.shape_cast %mul3A_178 : vector<16xf32> to vector<1x16xf32>
        tpu.vector_store %arg14[%swap3A_179, %swap3A_180], %swap3A_183 {strides = array<i32>} : memref<128x128xf32, #tpu.memory_space<vmem>>, vector<1x16xf32>,
        %scan3A_184 = arith.constant 1 : i32
        %scan3A_185 = arith.addi %scan3A_94, %scan3A_184 : i32
        %get3A_186 = arith.index_cast %scan3A_185 : i32 to index
        %get3A_187 = tpu.vector_load %arg12[%get3A_186] {strides = array<i32>} : memref<144xf32, #tpu.memory_space<vmem>>, vector<16xf32>,
        %get3A_188 = vector.shape_cast %get3A_187 : vector<16xf32> to vector<16xf32>
        %slice3A_189 = vector.extract_strided_slice %get3A_188 {offsets = [0], sizes = [1], strides = [1]} : vector<16xf32> to vector<1xf32>
        %squeeze3A_190 = vector.extract %slice3A_189[0] : f32 from vector<1xf32>
        %get3A_191 = arith.index_cast %scan3A_185 : i32 to index
        %get3A_192 = arith.constant 0 : index
        %get3A_193 = tpu.vector_load %arg14[%get3A_191, %get3A_192] {strides = array<i32>} : memref<128x128xf32, #tpu.memory_space<vmem>>, vector<1x16xf32>,
        %get3A_194 = vector.shape_cast %get3A_193 : vector<1x16xf32> to vector<16xf32>
        %mul3A_195 = vector.broadcast %squeeze3A_190 : f32 to vector<16xf32>
        %mul3A_196 = arith.mulf %get3A_194, %mul3A_195 : vector<16xf32>
        %swap3A_197 = arith.index_cast %scan3A_185 : i32 to index
        %swap3A_198 = arith.constant 0 : index
        %swap3A_199 = tpu.vector_load %arg14[%swap3A_197, %swap3A_198] {strides = array<i32>} : memref<128x128xf32, #tpu.memory_space<vmem>>, vector<1x16xf32>,
        %swap3A_200 = vector.shape_cast %swap3A_199 : vector<1x16xf32> to vector<16xf32>
        %swap3A_201 = vector.shape_cast %mul3A_196 : vector<16xf32> to vector<1x16xf32>
        tpu.vector_store %arg14[%swap3A_197, %swap3A_198], %swap3A_201 {strides = array<i32>} : memref<128x128xf32, #tpu.memory_space<vmem>>, vector<1x16xf32>,
        %get3A_202 = arith.index_cast %scan3A_185 : i32 to index
        %get3A_203 = arith.constant 16 : index
        %get3A_204 = tpu.vector_load %arg14[%get3A_202, %get3A_203] {strides = array<i32>} : memref<128x128xf32, #tpu.memory_space<vmem>>, vector<1x16xf32>,
        %get3A_205 = vector.shape_cast %get3A_204 : vector<1x16xf32> to vector<16xf32>
        %mul3A_206 = vector.broadcast %squeeze3A_190 : f32 to vector<16xf32>
        %mul3A_207 = arith.mulf %get3A_205, %mul3A_206 : vector<16xf32>
        %swap3A_208 = arith.index_cast %scan3A_185 : i32 to index
        %swap3A_209 = arith.constant 16 : index
        %swap3A_210 = tpu.vector_load %arg14[%swap3A_208, %swap3A_209] {strides = array<i32>} : memref<128x128xf32, #tpu.memory_space<vmem>>, vector<1x16xf32>,
        %swap3A_211 = vector.shape_cast %swap3A_210 : vector<1x16xf32> to vector<16xf32>
        %swap3A_212 = vector.shape_cast %mul3A_207 : vector<16xf32> to vector<1x16xf32>
        tpu.vector_store %arg14[%swap3A_208, %swap3A_209], %swap3A_212 {strides = array<i32>} : memref<128x128xf32, #tpu.memory_space<vmem>>, vector<1x16xf32>,
        %get3A_213 = arith.index_cast %scan3A_185 : i32 to index
        %get3A_214 = arith.constant 32 : index
        %get3A_215 = tpu.vector_load %arg14[%get3A_213, %get3A_214] {strides = array<i32>} : memref<128x128xf32, #tpu.memory_space<vmem>>, vector<1x16xf32>,
        %get3A_216 = vector.shape_cast %get3A_215 : vector<1x16xf32> to vector<16xf32>
        %mul3A_217 = vector.broadcast %squeeze3A_190 : f32 to vector<16xf32>
        %mul3A_218 = arith.mulf %get3A_216, %mul3A_217 : vector<16xf32>
        %swap3A_219 = arith.index_cast %scan3A_185 : i32 to index
        %swap3A_220 = arith.constant 32 : index
        %swap3A_221 = tpu.vector_load %arg14[%swap3A_219, %swap3A_220] {strides = array<i32>} : memref<128x128xf32, #tpu.memory_space<vmem>>, vector<1x16xf32>,
        %swap3A_222 = vector.shape_cast %swap3A_221 : vector<1x16xf32> to vector<16xf32>
        %swap3A_223 = vector.shape_cast %mul3A_218 : vector<16xf32> to vector<1x16xf32>
        tpu.vector_store %arg14[%swap3A_219, %swap3A_220], %swap3A_223 {strides = array<i32>} : memref<128x128xf32, #tpu.memory_space<vmem>>, vector<1x16xf32>,
        %get3A_224 = arith.index_cast %scan3A_185 : i32 to index
        %get3A_225 = arith.constant 48 : index
        %get3A_226 = tpu.vector_load %arg14[%get3A_224, %get3A_225] {strides = array<i32>} : memref<128x128xf32, #tpu.memory_space<vmem>>, vector<1x16xf32>,
        %get3A_227 = vector.shape_cast %get3A_226 : vector<1x16xf32> to vector<16xf32>
        %mul3A_228 = vector.broadcast %squeeze3A_190 : f32 to vector<16xf32>
        %mul3A_229 = arith.mulf %get3A_227, %mul3A_228 : vector<16xf32>
        %swap3A_230 = arith.index_cast %scan3A_185 : i32 to index
        %swap3A_231 = arith.constant 48 : index
        %swap3A_232 = tpu.vector_load %arg14[%swap3A_230, %swap3A_231] {strides = array<i32>} : memref<128x128xf32, #tpu.memory_space<vmem>>, vector<1x16xf32>,
        %swap3A_233 = vector.shape_cast %swap3A_232 : vector<1x16xf32> to vector<16xf32>
        %swap3A_234 = vector.shape_cast %mul3A_229 : vector<16xf32> to vector<1x16xf32>
        tpu.vector_store %arg14[%swap3A_230, %swap3A_231], %swap3A_234 {strides = array<i32>} : memref<128x128xf32, #tpu.memory_space<vmem>>, vector<1x16xf32>,
        %get3A_235 = arith.index_cast %scan3A_185 : i32 to index
        %get3A_236 = arith.constant 64 : index
        %get3A_237 = tpu.vector_load %arg14[%get3A_235, %get3A_236] {strides = array<i32>} : memref<128x128xf32, #tpu.memory_space<vmem>>, vector<1x16xf32>,
        %get3A_238 = vector.shape_cast %get3A_237 : vector<1x16xf32> to vector<16xf32>
        %mul3A_239 = vector.broadcast %squeeze3A_190 : f32 to vector<16xf32>
        %mul3A_240 = arith.mulf %get3A_238, %mul3A_239 : vector<16xf32>
        %swap3A_241 = arith.index_cast %scan3A_185 : i32 to index
        %swap3A_242 = arith.constant 64 : index
        %swap3A_243 = tpu.vector_load %arg14[%swap3A_241, %swap3A_242] {strides = array<i32>} : memref<128x128xf32, #tpu.memory_space<vmem>>, vector<1x16xf32>,
        %swap3A_244 = vector.shape_cast %swap3A_243 : vector<1x16xf32> to vector<16xf32>
        %swap3A_245 = vector.shape_cast %mul3A_240 : vector<16xf32> to vector<1x16xf32>
        tpu.vector_store %arg14[%swap3A_241, %swap3A_242], %swap3A_245 {strides = array<i32>} : memref<128x128xf32, #tpu.memory_space<vmem>>, vector<1x16xf32>,
        %get3A_246 = arith.index_cast %scan3A_185 : i32 to index
        %get3A_247 = arith.constant 80 : index
        %get3A_248 = tpu.vector_load %arg14[%get3A_246, %get3A_247] {strides = array<i32>} : memref<128x128xf32, #tpu.memory_space<vmem>>, vector<1x16xf32>,
        %get3A_249 = vector.shape_cast %get3A_248 : vector<1x16xf32> to vector<16xf32>
        %mul3A_250 = vector.broadcast %squeeze3A_190 : f32 to vector<16xf32>
        %mul3A_251 = arith.mulf %get3A_249, %mul3A_250 : vector<16xf32>
        %swap3A_252 = arith.index_cast %scan3A_185 : i32 to index
        %swap3A_253 = arith.constant 80 : index
        %swap3A_254 = tpu.vector_load %arg14[%swap3A_252, %swap3A_253] {strides = array<i32>} : memref<128x128xf32, #tpu.memory_space<vmem>>, vector<1x16xf32>,
        %swap3A_255 = vector.shape_cast %swap3A_254 : vector<1x16xf32> to vector<16xf32>
        %swap3A_256 = vector.shape_cast %mul3A_251 : vector<16xf32> to vector<1x16xf32>
        tpu.vector_store %arg14[%swap3A_252, %swap3A_253], %swap3A_256 {strides = array<i32>} : memref<128x128xf32, #tpu.memory_space<vmem>>, vector<1x16xf32>,
        %get3A_257 = arith.index_cast %scan3A_185 : i32 to index
        %get3A_258 = arith.constant 96 : index
        %get3A_259 = tpu.vector_load %arg14[%get3A_257, %get3A_258] {strides = array<i32>} : memref<128x128xf32, #tpu.memory_space<vmem>>, vector<1x16xf32>,
        %get3A_260 = vector.shape_cast %get3A_259 : vector<1x16xf32> to vector<16xf32>
        %mul3A_261 = vector.broadcast %squeeze3A_190 : f32 to vector<16xf32>
        %mul3A_262 = arith.mulf %get3A_260, %mul3A_261 : vector<16xf32>
        %swap3A_263 = arith.index_cast %scan3A_185 : i32 to index
        %swap3A_264 = arith.constant 96 : index
        %swap3A_265 = tpu.vector_load %arg14[%swap3A_263, %swap3A_264] {strides = array<i32>} : memref<128x128xf32, #tpu.memory_space<vmem>>, vector<1x16xf32>,
        %swap3A_266 = vector.shape_cast %swap3A_265 : vector<1x16xf32> to vector<16xf32>
        %swap3A_267 = vector.shape_cast %mul3A_262 : vector<16xf32> to vector<1x16xf32>
        tpu.vector_store %arg14[%swap3A_263, %swap3A_264], %swap3A_267 {strides = array<i32>} : memref<128x128xf32, #tpu.memory_space<vmem>>, vector<1x16xf32>,
        %get3A_268 = arith.index_cast %scan3A_185 : i32 to index
        %get3A_269 = arith.constant 112 : index
        %get3A_270 = tpu.vector_load %arg14[%get3A_268, %get3A_269] {strides = array<i32>} : memref<128x128xf32, #tpu.memory_space<vmem>>, vector<1x16xf32>,
        %get3A_271 = vector.shape_cast %get3A_270 : vector<1x16xf32> to vector<16xf32>
        %mul3A_272 = vector.broadcast %squeeze3A_190 : f32 to vector<16xf32>
        %mul3A_273 = arith.mulf %get3A_271, %mul3A_272 : vector<16xf32>
        %swap3A_274 = arith.index_cast %scan3A_185 : i32 to index
        %swap3A_275 = arith.constant 112 : index
        %swap3A_276 = tpu.vector_load %arg14[%swap3A_274, %swap3A_275] {strides = array<i32>} : memref<128x128xf32, #tpu.memory_space<vmem>>, vector<1x16xf32>,
        %swap3A_277 = vector.shape_cast %swap3A_276 : vector<1x16xf32> to vector<16xf32>
        %swap3A_278 = vector.shape_cast %mul3A_273 : vector<16xf32> to vector<1x16xf32>
        tpu.vector_store %arg14[%swap3A_274, %swap3A_275], %swap3A_278 {strides = array<i32>} : memref<128x128xf32, #tpu.memory_space<vmem>>, vector<1x16xf32>,
      }
      %scan3A_56 = arith.constant 128 : i32
      %dma_start3A_57 = arith.constant 0 : i32
      %dma_start3A_58 = arith.constant 0 : i32
      %dma_start3A_59 = tpu.memref_slice %arg7[%dma_start3A_57, %dma_start3A_58] : memref<10240x128xf32, #tpu.memory_space<vmem_shared>> -> memref<10240x128xf32, #tpu.memory_space<vmem_shared>>
      tpu.enqueue_indirect_dma source(%arg14 : memref<128x128xf32, #tpu.memory_space<vmem>>) target(%dma_start3A_59 : memref<10240x128xf32, #tpu.memory_space<vmem_shared>>) offsets(%arg10 : memref<128xi32, #tpu.memory_space<vmem>>) semaphore(%arg18 : memref<!tpu.dma_semaphore, #tpu.memory_space<semaphore_mem>>) {add = true}
      %convert_element_type3A_60 = arith.extui %lt3A_46 : i1 to i32
      %cond3A_61 = arith.constant 0 : i32
      %cond3A_62 = arith.cmpi ne, %convert_element_type3A_60, %cond3A_61 : i32
      scf.if %cond3A_62 {
        %ge3A = arith.constant 1 : i32
        %ge3A_94 = arith.cmpi sge, %add3A_38, %ge3A : i32
        %convert_element_type3A_95 = arith.extui %ge3A_94 : i1 to i32
        %cond3A_96 = arith.constant 0 : i32
        %cond3A_97 = arith.cmpi ne, %convert_element_type3A_95, %cond3A_96 : i32
        scf.if %cond3A_97 {
          %dma_wait3A_111 = arith.constant 0 : i32
          %dma_wait3A_112 = arith.constant 0 : i32
          %dma_wait3A_113 = tpu.memref_slice %arg7[%dma_wait3A_111, %dma_wait3A_112] : memref<10240x128xf32, #tpu.memory_space<vmem_shared>> -> memref<10240x128xf32, #tpu.memory_space<vmem_shared>>
          tpu.wait_indirect_dma semaphore(%arg19 : memref<!tpu.dma_semaphore, #tpu.memory_space<semaphore_mem>>) src(%arg15 : memref<128x128xf32, #tpu.memory_space<vmem>>) dst(%dma_wait3A_113 : memref<10240x128xf32, #tpu.memory_space<vmem_shared>>)
        } else {
        }
        %dma_wait3A_98 = tpu.memref_slice %arg3[%add3A_43] : memref<327680xi32, #tpu.memory_space<hbm>> -> memref<128xi32, #tpu.memory_space<hbm>>
        %dma_wait3A_99 = tpu.memref_slice %arg3[%add3A_43] : memref<327680xi32, #tpu.memory_space<hbm>> -> memref<128xi32, #tpu.memory_space<hbm>>
        tpu.wait_dma2 semaphore(%arg21 : memref<!tpu.dma_semaphore, #tpu.memory_space<semaphore_mem>>) src(%dma_wait3A_99 : memref<128xi32, #tpu.memory_space<hbm>>) dst(%arg9 : memref<128xi32, #tpu.memory_space<vmem>>)
        %dma_wait3A_100 = tpu.memref_slice %arg4[%add3A_43] : memref<327680xi32, #tpu.memory_space<hbm>> -> memref<128xi32, #tpu.memory_space<hbm>>
        %dma_wait3A_101 = tpu.memref_slice %arg4[%add3A_43] : memref<327680xi32, #tpu.memory_space<hbm>> -> memref<128xi32, #tpu.memory_space<hbm>>
        tpu.wait_dma2 semaphore(%arg21 : memref<!tpu.dma_semaphore, #tpu.memory_space<semaphore_mem>>) src(%dma_wait3A_101 : memref<128xi32, #tpu.memory_space<hbm>>) dst(%arg11 : memref<128xi32, #tpu.memory_space<vmem>>)
        %dma_wait3A_102 = arith.constant 0 : i32
        %dma_wait3A_103 = tpu.memref_slice %arg13[%dma_wait3A_102] : memref<144xf32, #tpu.memory_space<vmem>> -> memref<128xf32, #tpu.memory_space<vmem>>
        %dma_wait3A_104 = tpu.memref_slice %arg5[%add3A_43] : memref<327680xf32, #tpu.memory_space<hbm>> -> memref<128xf32, #tpu.memory_space<hbm>>
        %dma_wait3A_105 = arith.constant 0 : i32
        %dma_wait3A_106 = tpu.memref_slice %arg13[%dma_wait3A_105] : memref<144xf32, #tpu.memory_space<vmem>> -> memref<128xf32, #tpu.memory_space<vmem>>
        %dma_wait3A_107 = tpu.memref_slice %arg5[%add3A_43] : memref<327680xf32, #tpu.memory_space<hbm>> -> memref<128xf32, #tpu.memory_space<hbm>>
        tpu.wait_dma2 semaphore(%arg21 : memref<!tpu.dma_semaphore, #tpu.memory_space<semaphore_mem>>) src(%dma_wait3A_107 : memref<128xf32, #tpu.memory_space<hbm>>) dst(%dma_wait3A_106 : memref<128xf32, #tpu.memory_space<vmem>>)
        %dma_start3A_108 = arith.constant 0 : i32
        %dma_start3A_109 = arith.constant 0 : i32
        %dma_start3A_110 = tpu.memref_slice %arg2[%dma_start3A_108, %dma_start3A_109] : memref<10000x128xf32, #tpu.memory_space<hbm>> -> memref<10000x128xf32, #tpu.memory_space<hbm>>
        tpu.enqueue_indirect_dma source(%dma_start3A_110 : memref<10000x128xf32, #tpu.memory_space<hbm>>) target(%arg15 : memref<128x128xf32, #tpu.memory_space<vmem>>) offsets(%arg9 : memref<128xi32, #tpu.memory_space<vmem>>) semaphore(%arg17 : memref<!tpu.dma_semaphore, #tpu.memory_space<semaphore_mem>>)
      } else {
      }
      %mul3A_63 = arith.constant 2 : i32
      %mul3A_64 = arith.muli %scan3A_34, %mul3A_63 : i32
      %add3A_65 = arith.constant 1 : i32
      %add3A_66 = arith.addi %mul3A_64, %add3A_65 : i32
      %add3A_67 = arith.constant 1 : i32
      %add3A_68 = arith.addi %add3A_66, %add3A_67 : i32
      %mul3A_69 = arith.constant 128 : i32
      %mul3A_70 = arith.muli %add3A_68, %mul3A_69 : i32
      %add3A_71 = arith.addi %mul3A_19, %mul3A_70 : i32
      %add3A_72 = arith.constant 1 : i32
      %add3A_73 = arith.addi %add3A_66, %add3A_72 : i32
      %lt3A_74 = arith.constant 80 : i32
      %lt3A_75 = arith.cmpi slt, %add3A_73, %lt3A_74 : i32
      %convert_element_type3A_76 = arith.extui %lt3A_75 : i1 to i32
      %cond3A_77 = arith.constant 0 : i32
      %cond3A_78 = arith.cmpi ne, %convert_element_type3A_76, %cond3A_77 : i32
      scf.if %cond3A_78 {
        %dma_start3A_94 = tpu.memref_slice %arg3[%add3A_71] : memref<327680xi32, #tpu.memory_space<hbm>> -> memref<128xi32, #tpu.memory_space<hbm>>
        %dma_start3A_95 = tpu.memref_slice %arg3[%add3A_71] : memref<327680xi32, #tpu.memory_space<hbm>> -> memref<128xi32, #tpu.memory_space<hbm>>
        tpu.enqueue_dma source(%dma_start3A_95 : memref<128xi32, #tpu.memory_space<hbm>>) target(%arg8 : memref<128xi32, #tpu.memory_space<vmem>>) target_semaphore(%arg20 : memref<!tpu.dma_semaphore, #tpu.memory_space<semaphore_mem>>)
        %dma_start3A_96 = tpu.memref_slice %arg4[%add3A_71] : memref<327680xi32, #tpu.memory_space<hbm>> -> memref<128xi32, #tpu.memory_space<hbm>>
        %dma_start3A_97 = tpu.memref_slice %arg4[%add3A_71] : memref<327680xi32, #tpu.memory_space<hbm>> -> memref<128xi32, #tpu.memory_space<hbm>>
        tpu.enqueue_dma source(%dma_start3A_97 : memref<128xi32, #tpu.memory_space<hbm>>) target(%arg10 : memref<128xi32, #tpu.memory_space<vmem>>) target_semaphore(%arg20 : memref<!tpu.dma_semaphore, #tpu.memory_space<semaphore_mem>>)
        %dma_start3A_98 = arith.constant 0 : i32
        %dma_start3A_99 = tpu.memref_slice %arg12[%dma_start3A_98] : memref<144xf32, #tpu.memory_space<vmem>> -> memref<128xf32, #tpu.memory_space<vmem>>
        %dma_start3A_100 = tpu.memref_slice %arg5[%add3A_71] : memref<327680xf32, #tpu.memory_space<hbm>> -> memref<128xf32, #tpu.memory_space<hbm>>
        %dma_start3A_101 = arith.constant 0 : i32
        %dma_start3A_102 = tpu.memref_slice %arg12[%dma_start3A_101] : memref<144xf32, #tpu.memory_space<vmem>> -> memref<128xf32, #tpu.memory_space<vmem>>
        %dma_start3A_103 = tpu.memref_slice %arg5[%add3A_71] : memref<327680xf32, #tpu.memory_space<hbm>> -> memref<128xf32, #tpu.memory_space<hbm>>
        tpu.enqueue_dma source(%dma_start3A_103 : memref<128xf32, #tpu.memory_space<hbm>>) target(%dma_start3A_102 : memref<128xf32, #tpu.memory_space<vmem>>) target_semaphore(%arg20 : memref<!tpu.dma_semaphore, #tpu.memory_space<semaphore_mem>>)
      } else {
      }
      %dma_wait3A_79 = arith.constant 0 : i32
      %dma_wait3A_80 = arith.constant 0 : i32
      %dma_wait3A_81 = tpu.memref_slice %arg2[%dma_wait3A_79, %dma_wait3A_80] : memref<10000x128xf32, #tpu.memory_space<hbm>> -> memref<10000x128xf32, #tpu.memory_space<hbm>>
      tpu.wait_indirect_dma semaphore(%arg17 : memref<!tpu.dma_semaphore, #tpu.memory_space<semaphore_mem>>) src(%dma_wait3A_81 : memref<10000x128xf32, #tpu.memory_space<hbm>>) dst(%arg15 : memref<128x128xf32, #tpu.memory_space<vmem>>)
      %scan3A_82 = arith.constant 0 : i32
      %scan3A_83 = arith.constant 0 : i32
      %scan3A_84 = arith.constant 128 : i32
      %scan3A_85 = arith.addi %scan3A_83, %scan3A_84 : i32
      %scan3A_86 = arith.constant 2 : i32
      scf.for %scan3A_94 = %scan3A_83 to %scan3A_85 step %scan3A_86  : i32 {
        %get3A = arith.index_cast %scan3A_94 : i32 to index
        %get3A_95 = tpu.vector_load %arg13[%get3A] {strides = array<i32>} : memref<144xf32, #tpu.memory_space<vmem>>, vector<16xf32>,
        %get3A_96 = vector.shape_cast %get3A_95 : vector<16xf32> to vector<16xf32>
        %slice3A = vector.extract_strided_slice %get3A_96 {offsets = [0], sizes = [1], strides = [1]} : vector<16xf32> to vector<1xf32>
        %squeeze3A = vector.extract %slice3A[0] : f32 from vector<1xf32>
        %get3A_97 = arith.index_cast %scan3A_94 : i32 to index
        %get3A_98 = arith.constant 0 : index
        %get3A_99 = tpu.vector_load %arg15[%get3A_97, %get3A_98] {strides = array<i32>} : memref<128x128xf32, #tpu.memory_space<vmem>>, vector<1x16xf32>,
        %get3A_100 = vector.shape_cast %get3A_99 : vector<1x16xf32> to vector<16xf32>
        %mul3A_101 = vector.broadcast %squeeze3A : f32 to vector<16xf32>
        %mul3A_102 = arith.mulf %get3A_100, %mul3A_101 : vector<16xf32>
        %swap3A = arith.index_cast %scan3A_94 : i32 to index
        %swap3A_103 = arith.constant 0 : index
        %swap3A_104 = tpu.vector_load %arg15[%swap3A, %swap3A_103] {strides = array<i32>} : memref<128x128xf32, #tpu.memory_space<vmem>>, vector<1x16xf32>,
        %swap3A_105 = vector.shape_cast %swap3A_104 : vector<1x16xf32> to vector<16xf32>
        %swap3A_106 = vector.shape_cast %mul3A_102 : vector<16xf32> to vector<1x16xf32>
        tpu.vector_store %arg15[%swap3A, %swap3A_103], %swap3A_106 {strides = array<i32>} : memref<128x128xf32, #tpu.memory_space<vmem>>, vector<1x16xf32>,
        %get3A_107 = arith.index_cast %scan3A_94 : i32 to index
        %get3A_108 = arith.constant 16 : index
        %get3A_109 = tpu.vector_load %arg15[%get3A_107, %get3A_108] {strides = array<i32>} : memref<128x128xf32, #tpu.memory_space<vmem>>, vector<1x16xf32>,
        %get3A_110 = vector.shape_cast %get3A_109 : vector<1x16xf32> to vector<16xf32>
        %mul3A_111 = vector.broadcast %squeeze3A : f32 to vector<16xf32>
        %mul3A_112 = arith.mulf %get3A_110, %mul3A_111 : vector<16xf32>
        %swap3A_113 = arith.index_cast %scan3A_94 : i32 to index
        %swap3A_114 = arith.constant 16 : index
        %swap3A_115 = tpu.vector_load %arg15[%swap3A_113, %swap3A_114] {strides = array<i32>} : memref<128x128xf32, #tpu.memory_space<vmem>>, vector<1x16xf32>,
        %swap3A_116 = vector.shape_cast %swap3A_115 : vector<1x16xf32> to vector<16xf32>
        %swap3A_117 = vector.shape_cast %mul3A_112 : vector<16xf32> to vector<1x16xf32>
        tpu.vector_store %arg15[%swap3A_113, %swap3A_114], %swap3A_117 {strides = array<i32>} : memref<128x128xf32, #tpu.memory_space<vmem>>, vector<1x16xf32>,
        %get3A_118 = arith.index_cast %scan3A_94 : i32 to index
        %get3A_119 = arith.constant 32 : index
        %get3A_120 = tpu.vector_load %arg15[%get3A_118, %get3A_119] {strides = array<i32>} : memref<128x128xf32, #tpu.memory_space<vmem>>, vector<1x16xf32>,
        %get3A_121 = vector.shape_cast %get3A_120 : vector<1x16xf32> to vector<16xf32>
        %mul3A_122 = vector.broadcast %squeeze3A : f32 to vector<16xf32>
        %mul3A_123 = arith.mulf %get3A_121, %mul3A_122 : vector<16xf32>
        %swap3A_124 = arith.index_cast %scan3A_94 : i32 to index
        %swap3A_125 = arith.constant 32 : index
        %swap3A_126 = tpu.vector_load %arg15[%swap3A_124, %swap3A_125] {strides = array<i32>} : memref<128x128xf32, #tpu.memory_space<vmem>>, vector<1x16xf32>,
        %swap3A_127 = vector.shape_cast %swap3A_126 : vector<1x16xf32> to vector<16xf32>
        %swap3A_128 = vector.shape_cast %mul3A_123 : vector<16xf32> to vector<1x16xf32>
        tpu.vector_store %arg15[%swap3A_124, %swap3A_125], %swap3A_128 {strides = array<i32>} : memref<128x128xf32, #tpu.memory_space<vmem>>, vector<1x16xf32>,
        %get3A_129 = arith.index_cast %scan3A_94 : i32 to index
        %get3A_130 = arith.constant 48 : index
        %get3A_131 = tpu.vector_load %arg15[%get3A_129, %get3A_130] {strides = array<i32>} : memref<128x128xf32, #tpu.memory_space<vmem>>, vector<1x16xf32>,
        %get3A_132 = vector.shape_cast %get3A_131 : vector<1x16xf32> to vector<16xf32>
        %mul3A_133 = vector.broadcast %squeeze3A : f32 to vector<16xf32>
        %mul3A_134 = arith.mulf %get3A_132, %mul3A_133 : vector<16xf32>
        %swap3A_135 = arith.index_cast %scan3A_94 : i32 to index
        %swap3A_136 = arith.constant 48 : index
        %swap3A_137 = tpu.vector_load %arg15[%swap3A_135, %swap3A_136] {strides = array<i32>} : memref<128x128xf32, #tpu.memory_space<vmem>>, vector<1x16xf32>,
        %swap3A_138 = vector.shape_cast %swap3A_137 : vector<1x16xf32> to vector<16xf32>
        %swap3A_139 = vector.shape_cast %mul3A_134 : vector<16xf32> to vector<1x16xf32>
        tpu.vector_store %arg15[%swap3A_135, %swap3A_136], %swap3A_139 {strides = array<i32>} : memref<128x128xf32, #tpu.memory_space<vmem>>, vector<1x16xf32>,
        %get3A_140 = arith.index_cast %scan3A_94 : i32 to index
        %get3A_141 = arith.constant 64 : index
        %get3A_142 = tpu.vector_load %arg15[%get3A_140, %get3A_141] {strides = array<i32>} : memref<128x128xf32, #tpu.memory_space<vmem>>, vector<1x16xf32>,
        %get3A_143 = vector.shape_cast %get3A_142 : vector<1x16xf32> to vector<16xf32>
        %mul3A_144 = vector.broadcast %squeeze3A : f32 to vector<16xf32>
        %mul3A_145 = arith.mulf %get3A_143, %mul3A_144 : vector<16xf32>
        %swap3A_146 = arith.index_cast %scan3A_94 : i32 to index
        %swap3A_147 = arith.constant 64 : index
        %swap3A_148 = tpu.vector_load %arg15[%swap3A_146, %swap3A_147] {strides = array<i32>} : memref<128x128xf32, #tpu.memory_space<vmem>>, vector<1x16xf32>,
        %swap3A_149 = vector.shape_cast %swap3A_148 : vector<1x16xf32> to vector<16xf32>
        %swap3A_150 = vector.shape_cast %mul3A_145 : vector<16xf32> to vector<1x16xf32>
        tpu.vector_store %arg15[%swap3A_146, %swap3A_147], %swap3A_150 {strides = array<i32>} : memref<128x128xf32, #tpu.memory_space<vmem>>, vector<1x16xf32>,
        %get3A_151 = arith.index_cast %scan3A_94 : i32 to index
        %get3A_152 = arith.constant 80 : index
        %get3A_153 = tpu.vector_load %arg15[%get3A_151, %get3A_152] {strides = array<i32>} : memref<128x128xf32, #tpu.memory_space<vmem>>, vector<1x16xf32>,
        %get3A_154 = vector.shape_cast %get3A_153 : vector<1x16xf32> to vector<16xf32>
        %mul3A_155 = vector.broadcast %squeeze3A : f32 to vector<16xf32>
        %mul3A_156 = arith.mulf %get3A_154, %mul3A_155 : vector<16xf32>
        %swap3A_157 = arith.index_cast %scan3A_94 : i32 to index
        %swap3A_158 = arith.constant 80 : index
        %swap3A_159 = tpu.vector_load %arg15[%swap3A_157, %swap3A_158] {strides = array<i32>} : memref<128x128xf32, #tpu.memory_space<vmem>>, vector<1x16xf32>,
        %swap3A_160 = vector.shape_cast %swap3A_159 : vector<1x16xf32> to vector<16xf32>
        %swap3A_161 = vector.shape_cast %mul3A_156 : vector<16xf32> to vector<1x16xf32>
        tpu.vector_store %arg15[%swap3A_157, %swap3A_158], %swap3A_161 {strides = array<i32>} : memref<128x128xf32, #tpu.memory_space<vmem>>, vector<1x16xf32>,
        %get3A_162 = arith.index_cast %scan3A_94 : i32 to index
        %get3A_163 = arith.constant 96 : index
        %get3A_164 = tpu.vector_load %arg15[%get3A_162, %get3A_163] {strides = array<i32>} : memref<128x128xf32, #tpu.memory_space<vmem>>, vector<1x16xf32>,
        %get3A_165 = vector.shape_cast %get3A_164 : vector<1x16xf32> to vector<16xf32>
        %mul3A_166 = vector.broadcast %squeeze3A : f32 to vector<16xf32>
        %mul3A_167 = arith.mulf %get3A_165, %mul3A_166 : vector<16xf32>
        %swap3A_168 = arith.index_cast %scan3A_94 : i32 to index
        %swap3A_169 = arith.constant 96 : index
        %swap3A_170 = tpu.vector_load %arg15[%swap3A_168, %swap3A_169] {strides = array<i32>} : memref<128x128xf32, #tpu.memory_space<vmem>>, vector<1x16xf32>,
        %swap3A_171 = vector.shape_cast %swap3A_170 : vector<1x16xf32> to vector<16xf32>
        %swap3A_172 = vector.shape_cast %mul3A_167 : vector<16xf32> to vector<1x16xf32>
        tpu.vector_store %arg15[%swap3A_168, %swap3A_169], %swap3A_172 {strides = array<i32>} : memref<128x128xf32, #tpu.memory_space<vmem>>, vector<1x16xf32>,
        %get3A_173 = arith.index_cast %scan3A_94 : i32 to index
        %get3A_174 = arith.constant 112 : index
        %get3A_175 = tpu.vector_load %arg15[%get3A_173, %get3A_174] {strides = array<i32>} : memref<128x128xf32, #tpu.memory_space<vmem>>, vector<1x16xf32>,
        %get3A_176 = vector.shape_cast %get3A_175 : vector<1x16xf32> to vector<16xf32>
        %mul3A_177 = vector.broadcast %squeeze3A : f32 to vector<16xf32>
        %mul3A_178 = arith.mulf %get3A_176, %mul3A_177 : vector<16xf32>
        %swap3A_179 = arith.index_cast %scan3A_94 : i32 to index
        %swap3A_180 = arith.constant 112 : index
        %swap3A_181 = tpu.vector_load %arg15[%swap3A_179, %swap3A_180] {strides = array<i32>} : memref<128x128xf32, #tpu.memory_space<vmem>>, vector<1x16xf32>,
        %swap3A_182 = vector.shape_cast %swap3A_181 : vector<1x16xf32> to vector<16xf32>
        %swap3A_183 = vector.shape_cast %mul3A_178 : vector<16xf32> to vector<1x16xf32>
        tpu.vector_store %arg15[%swap3A_179, %swap3A_180], %swap3A_183 {strides = array<i32>} : memref<128x128xf32, #tpu.memory_space<vmem>>, vector<1x16xf32>,
        %scan3A_184 = arith.constant 1 : i32
        %scan3A_185 = arith.addi %scan3A_94, %scan3A_184 : i32
        %get3A_186 = arith.index_cast %scan3A_185 : i32 to index
        %get3A_187 = tpu.vector_load %arg13[%get3A_186] {strides = array<i32>} : memref<144xf32, #tpu.memory_space<vmem>>, vector<16xf32>,
        %get3A_188 = vector.shape_cast %get3A_187 : vector<16xf32> to vector<16xf32>
        %slice3A_189 = vector.extract_strided_slice %get3A_188 {offsets = [0], sizes = [1], strides = [1]} : vector<16xf32> to vector<1xf32>
        %squeeze3A_190 = vector.extract %slice3A_189[0] : f32 from vector<1xf32>
        %get3A_191 = arith.index_cast %scan3A_185 : i32 to index
        %get3A_192 = arith.constant 0 : index
        %get3A_193 = tpu.vector_load %arg15[%get3A_191, %get3A_192] {strides = array<i32>} : memref<128x128xf32, #tpu.memory_space<vmem>>, vector<1x16xf32>,
        %get3A_194 = vector.shape_cast %get3A_193 : vector<1x16xf32> to vector<16xf32>
        %mul3A_195 = vector.broadcast %squeeze3A_190 : f32 to vector<16xf32>
        %mul3A_196 = arith.mulf %get3A_194, %mul3A_195 : vector<16xf32>
        %swap3A_197 = arith.index_cast %scan3A_185 : i32 to index
        %swap3A_198 = arith.constant 0 : index
        %swap3A_199 = tpu.vector_load %arg15[%swap3A_197, %swap3A_198] {strides = array<i32>} : memref<128x128xf32, #tpu.memory_space<vmem>>, vector<1x16xf32>,
        %swap3A_200 = vector.shape_cast %swap3A_199 : vector<1x16xf32> to vector<16xf32>
        %swap3A_201 = vector.shape_cast %mul3A_196 : vector<16xf32> to vector<1x16xf32>
        tpu.vector_store %arg15[%swap3A_197, %swap3A_198], %swap3A_201 {strides = array<i32>} : memref<128x128xf32, #tpu.memory_space<vmem>>, vector<1x16xf32>,
        %get3A_202 = arith.index_cast %scan3A_185 : i32 to index
        %get3A_203 = arith.constant 16 : index
        %get3A_204 = tpu.vector_load %arg15[%get3A_202, %get3A_203] {strides = array<i32>} : memref<128x128xf32, #tpu.memory_space<vmem>>, vector<1x16xf32>,
        %get3A_205 = vector.shape_cast %get3A_204 : vector<1x16xf32> to vector<16xf32>
        %mul3A_206 = vector.broadcast %squeeze3A_190 : f32 to vector<16xf32>
        %mul3A_207 = arith.mulf %get3A_205, %mul3A_206 : vector<16xf32>
        %swap3A_208 = arith.index_cast %scan3A_185 : i32 to index
        %swap3A_209 = arith.constant 16 : index
        %swap3A_210 = tpu.vector_load %arg15[%swap3A_208, %swap3A_209] {strides = array<i32>} : memref<128x128xf32, #tpu.memory_space<vmem>>, vector<1x16xf32>,
        %swap3A_211 = vector.shape_cast %swap3A_210 : vector<1x16xf32> to vector<16xf32>
        %swap3A_212 = vector.shape_cast %mul3A_207 : vector<16xf32> to vector<1x16xf32>
        tpu.vector_store %arg15[%swap3A_208, %swap3A_209], %swap3A_212 {strides = array<i32>} : memref<128x128xf32, #tpu.memory_space<vmem>>, vector<1x16xf32>,
        %get3A_213 = arith.index_cast %scan3A_185 : i32 to index
        %get3A_214 = arith.constant 32 : index
        %get3A_215 = tpu.vector_load %arg15[%get3A_213, %get3A_214] {strides = array<i32>} : memref<128x128xf32, #tpu.memory_space<vmem>>, vector<1x16xf32>,
        %get3A_216 = vector.shape_cast %get3A_215 : vector<1x16xf32> to vector<16xf32>
        %mul3A_217 = vector.broadcast %squeeze3A_190 : f32 to vector<16xf32>
        %mul3A_218 = arith.mulf %get3A_216, %mul3A_217 : vector<16xf32>
        %swap3A_219 = arith.index_cast %scan3A_185 : i32 to index
        %swap3A_220 = arith.constant 32 : index
        %swap3A_221 = tpu.vector_load %arg15[%swap3A_219, %swap3A_220] {strides = array<i32>} : memref<128x128xf32, #tpu.memory_space<vmem>>, vector<1x16xf32>,
        %swap3A_222 = vector.shape_cast %swap3A_221 : vector<1x16xf32> to vector<16xf32>
        %swap3A_223 = vector.shape_cast %mul3A_218 : vector<16xf32> to vector<1x16xf32>
        tpu.vector_store %arg15[%swap3A_219, %swap3A_220], %swap3A_223 {strides = array<i32>} : memref<128x128xf32, #tpu.memory_space<vmem>>, vector<1x16xf32>,
        %get3A_224 = arith.index_cast %scan3A_185 : i32 to index
        %get3A_225 = arith.constant 48 : index
        %get3A_226 = tpu.vector_load %arg15[%get3A_224, %get3A_225] {strides = array<i32>} : memref<128x128xf32, #tpu.memory_space<vmem>>, vector<1x16xf32>,
        %get3A_227 = vector.shape_cast %get3A_226 : vector<1x16xf32> to vector<16xf32>
        %mul3A_228 = vector.broadcast %squeeze3A_190 : f32 to vector<16xf32>
        %mul3A_229 = arith.mulf %get3A_227, %mul3A_228 : vector<16xf32>
        %swap3A_230 = arith.index_cast %scan3A_185 : i32 to index
        %swap3A_231 = arith.constant 48 : index
        %swap3A_232 = tpu.vector_load %arg15[%swap3A_230, %swap3A_231] {strides = array<i32>} : memref<128x128xf32, #tpu.memory_space<vmem>>, vector<1x16xf32>,
        %swap3A_233 = vector.shape_cast %swap3A_232 : vector<1x16xf32> to vector<16xf32>
        %swap3A_234 = vector.shape_cast %mul3A_229 : vector<16xf32> to vector<1x16xf32>
        tpu.vector_store %arg15[%swap3A_230, %swap3A_231], %swap3A_234 {strides = array<i32>} : memref<128x128xf32, #tpu.memory_space<vmem>>, vector<1x16xf32>,
        %get3A_235 = arith.index_cast %scan3A_185 : i32 to index
        %get3A_236 = arith.constant 64 : index
        %get3A_237 = tpu.vector_load %arg15[%get3A_235, %get3A_236] {strides = array<i32>} : memref<128x128xf32, #tpu.memory_space<vmem>>, vector<1x16xf32>,
        %get3A_238 = vector.shape_cast %get3A_237 : vector<1x16xf32> to vector<16xf32>
        %mul3A_239 = vector.broadcast %squeeze3A_190 : f32 to vector<16xf32>
        %mul3A_240 = arith.mulf %get3A_238, %mul3A_239 : vector<16xf32>
        %swap3A_241 = arith.index_cast %scan3A_185 : i32 to index
        %swap3A_242 = arith.constant 64 : index
        %swap3A_243 = tpu.vector_load %arg15[%swap3A_241, %swap3A_242] {strides = array<i32>} : memref<128x128xf32, #tpu.memory_space<vmem>>, vector<1x16xf32>,
        %swap3A_244 = vector.shape_cast %swap3A_243 : vector<1x16xf32> to vector<16xf32>
        %swap3A_245 = vector.shape_cast %mul3A_240 : vector<16xf32> to vector<1x16xf32>
        tpu.vector_store %arg15[%swap3A_241, %swap3A_242], %swap3A_245 {strides = array<i32>} : memref<128x128xf32, #tpu.memory_space<vmem>>, vector<1x16xf32>,
        %get3A_246 = arith.index_cast %scan3A_185 : i32 to index
        %get3A_247 = arith.constant 80 : index
        %get3A_248 = tpu.vector_load %arg15[%get3A_246, %get3A_247] {strides = array<i32>} : memref<128x128xf32, #tpu.memory_space<vmem>>, vector<1x16xf32>,
        %get3A_249 = vector.shape_cast %get3A_248 : vector<1x16xf32> to vector<16xf32>
        %mul3A_250 = vector.broadcast %squeeze3A_190 : f32 to vector<16xf32>
        %mul3A_251 = arith.mulf %get3A_249, %mul3A_250 : vector<16xf32>
        %swap3A_252 = arith.index_cast %scan3A_185 : i32 to index
        %swap3A_253 = arith.constant 80 : index
        %swap3A_254 = tpu.vector_load %arg15[%swap3A_252, %swap3A_253] {strides = array<i32>} : memref<128x128xf32, #tpu.memory_space<vmem>>, vector<1x16xf32>,
        %swap3A_255 = vector.shape_cast %swap3A_254 : vector<1x16xf32> to vector<16xf32>
        %swap3A_256 = vector.shape_cast %mul3A_251 : vector<16xf32> to vector<1x16xf32>
        tpu.vector_store %arg15[%swap3A_252, %swap3A_253], %swap3A_256 {strides = array<i32>} : memref<128x128xf32, #tpu.memory_space<vmem>>, vector<1x16xf32>,
        %get3A_257 = arith.index_cast %scan3A_185 : i32 to index
        %get3A_258 = arith.constant 96 : index
        %get3A_259 = tpu.vector_load %arg15[%get3A_257, %get3A_258] {strides = array<i32>} : memref<128x128xf32, #tpu.memory_space<vmem>>, vector<1x16xf32>,
        %get3A_260 = vector.shape_cast %get3A_259 : vector<1x16xf32> to vector<16xf32>
        %mul3A_261 = vector.broadcast %squeeze3A_190 : f32 to vector<16xf32>
        %mul3A_262 = arith.mulf %get3A_260, %mul3A_261 : vector<16xf32>
        %swap3A_263 = arith.index_cast %scan3A_185 : i32 to index
        %swap3A_264 = arith.constant 96 : index
        %swap3A_265 = tpu.vector_load %arg15[%swap3A_263, %swap3A_264] {strides = array<i32>} : memref<128x128xf32, #tpu.memory_space<vmem>>, vector<1x16xf32>,
        %swap3A_266 = vector.shape_cast %swap3A_265 : vector<1x16xf32> to vector<16xf32>
        %swap3A_267 = vector.shape_cast %mul3A_262 : vector<16xf32> to vector<1x16xf32>
        tpu.vector_store %arg15[%swap3A_263, %swap3A_264], %swap3A_267 {strides = array<i32>} : memref<128x128xf32, #tpu.memory_space<vmem>>, vector<1x16xf32>,
        %get3A_268 = arith.index_cast %scan3A_185 : i32 to index
        %get3A_269 = arith.constant 112 : index
        %get3A_270 = tpu.vector_load %arg15[%get3A_268, %get3A_269] {strides = array<i32>} : memref<128x128xf32, #tpu.memory_space<vmem>>, vector<1x16xf32>,
        %get3A_271 = vector.shape_cast %get3A_270 : vector<1x16xf32> to vector<16xf32>
        %mul3A_272 = vector.broadcast %squeeze3A_190 : f32 to vector<16xf32>
        %mul3A_273 = arith.mulf %get3A_271, %mul3A_272 : vector<16xf32>
        %swap3A_274 = arith.index_cast %scan3A_185 : i32 to index
        %swap3A_275 = arith.constant 112 : index
        %swap3A_276 = tpu.vector_load %arg15[%swap3A_274, %swap3A_275] {strides = array<i32>} : memref<128x128xf32, #tpu.memory_space<vmem>>, vector<1x16xf32>,
        %swap3A_277 = vector.shape_cast %swap3A_276 : vector<1x16xf32> to vector<16xf32>
        %swap3A_278 = vector.shape_cast %mul3A_273 : vector<16xf32> to vector<1x16xf32>
        tpu.vector_store %arg15[%swap3A_274, %swap3A_275], %swap3A_278 {strides = array<i32>} : memref<128x128xf32, #tpu.memory_space<vmem>>, vector<1x16xf32>,
      }
      %scan3A_87 = arith.constant 128 : i32
      %dma_start3A_88 = arith.constant 0 : i32
      %dma_start3A_89 = arith.constant 0 : i32
      %dma_start3A_90 = tpu.memref_slice %arg7[%dma_start3A_88, %dma_start3A_89] : memref<10240x128xf32, #tpu.memory_space<vmem_shared>> -> memref<10240x128xf32, #tpu.memory_space<vmem_shared>>
      tpu.enqueue_indirect_dma source(%arg15 : memref<128x128xf32, #tpu.memory_space<vmem>>) target(%dma_start3A_90 : memref<10240x128xf32, #tpu.memory_space<vmem_shared>>) offsets(%arg11 : memref<128xi32, #tpu.memory_space<vmem>>) semaphore(%arg19 : memref<!tpu.dma_semaphore, #tpu.memory_space<semaphore_mem>>) {add = true}
      %convert_element_type3A_91 = arith.extui %lt3A_75 : i1 to i32
      %cond3A_92 = arith.constant 0 : i32
      %cond3A_93 = arith.cmpi ne, %convert_element_type3A_91, %cond3A_92 : i32
      scf.if %cond3A_93 {
        %ge3A = arith.constant 1 : i32
        %ge3A_94 = arith.cmpi sge, %add3A_66, %ge3A : i32
        %convert_element_type3A_95 = arith.extui %ge3A_94 : i1 to i32
        %cond3A_96 = arith.constant 0 : i32
        %cond3A_97 = arith.cmpi ne, %convert_element_type3A_95, %cond3A_96 : i32
        scf.if %cond3A_97 {
          %dma_wait3A_111 = arith.constant 0 : i32
          %dma_wait3A_112 = arith.constant 0 : i32
          %dma_wait3A_113 = tpu.memref_slice %arg7[%dma_wait3A_111, %dma_wait3A_112] : memref<10240x128xf32, #tpu.memory_space<vmem_shared>> -> memref<10240x128xf32, #tpu.memory_space<vmem_shared>>
          tpu.wait_indirect_dma semaphore(%arg18 : memref<!tpu.dma_semaphore, #tpu.memory_space<semaphore_mem>>) src(%arg14 : memref<128x128xf32, #tpu.memory_space<vmem>>) dst(%dma_wait3A_113 : memref<10240x128xf32, #tpu.memory_space<vmem_shared>>)
        } else {
        }
        %dma_wait3A_98 = tpu.memref_slice %arg3[%add3A_71] : memref<327680xi32, #tpu.memory_space<hbm>> -> memref<128xi32, #tpu.memory_space<hbm>>
        %dma_wait3A_99 = tpu.memref_slice %arg3[%add3A_71] : memref<327680xi32, #tpu.memory_space<hbm>> -> memref<128xi32, #tpu.memory_space<hbm>>
        tpu.wait_dma2 semaphore(%arg20 : memref<!tpu.dma_semaphore, #tpu.memory_space<semaphore_mem>>) src(%dma_wait3A_99 : memref<128xi32, #tpu.memory_space<hbm>>) dst(%arg8 : memref<128xi32, #tpu.memory_space<vmem>>)
        %dma_wait3A_100 = tpu.memref_slice %arg4[%add3A_71] : memref<327680xi32, #tpu.memory_space<hbm>> -> memref<128xi32, #tpu.memory_space<hbm>>
        %dma_wait3A_101 = tpu.memref_slice %arg4[%add3A_71] : memref<327680xi32, #tpu.memory_space<hbm>> -> memref<128xi32, #tpu.memory_space<hbm>>
        tpu.wait_dma2 semaphore(%arg20 : memref<!tpu.dma_semaphore, #tpu.memory_space<semaphore_mem>>) src(%dma_wait3A_101 : memref<128xi32, #tpu.memory_space<hbm>>) dst(%arg10 : memref<128xi32, #tpu.memory_space<vmem>>)
        %dma_wait3A_102 = arith.constant 0 : i32
        %dma_wait3A_103 = tpu.memref_slice %arg12[%dma_wait3A_102] : memref<144xf32, #tpu.memory_space<vmem>> -> memref<128xf32, #tpu.memory_space<vmem>>
        %dma_wait3A_104 = tpu.memref_slice %arg5[%add3A_71] : memref<327680xf32, #tpu.memory_space<hbm>> -> memref<128xf32, #tpu.memory_space<hbm>>
        %dma_wait3A_105 = arith.constant 0 : i32
        %dma_wait3A_106 = tpu.memref_slice %arg12[%dma_wait3A_105] : memref<144xf32, #tpu.memory_space<vmem>> -> memref<128xf32, #tpu.memory_space<vmem>>
        %dma_wait3A_107 = tpu.memref_slice %arg5[%add3A_71] : memref<327680xf32, #tpu.memory_space<hbm>> -> memref<128xf32, #tpu.memory_space<hbm>>
        tpu.wait_dma2 semaphore(%arg20 : memref<!tpu.dma_semaphore, #tpu.memory_space<semaphore_mem>>) src(%dma_wait3A_107 : memref<128xf32, #tpu.memory_space<hbm>>) dst(%dma_wait3A_106 : memref<128xf32, #tpu.memory_space<vmem>>)
        %dma_start3A_108 = arith.constant 0 : i32
        %dma_start3A_109 = arith.constant 0 : i32
        %dma_start3A_110 = tpu.memref_slice %arg2[%dma_start3A_108, %dma_start3A_109] : memref<10000x128xf32, #tpu.memory_space<hbm>> -> memref<10000x128xf32, #tpu.memory_space<hbm>>
        tpu.enqueue_indirect_dma source(%dma_start3A_110 : memref<10000x128xf32, #tpu.memory_space<hbm>>) target(%arg14 : memref<128x128xf32, #tpu.memory_space<vmem>>) offsets(%arg8 : memref<128xi32, #tpu.memory_space<vmem>>) semaphore(%arg16 : memref<!tpu.dma_semaphore, #tpu.memory_space<semaphore_mem>>)
      } else {
      }
    }
    %scan3A_27 = arith.constant 40 : i32
    %dma_wait3A = arith.constant 0 : i32
    %dma_wait3A_28 = arith.constant 0 : i32
    %dma_wait3A_29 = tpu.memref_slice %arg7[%dma_wait3A, %dma_wait3A_28] : memref<10240x128xf32, #tpu.memory_space<vmem_shared>> -> memref<10240x128xf32, #tpu.memory_space<vmem_shared>>
    tpu.wait_indirect_dma semaphore(%arg18 : memref<!tpu.dma_semaphore, #tpu.memory_space<semaphore_mem>>) src(%arg14 : memref<128x128xf32, #tpu.memory_space<vmem>>) dst(%dma_wait3A_29 : memref<10240x128xf32, #tpu.memory_space<vmem_shared>>)
    %dma_wait3A_30 = arith.constant 0 : i32
    %dma_wait3A_31 = arith.constant 0 : i32
    %dma_wait3A_32 = tpu.memref_slice %arg7[%dma_wait3A_30, %dma_wait3A_31] : memref<10240x128xf32, #tpu.memory_space<vmem_shared>> -> memref<10240x128xf32, #tpu.memory_space<vmem_shared>>
    tpu.wait_indirect_dma semaphore(%arg19 : memref<!tpu.dma_semaphore, #tpu.memory_space<semaphore_mem>>) src(%arg15 : memref<128x128xf32, #tpu.memory_space<vmem>>) dst(%dma_wait3A_32 : memref<10240x128xf32, #tpu.memory_space<vmem_shared>>)
    %barrier3A_33 = arith.constant 0 : index
    tpu.barrier barrier_id(%barrier3A_33)
    "tpu.region"() ({
      %run_scoped3A = tpu.sem_alloc : memref<!tpu.dma_semaphore, #tpu.memory_space<semaphore_mem>>
      %dma_start3A_34 = arith.constant 0 : i32
      %dma_start3A_35 = tpu.memref_slice %arg6[%arg0, %mul3A_7, %dma_start3A_34] : memref<2x10240x128xf32, #tpu.memory_space<hbm>> -> memref<1x640x128xf32, #tpu.memory_space<hbm>>
      %dma_start3A_36 = tpu.memref_squeeze %dma_start3A_35 : memref<1x640x128xf32, #tpu.memory_space<hbm>> -> memref<640x128xf32, #tpu.memory_space<hbm>>
      %dma_start3A_37 = arith.constant 0 : i32
      %dma_start3A_38 = tpu.memref_slice %arg7[%mul3A_7, %dma_start3A_37] : memref<10240x128xf32, #tpu.memory_space<vmem_shared>> -> memref<640x128xf32, #tpu.memory_space<vmem_shared>>
      tpu.enqueue_dma source(%dma_start3A_38 : memref<640x128xf32, #tpu.memory_space<vmem_shared>>) target(%dma_start3A_36 : memref<640x128xf32, #tpu.memory_space<hbm>>) target_semaphore(%run_scoped3A : memref<!tpu.dma_semaphore, #tpu.memory_space<semaphore_mem>>)
      %dma_wait3A_39 = arith.constant 0 : i32
      %dma_wait3A_40 = tpu.memref_slice %arg6[%arg0, %mul3A_7, %dma_wait3A_39] : memref<2x10240x128xf32, #tpu.memory_space<hbm>> -> memref<1x640x128xf32, #tpu.memory_space<hbm>>
      %dma_wait3A_41 = tpu.memref_squeeze %dma_wait3A_40 : memref<1x640x128xf32, #tpu.memory_space<hbm>> -> memref<640x128xf32, #tpu.memory_space<hbm>>
      %dma_wait3A_42 = arith.constant 0 : i32
      %dma_wait3A_43 = tpu.memref_slice %arg7[%mul3A_7, %dma_wait3A_42] : memref<10240x128xf32, #tpu.memory_space<vmem_shared>> -> memref<640x128xf32, #tpu.memory_space<vmem_shared>>
      tpu.wait_dma2 semaphore(%run_scoped3A : memref<!tpu.dma_semaphore, #tpu.memory_space<semaphore_mem>>) src(%dma_wait3A_43 : memref<640x128xf32, #tpu.memory_space<vmem_shared>>) dst(%dma_wait3A_41 : memref<640x128xf32, #tpu.memory_space<hbm>>)
      tpu.yield
    }) : () -> ()
    return
  }
}

#map = affine_map<(d0, d1) -> (0, 0)>
#map1 = affine_map<(d0, d1) -> (0)>
#map2 = affine_map<(d0, d1) -> (0, 0, 0)>
module attributes {stable_mosaic.version = 14 : i64} {
  func.func @_sc_aggregate_body(%arg0: i32, %arg1: i32, %arg2: memref<10000x128xf32, #tpu.memory_space<hbm>>, %arg3: memref<327680xi32, #tpu.memory_space<hbm>>, %arg4: memref<327680xi32, #tpu.memory_space<hbm>>, %arg5: memref<327680xf32, #tpu.memory_space<hbm>>, %arg6: memref<2x10240x128xf32, #tpu.memory_space<hbm>>, %arg7: memref<10240x128xf32, #tpu.memory_space<vmem_shared>>, %arg8: memref<128xi32, #tpu.memory_space<vmem>>, %arg9: memref<128xi32, #tpu.memory_space<vmem>>, %arg10: memref<128xi32, #tpu.memory_space<vmem>>, %arg11: memref<128xi32, #tpu.memory_space<vmem>>, %arg12: memref<144xf32, #tpu.memory_space<vmem>>, %arg13: memref<144xf32, #tpu.memory_space<vmem>>, %arg14: memref<128x128xf32, #tpu.memory_space<vmem>>, %arg15: memref<128x128xf32, #tpu.memory_space<vmem>>, %arg16: memref<!tpu.dma_semaphore, #tpu.memory_space<semaphore_mem>>, %arg17: memref<!tpu.dma_semaphore, #tpu.memory_space<semaphore_mem>>, %arg18: memref<!tpu.dma_semaphore, #tpu.memory_space<semaphore_mem>>, %arg19: memref<!tpu.dma_semaphore, #tpu.memory_space<semaphore_mem>>, %arg20: memref<!tpu.dma_semaphore, #tpu.memory_space<semaphore_mem>>, %arg21: memref<!tpu.dma_semaphore, #tpu.memory_space<semaphore_mem>>) attributes {dimension_semantics = [#tpu.dimension_semantics<core_parallel>, #tpu.dimension_semantics<subcore_parallel>], iteration_bounds = array<i64: 2, 16>, scalar_prefetch = 0 : i64, scratch_operands = 15 : i64, tpu.core_type = #tpu.core_type<sc_vector_subcore>, window_params = [{transform_indices = #map}, {transform_indices = #map1}, {transform_indices = #map1}, {transform_indices = #map1}, {transform_indices = #map2}]} {
    %mul3A = arith.constant 16 : i32
    %mul3A_0 = arith.muli %arg0, %mul3A : i32
    %add3A = arith.addi %mul3A_0, %arg1 : i32
    %scan3A = arith.constant 0 : i32
    %scan3A_1 = arith.constant 0 : i32
    %scan3A_2 = arith.constant 128 : i32
    %scan3A_3 = arith.addi %scan3A_1, %scan3A_2 : i32
    %scan3A_4 = arith.constant 1 : i32
    scf.for %scan3A_34 = %scan3A_1 to %scan3A_3 step %scan3A_4  : i32 {
      %broadcast_in_dim3A = arith.constant 0.000000e+00 : f32
      %broadcast_in_dim3A_35 = vector.broadcast %broadcast_in_dim3A : f32 to vector<16xf32>
      %swap3A = arith.index_cast %scan3A_34 : i32 to index
      %swap3A_36 = arith.constant 0 : index
      %swap3A_37 = tpu.vector_load %arg14[%swap3A, %swap3A_36] {strides = array<i32>} : memref<128x128xf32, #tpu.memory_space<vmem>>, vector<1x16xf32>,
      %swap3A_38 = vector.shape_cast %swap3A_37 : vector<1x16xf32> to vector<16xf32>
      %swap3A_39 = vector.shape_cast %broadcast_in_dim3A_35 : vector<16xf32> to vector<1x16xf32>
      tpu.vector_store %arg14[%swap3A, %swap3A_36], %swap3A_39 {strides = array<i32>} : memref<128x128xf32, #tpu.memory_space<vmem>>, vector<1x16xf32>,
      %swap3A_40 = arith.index_cast %scan3A_34 : i32 to index
      %swap3A_41 = arith.constant 16 : index
      %swap3A_42 = tpu.vector_load %arg14[%swap3A_40, %swap3A_41] {strides = array<i32>} : memref<128x128xf32, #tpu.memory_space<vmem>>, vector<1x16xf32>,
      %swap3A_43 = vector.shape_cast %swap3A_42 : vector<1x16xf32> to vector<16xf32>
      %swap3A_44 = vector.shape_cast %broadcast_in_dim3A_35 : vector<16xf32> to vector<1x16xf32>
      tpu.vector_store %arg14[%swap3A_40, %swap3A_41], %swap3A_44 {strides = array<i32>} : memref<128x128xf32, #tpu.memory_space<vmem>>, vector<1x16xf32>,
      %swap3A_45 = arith.index_cast %scan3A_34 : i32 to index
      %swap3A_46 = arith.constant 32 : index
      %swap3A_47 = tpu.vector_load %arg14[%swap3A_45, %swap3A_46] {strides = array<i32>} : memref<128x128xf32, #tpu.memory_space<vmem>>, vector<1x16xf32>,
      %swap3A_48 = vector.shape_cast %swap3A_47 : vector<1x16xf32> to vector<16xf32>
      %swap3A_49 = vector.shape_cast %broadcast_in_dim3A_35 : vector<16xf32> to vector<1x16xf32>
      tpu.vector_store %arg14[%swap3A_45, %swap3A_46], %swap3A_49 {strides = array<i32>} : memref<128x128xf32, #tpu.memory_space<vmem>>, vector<1x16xf32>,
      %swap3A_50 = arith.index_cast %scan3A_34 : i32 to index
      %swap3A_51 = arith.constant 48 : index
      %swap3A_52 = tpu.vector_load %arg14[%swap3A_50, %swap3A_51] {strides = array<i32>} : memref<128x128xf32, #tpu.memory_space<vmem>>, vector<1x16xf32>,
      %swap3A_53 = vector.shape_cast %swap3A_52 : vector<1x16xf32> to vector<16xf32>
      %swap3A_54 = vector.shape_cast %broadcast_in_dim3A_35 : vector<16xf32> to vector<1x16xf32>
      tpu.vector_store %arg14[%swap3A_50, %swap3A_51], %swap3A_54 {strides = array<i32>} : memref<128x128xf32, #tpu.memory_space<vmem>>, vector<1x16xf32>,
      %swap3A_55 = arith.index_cast %scan3A_34 : i32 to index
      %swap3A_56 = arith.constant 64 : index
      %swap3A_57 = tpu.vector_load %arg14[%swap3A_55, %swap3A_56] {strides = array<i32>} : memref<128x128xf32, #tpu.memory_space<vmem>>, vector<1x16xf32>,
      %swap3A_58 = vector.shape_cast %swap3A_57 : vector<1x16xf32> to vector<16xf32>
      %swap3A_59 = vector.shape_cast %broadcast_in_dim3A_35 : vector<16xf32> to vector<1x16xf32>
      tpu.vector_store %arg14[%swap3A_55, %swap3A_56], %swap3A_59 {strides = array<i32>} : memref<128x128xf32, #tpu.memory_space<vmem>>, vector<1x16xf32>,
      %swap3A_60 = arith.index_cast %scan3A_34 : i32 to index
      %swap3A_61 = arith.constant 80 : index
      %swap3A_62 = tpu.vector_load %arg14[%swap3A_60, %swap3A_61] {strides = array<i32>} : memref<128x128xf32, #tpu.memory_space<vmem>>, vector<1x16xf32>,
      %swap3A_63 = vector.shape_cast %swap3A_62 : vector<1x16xf32> to vector<16xf32>
      %swap3A_64 = vector.shape_cast %broadcast_in_dim3A_35 : vector<16xf32> to vector<1x16xf32>
      tpu.vector_store %arg14[%swap3A_60, %swap3A_61], %swap3A_64 {strides = array<i32>} : memref<128x128xf32, #tpu.memory_space<vmem>>, vector<1x16xf32>,
      %swap3A_65 = arith.index_cast %scan3A_34 : i32 to index
      %swap3A_66 = arith.constant 96 : index
      %swap3A_67 = tpu.vector_load %arg14[%swap3A_65, %swap3A_66] {strides = array<i32>} : memref<128x128xf32, #tpu.memory_space<vmem>>, vector<1x16xf32>,
      %swap3A_68 = vector.shape_cast %swap3A_67 : vector<1x16xf32> to vector<16xf32>
      %swap3A_69 = vector.shape_cast %broadcast_in_dim3A_35 : vector<16xf32> to vector<1x16xf32>
      tpu.vector_store %arg14[%swap3A_65, %swap3A_66], %swap3A_69 {strides = array<i32>} : memref<128x128xf32, #tpu.memory_space<vmem>>, vector<1x16xf32>,
      %swap3A_70 = arith.index_cast %scan3A_34 : i32 to index
      %swap3A_71 = arith.constant 112 : index
      %swap3A_72 = tpu.vector_load %arg14[%swap3A_70, %swap3A_71] {strides = array<i32>} : memref<128x128xf32, #tpu.memory_space<vmem>>, vector<1x16xf32>,
      %swap3A_73 = vector.shape_cast %swap3A_72 : vector<1x16xf32> to vector<16xf32>
      %swap3A_74 = vector.shape_cast %broadcast_in_dim3A_35 : vector<16xf32> to vector<1x16xf32>
      tpu.vector_store %arg14[%swap3A_70, %swap3A_71], %swap3A_74 {strides = array<i32>} : memref<128x128xf32, #tpu.memory_space<vmem>>, vector<1x16xf32>,
    }
    %scan3A_5 = arith.constant 128 : i32
    %mul3A_6 = arith.constant 640 : i32
    %mul3A_7 = arith.muli %arg1, %mul3A_6 : i32
    %add3A_8 = arith.constant 0 : i32
    %add3A_9 = arith.addi %mul3A_7, %add3A_8 : i32
    "tpu.region"() ({
      %run_scoped3A = tpu.sem_alloc : memref<!tpu.dma_semaphore, #tpu.memory_space<semaphore_mem>>
      %dma_start3A_34 = arith.constant 0 : i32
      %dma_start3A_35 = tpu.memref_slice %arg7[%add3A_9, %dma_start3A_34] : memref<10240x128xf32, #tpu.memory_space<vmem_shared>> -> memref<128x128xf32, #tpu.memory_space<vmem_shared>>
      %dma_start3A_36 = arith.constant 0 : i32
      %dma_start3A_37 = tpu.memref_slice %arg7[%add3A_9, %dma_start3A_36] : memref<10240x128xf32, #tpu.memory_space<vmem_shared>> -> memref<128x128xf32, #tpu.memory_space<vmem_shared>>
      tpu.enqueue_dma source(%arg14 : memref<128x128xf32, #tpu.memory_space<vmem>>) target(%dma_start3A_37 : memref<128x128xf32, #tpu.memory_space<vmem_shared>>) target_semaphore(%run_scoped3A : memref<!tpu.dma_semaphore, #tpu.memory_space<semaphore_mem>>)
      %dma_wait3A_38 = arith.constant 0 : i32
      %dma_wait3A_39 = tpu.memref_slice %arg7[%add3A_9, %dma_wait3A_38] : memref<10240x128xf32, #tpu.memory_space<vmem_shared>> -> memref<128x128xf32, #tpu.memory_space<vmem_shared>>
      %dma_wait3A_40 = arith.constant 0 : i32
      %dma_wait3A_41 = tpu.memref_slice %arg7[%add3A_9, %dma_wait3A_40] : memref<10240x128xf32, #tpu.memory_space<vmem_shared>> -> memref<128x128xf32, #tpu.memory_space<vmem_shared>>
      tpu.wait_dma2 semaphore(%run_scoped3A : memref<!tpu.dma_semaphore, #tpu.memory_space<semaphore_mem>>) src(%arg14 : memref<128x128xf32, #tpu.memory_space<vmem>>) dst(%dma_wait3A_41 : memref<128x128xf32, #tpu.memory_space<vmem_shared>>)
      tpu.yield
    }) : () -> ()
    %add3A_10 = arith.constant 128 : i32
    %add3A_11 = arith.addi %mul3A_7, %add3A_10 : i32
    "tpu.region"() ({
      %run_scoped3A = tpu.sem_alloc : memref<!tpu.dma_semaphore, #tpu.memory_space<semaphore_mem>>
      %dma_start3A_34 = arith.constant 0 : i32
      %dma_start3A_35 = tpu.memref_slice %arg7[%add3A_11, %dma_start3A_34] : memref<10240x128xf32, #tpu.memory_space<vmem_shared>> -> memref<128x128xf32, #tpu.memory_space<vmem_shared>>
      %dma_start3A_36 = arith.constant 0 : i32
      %dma_start3A_37 = tpu.memref_slice %arg7[%add3A_11, %dma_start3A_36] : memref<10240x128xf32, #tpu.memory_space<vmem_shared>> -> memref<128x128xf32, #tpu.memory_space<vmem_shared>>
      tpu.enqueue_dma source(%arg14 : memref<128x128xf32, #tpu.memory_space<vmem>>) target(%dma_start3A_37 : memref<128x128xf32, #tpu.memory_space<vmem_shared>>) target_semaphore(%run_scoped3A : memref<!tpu.dma_semaphore, #tpu.memory_space<semaphore_mem>>)
      %dma_wait3A_38 = arith.constant 0 : i32
      %dma_wait3A_39 = tpu.memref_slice %arg7[%add3A_11, %dma_wait3A_38] : memref<10240x128xf32, #tpu.memory_space<vmem_shared>> -> memref<128x128xf32, #tpu.memory_space<vmem_shared>>
      %dma_wait3A_40 = arith.constant 0 : i32
      %dma_wait3A_41 = tpu.memref_slice %arg7[%add3A_11, %dma_wait3A_40] : memref<10240x128xf32, #tpu.memory_space<vmem_shared>> -> memref<128x128xf32, #tpu.memory_space<vmem_shared>>
      tpu.wait_dma2 semaphore(%run_scoped3A : memref<!tpu.dma_semaphore, #tpu.memory_space<semaphore_mem>>) src(%arg14 : memref<128x128xf32, #tpu.memory_space<vmem>>) dst(%dma_wait3A_41 : memref<128x128xf32, #tpu.memory_space<vmem_shared>>)
      tpu.yield
    }) : () -> ()
    %add3A_12 = arith.constant 256 : i32
    %add3A_13 = arith.addi %mul3A_7, %add3A_12 : i32
    "tpu.region"() ({
      %run_scoped3A = tpu.sem_alloc : memref<!tpu.dma_semaphore, #tpu.memory_space<semaphore_mem>>
      %dma_start3A_34 = arith.constant 0 : i32
      %dma_start3A_35 = tpu.memref_slice %arg7[%add3A_13, %dma_start3A_34] : memref<10240x128xf32, #tpu.memory_space<vmem_shared>> -> memref<128x128xf32, #tpu.memory_space<vmem_shared>>
      %dma_start3A_36 = arith.constant 0 : i32
      %dma_start3A_37 = tpu.memref_slice %arg7[%add3A_13, %dma_start3A_36] : memref<10240x128xf32, #tpu.memory_space<vmem_shared>> -> memref<128x128xf32, #tpu.memory_space<vmem_shared>>
      tpu.enqueue_dma source(%arg14 : memref<128x128xf32, #tpu.memory_space<vmem>>) target(%dma_start3A_37 : memref<128x128xf32, #tpu.memory_space<vmem_shared>>) target_semaphore(%run_scoped3A : memref<!tpu.dma_semaphore, #tpu.memory_space<semaphore_mem>>)
      %dma_wait3A_38 = arith.constant 0 : i32
      %dma_wait3A_39 = tpu.memref_slice %arg7[%add3A_13, %dma_wait3A_38] : memref<10240x128xf32, #tpu.memory_space<vmem_shared>> -> memref<128x128xf32, #tpu.memory_space<vmem_shared>>
      %dma_wait3A_40 = arith.constant 0 : i32
      %dma_wait3A_41 = tpu.memref_slice %arg7[%add3A_13, %dma_wait3A_40] : memref<10240x128xf32, #tpu.memory_space<vmem_shared>> -> memref<128x128xf32, #tpu.memory_space<vmem_shared>>
      tpu.wait_dma2 semaphore(%run_scoped3A : memref<!tpu.dma_semaphore, #tpu.memory_space<semaphore_mem>>) src(%arg14 : memref<128x128xf32, #tpu.memory_space<vmem>>) dst(%dma_wait3A_41 : memref<128x128xf32, #tpu.memory_space<vmem_shared>>)
      tpu.yield
    }) : () -> ()
    %add3A_14 = arith.constant 384 : i32
    %add3A_15 = arith.addi %mul3A_7, %add3A_14 : i32
    "tpu.region"() ({
      %run_scoped3A = tpu.sem_alloc : memref<!tpu.dma_semaphore, #tpu.memory_space<semaphore_mem>>
      %dma_start3A_34 = arith.constant 0 : i32
      %dma_start3A_35 = tpu.memref_slice %arg7[%add3A_15, %dma_start3A_34] : memref<10240x128xf32, #tpu.memory_space<vmem_shared>> -> memref<128x128xf32, #tpu.memory_space<vmem_shared>>
      %dma_start3A_36 = arith.constant 0 : i32
      %dma_start3A_37 = tpu.memref_slice %arg7[%add3A_15, %dma_start3A_36] : memref<10240x128xf32, #tpu.memory_space<vmem_shared>> -> memref<128x128xf32, #tpu.memory_space<vmem_shared>>
      tpu.enqueue_dma source(%arg14 : memref<128x128xf32, #tpu.memory_space<vmem>>) target(%dma_start3A_37 : memref<128x128xf32, #tpu.memory_space<vmem_shared>>) target_semaphore(%run_scoped3A : memref<!tpu.dma_semaphore, #tpu.memory_space<semaphore_mem>>)
      %dma_wait3A_38 = arith.constant 0 : i32
      %dma_wait3A_39 = tpu.memref_slice %arg7[%add3A_15, %dma_wait3A_38] : memref<10240x128xf32, #tpu.memory_space<vmem_shared>> -> memref<128x128xf32, #tpu.memory_space<vmem_shared>>
      %dma_wait3A_40 = arith.constant 0 : i32
      %dma_wait3A_41 = tpu.memref_slice %arg7[%add3A_15, %dma_wait3A_40] : memref<10240x128xf32, #tpu.memory_space<vmem_shared>> -> memref<128x128xf32, #tpu.memory_space<vmem_shared>>
      tpu.wait_dma2 semaphore(%run_scoped3A : memref<!tpu.dma_semaphore, #tpu.memory_space<semaphore_mem>>) src(%arg14 : memref<128x128xf32, #tpu.memory_space<vmem>>) dst(%dma_wait3A_41 : memref<128x128xf32, #tpu.memory_space<vmem_shared>>)
      tpu.yield
    }) : () -> ()
    %add3A_16 = arith.constant 512 : i32
    %add3A_17 = arith.addi %mul3A_7, %add3A_16 : i32
    "tpu.region"() ({
      %run_scoped3A = tpu.sem_alloc : memref<!tpu.dma_semaphore, #tpu.memory_space<semaphore_mem>>
      %dma_start3A_34 = arith.constant 0 : i32
      %dma_start3A_35 = tpu.memref_slice %arg7[%add3A_17, %dma_start3A_34] : memref<10240x128xf32, #tpu.memory_space<vmem_shared>> -> memref<128x128xf32, #tpu.memory_space<vmem_shared>>
      %dma_start3A_36 = arith.constant 0 : i32
      %dma_start3A_37 = tpu.memref_slice %arg7[%add3A_17, %dma_start3A_36] : memref<10240x128xf32, #tpu.memory_space<vmem_shared>> -> memref<128x128xf32, #tpu.memory_space<vmem_shared>>
      tpu.enqueue_dma source(%arg14 : memref<128x128xf32, #tpu.memory_space<vmem>>) target(%dma_start3A_37 : memref<128x128xf32, #tpu.memory_space<vmem_shared>>) target_semaphore(%run_scoped3A : memref<!tpu.dma_semaphore, #tpu.memory_space<semaphore_mem>>)
      %dma_wait3A_38 = arith.constant 0 : i32
      %dma_wait3A_39 = tpu.memref_slice %arg7[%add3A_17, %dma_wait3A_38] : memref<10240x128xf32, #tpu.memory_space<vmem_shared>> -> memref<128x128xf32, #tpu.memory_space<vmem_shared>>
      %dma_wait3A_40 = arith.constant 0 : i32
      %dma_wait3A_41 = tpu.memref_slice %arg7[%add3A_17, %dma_wait3A_40] : memref<10240x128xf32, #tpu.memory_space<vmem_shared>> -> memref<128x128xf32, #tpu.memory_space<vmem_shared>>
      tpu.wait_dma2 semaphore(%run_scoped3A : memref<!tpu.dma_semaphore, #tpu.memory_space<semaphore_mem>>) src(%arg14 : memref<128x128xf32, #tpu.memory_space<vmem>>) dst(%dma_wait3A_41 : memref<128x128xf32, #tpu.memory_space<vmem_shared>>)
      tpu.yield
    }) : () -> ()
    %barrier3A = arith.constant 0 : index
    tpu.barrier barrier_id(%barrier3A)
    %mul3A_18 = arith.constant 10240 : i32
    %mul3A_19 = arith.muli %add3A, %mul3A_18 : i32
    "tpu.region"() ({
      %run_scoped3A = tpu.sem_alloc : memref<!tpu.dma_semaphore, #tpu.memory_space<semaphore_mem>>
      %dma_start3A_34 = tpu.memref_slice %arg3[%mul3A_19] : memref<327680xi32, #tpu.memory_space<hbm>> -> memref<128xi32, #tpu.memory_space<hbm>>
      %dma_start3A_35 = tpu.memref_slice %arg3[%mul3A_19] : memref<327680xi32, #tpu.memory_space<hbm>> -> memref<128xi32, #tpu.memory_space<hbm>>
      tpu.enqueue_dma source(%dma_start3A_35 : memref<128xi32, #tpu.memory_space<hbm>>) target(%arg8 : memref<128xi32, #tpu.memory_space<vmem>>) target_semaphore(%run_scoped3A : memref<!tpu.dma_semaphore, #tpu.memory_space<semaphore_mem>>)
      %dma_wait3A_36 = tpu.memref_slice %arg3[%mul3A_19] : memref<327680xi32, #tpu.memory_space<hbm>> -> memref<128xi32, #tpu.memory_space<hbm>>
      %dma_wait3A_37 = tpu.memref_slice %arg3[%mul3A_19] : memref<327680xi32, #tpu.memory_space<hbm>> -> memref<128xi32, #tpu.memory_space<hbm>>
      tpu.wait_dma2 semaphore(%run_scoped3A : memref<!tpu.dma_semaphore, #tpu.memory_space<semaphore_mem>>) src(%dma_wait3A_37 : memref<128xi32, #tpu.memory_space<hbm>>) dst(%arg8 : memref<128xi32, #tpu.memory_space<vmem>>)
      tpu.yield
    }) : () -> ()
    "tpu.region"() ({
      %run_scoped3A = tpu.sem_alloc : memref<!tpu.dma_semaphore, #tpu.memory_space<semaphore_mem>>
      %dma_start3A_34 = tpu.memref_slice %arg4[%mul3A_19] : memref<327680xi32, #tpu.memory_space<hbm>> -> memref<128xi32, #tpu.memory_space<hbm>>
      %dma_start3A_35 = tpu.memref_slice %arg4[%mul3A_19] : memref<327680xi32, #tpu.memory_space<hbm>> -> memref<128xi32, #tpu.memory_space<hbm>>
      tpu.enqueue_dma source(%dma_start3A_35 : memref<128xi32, #tpu.memory_space<hbm>>) target(%arg10 : memref<128xi32, #tpu.memory_space<vmem>>) target_semaphore(%run_scoped3A : memref<!tpu.dma_semaphore, #tpu.memory_space<semaphore_mem>>)
      %dma_wait3A_36 = tpu.memref_slice %arg4[%mul3A_19] : memref<327680xi32, #tpu.memory_space<hbm>> -> memref<128xi32, #tpu.memory_space<hbm>>
      %dma_wait3A_37 = tpu.memref_slice %arg4[%mul3A_19] : memref<327680xi32, #tpu.memory_space<hbm>> -> memref<128xi32, #tpu.memory_space<hbm>>
      tpu.wait_dma2 semaphore(%run_scoped3A : memref<!tpu.dma_semaphore, #tpu.memory_space<semaphore_mem>>) src(%dma_wait3A_37 : memref<128xi32, #tpu.memory_space<hbm>>) dst(%arg10 : memref<128xi32, #tpu.memory_space<vmem>>)
      tpu.yield
    }) : () -> ()
    "tpu.region"() ({
      %run_scoped3A = tpu.sem_alloc : memref<!tpu.dma_semaphore, #tpu.memory_space<semaphore_mem>>
      %dma_start3A_34 = arith.constant 0 : i32
      %dma_start3A_35 = tpu.memref_slice %arg12[%dma_start3A_34] : memref<144xf32, #tpu.memory_space<vmem>> -> memref<128xf32, #tpu.memory_space<vmem>>
      %dma_start3A_36 = tpu.memref_slice %arg5[%mul3A_19] : memref<327680xf32, #tpu.memory_space<hbm>> -> memref<128xf32, #tpu.memory_space<hbm>>
      %dma_start3A_37 = arith.constant 0 : i32
      %dma_start3A_38 = tpu.memref_slice %arg12[%dma_start3A_37] : memref<144xf32, #tpu.memory_space<vmem>> -> memref<128xf32, #tpu.memory_space<vmem>>
      %dma_start3A_39 = tpu.memref_slice %arg5[%mul3A_19] : memref<327680xf32, #tpu.memory_space<hbm>> -> memref<128xf32, #tpu.memory_space<hbm>>
      tpu.enqueue_dma source(%dma_start3A_39 : memref<128xf32, #tpu.memory_space<hbm>>) target(%dma_start3A_38 : memref<128xf32, #tpu.memory_space<vmem>>) target_semaphore(%run_scoped3A : memref<!tpu.dma_semaphore, #tpu.memory_space<semaphore_mem>>)
      %dma_wait3A_40 = arith.constant 0 : i32
      %dma_wait3A_41 = tpu.memref_slice %arg12[%dma_wait3A_40] : memref<144xf32, #tpu.memory_space<vmem>> -> memref<128xf32, #tpu.memory_space<vmem>>
      %dma_wait3A_42 = tpu.memref_slice %arg5[%mul3A_19] : memref<327680xf32, #tpu.memory_space<hbm>> -> memref<128xf32, #tpu.memory_space<hbm>>
      %dma_wait3A_43 = arith.constant 0 : i32
      %dma_wait3A_44 = tpu.memref_slice %arg12[%dma_wait3A_43] : memref<144xf32, #tpu.memory_space<vmem>> -> memref<128xf32, #tpu.memory_space<vmem>>
      %dma_wait3A_45 = tpu.memref_slice %arg5[%mul3A_19] : memref<327680xf32, #tpu.memory_space<hbm>> -> memref<128xf32, #tpu.memory_space<hbm>>
      tpu.wait_dma2 semaphore(%run_scoped3A : memref<!tpu.dma_semaphore, #tpu.memory_space<semaphore_mem>>) src(%dma_wait3A_45 : memref<128xf32, #tpu.memory_space<hbm>>) dst(%dma_wait3A_44 : memref<128xf32, #tpu.memory_space<vmem>>)
      tpu.yield
    }) : () -> ()
    %dma_start3A = arith.constant 0 : i32
    %dma_start3A_20 = arith.constant 0 : i32
    %dma_start3A_21 = tpu.memref_slice %arg2[%dma_start3A, %dma_start3A_20] : memref<10000x128xf32, #tpu.memory_space<hbm>> -> memref<10000x128xf32, #tpu.memory_space<hbm>>
    tpu.enqueue_indirect_dma source(%dma_start3A_21 : memref<10000x128xf32, #tpu.memory_space<hbm>>) target(%arg14 : memref<128x128xf32, #tpu.memory_space<vmem>>) offsets(%arg8 : memref<128xi32, #tpu.memory_space<vmem>>) semaphore(%arg16 : memref<!tpu.dma_semaphore, #tpu.memory_space<semaphore_mem>>)
    %scan3A_22 = arith.constant 0 : i32
    %scan3A_23 = arith.constant 0 : i32
    %scan3A_24 = arith.constant 40 : i32
    %scan3A_25 = arith.addi %scan3A_23, %scan3A_24 : i32
    %scan3A_26 = arith.constant 1 : i32
    scf.for %scan3A_34 = %scan3A_23 to %scan3A_25 step %scan3A_26  : i32 {
      %mul3A_35 = arith.constant 2 : i32
      %mul3A_36 = arith.muli %scan3A_34, %mul3A_35 : i32
      %add3A_37 = arith.constant 0 : i32
      %add3A_38 = arith.addi %mul3A_36, %add3A_37 : i32
      %add3A_39 = arith.constant 1 : i32
      %add3A_40 = arith.addi %add3A_38, %add3A_39 : i32
      %mul3A_41 = arith.constant 128 : i32
      %mul3A_42 = arith.muli %add3A_40, %mul3A_41 : i32
      %add3A_43 = arith.addi %mul3A_19, %mul3A_42 : i32
      %add3A_44 = arith.constant 1 : i32
      %add3A_45 = arith.addi %add3A_38, %add3A_44 : i32
      %lt3A = arith.constant 80 : i32
      %lt3A_46 = arith.cmpi slt, %add3A_45, %lt3A : i32
      %convert_element_type3A = arith.extui %lt3A_46 : i1 to i32
      %cond3A = arith.constant 0 : i32
      %cond3A_47 = arith.cmpi ne, %convert_element_type3A, %cond3A : i32
      scf.if %cond3A_47 {
        %dma_start3A_94 = tpu.memref_slice %arg3[%add3A_43] : memref<327680xi32, #tpu.memory_space<hbm>> -> memref<128xi32, #tpu.memory_space<hbm>>
        %dma_start3A_95 = tpu.memref_slice %arg3[%add3A_43] : memref<327680xi32, #tpu.memory_space<hbm>> -> memref<128xi32, #tpu.memory_space<hbm>>
        tpu.enqueue_dma source(%dma_start3A_95 : memref<128xi32, #tpu.memory_space<hbm>>) target(%arg9 : memref<128xi32, #tpu.memory_space<vmem>>) target_semaphore(%arg21 : memref<!tpu.dma_semaphore, #tpu.memory_space<semaphore_mem>>)
        %dma_start3A_96 = tpu.memref_slice %arg4[%add3A_43] : memref<327680xi32, #tpu.memory_space<hbm>> -> memref<128xi32, #tpu.memory_space<hbm>>
        %dma_start3A_97 = tpu.memref_slice %arg4[%add3A_43] : memref<327680xi32, #tpu.memory_space<hbm>> -> memref<128xi32, #tpu.memory_space<hbm>>
        tpu.enqueue_dma source(%dma_start3A_97 : memref<128xi32, #tpu.memory_space<hbm>>) target(%arg11 : memref<128xi32, #tpu.memory_space<vmem>>) target_semaphore(%arg21 : memref<!tpu.dma_semaphore, #tpu.memory_space<semaphore_mem>>)
        %dma_start3A_98 = arith.constant 0 : i32
        %dma_start3A_99 = tpu.memref_slice %arg13[%dma_start3A_98] : memref<144xf32, #tpu.memory_space<vmem>> -> memref<128xf32, #tpu.memory_space<vmem>>
        %dma_start3A_100 = tpu.memref_slice %arg5[%add3A_43] : memref<327680xf32, #tpu.memory_space<hbm>> -> memref<128xf32, #tpu.memory_space<hbm>>
        %dma_start3A_101 = arith.constant 0 : i32
        %dma_start3A_102 = tpu.memref_slice %arg13[%dma_start3A_101] : memref<144xf32, #tpu.memory_space<vmem>> -> memref<128xf32, #tpu.memory_space<vmem>>
        %dma_start3A_103 = tpu.memref_slice %arg5[%add3A_43] : memref<327680xf32, #tpu.memory_space<hbm>> -> memref<128xf32, #tpu.memory_space<hbm>>
        tpu.enqueue_dma source(%dma_start3A_103 : memref<128xf32, #tpu.memory_space<hbm>>) target(%dma_start3A_102 : memref<128xf32, #tpu.memory_space<vmem>>) target_semaphore(%arg21 : memref<!tpu.dma_semaphore, #tpu.memory_space<semaphore_mem>>)
      } else {
      }
      %dma_wait3A_48 = arith.constant 0 : i32
      %dma_wait3A_49 = arith.constant 0 : i32
      %dma_wait3A_50 = tpu.memref_slice %arg2[%dma_wait3A_48, %dma_wait3A_49] : memref<10000x128xf32, #tpu.memory_space<hbm>> -> memref<10000x128xf32, #tpu.memory_space<hbm>>
      tpu.wait_indirect_dma semaphore(%arg16 : memref<!tpu.dma_semaphore, #tpu.memory_space<semaphore_mem>>) src(%dma_wait3A_50 : memref<10000x128xf32, #tpu.memory_space<hbm>>) dst(%arg14 : memref<128x128xf32, #tpu.memory_space<vmem>>)
      %scan3A_51 = arith.constant 0 : i32
      %scan3A_52 = arith.constant 0 : i32
      %scan3A_53 = arith.constant 128 : i32
      %scan3A_54 = arith.addi %scan3A_52, %scan3A_53 : i32
      %scan3A_55 = arith.constant 2 : i32
      scf.for %scan3A_94 = %scan3A_52 to %scan3A_54 step %scan3A_55  : i32 {
        %get3A = arith.index_cast %scan3A_94 : i32 to index
        %get3A_95 = tpu.vector_load %arg12[%get3A] {strides = array<i32>} : memref<144xf32, #tpu.memory_space<vmem>>, vector<16xf32>,
        %get3A_96 = vector.shape_cast %get3A_95 : vector<16xf32> to vector<16xf32>
        %slice3A = vector.extract_strided_slice %get3A_96 {offsets = [0], sizes = [1], strides = [1]} : vector<16xf32> to vector<1xf32>
        %squeeze3A = vector.extract %slice3A[0] : f32 from vector<1xf32>
        %get3A_97 = arith.index_cast %scan3A_94 : i32 to index
        %get3A_98 = arith.constant 0 : index
        %get3A_99 = tpu.vector_load %arg14[%get3A_97, %get3A_98] {strides = array<i32>} : memref<128x128xf32, #tpu.memory_space<vmem>>, vector<1x16xf32>,
        %get3A_100 = vector.shape_cast %get3A_99 : vector<1x16xf32> to vector<16xf32>
        %mul3A_101 = vector.broadcast %squeeze3A : f32 to vector<16xf32>
        %mul3A_102 = arith.mulf %get3A_100, %mul3A_101 : vector<16xf32>
        %swap3A = arith.index_cast %scan3A_94 : i32 to index
        %swap3A_103 = arith.constant 0 : index
        %swap3A_104 = tpu.vector_load %arg14[%swap3A, %swap3A_103] {strides = array<i32>} : memref<128x128xf32, #tpu.memory_space<vmem>>, vector<1x16xf32>,
        %swap3A_105 = vector.shape_cast %swap3A_104 : vector<1x16xf32> to vector<16xf32>
        %swap3A_106 = vector.shape_cast %mul3A_102 : vector<16xf32> to vector<1x16xf32>
        tpu.vector_store %arg14[%swap3A, %swap3A_103], %swap3A_106 {strides = array<i32>} : memref<128x128xf32, #tpu.memory_space<vmem>>, vector<1x16xf32>,
        %get3A_107 = arith.index_cast %scan3A_94 : i32 to index
        %get3A_108 = arith.constant 16 : index
        %get3A_109 = tpu.vector_load %arg14[%get3A_107, %get3A_108] {strides = array<i32>} : memref<128x128xf32, #tpu.memory_space<vmem>>, vector<1x16xf32>,
        %get3A_110 = vector.shape_cast %get3A_109 : vector<1x16xf32> to vector<16xf32>
        %mul3A_111 = vector.broadcast %squeeze3A : f32 to vector<16xf32>
        %mul3A_112 = arith.mulf %get3A_110, %mul3A_111 : vector<16xf32>
        %swap3A_113 = arith.index_cast %scan3A_94 : i32 to index
        %swap3A_114 = arith.constant 16 : index
        %swap3A_115 = tpu.vector_load %arg14[%swap3A_113, %swap3A_114] {strides = array<i32>} : memref<128x128xf32, #tpu.memory_space<vmem>>, vector<1x16xf32>,
        %swap3A_116 = vector.shape_cast %swap3A_115 : vector<1x16xf32> to vector<16xf32>
        %swap3A_117 = vector.shape_cast %mul3A_112 : vector<16xf32> to vector<1x16xf32>
        tpu.vector_store %arg14[%swap3A_113, %swap3A_114], %swap3A_117 {strides = array<i32>} : memref<128x128xf32, #tpu.memory_space<vmem>>, vector<1x16xf32>,
        %get3A_118 = arith.index_cast %scan3A_94 : i32 to index
        %get3A_119 = arith.constant 32 : index
        %get3A_120 = tpu.vector_load %arg14[%get3A_118, %get3A_119] {strides = array<i32>} : memref<128x128xf32, #tpu.memory_space<vmem>>, vector<1x16xf32>,
        %get3A_121 = vector.shape_cast %get3A_120 : vector<1x16xf32> to vector<16xf32>
        %mul3A_122 = vector.broadcast %squeeze3A : f32 to vector<16xf32>
        %mul3A_123 = arith.mulf %get3A_121, %mul3A_122 : vector<16xf32>
        %swap3A_124 = arith.index_cast %scan3A_94 : i32 to index
        %swap3A_125 = arith.constant 32 : index
        %swap3A_126 = tpu.vector_load %arg14[%swap3A_124, %swap3A_125] {strides = array<i32>} : memref<128x128xf32, #tpu.memory_space<vmem>>, vector<1x16xf32>,
        %swap3A_127 = vector.shape_cast %swap3A_126 : vector<1x16xf32> to vector<16xf32>
        %swap3A_128 = vector.shape_cast %mul3A_123 : vector<16xf32> to vector<1x16xf32>
        tpu.vector_store %arg14[%swap3A_124, %swap3A_125], %swap3A_128 {strides = array<i32>} : memref<128x128xf32, #tpu.memory_space<vmem>>, vector<1x16xf32>,
        %get3A_129 = arith.index_cast %scan3A_94 : i32 to index
        %get3A_130 = arith.constant 48 : index
        %get3A_131 = tpu.vector_load %arg14[%get3A_129, %get3A_130] {strides = array<i32>} : memref<128x128xf32, #tpu.memory_space<vmem>>, vector<1x16xf32>,
        %get3A_132 = vector.shape_cast %get3A_131 : vector<1x16xf32> to vector<16xf32>
        %mul3A_133 = vector.broadcast %squeeze3A : f32 to vector<16xf32>
        %mul3A_134 = arith.mulf %get3A_132, %mul3A_133 : vector<16xf32>
        %swap3A_135 = arith.index_cast %scan3A_94 : i32 to index
        %swap3A_136 = arith.constant 48 : index
        %swap3A_137 = tpu.vector_load %arg14[%swap3A_135, %swap3A_136] {strides = array<i32>} : memref<128x128xf32, #tpu.memory_space<vmem>>, vector<1x16xf32>,
        %swap3A_138 = vector.shape_cast %swap3A_137 : vector<1x16xf32> to vector<16xf32>
        %swap3A_139 = vector.shape_cast %mul3A_134 : vector<16xf32> to vector<1x16xf32>
        tpu.vector_store %arg14[%swap3A_135, %swap3A_136], %swap3A_139 {strides = array<i32>} : memref<128x128xf32, #tpu.memory_space<vmem>>, vector<1x16xf32>,
        %get3A_140 = arith.index_cast %scan3A_94 : i32 to index
        %get3A_141 = arith.constant 64 : index
        %get3A_142 = tpu.vector_load %arg14[%get3A_140, %get3A_141] {strides = array<i32>} : memref<128x128xf32, #tpu.memory_space<vmem>>, vector<1x16xf32>,
        %get3A_143 = vector.shape_cast %get3A_142 : vector<1x16xf32> to vector<16xf32>
        %mul3A_144 = vector.broadcast %squeeze3A : f32 to vector<16xf32>
        %mul3A_145 = arith.mulf %get3A_143, %mul3A_144 : vector<16xf32>
        %swap3A_146 = arith.index_cast %scan3A_94 : i32 to index
        %swap3A_147 = arith.constant 64 : index
        %swap3A_148 = tpu.vector_load %arg14[%swap3A_146, %swap3A_147] {strides = array<i32>} : memref<128x128xf32, #tpu.memory_space<vmem>>, vector<1x16xf32>,
        %swap3A_149 = vector.shape_cast %swap3A_148 : vector<1x16xf32> to vector<16xf32>
        %swap3A_150 = vector.shape_cast %mul3A_145 : vector<16xf32> to vector<1x16xf32>
        tpu.vector_store %arg14[%swap3A_146, %swap3A_147], %swap3A_150 {strides = array<i32>} : memref<128x128xf32, #tpu.memory_space<vmem>>, vector<1x16xf32>,
        %get3A_151 = arith.index_cast %scan3A_94 : i32 to index
        %get3A_152 = arith.constant 80 : index
        %get3A_153 = tpu.vector_load %arg14[%get3A_151, %get3A_152] {strides = array<i32>} : memref<128x128xf32, #tpu.memory_space<vmem>>, vector<1x16xf32>,
        %get3A_154 = vector.shape_cast %get3A_153 : vector<1x16xf32> to vector<16xf32>
        %mul3A_155 = vector.broadcast %squeeze3A : f32 to vector<16xf32>
        %mul3A_156 = arith.mulf %get3A_154, %mul3A_155 : vector<16xf32>
        %swap3A_157 = arith.index_cast %scan3A_94 : i32 to index
        %swap3A_158 = arith.constant 80 : index
        %swap3A_159 = tpu.vector_load %arg14[%swap3A_157, %swap3A_158] {strides = array<i32>} : memref<128x128xf32, #tpu.memory_space<vmem>>, vector<1x16xf32>,
        %swap3A_160 = vector.shape_cast %swap3A_159 : vector<1x16xf32> to vector<16xf32>
        %swap3A_161 = vector.shape_cast %mul3A_156 : vector<16xf32> to vector<1x16xf32>
        tpu.vector_store %arg14[%swap3A_157, %swap3A_158], %swap3A_161 {strides = array<i32>} : memref<128x128xf32, #tpu.memory_space<vmem>>, vector<1x16xf32>,
        %get3A_162 = arith.index_cast %scan3A_94 : i32 to index
        %get3A_163 = arith.constant 96 : index
        %get3A_164 = tpu.vector_load %arg14[%get3A_162, %get3A_163] {strides = array<i32>} : memref<128x128xf32, #tpu.memory_space<vmem>>, vector<1x16xf32>,
        %get3A_165 = vector.shape_cast %get3A_164 : vector<1x16xf32> to vector<16xf32>
        %mul3A_166 = vector.broadcast %squeeze3A : f32 to vector<16xf32>
        %mul3A_167 = arith.mulf %get3A_165, %mul3A_166 : vector<16xf32>
        %swap3A_168 = arith.index_cast %scan3A_94 : i32 to index
        %swap3A_169 = arith.constant 96 : index
        %swap3A_170 = tpu.vector_load %arg14[%swap3A_168, %swap3A_169] {strides = array<i32>} : memref<128x128xf32, #tpu.memory_space<vmem>>, vector<1x16xf32>,
        %swap3A_171 = vector.shape_cast %swap3A_170 : vector<1x16xf32> to vector<16xf32>
        %swap3A_172 = vector.shape_cast %mul3A_167 : vector<16xf32> to vector<1x16xf32>
        tpu.vector_store %arg14[%swap3A_168, %swap3A_169], %swap3A_172 {strides = array<i32>} : memref<128x128xf32, #tpu.memory_space<vmem>>, vector<1x16xf32>,
        %get3A_173 = arith.index_cast %scan3A_94 : i32 to index
        %get3A_174 = arith.constant 112 : index
        %get3A_175 = tpu.vector_load %arg14[%get3A_173, %get3A_174] {strides = array<i32>} : memref<128x128xf32, #tpu.memory_space<vmem>>, vector<1x16xf32>,
        %get3A_176 = vector.shape_cast %get3A_175 : vector<1x16xf32> to vector<16xf32>
        %mul3A_177 = vector.broadcast %squeeze3A : f32 to vector<16xf32>
        %mul3A_178 = arith.mulf %get3A_176, %mul3A_177 : vector<16xf32>
        %swap3A_179 = arith.index_cast %scan3A_94 : i32 to index
        %swap3A_180 = arith.constant 112 : index
        %swap3A_181 = tpu.vector_load %arg14[%swap3A_179, %swap3A_180] {strides = array<i32>} : memref<128x128xf32, #tpu.memory_space<vmem>>, vector<1x16xf32>,
        %swap3A_182 = vector.shape_cast %swap3A_181 : vector<1x16xf32> to vector<16xf32>
        %swap3A_183 = vector.shape_cast %mul3A_178 : vector<16xf32> to vector<1x16xf32>
        tpu.vector_store %arg14[%swap3A_179, %swap3A_180], %swap3A_183 {strides = array<i32>} : memref<128x128xf32, #tpu.memory_space<vmem>>, vector<1x16xf32>,
        %scan3A_184 = arith.constant 1 : i32
        %scan3A_185 = arith.addi %scan3A_94, %scan3A_184 : i32
        %get3A_186 = arith.index_cast %scan3A_185 : i32 to index
        %get3A_187 = tpu.vector_load %arg12[%get3A_186] {strides = array<i32>} : memref<144xf32, #tpu.memory_space<vmem>>, vector<16xf32>,
        %get3A_188 = vector.shape_cast %get3A_187 : vector<16xf32> to vector<16xf32>
        %slice3A_189 = vector.extract_strided_slice %get3A_188 {offsets = [0], sizes = [1], strides = [1]} : vector<16xf32> to vector<1xf32>
        %squeeze3A_190 = vector.extract %slice3A_189[0] : f32 from vector<1xf32>
        %get3A_191 = arith.index_cast %scan3A_185 : i32 to index
        %get3A_192 = arith.constant 0 : index
        %get3A_193 = tpu.vector_load %arg14[%get3A_191, %get3A_192] {strides = array<i32>} : memref<128x128xf32, #tpu.memory_space<vmem>>, vector<1x16xf32>,
        %get3A_194 = vector.shape_cast %get3A_193 : vector<1x16xf32> to vector<16xf32>
        %mul3A_195 = vector.broadcast %squeeze3A_190 : f32 to vector<16xf32>
        %mul3A_196 = arith.mulf %get3A_194, %mul3A_195 : vector<16xf32>
        %swap3A_197 = arith.index_cast %scan3A_185 : i32 to index
        %swap3A_198 = arith.constant 0 : index
        %swap3A_199 = tpu.vector_load %arg14[%swap3A_197, %swap3A_198] {strides = array<i32>} : memref<128x128xf32, #tpu.memory_space<vmem>>, vector<1x16xf32>,
        %swap3A_200 = vector.shape_cast %swap3A_199 : vector<1x16xf32> to vector<16xf32>
        %swap3A_201 = vector.shape_cast %mul3A_196 : vector<16xf32> to vector<1x16xf32>
        tpu.vector_store %arg14[%swap3A_197, %swap3A_198], %swap3A_201 {strides = array<i32>} : memref<128x128xf32, #tpu.memory_space<vmem>>, vector<1x16xf32>,
        %get3A_202 = arith.index_cast %scan3A_185 : i32 to index
        %get3A_203 = arith.constant 16 : index
        %get3A_204 = tpu.vector_load %arg14[%get3A_202, %get3A_203] {strides = array<i32>} : memref<128x128xf32, #tpu.memory_space<vmem>>, vector<1x16xf32>,
        %get3A_205 = vector.shape_cast %get3A_204 : vector<1x16xf32> to vector<16xf32>
        %mul3A_206 = vector.broadcast %squeeze3A_190 : f32 to vector<16xf32>
        %mul3A_207 = arith.mulf %get3A_205, %mul3A_206 : vector<16xf32>
        %swap3A_208 = arith.index_cast %scan3A_185 : i32 to index
        %swap3A_209 = arith.constant 16 : index
        %swap3A_210 = tpu.vector_load %arg14[%swap3A_208, %swap3A_209] {strides = array<i32>} : memref<128x128xf32, #tpu.memory_space<vmem>>, vector<1x16xf32>,
        %swap3A_211 = vector.shape_cast %swap3A_210 : vector<1x16xf32> to vector<16xf32>
        %swap3A_212 = vector.shape_cast %mul3A_207 : vector<16xf32> to vector<1x16xf32>
        tpu.vector_store %arg14[%swap3A_208, %swap3A_209], %swap3A_212 {strides = array<i32>} : memref<128x128xf32, #tpu.memory_space<vmem>>, vector<1x16xf32>,
        %get3A_213 = arith.index_cast %scan3A_185 : i32 to index
        %get3A_214 = arith.constant 32 : index
        %get3A_215 = tpu.vector_load %arg14[%get3A_213, %get3A_214] {strides = array<i32>} : memref<128x128xf32, #tpu.memory_space<vmem>>, vector<1x16xf32>,
        %get3A_216 = vector.shape_cast %get3A_215 : vector<1x16xf32> to vector<16xf32>
        %mul3A_217 = vector.broadcast %squeeze3A_190 : f32 to vector<16xf32>
        %mul3A_218 = arith.mulf %get3A_216, %mul3A_217 : vector<16xf32>
        %swap3A_219 = arith.index_cast %scan3A_185 : i32 to index
        %swap3A_220 = arith.constant 32 : index
        %swap3A_221 = tpu.vector_load %arg14[%swap3A_219, %swap3A_220] {strides = array<i32>} : memref<128x128xf32, #tpu.memory_space<vmem>>, vector<1x16xf32>,
        %swap3A_222 = vector.shape_cast %swap3A_221 : vector<1x16xf32> to vector<16xf32>
        %swap3A_223 = vector.shape_cast %mul3A_218 : vector<16xf32> to vector<1x16xf32>
        tpu.vector_store %arg14[%swap3A_219, %swap3A_220], %swap3A_223 {strides = array<i32>} : memref<128x128xf32, #tpu.memory_space<vmem>>, vector<1x16xf32>,
        %get3A_224 = arith.index_cast %scan3A_185 : i32 to index
        %get3A_225 = arith.constant 48 : index
        %get3A_226 = tpu.vector_load %arg14[%get3A_224, %get3A_225] {strides = array<i32>} : memref<128x128xf32, #tpu.memory_space<vmem>>, vector<1x16xf32>,
        %get3A_227 = vector.shape_cast %get3A_226 : vector<1x16xf32> to vector<16xf32>
        %mul3A_228 = vector.broadcast %squeeze3A_190 : f32 to vector<16xf32>
        %mul3A_229 = arith.mulf %get3A_227, %mul3A_228 : vector<16xf32>
        %swap3A_230 = arith.index_cast %scan3A_185 : i32 to index
        %swap3A_231 = arith.constant 48 : index
        %swap3A_232 = tpu.vector_load %arg14[%swap3A_230, %swap3A_231] {strides = array<i32>} : memref<128x128xf32, #tpu.memory_space<vmem>>, vector<1x16xf32>,
        %swap3A_233 = vector.shape_cast %swap3A_232 : vector<1x16xf32> to vector<16xf32>
        %swap3A_234 = vector.shape_cast %mul3A_229 : vector<16xf32> to vector<1x16xf32>
        tpu.vector_store %arg14[%swap3A_230, %swap3A_231], %swap3A_234 {strides = array<i32>} : memref<128x128xf32, #tpu.memory_space<vmem>>, vector<1x16xf32>,
        %get3A_235 = arith.index_cast %scan3A_185 : i32 to index
        %get3A_236 = arith.constant 64 : index
        %get3A_237 = tpu.vector_load %arg14[%get3A_235, %get3A_236] {strides = array<i32>} : memref<128x128xf32, #tpu.memory_space<vmem>>, vector<1x16xf32>,
        %get3A_238 = vector.shape_cast %get3A_237 : vector<1x16xf32> to vector<16xf32>
        %mul3A_239 = vector.broadcast %squeeze3A_190 : f32 to vector<16xf32>
        %mul3A_240 = arith.mulf %get3A_238, %mul3A_239 : vector<16xf32>
        %swap3A_241 = arith.index_cast %scan3A_185 : i32 to index
        %swap3A_242 = arith.constant 64 : index
        %swap3A_243 = tpu.vector_load %arg14[%swap3A_241, %swap3A_242] {strides = array<i32>} : memref<128x128xf32, #tpu.memory_space<vmem>>, vector<1x16xf32>,
        %swap3A_244 = vector.shape_cast %swap3A_243 : vector<1x16xf32> to vector<16xf32>
        %swap3A_245 = vector.shape_cast %mul3A_240 : vector<16xf32> to vector<1x16xf32>
        tpu.vector_store %arg14[%swap3A_241, %swap3A_242], %swap3A_245 {strides = array<i32>} : memref<128x128xf32, #tpu.memory_space<vmem>>, vector<1x16xf32>,
        %get3A_246 = arith.index_cast %scan3A_185 : i32 to index
        %get3A_247 = arith.constant 80 : index
        %get3A_248 = tpu.vector_load %arg14[%get3A_246, %get3A_247] {strides = array<i32>} : memref<128x128xf32, #tpu.memory_space<vmem>>, vector<1x16xf32>,
        %get3A_249 = vector.shape_cast %get3A_248 : vector<1x16xf32> to vector<16xf32>
        %mul3A_250 = vector.broadcast %squeeze3A_190 : f32 to vector<16xf32>
        %mul3A_251 = arith.mulf %get3A_249, %mul3A_250 : vector<16xf32>
        %swap3A_252 = arith.index_cast %scan3A_185 : i32 to index
        %swap3A_253 = arith.constant 80 : index
        %swap3A_254 = tpu.vector_load %arg14[%swap3A_252, %swap3A_253] {strides = array<i32>} : memref<128x128xf32, #tpu.memory_space<vmem>>, vector<1x16xf32>,
        %swap3A_255 = vector.shape_cast %swap3A_254 : vector<1x16xf32> to vector<16xf32>
        %swap3A_256 = vector.shape_cast %mul3A_251 : vector<16xf32> to vector<1x16xf32>
        tpu.vector_store %arg14[%swap3A_252, %swap3A_253], %swap3A_256 {strides = array<i32>} : memref<128x128xf32, #tpu.memory_space<vmem>>, vector<1x16xf32>,
        %get3A_257 = arith.index_cast %scan3A_185 : i32 to index
        %get3A_258 = arith.constant 96 : index
        %get3A_259 = tpu.vector_load %arg14[%get3A_257, %get3A_258] {strides = array<i32>} : memref<128x128xf32, #tpu.memory_space<vmem>>, vector<1x16xf32>,
        %get3A_260 = vector.shape_cast %get3A_259 : vector<1x16xf32> to vector<16xf32>
        %mul3A_261 = vector.broadcast %squeeze3A_190 : f32 to vector<16xf32>
        %mul3A_262 = arith.mulf %get3A_260, %mul3A_261 : vector<16xf32>
        %swap3A_263 = arith.index_cast %scan3A_185 : i32 to index
        %swap3A_264 = arith.constant 96 : index
        %swap3A_265 = tpu.vector_load %arg14[%swap3A_263, %swap3A_264] {strides = array<i32>} : memref<128x128xf32, #tpu.memory_space<vmem>>, vector<1x16xf32>,
        %swap3A_266 = vector.shape_cast %swap3A_265 : vector<1x16xf32> to vector<16xf32>
        %swap3A_267 = vector.shape_cast %mul3A_262 : vector<16xf32> to vector<1x16xf32>
        tpu.vector_store %arg14[%swap3A_263, %swap3A_264], %swap3A_267 {strides = array<i32>} : memref<128x128xf32, #tpu.memory_space<vmem>>, vector<1x16xf32>,
        %get3A_268 = arith.index_cast %scan3A_185 : i32 to index
        %get3A_269 = arith.constant 112 : index
        %get3A_270 = tpu.vector_load %arg14[%get3A_268, %get3A_269] {strides = array<i32>} : memref<128x128xf32, #tpu.memory_space<vmem>>, vector<1x16xf32>,
        %get3A_271 = vector.shape_cast %get3A_270 : vector<1x16xf32> to vector<16xf32>
        %mul3A_272 = vector.broadcast %squeeze3A_190 : f32 to vector<16xf32>
        %mul3A_273 = arith.mulf %get3A_271, %mul3A_272 : vector<16xf32>
        %swap3A_274 = arith.index_cast %scan3A_185 : i32 to index
        %swap3A_275 = arith.constant 112 : index
        %swap3A_276 = tpu.vector_load %arg14[%swap3A_274, %swap3A_275] {strides = array<i32>} : memref<128x128xf32, #tpu.memory_space<vmem>>, vector<1x16xf32>,
        %swap3A_277 = vector.shape_cast %swap3A_276 : vector<1x16xf32> to vector<16xf32>
        %swap3A_278 = vector.shape_cast %mul3A_273 : vector<16xf32> to vector<1x16xf32>
        tpu.vector_store %arg14[%swap3A_274, %swap3A_275], %swap3A_278 {strides = array<i32>} : memref<128x128xf32, #tpu.memory_space<vmem>>, vector<1x16xf32>,
      }
      %scan3A_56 = arith.constant 128 : i32
      %dma_start3A_57 = arith.constant 0 : i32
      %dma_start3A_58 = arith.constant 0 : i32
      %dma_start3A_59 = tpu.memref_slice %arg7[%dma_start3A_57, %dma_start3A_58] : memref<10240x128xf32, #tpu.memory_space<vmem_shared>> -> memref<10240x128xf32, #tpu.memory_space<vmem_shared>>
      tpu.enqueue_indirect_dma source(%arg14 : memref<128x128xf32, #tpu.memory_space<vmem>>) target(%dma_start3A_59 : memref<10240x128xf32, #tpu.memory_space<vmem_shared>>) offsets(%arg10 : memref<128xi32, #tpu.memory_space<vmem>>) semaphore(%arg18 : memref<!tpu.dma_semaphore, #tpu.memory_space<semaphore_mem>>) {add = true}
      %convert_element_type3A_60 = arith.extui %lt3A_46 : i1 to i32
      %cond3A_61 = arith.constant 0 : i32
      %cond3A_62 = arith.cmpi ne, %convert_element_type3A_60, %cond3A_61 : i32
      scf.if %cond3A_62 {
        %ge3A = arith.constant 1 : i32
        %ge3A_94 = arith.cmpi sge, %add3A_38, %ge3A : i32
        %convert_element_type3A_95 = arith.extui %ge3A_94 : i1 to i32
        %cond3A_96 = arith.constant 0 : i32
        %cond3A_97 = arith.cmpi ne, %convert_element_type3A_95, %cond3A_96 : i32
        scf.if %cond3A_97 {
          %dma_wait3A_111 = arith.constant 0 : i32
          %dma_wait3A_112 = arith.constant 0 : i32
          %dma_wait3A_113 = tpu.memref_slice %arg7[%dma_wait3A_111, %dma_wait3A_112] : memref<10240x128xf32, #tpu.memory_space<vmem_shared>> -> memref<10240x128xf32, #tpu.memory_space<vmem_shared>>
          tpu.wait_indirect_dma semaphore(%arg19 : memref<!tpu.dma_semaphore, #tpu.memory_space<semaphore_mem>>) src(%arg15 : memref<128x128xf32, #tpu.memory_space<vmem>>) dst(%dma_wait3A_113 : memref<10240x128xf32, #tpu.memory_space<vmem_shared>>)
        } else {
        }
        %dma_wait3A_98 = tpu.memref_slice %arg3[%add3A_43] : memref<327680xi32, #tpu.memory_space<hbm>> -> memref<128xi32, #tpu.memory_space<hbm>>
        %dma_wait3A_99 = tpu.memref_slice %arg3[%add3A_43] : memref<327680xi32, #tpu.memory_space<hbm>> -> memref<128xi32, #tpu.memory_space<hbm>>
        tpu.wait_dma2 semaphore(%arg21 : memref<!tpu.dma_semaphore, #tpu.memory_space<semaphore_mem>>) src(%dma_wait3A_99 : memref<128xi32, #tpu.memory_space<hbm>>) dst(%arg9 : memref<128xi32, #tpu.memory_space<vmem>>)
        %dma_wait3A_100 = tpu.memref_slice %arg4[%add3A_43] : memref<327680xi32, #tpu.memory_space<hbm>> -> memref<128xi32, #tpu.memory_space<hbm>>
        %dma_wait3A_101 = tpu.memref_slice %arg4[%add3A_43] : memref<327680xi32, #tpu.memory_space<hbm>> -> memref<128xi32, #tpu.memory_space<hbm>>
        tpu.wait_dma2 semaphore(%arg21 : memref<!tpu.dma_semaphore, #tpu.memory_space<semaphore_mem>>) src(%dma_wait3A_101 : memref<128xi32, #tpu.memory_space<hbm>>) dst(%arg11 : memref<128xi32, #tpu.memory_space<vmem>>)
        %dma_wait3A_102 = arith.constant 0 : i32
        %dma_wait3A_103 = tpu.memref_slice %arg13[%dma_wait3A_102] : memref<144xf32, #tpu.memory_space<vmem>> -> memref<128xf32, #tpu.memory_space<vmem>>
        %dma_wait3A_104 = tpu.memref_slice %arg5[%add3A_43] : memref<327680xf32, #tpu.memory_space<hbm>> -> memref<128xf32, #tpu.memory_space<hbm>>
        %dma_wait3A_105 = arith.constant 0 : i32
        %dma_wait3A_106 = tpu.memref_slice %arg13[%dma_wait3A_105] : memref<144xf32, #tpu.memory_space<vmem>> -> memref<128xf32, #tpu.memory_space<vmem>>
        %dma_wait3A_107 = tpu.memref_slice %arg5[%add3A_43] : memref<327680xf32, #tpu.memory_space<hbm>> -> memref<128xf32, #tpu.memory_space<hbm>>
        tpu.wait_dma2 semaphore(%arg21 : memref<!tpu.dma_semaphore, #tpu.memory_space<semaphore_mem>>) src(%dma_wait3A_107 : memref<128xf32, #tpu.memory_space<hbm>>) dst(%dma_wait3A_106 : memref<128xf32, #tpu.memory_space<vmem>>)
        %dma_start3A_108 = arith.constant 0 : i32
        %dma_start3A_109 = arith.constant 0 : i32
        %dma_start3A_110 = tpu.memref_slice %arg2[%dma_start3A_108, %dma_start3A_109] : memref<10000x128xf32, #tpu.memory_space<hbm>> -> memref<10000x128xf32, #tpu.memory_space<hbm>>
        tpu.enqueue_indirect_dma source(%dma_start3A_110 : memref<10000x128xf32, #tpu.memory_space<hbm>>) target(%arg15 : memref<128x128xf32, #tpu.memory_space<vmem>>) offsets(%arg9 : memref<128xi32, #tpu.memory_space<vmem>>) semaphore(%arg17 : memref<!tpu.dma_semaphore, #tpu.memory_space<semaphore_mem>>)
      } else {
      }
      %mul3A_63 = arith.constant 2 : i32
      %mul3A_64 = arith.muli %scan3A_34, %mul3A_63 : i32
      %add3A_65 = arith.constant 1 : i32
      %add3A_66 = arith.addi %mul3A_64, %add3A_65 : i32
      %add3A_67 = arith.constant 1 : i32
      %add3A_68 = arith.addi %add3A_66, %add3A_67 : i32
      %mul3A_69 = arith.constant 128 : i32
      %mul3A_70 = arith.muli %add3A_68, %mul3A_69 : i32
      %add3A_71 = arith.addi %mul3A_19, %mul3A_70 : i32
      %add3A_72 = arith.constant 1 : i32
      %add3A_73 = arith.addi %add3A_66, %add3A_72 : i32
      %lt3A_74 = arith.constant 80 : i32
      %lt3A_75 = arith.cmpi slt, %add3A_73, %lt3A_74 : i32
      %convert_element_type3A_76 = arith.extui %lt3A_75 : i1 to i32
      %cond3A_77 = arith.constant 0 : i32
      %cond3A_78 = arith.cmpi ne, %convert_element_type3A_76, %cond3A_77 : i32
      scf.if %cond3A_78 {
        %dma_start3A_94 = tpu.memref_slice %arg3[%add3A_71] : memref<327680xi32, #tpu.memory_space<hbm>> -> memref<128xi32, #tpu.memory_space<hbm>>
        %dma_start3A_95 = tpu.memref_slice %arg3[%add3A_71] : memref<327680xi32, #tpu.memory_space<hbm>> -> memref<128xi32, #tpu.memory_space<hbm>>
        tpu.enqueue_dma source(%dma_start3A_95 : memref<128xi32, #tpu.memory_space<hbm>>) target(%arg8 : memref<128xi32, #tpu.memory_space<vmem>>) target_semaphore(%arg20 : memref<!tpu.dma_semaphore, #tpu.memory_space<semaphore_mem>>)
        %dma_start3A_96 = tpu.memref_slice %arg4[%add3A_71] : memref<327680xi32, #tpu.memory_space<hbm>> -> memref<128xi32, #tpu.memory_space<hbm>>
        %dma_start3A_97 = tpu.memref_slice %arg4[%add3A_71] : memref<327680xi32, #tpu.memory_space<hbm>> -> memref<128xi32, #tpu.memory_space<hbm>>
        tpu.enqueue_dma source(%dma_start3A_97 : memref<128xi32, #tpu.memory_space<hbm>>) target(%arg10 : memref<128xi32, #tpu.memory_space<vmem>>) target_semaphore(%arg20 : memref<!tpu.dma_semaphore, #tpu.memory_space<semaphore_mem>>)
        %dma_start3A_98 = arith.constant 0 : i32
        %dma_start3A_99 = tpu.memref_slice %arg12[%dma_start3A_98] : memref<144xf32, #tpu.memory_space<vmem>> -> memref<128xf32, #tpu.memory_space<vmem>>
        %dma_start3A_100 = tpu.memref_slice %arg5[%add3A_71] : memref<327680xf32, #tpu.memory_space<hbm>> -> memref<128xf32, #tpu.memory_space<hbm>>
        %dma_start3A_101 = arith.constant 0 : i32
        %dma_start3A_102 = tpu.memref_slice %arg12[%dma_start3A_101] : memref<144xf32, #tpu.memory_space<vmem>> -> memref<128xf32, #tpu.memory_space<vmem>>
        %dma_start3A_103 = tpu.memref_slice %arg5[%add3A_71] : memref<327680xf32, #tpu.memory_space<hbm>> -> memref<128xf32, #tpu.memory_space<hbm>>
        tpu.enqueue_dma source(%dma_start3A_103 : memref<128xf32, #tpu.memory_space<hbm>>) target(%dma_start3A_102 : memref<128xf32, #tpu.memory_space<vmem>>) target_semaphore(%arg20 : memref<!tpu.dma_semaphore, #tpu.memory_space<semaphore_mem>>)
      } else {
      }
      %dma_wait3A_79 = arith.constant 0 : i32
      %dma_wait3A_80 = arith.constant 0 : i32
      %dma_wait3A_81 = tpu.memref_slice %arg2[%dma_wait3A_79, %dma_wait3A_80] : memref<10000x128xf32, #tpu.memory_space<hbm>> -> memref<10000x128xf32, #tpu.memory_space<hbm>>
      tpu.wait_indirect_dma semaphore(%arg17 : memref<!tpu.dma_semaphore, #tpu.memory_space<semaphore_mem>>) src(%dma_wait3A_81 : memref<10000x128xf32, #tpu.memory_space<hbm>>) dst(%arg15 : memref<128x128xf32, #tpu.memory_space<vmem>>)
      %scan3A_82 = arith.constant 0 : i32
      %scan3A_83 = arith.constant 0 : i32
      %scan3A_84 = arith.constant 128 : i32
      %scan3A_85 = arith.addi %scan3A_83, %scan3A_84 : i32
      %scan3A_86 = arith.constant 2 : i32
      scf.for %scan3A_94 = %scan3A_83 to %scan3A_85 step %scan3A_86  : i32 {
        %get3A = arith.index_cast %scan3A_94 : i32 to index
        %get3A_95 = tpu.vector_load %arg13[%get3A] {strides = array<i32>} : memref<144xf32, #tpu.memory_space<vmem>>, vector<16xf32>,
        %get3A_96 = vector.shape_cast %get3A_95 : vector<16xf32> to vector<16xf32>
        %slice3A = vector.extract_strided_slice %get3A_96 {offsets = [0], sizes = [1], strides = [1]} : vector<16xf32> to vector<1xf32>
        %squeeze3A = vector.extract %slice3A[0] : f32 from vector<1xf32>
        %get3A_97 = arith.index_cast %scan3A_94 : i32 to index
        %get3A_98 = arith.constant 0 : index
        %get3A_99 = tpu.vector_load %arg15[%get3A_97, %get3A_98] {strides = array<i32>} : memref<128x128xf32, #tpu.memory_space<vmem>>, vector<1x16xf32>,
        %get3A_100 = vector.shape_cast %get3A_99 : vector<1x16xf32> to vector<16xf32>
        %mul3A_101 = vector.broadcast %squeeze3A : f32 to vector<16xf32>
        %mul3A_102 = arith.mulf %get3A_100, %mul3A_101 : vector<16xf32>
        %swap3A = arith.index_cast %scan3A_94 : i32 to index
        %swap3A_103 = arith.constant 0 : index
        %swap3A_104 = tpu.vector_load %arg15[%swap3A, %swap3A_103] {strides = array<i32>} : memref<128x128xf32, #tpu.memory_space<vmem>>, vector<1x16xf32>,
        %swap3A_105 = vector.shape_cast %swap3A_104 : vector<1x16xf32> to vector<16xf32>
        %swap3A_106 = vector.shape_cast %mul3A_102 : vector<16xf32> to vector<1x16xf32>
        tpu.vector_store %arg15[%swap3A, %swap3A_103], %swap3A_106 {strides = array<i32>} : memref<128x128xf32, #tpu.memory_space<vmem>>, vector<1x16xf32>,
        %get3A_107 = arith.index_cast %scan3A_94 : i32 to index
        %get3A_108 = arith.constant 16 : index
        %get3A_109 = tpu.vector_load %arg15[%get3A_107, %get3A_108] {strides = array<i32>} : memref<128x128xf32, #tpu.memory_space<vmem>>, vector<1x16xf32>,
        %get3A_110 = vector.shape_cast %get3A_109 : vector<1x16xf32> to vector<16xf32>
        %mul3A_111 = vector.broadcast %squeeze3A : f32 to vector<16xf32>
        %mul3A_112 = arith.mulf %get3A_110, %mul3A_111 : vector<16xf32>
        %swap3A_113 = arith.index_cast %scan3A_94 : i32 to index
        %swap3A_114 = arith.constant 16 : index
        %swap3A_115 = tpu.vector_load %arg15[%swap3A_113, %swap3A_114] {strides = array<i32>} : memref<128x128xf32, #tpu.memory_space<vmem>>, vector<1x16xf32>,
        %swap3A_116 = vector.shape_cast %swap3A_115 : vector<1x16xf32> to vector<16xf32>
        %swap3A_117 = vector.shape_cast %mul3A_112 : vector<16xf32> to vector<1x16xf32>
        tpu.vector_store %arg15[%swap3A_113, %swap3A_114], %swap3A_117 {strides = array<i32>} : memref<128x128xf32, #tpu.memory_space<vmem>>, vector<1x16xf32>,
        %get3A_118 = arith.index_cast %scan3A_94 : i32 to index
        %get3A_119 = arith.constant 32 : index
        %get3A_120 = tpu.vector_load %arg15[%get3A_118, %get3A_119] {strides = array<i32>} : memref<128x128xf32, #tpu.memory_space<vmem>>, vector<1x16xf32>,
        %get3A_121 = vector.shape_cast %get3A_120 : vector<1x16xf32> to vector<16xf32>
        %mul3A_122 = vector.broadcast %squeeze3A : f32 to vector<16xf32>
        %mul3A_123 = arith.mulf %get3A_121, %mul3A_122 : vector<16xf32>
        %swap3A_124 = arith.index_cast %scan3A_94 : i32 to index
        %swap3A_125 = arith.constant 32 : index
        %swap3A_126 = tpu.vector_load %arg15[%swap3A_124, %swap3A_125] {strides = array<i32>} : memref<128x128xf32, #tpu.memory_space<vmem>>, vector<1x16xf32>,
        %swap3A_127 = vector.shape_cast %swap3A_126 : vector<1x16xf32> to vector<16xf32>
        %swap3A_128 = vector.shape_cast %mul3A_123 : vector<16xf32> to vector<1x16xf32>
        tpu.vector_store %arg15[%swap3A_124, %swap3A_125], %swap3A_128 {strides = array<i32>} : memref<128x128xf32, #tpu.memory_space<vmem>>, vector<1x16xf32>,
        %get3A_129 = arith.index_cast %scan3A_94 : i32 to index
        %get3A_130 = arith.constant 48 : index
        %get3A_131 = tpu.vector_load %arg15[%get3A_129, %get3A_130] {strides = array<i32>} : memref<128x128xf32, #tpu.memory_space<vmem>>, vector<1x16xf32>,
        %get3A_132 = vector.shape_cast %get3A_131 : vector<1x16xf32> to vector<16xf32>
        %mul3A_133 = vector.broadcast %squeeze3A : f32 to vector<16xf32>
        %mul3A_134 = arith.mulf %get3A_132, %mul3A_133 : vector<16xf32>
        %swap3A_135 = arith.index_cast %scan3A_94 : i32 to index
        %swap3A_136 = arith.constant 48 : index
        %swap3A_137 = tpu.vector_load %arg15[%swap3A_135, %swap3A_136] {strides = array<i32>} : memref<128x128xf32, #tpu.memory_space<vmem>>, vector<1x16xf32>,
        %swap3A_138 = vector.shape_cast %swap3A_137 : vector<1x16xf32> to vector<16xf32>
        %swap3A_139 = vector.shape_cast %mul3A_134 : vector<16xf32> to vector<1x16xf32>
        tpu.vector_store %arg15[%swap3A_135, %swap3A_136], %swap3A_139 {strides = array<i32>} : memref<128x128xf32, #tpu.memory_space<vmem>>, vector<1x16xf32>,
        %get3A_140 = arith.index_cast %scan3A_94 : i32 to index
        %get3A_141 = arith.constant 64 : index
        %get3A_142 = tpu.vector_load %arg15[%get3A_140, %get3A_141] {strides = array<i32>} : memref<128x128xf32, #tpu.memory_space<vmem>>, vector<1x16xf32>,
        %get3A_143 = vector.shape_cast %get3A_142 : vector<1x16xf32> to vector<16xf32>
        %mul3A_144 = vector.broadcast %squeeze3A : f32 to vector<16xf32>
        %mul3A_145 = arith.mulf %get3A_143, %mul3A_144 : vector<16xf32>
        %swap3A_146 = arith.index_cast %scan3A_94 : i32 to index
        %swap3A_147 = arith.constant 64 : index
        %swap3A_148 = tpu.vector_load %arg15[%swap3A_146, %swap3A_147] {strides = array<i32>} : memref<128x128xf32, #tpu.memory_space<vmem>>, vector<1x16xf32>,
        %swap3A_149 = vector.shape_cast %swap3A_148 : vector<1x16xf32> to vector<16xf32>
        %swap3A_150 = vector.shape_cast %mul3A_145 : vector<16xf32> to vector<1x16xf32>
        tpu.vector_store %arg15[%swap3A_146, %swap3A_147], %swap3A_150 {strides = array<i32>} : memref<128x128xf32, #tpu.memory_space<vmem>>, vector<1x16xf32>,
        %get3A_151 = arith.index_cast %scan3A_94 : i32 to index
        %get3A_152 = arith.constant 80 : index
        %get3A_153 = tpu.vector_load %arg15[%get3A_151, %get3A_152] {strides = array<i32>} : memref<128x128xf32, #tpu.memory_space<vmem>>, vector<1x16xf32>,
        %get3A_154 = vector.shape_cast %get3A_153 : vector<1x16xf32> to vector<16xf32>
        %mul3A_155 = vector.broadcast %squeeze3A : f32 to vector<16xf32>
        %mul3A_156 = arith.mulf %get3A_154, %mul3A_155 : vector<16xf32>
        %swap3A_157 = arith.index_cast %scan3A_94 : i32 to index
        %swap3A_158 = arith.constant 80 : index
        %swap3A_159 = tpu.vector_load %arg15[%swap3A_157, %swap3A_158] {strides = array<i32>} : memref<128x128xf32, #tpu.memory_space<vmem>>, vector<1x16xf32>,
        %swap3A_160 = vector.shape_cast %swap3A_159 : vector<1x16xf32> to vector<16xf32>
        %swap3A_161 = vector.shape_cast %mul3A_156 : vector<16xf32> to vector<1x16xf32>
        tpu.vector_store %arg15[%swap3A_157, %swap3A_158], %swap3A_161 {strides = array<i32>} : memref<128x128xf32, #tpu.memory_space<vmem>>, vector<1x16xf32>,
        %get3A_162 = arith.index_cast %scan3A_94 : i32 to index
        %get3A_163 = arith.constant 96 : index
        %get3A_164 = tpu.vector_load %arg15[%get3A_162, %get3A_163] {strides = array<i32>} : memref<128x128xf32, #tpu.memory_space<vmem>>, vector<1x16xf32>,
        %get3A_165 = vector.shape_cast %get3A_164 : vector<1x16xf32> to vector<16xf32>
        %mul3A_166 = vector.broadcast %squeeze3A : f32 to vector<16xf32>
        %mul3A_167 = arith.mulf %get3A_165, %mul3A_166 : vector<16xf32>
        %swap3A_168 = arith.index_cast %scan3A_94 : i32 to index
        %swap3A_169 = arith.constant 96 : index
        %swap3A_170 = tpu.vector_load %arg15[%swap3A_168, %swap3A_169] {strides = array<i32>} : memref<128x128xf32, #tpu.memory_space<vmem>>, vector<1x16xf32>,
        %swap3A_171 = vector.shape_cast %swap3A_170 : vector<1x16xf32> to vector<16xf32>
        %swap3A_172 = vector.shape_cast %mul3A_167 : vector<16xf32> to vector<1x16xf32>
        tpu.vector_store %arg15[%swap3A_168, %swap3A_169], %swap3A_172 {strides = array<i32>} : memref<128x128xf32, #tpu.memory_space<vmem>>, vector<1x16xf32>,
        %get3A_173 = arith.index_cast %scan3A_94 : i32 to index
        %get3A_174 = arith.constant 112 : index
        %get3A_175 = tpu.vector_load %arg15[%get3A_173, %get3A_174] {strides = array<i32>} : memref<128x128xf32, #tpu.memory_space<vmem>>, vector<1x16xf32>,
        %get3A_176 = vector.shape_cast %get3A_175 : vector<1x16xf32> to vector<16xf32>
        %mul3A_177 = vector.broadcast %squeeze3A : f32 to vector<16xf32>
        %mul3A_178 = arith.mulf %get3A_176, %mul3A_177 : vector<16xf32>
        %swap3A_179 = arith.index_cast %scan3A_94 : i32 to index
        %swap3A_180 = arith.constant 112 : index
        %swap3A_181 = tpu.vector_load %arg15[%swap3A_179, %swap3A_180] {strides = array<i32>} : memref<128x128xf32, #tpu.memory_space<vmem>>, vector<1x16xf32>,
        %swap3A_182 = vector.shape_cast %swap3A_181 : vector<1x16xf32> to vector<16xf32>
        %swap3A_183 = vector.shape_cast %mul3A_178 : vector<16xf32> to vector<1x16xf32>
        tpu.vector_store %arg15[%swap3A_179, %swap3A_180], %swap3A_183 {strides = array<i32>} : memref<128x128xf32, #tpu.memory_space<vmem>>, vector<1x16xf32>,
        %scan3A_184 = arith.constant 1 : i32
        %scan3A_185 = arith.addi %scan3A_94, %scan3A_184 : i32
        %get3A_186 = arith.index_cast %scan3A_185 : i32 to index
        %get3A_187 = tpu.vector_load %arg13[%get3A_186] {strides = array<i32>} : memref<144xf32, #tpu.memory_space<vmem>>, vector<16xf32>,
        %get3A_188 = vector.shape_cast %get3A_187 : vector<16xf32> to vector<16xf32>
        %slice3A_189 = vector.extract_strided_slice %get3A_188 {offsets = [0], sizes = [1], strides = [1]} : vector<16xf32> to vector<1xf32>
        %squeeze3A_190 = vector.extract %slice3A_189[0] : f32 from vector<1xf32>
        %get3A_191 = arith.index_cast %scan3A_185 : i32 to index
        %get3A_192 = arith.constant 0 : index
        %get3A_193 = tpu.vector_load %arg15[%get3A_191, %get3A_192] {strides = array<i32>} : memref<128x128xf32, #tpu.memory_space<vmem>>, vector<1x16xf32>,
        %get3A_194 = vector.shape_cast %get3A_193 : vector<1x16xf32> to vector<16xf32>
        %mul3A_195 = vector.broadcast %squeeze3A_190 : f32 to vector<16xf32>
        %mul3A_196 = arith.mulf %get3A_194, %mul3A_195 : vector<16xf32>
        %swap3A_197 = arith.index_cast %scan3A_185 : i32 to index
        %swap3A_198 = arith.constant 0 : index
        %swap3A_199 = tpu.vector_load %arg15[%swap3A_197, %swap3A_198] {strides = array<i32>} : memref<128x128xf32, #tpu.memory_space<vmem>>, vector<1x16xf32>,
        %swap3A_200 = vector.shape_cast %swap3A_199 : vector<1x16xf32> to vector<16xf32>
        %swap3A_201 = vector.shape_cast %mul3A_196 : vector<16xf32> to vector<1x16xf32>
        tpu.vector_store %arg15[%swap3A_197, %swap3A_198], %swap3A_201 {strides = array<i32>} : memref<128x128xf32, #tpu.memory_space<vmem>>, vector<1x16xf32>,
        %get3A_202 = arith.index_cast %scan3A_185 : i32 to index
        %get3A_203 = arith.constant 16 : index
        %get3A_204 = tpu.vector_load %arg15[%get3A_202, %get3A_203] {strides = array<i32>} : memref<128x128xf32, #tpu.memory_space<vmem>>, vector<1x16xf32>,
        %get3A_205 = vector.shape_cast %get3A_204 : vector<1x16xf32> to vector<16xf32>
        %mul3A_206 = vector.broadcast %squeeze3A_190 : f32 to vector<16xf32>
        %mul3A_207 = arith.mulf %get3A_205, %mul3A_206 : vector<16xf32>
        %swap3A_208 = arith.index_cast %scan3A_185 : i32 to index
        %swap3A_209 = arith.constant 16 : index
        %swap3A_210 = tpu.vector_load %arg15[%swap3A_208, %swap3A_209] {strides = array<i32>} : memref<128x128xf32, #tpu.memory_space<vmem>>, vector<1x16xf32>,
        %swap3A_211 = vector.shape_cast %swap3A_210 : vector<1x16xf32> to vector<16xf32>
        %swap3A_212 = vector.shape_cast %mul3A_207 : vector<16xf32> to vector<1x16xf32>
        tpu.vector_store %arg15[%swap3A_208, %swap3A_209], %swap3A_212 {strides = array<i32>} : memref<128x128xf32, #tpu.memory_space<vmem>>, vector<1x16xf32>,
        %get3A_213 = arith.index_cast %scan3A_185 : i32 to index
        %get3A_214 = arith.constant 32 : index
        %get3A_215 = tpu.vector_load %arg15[%get3A_213, %get3A_214] {strides = array<i32>} : memref<128x128xf32, #tpu.memory_space<vmem>>, vector<1x16xf32>,
        %get3A_216 = vector.shape_cast %get3A_215 : vector<1x16xf32> to vector<16xf32>
        %mul3A_217 = vector.broadcast %squeeze3A_190 : f32 to vector<16xf32>
        %mul3A_218 = arith.mulf %get3A_216, %mul3A_217 : vector<16xf32>
        %swap3A_219 = arith.index_cast %scan3A_185 : i32 to index
        %swap3A_220 = arith.constant 32 : index
        %swap3A_221 = tpu.vector_load %arg15[%swap3A_219, %swap3A_220] {strides = array<i32>} : memref<128x128xf32, #tpu.memory_space<vmem>>, vector<1x16xf32>,
        %swap3A_222 = vector.shape_cast %swap3A_221 : vector<1x16xf32> to vector<16xf32>
        %swap3A_223 = vector.shape_cast %mul3A_218 : vector<16xf32> to vector<1x16xf32>
        tpu.vector_store %arg15[%swap3A_219, %swap3A_220], %swap3A_223 {strides = array<i32>} : memref<128x128xf32, #tpu.memory_space<vmem>>, vector<1x16xf32>,
        %get3A_224 = arith.index_cast %scan3A_185 : i32 to index
        %get3A_225 = arith.constant 48 : index
        %get3A_226 = tpu.vector_load %arg15[%get3A_224, %get3A_225] {strides = array<i32>} : memref<128x128xf32, #tpu.memory_space<vmem>>, vector<1x16xf32>,
        %get3A_227 = vector.shape_cast %get3A_226 : vector<1x16xf32> to vector<16xf32>
        %mul3A_228 = vector.broadcast %squeeze3A_190 : f32 to vector<16xf32>
        %mul3A_229 = arith.mulf %get3A_227, %mul3A_228 : vector<16xf32>
        %swap3A_230 = arith.index_cast %scan3A_185 : i32 to index
        %swap3A_231 = arith.constant 48 : index
        %swap3A_232 = tpu.vector_load %arg15[%swap3A_230, %swap3A_231] {strides = array<i32>} : memref<128x128xf32, #tpu.memory_space<vmem>>, vector<1x16xf32>,
        %swap3A_233 = vector.shape_cast %swap3A_232 : vector<1x16xf32> to vector<16xf32>
        %swap3A_234 = vector.shape_cast %mul3A_229 : vector<16xf32> to vector<1x16xf32>
        tpu.vector_store %arg15[%swap3A_230, %swap3A_231], %swap3A_234 {strides = array<i32>} : memref<128x128xf32, #tpu.memory_space<vmem>>, vector<1x16xf32>,
        %get3A_235 = arith.index_cast %scan3A_185 : i32 to index
        %get3A_236 = arith.constant 64 : index
        %get3A_237 = tpu.vector_load %arg15[%get3A_235, %get3A_236] {strides = array<i32>} : memref<128x128xf32, #tpu.memory_space<vmem>>, vector<1x16xf32>,
        %get3A_238 = vector.shape_cast %get3A_237 : vector<1x16xf32> to vector<16xf32>
        %mul3A_239 = vector.broadcast %squeeze3A_190 : f32 to vector<16xf32>
        %mul3A_240 = arith.mulf %get3A_238, %mul3A_239 : vector<16xf32>
        %swap3A_241 = arith.index_cast %scan3A_185 : i32 to index
        %swap3A_242 = arith.constant 64 : index
        %swap3A_243 = tpu.vector_load %arg15[%swap3A_241, %swap3A_242] {strides = array<i32>} : memref<128x128xf32, #tpu.memory_space<vmem>>, vector<1x16xf32>,
        %swap3A_244 = vector.shape_cast %swap3A_243 : vector<1x16xf32> to vector<16xf32>
        %swap3A_245 = vector.shape_cast %mul3A_240 : vector<16xf32> to vector<1x16xf32>
        tpu.vector_store %arg15[%swap3A_241, %swap3A_242], %swap3A_245 {strides = array<i32>} : memref<128x128xf32, #tpu.memory_space<vmem>>, vector<1x16xf32>,
        %get3A_246 = arith.index_cast %scan3A_185 : i32 to index
        %get3A_247 = arith.constant 80 : index
        %get3A_248 = tpu.vector_load %arg15[%get3A_246, %get3A_247] {strides = array<i32>} : memref<128x128xf32, #tpu.memory_space<vmem>>, vector<1x16xf32>,
        %get3A_249 = vector.shape_cast %get3A_248 : vector<1x16xf32> to vector<16xf32>
        %mul3A_250 = vector.broadcast %squeeze3A_190 : f32 to vector<16xf32>
        %mul3A_251 = arith.mulf %get3A_249, %mul3A_250 : vector<16xf32>
        %swap3A_252 = arith.index_cast %scan3A_185 : i32 to index
        %swap3A_253 = arith.constant 80 : index
        %swap3A_254 = tpu.vector_load %arg15[%swap3A_252, %swap3A_253] {strides = array<i32>} : memref<128x128xf32, #tpu.memory_space<vmem>>, vector<1x16xf32>,
        %swap3A_255 = vector.shape_cast %swap3A_254 : vector<1x16xf32> to vector<16xf32>
        %swap3A_256 = vector.shape_cast %mul3A_251 : vector<16xf32> to vector<1x16xf32>
        tpu.vector_store %arg15[%swap3A_252, %swap3A_253], %swap3A_256 {strides = array<i32>} : memref<128x128xf32, #tpu.memory_space<vmem>>, vector<1x16xf32>,
        %get3A_257 = arith.index_cast %scan3A_185 : i32 to index
        %get3A_258 = arith.constant 96 : index
        %get3A_259 = tpu.vector_load %arg15[%get3A_257, %get3A_258] {strides = array<i32>} : memref<128x128xf32, #tpu.memory_space<vmem>>, vector<1x16xf32>,
        %get3A_260 = vector.shape_cast %get3A_259 : vector<1x16xf32> to vector<16xf32>
        %mul3A_261 = vector.broadcast %squeeze3A_190 : f32 to vector<16xf32>
        %mul3A_262 = arith.mulf %get3A_260, %mul3A_261 : vector<16xf32>
        %swap3A_263 = arith.index_cast %scan3A_185 : i32 to index
        %swap3A_264 = arith.constant 96 : index
        %swap3A_265 = tpu.vector_load %arg15[%swap3A_263, %swap3A_264] {strides = array<i32>} : memref<128x128xf32, #tpu.memory_space<vmem>>, vector<1x16xf32>,
        %swap3A_266 = vector.shape_cast %swap3A_265 : vector<1x16xf32> to vector<16xf32>
        %swap3A_267 = vector.shape_cast %mul3A_262 : vector<16xf32> to vector<1x16xf32>
        tpu.vector_store %arg15[%swap3A_263, %swap3A_264], %swap3A_267 {strides = array<i32>} : memref<128x128xf32, #tpu.memory_space<vmem>>, vector<1x16xf32>,
        %get3A_268 = arith.index_cast %scan3A_185 : i32 to index
        %get3A_269 = arith.constant 112 : index
        %get3A_270 = tpu.vector_load %arg15[%get3A_268, %get3A_269] {strides = array<i32>} : memref<128x128xf32, #tpu.memory_space<vmem>>, vector<1x16xf32>,
        %get3A_271 = vector.shape_cast %get3A_270 : vector<1x16xf32> to vector<16xf32>
        %mul3A_272 = vector.broadcast %squeeze3A_190 : f32 to vector<16xf32>
        %mul3A_273 = arith.mulf %get3A_271, %mul3A_272 : vector<16xf32>
        %swap3A_274 = arith.index_cast %scan3A_185 : i32 to index
        %swap3A_275 = arith.constant 112 : index
        %swap3A_276 = tpu.vector_load %arg15[%swap3A_274, %swap3A_275] {strides = array<i32>} : memref<128x128xf32, #tpu.memory_space<vmem>>, vector<1x16xf32>,
        %swap3A_277 = vector.shape_cast %swap3A_276 : vector<1x16xf32> to vector<16xf32>
        %swap3A_278 = vector.shape_cast %mul3A_273 : vector<16xf32> to vector<1x16xf32>
        tpu.vector_store %arg15[%swap3A_274, %swap3A_275], %swap3A_278 {strides = array<i32>} : memref<128x128xf32, #tpu.memory_space<vmem>>, vector<1x16xf32>,
      }
      %scan3A_87 = arith.constant 128 : i32
      %dma_start3A_88 = arith.constant 0 : i32
      %dma_start3A_89 = arith.constant 0 : i32
      %dma_start3A_90 = tpu.memref_slice %arg7[%dma_start3A_88, %dma_start3A_89] : memref<10240x128xf32, #tpu.memory_space<vmem_shared>> -> memref<10240x128xf32, #tpu.memory_space<vmem_shared>>
      tpu.enqueue_indirect_dma source(%arg15 : memref<128x128xf32, #tpu.memory_space<vmem>>) target(%dma_start3A_90 : memref<10240x128xf32, #tpu.memory_space<vmem_shared>>) offsets(%arg11 : memref<128xi32, #tpu.memory_space<vmem>>) semaphore(%arg19 : memref<!tpu.dma_semaphore, #tpu.memory_space<semaphore_mem>>) {add = true}
      %convert_element_type3A_91 = arith.extui %lt3A_75 : i1 to i32
      %cond3A_92 = arith.constant 0 : i32
      %cond3A_93 = arith.cmpi ne, %convert_element_type3A_91, %cond3A_92 : i32
      scf.if %cond3A_93 {
        %ge3A = arith.constant 1 : i32
        %ge3A_94 = arith.cmpi sge, %add3A_66, %ge3A : i32
        %convert_element_type3A_95 = arith.extui %ge3A_94 : i1 to i32
        %cond3A_96 = arith.constant 0 : i32
        %cond3A_97 = arith.cmpi ne, %convert_element_type3A_95, %cond3A_96 : i32
        scf.if %cond3A_97 {
          %dma_wait3A_111 = arith.constant 0 : i32
          %dma_wait3A_112 = arith.constant 0 : i32
          %dma_wait3A_113 = tpu.memref_slice %arg7[%dma_wait3A_111, %dma_wait3A_112] : memref<10240x128xf32, #tpu.memory_space<vmem_shared>> -> memref<10240x128xf32, #tpu.memory_space<vmem_shared>>
          tpu.wait_indirect_dma semaphore(%arg18 : memref<!tpu.dma_semaphore, #tpu.memory_space<semaphore_mem>>) src(%arg14 : memref<128x128xf32, #tpu.memory_space<vmem>>) dst(%dma_wait3A_113 : memref<10240x128xf32, #tpu.memory_space<vmem_shared>>)
        } else {
        }
        %dma_wait3A_98 = tpu.memref_slice %arg3[%add3A_71] : memref<327680xi32, #tpu.memory_space<hbm>> -> memref<128xi32, #tpu.memory_space<hbm>>
        %dma_wait3A_99 = tpu.memref_slice %arg3[%add3A_71] : memref<327680xi32, #tpu.memory_space<hbm>> -> memref<128xi32, #tpu.memory_space<hbm>>
        tpu.wait_dma2 semaphore(%arg20 : memref<!tpu.dma_semaphore, #tpu.memory_space<semaphore_mem>>) src(%dma_wait3A_99 : memref<128xi32, #tpu.memory_space<hbm>>) dst(%arg8 : memref<128xi32, #tpu.memory_space<vmem>>)
        %dma_wait3A_100 = tpu.memref_slice %arg4[%add3A_71] : memref<327680xi32, #tpu.memory_space<hbm>> -> memref<128xi32, #tpu.memory_space<hbm>>
        %dma_wait3A_101 = tpu.memref_slice %arg4[%add3A_71] : memref<327680xi32, #tpu.memory_space<hbm>> -> memref<128xi32, #tpu.memory_space<hbm>>
        tpu.wait_dma2 semaphore(%arg20 : memref<!tpu.dma_semaphore, #tpu.memory_space<semaphore_mem>>) src(%dma_wait3A_101 : memref<128xi32, #tpu.memory_space<hbm>>) dst(%arg10 : memref<128xi32, #tpu.memory_space<vmem>>)
        %dma_wait3A_102 = arith.constant 0 : i32
        %dma_wait3A_103 = tpu.memref_slice %arg12[%dma_wait3A_102] : memref<144xf32, #tpu.memory_space<vmem>> -> memref<128xf32, #tpu.memory_space<vmem>>
        %dma_wait3A_104 = tpu.memref_slice %arg5[%add3A_71] : memref<327680xf32, #tpu.memory_space<hbm>> -> memref<128xf32, #tpu.memory_space<hbm>>
        %dma_wait3A_105 = arith.constant 0 : i32
        %dma_wait3A_106 = tpu.memref_slice %arg12[%dma_wait3A_105] : memref<144xf32, #tpu.memory_space<vmem>> -> memref<128xf32, #tpu.memory_space<vmem>>
        %dma_wait3A_107 = tpu.memref_slice %arg5[%add3A_71] : memref<327680xf32, #tpu.memory_space<hbm>> -> memref<128xf32, #tpu.memory_space<hbm>>
        tpu.wait_dma2 semaphore(%arg20 : memref<!tpu.dma_semaphore, #tpu.memory_space<semaphore_mem>>) src(%dma_wait3A_107 : memref<128xf32, #tpu.memory_space<hbm>>) dst(%dma_wait3A_106 : memref<128xf32, #tpu.memory_space<vmem>>)
        %dma_start3A_108 = arith.constant 0 : i32
        %dma_start3A_109 = arith.constant 0 : i32
        %dma_start3A_110 = tpu.memref_slice %arg2[%dma_start3A_108, %dma_start3A_109] : memref<10000x128xf32, #tpu.memory_space<hbm>> -> memref<10000x128xf32, #tpu.memory_space<hbm>>
        tpu.enqueue_indirect_dma source(%dma_start3A_110 : memref<10000x128xf32, #tpu.memory_space<hbm>>) target(%arg14 : memref<128x128xf32, #tpu.memory_space<vmem>>) offsets(%arg8 : memref<128xi32, #tpu.memory_space<vmem>>) semaphore(%arg16 : memref<!tpu.dma_semaphore, #tpu.memory_space<semaphore_mem>>)
      } else {
      }
    }
    %scan3A_27 = arith.constant 40 : i32
    %dma_wait3A = arith.constant 0 : i32
    %dma_wait3A_28 = arith.constant 0 : i32
    %dma_wait3A_29 = tpu.memref_slice %arg7[%dma_wait3A, %dma_wait3A_28] : memref<10240x128xf32, #tpu.memory_space<vmem_shared>> -> memref<10240x128xf32, #tpu.memory_space<vmem_shared>>
    tpu.wait_indirect_dma semaphore(%arg18 : memref<!tpu.dma_semaphore, #tpu.memory_space<semaphore_mem>>) src(%arg14 : memref<128x128xf32, #tpu.memory_space<vmem>>) dst(%dma_wait3A_29 : memref<10240x128xf32, #tpu.memory_space<vmem_shared>>)
    %dma_wait3A_30 = arith.constant 0 : i32
    %dma_wait3A_31 = arith.constant 0 : i32
    %dma_wait3A_32 = tpu.memref_slice %arg7[%dma_wait3A_30, %dma_wait3A_31] : memref<10240x128xf32, #tpu.memory_space<vmem_shared>> -> memref<10240x128xf32, #tpu.memory_space<vmem_shared>>
    tpu.wait_indirect_dma semaphore(%arg19 : memref<!tpu.dma_semaphore, #tpu.memory_space<semaphore_mem>>) src(%arg15 : memref<128x128xf32, #tpu.memory_space<vmem>>) dst(%dma_wait3A_32 : memref<10240x128xf32, #tpu.memory_space<vmem_shared>>)
    %barrier3A_33 = arith.constant 0 : index
    tpu.barrier barrier_id(%barrier3A_33)
    "tpu.region"() ({
      %run_scoped3A = tpu.sem_alloc : memref<!tpu.dma_semaphore, #tpu.memory_space<semaphore_mem>>
      %dma_start3A_34 = arith.constant 0 : i32
      %dma_start3A_35 = tpu.memref_slice %arg6[%arg0, %mul3A_7, %dma_start3A_34] : memref<2x10240x128xf32, #tpu.memory_space<hbm>> -> memref<1x640x128xf32, #tpu.memory_space<hbm>>
      %dma_start3A_36 = tpu.memref_squeeze %dma_start3A_35 : memref<1x640x128xf32, #tpu.memory_space<hbm>> -> memref<640x128xf32, #tpu.memory_space<hbm>>
      %dma_start3A_37 = arith.constant 0 : i32
      %dma_start3A_38 = tpu.memref_slice %arg7[%mul3A_7, %dma_start3A_37] : memref<10240x128xf32, #tpu.memory_space<vmem_shared>> -> memref<640x128xf32, #tpu.memory_space<vmem_shared>>
      tpu.enqueue_dma source(%dma_start3A_38 : memref<640x128xf32, #tpu.memory_space<vmem_shared>>) target(%dma_start3A_36 : memref<640x128xf32, #tpu.memory_space<hbm>>) target_semaphore(%run_scoped3A : memref<!tpu.dma_semaphore, #tpu.memory_space<semaphore_mem>>)
      %dma_wait3A_39 = arith.constant 0 : i32
      %dma_wait3A_40 = tpu.memref_slice %arg6[%arg0, %mul3A_7, %dma_wait3A_39] : memref<2x10240x128xf32, #tpu.memory_space<hbm>> -> memref<1x640x128xf32, #tpu.memory_space<hbm>>
      %dma_wait3A_41 = tpu.memref_squeeze %dma_wait3A_40 : memref<1x640x128xf32, #tpu.memory_space<hbm>> -> memref<640x128xf32, #tpu.memory_space<hbm>>
      %dma_wait3A_42 = arith.constant 0 : i32
      %dma_wait3A_43 = tpu.memref_slice %arg7[%mul3A_7, %dma_wait3A_42] : memref<10240x128xf32, #tpu.memory_space<vmem_shared>> -> memref<640x128xf32, #tpu.memory_space<vmem_shared>>
      tpu.wait_dma2 semaphore(%run_scoped3A : memref<!tpu.dma_semaphore, #tpu.memory_space<semaphore_mem>>) src(%dma_wait3A_43 : memref<640x128xf32, #tpu.memory_space<vmem_shared>>) dst(%dma_wait3A_41 : memref<640x128xf32, #tpu.memory_space<hbm>>)
      tpu.yield
    }) : () -> ()
    return
  }
}

module attributes {stable_mosaic.version = 14 : i64} {
  func.func @_tc_matmuls_body(%arg0: i32, %arg1: memref<1000x128xf32, #tpu.memory_space<vmem>>, %arg2: memref<128x128xf32, #tpu.memory_space<vmem>>, %arg3: memref<128x128xf32, #tpu.memory_space<vmem>>, %arg4: memref<1x128xf32, #tpu.memory_space<vmem>>, %arg5: memref<1x128xf32, #tpu.memory_space<vmem>>, %arg6: memref<1000x128xf32, #tpu.memory_space<vmem>>, %arg7: memref<1000x128xf32, #tpu.memory_space<vmem>>) attributes {dimension_semantics = [#tpu.dimension_semantics<arbitrary>], iteration_bounds = array<i64: 10>, scalar_prefetch = 0 : i64, scratch_operands = 0 : i64, tpu.core_type = #tpu.core_type<tc>, window_params = [{transform_indices = @transform_0, window_bounds = array<i64: 1000, 128>}, {pipeline_mode = #tpu.pipeline_mode<synchronous>, transform_indices = @transform_1, window_bounds = array<i64: 128, 128>}, {pipeline_mode = #tpu.pipeline_mode<synchronous>, transform_indices = @transform_2, window_bounds = array<i64: 128, 128>}, {pipeline_mode = #tpu.pipeline_mode<synchronous>, transform_indices = @transform_3, window_bounds = array<i64: 1, 128>}, {pipeline_mode = #tpu.pipeline_mode<synchronous>, transform_indices = @transform_4, window_bounds = array<i64: 1, 128>}, {transform_indices = @transform_5, window_bounds = array<i64: 1000, 128>}, {transform_indices = @transform_6, window_bounds = array<i64: 1000, 128>}]} {
    %get3A = arith.constant 0 : index
    %get3A_0 = arith.constant 0 : index
    %get3A_1 = vector.load %arg1[%get3A, %get3A_0] : memref<1000x128xf32, #tpu.memory_space<vmem>>, vector<1000x128xf32>
    %get3A_2 = arith.constant 0 : index
    %get3A_3 = arith.constant 0 : index
    %get3A_4 = vector.load %arg2[%get3A_2, %get3A_3] : memref<128x128xf32, #tpu.memory_space<vmem>>, vector<128x128xf32>
    %dot_general3A = arith.constant dense<0.000000e+00> : vector<1000x128xf32>
    %dot_general3A_5 = tpu.matmul %get3A_1, %get3A_4, %dot_general3A {dimension_numbers = #tpu.dot_dimension_numbers<[1], [0], [0], [1], [0, 0, 1, 1], [], []>, transpose_lhs_hint = false} : vector<1000x128xf32>, vector<128x128xf32>, vector<1000x128xf32> -> vector<1000x128xf32>
    %swap3A = arith.constant 0 : index
    %swap3A_6 = arith.constant 0 : index
    %swap3A_7 = vector.load %arg6[%swap3A, %swap3A_6] : memref<1000x128xf32, #tpu.memory_space<vmem>>, vector<1000x128xf32>
    tpu.vector_store %arg6[%swap3A, %swap3A_6], %dot_general3A_5 {strides = array<i32>} : memref<1000x128xf32, #tpu.memory_space<vmem>>, vector<1000x128xf32>,
    %get3A_8 = arith.constant 0 : index
    %get3A_9 = arith.constant 0 : index
    %get3A_10 = vector.load %arg3[%get3A_8, %get3A_9] : memref<128x128xf32, #tpu.memory_space<vmem>>, vector<128x128xf32>
    %dot_general3A_11 = arith.constant dense<0.000000e+00> : vector<1000x128xf32>
    %dot_general3A_12 = tpu.matmul %get3A_1, %get3A_10, %dot_general3A_11 {dimension_numbers = #tpu.dot_dimension_numbers<[1], [0], [0], [1], [0, 0, 1, 1], [], []>, transpose_lhs_hint = false} : vector<1000x128xf32>, vector<128x128xf32>, vector<1000x128xf32> -> vector<1000x128xf32>
    %reduce_sum3A = arith.constant dense<0.000000e+00> : vector<1000xf32>
    %reduce_sum3A_13 = vector.multi_reduction <add>, %dot_general3A_12, %reduce_sum3A [1] : vector<1000x128xf32> to vector<1000xf32>
    %broadcast_in_dim3A = vector.shape_cast %reduce_sum3A_13 : vector<1000xf32> to vector<1000x1xf32>
    %div3A = arith.constant 1.280000e+02 : f32
    %div3A_14 = vector.broadcast %div3A : f32 to vector<1000x1xf32>
    %div3A_15 = arith.divf %broadcast_in_dim3A, %div3A_14 : vector<1000x1xf32>
    %sub3A = vector.broadcast %div3A_15 : vector<1000x1xf32> to vector<1000x128xf32>
    %sub3A_16 = arith.subf %dot_general3A_12, %sub3A : vector<1000x128xf32>
    %sub3A_17 = vector.broadcast %div3A_15 : vector<1000x1xf32> to vector<1000x128xf32>
    %sub3A_18 = arith.subf %dot_general3A_12, %sub3A_17 : vector<1000x128xf32>
    %mul3A = arith.mulf %sub3A_16, %sub3A_18 : vector<1000x128xf32>
    %reduce_sum3A_19 = arith.constant dense<0.000000e+00> : vector<1000xf32>
    %reduce_sum3A_20 = vector.multi_reduction <add>, %mul3A, %reduce_sum3A_19 [1] : vector<1000x128xf32> to vector<1000xf32>
    %broadcast_in_dim3A_21 = vector.shape_cast %reduce_sum3A_20 : vector<1000xf32> to vector<1000x1xf32>
    %div3A_22 = arith.constant 1.280000e+02 : f32
    %div3A_23 = vector.broadcast %div3A_22 : f32 to vector<1000x1xf32>
    %div3A_24 = arith.divf %broadcast_in_dim3A_21, %div3A_23 : vector<1000x1xf32>
    %sub3A_25 = vector.broadcast %div3A_15 : vector<1000x1xf32> to vector<1000x128xf32>
    %sub3A_26 = arith.subf %dot_general3A_12, %sub3A_25 : vector<1000x128xf32>
    %add3A = arith.constant 9.99999974E-6 : f32
    %add3A_27 = vector.broadcast %add3A : f32 to vector<1000x1xf32>
    %add3A_28 = arith.addf %div3A_24, %add3A_27 : vector<1000x1xf32>
    %rsqrt3A = math.rsqrt %add3A_28 : vector<1000x1xf32>
    %mul3A_29 = vector.broadcast %rsqrt3A : vector<1000x1xf32> to vector<1000x128xf32>
    %mul3A_30 = arith.mulf %sub3A_26, %mul3A_29 : vector<1000x128xf32>
    %get3A_31 = arith.constant 0 : index
    %get3A_32 = arith.constant 0 : index
    %get3A_33 = vector.load %arg4[%get3A_31, %get3A_32] : memref<1x128xf32, #tpu.memory_space<vmem>>, vector<1x128xf32>
    %mul3A_34 = vector.broadcast %get3A_33 : vector<1x128xf32> to vector<1000x128xf32>
    %mul3A_35 = arith.mulf %mul3A_30, %mul3A_34 : vector<1000x128xf32>
    %get3A_36 = arith.constant 0 : index
    %get3A_37 = arith.constant 0 : index
    %get3A_38 = vector.load %arg5[%get3A_36, %get3A_37] : memref<1x128xf32, #tpu.memory_space<vmem>>, vector<1x128xf32>
    %add3A_39 = vector.broadcast %get3A_38 : vector<1x128xf32> to vector<1000x128xf32>
    %add3A_40 = arith.addf %mul3A_35, %add3A_39 : vector<1000x128xf32>
    %max3A = arith.constant 0.000000e+00 : f32
    %max3A_41 = vector.broadcast %max3A : f32 to vector<1000x128xf32>
    %max3A_42 = arith.maximumf %add3A_40, %max3A_41 : vector<1000x128xf32>
    %swap3A_43 = arith.constant 0 : index
    %swap3A_44 = arith.constant 0 : index
    %swap3A_45 = vector.load %arg7[%swap3A_43, %swap3A_44] : memref<1000x128xf32, #tpu.memory_space<vmem>>, vector<1000x128xf32>
    tpu.vector_store %arg7[%swap3A_43, %swap3A_44], %max3A_42 {strides = array<i32>} : memref<1000x128xf32, #tpu.memory_space<vmem>>, vector<1000x128xf32>,
    return
  }
  func.func @transform_0(%arg0: i32) -> (i32, i32) {
    %c0_i32 = arith.constant 0 : i32
    %c0_i32_0 = arith.constant 0 : i32
    return %arg0, %c0_i32 : i32, i32
  }
  func.func @transform_1(%arg0: i32) -> (i32, i32) {
    %c0_i32 = arith.constant 0 : i32
    %c0_i32_0 = arith.constant 0 : i32
    %c0_i32_1 = arith.constant 0 : i32
    return %c0_i32, %c0_i32_0 : i32, i32
  }
  func.func @transform_2(%arg0: i32) -> (i32, i32) {
    %c0_i32 = arith.constant 0 : i32
    %c0_i32_0 = arith.constant 0 : i32
    %c0_i32_1 = arith.constant 0 : i32
    return %c0_i32, %c0_i32_0 : i32, i32
  }
  func.func @transform_3(%arg0: i32) -> (i32, i32) {
    %c0_i32 = arith.constant 0 : i32
    %c0_i32_0 = arith.constant 0 : i32
    %c0_i32_1 = arith.constant 0 : i32
    return %c0_i32, %c0_i32_0 : i32, i32
  }
  func.func @transform_4(%arg0: i32) -> (i32, i32) {
    %c0_i32 = arith.constant 0 : i32
    %c0_i32_0 = arith.constant 0 : i32
    %c0_i32_1 = arith.constant 0 : i32
    return %c0_i32, %c0_i32_0 : i32, i32
  }
  func.func @transform_5(%arg0: i32) -> (i32, i32) {
    %c0_i32 = arith.constant 0 : i32
    %c0_i32_0 = arith.constant 0 : i32
    return %arg0, %c0_i32 : i32, i32
  }
  func.func @transform_6(%arg0: i32) -> (i32, i32) {
    %c0_i32 = arith.constant 0 : i32
    %c0_i32_0 = arith.constant 0 : i32
    return %arg0, %c0_i32 : i32, i32
  }
}

module attributes {stable_mosaic.version = 14 : i64} {
  func.func @_tc_scale_body(%arg0: i32, %arg1: memref<1000x128xf32, #tpu.memory_space<vmem>>, %arg2: memref<1000x128xf32, #tpu.memory_space<vmem>>, %arg3: memref<2x1000x128xf32, #tpu.memory_space<vmem>>, %arg4: memref<1000x128xf32, #tpu.memory_space<vmem>>, %arg5: memref<1000x128xf32, #tpu.memory_space<vmem>>, %arg6: memref<1000x1xf32, #tpu.memory_space<vmem>>, %arg7: memref<1000x1xf32, #tpu.memory_space<vmem>>) attributes {dimension_semantics = [#tpu.dimension_semantics<arbitrary>], iteration_bounds = array<i64: 10>, scalar_prefetch = 0 : i64, scratch_operands = 0 : i64, tpu.core_type = #tpu.core_type<tc>, window_params = [{transform_indices = @transform_0, window_bounds = array<i64: 1000, 128>}, {transform_indices = @transform_1, window_bounds = array<i64: 1000, 128>}, {transform_indices = @transform_2, window_bounds = array<i64: 2, 1000, 128>}, {transform_indices = @transform_3, window_bounds = array<i64: 1000, 128>}, {transform_indices = @transform_4, window_bounds = array<i64: 1000, 128>}, {transform_indices = @transform_5, window_bounds = array<i64: 1000, 1>}, {transform_indices = @transform_6, window_bounds = array<i64: 1000, 1>}]} {
    %get3A = arith.constant 0 : index
    %get3A_0 = arith.constant 0 : index
    %get3A_1 = arith.constant 0 : index
    %get3A_2 = vector.load %arg3[%get3A, %get3A_0, %get3A_1] : memref<2x1000x128xf32, #tpu.memory_space<vmem>>, vector<1x1000x1xf32>
    %get3A_3 = vector.shape_cast %get3A_2 : vector<1x1000x1xf32> to vector<1000x1xf32>
    %get3A_4 = arith.constant 1 : index
    %get3A_5 = arith.constant 0 : index
    %get3A_6 = arith.constant 0 : index
    %get3A_7 = vector.load %arg3[%get3A_4, %get3A_5, %get3A_6] : memref<2x1000x128xf32, #tpu.memory_space<vmem>>, vector<1x1000x1xf32>
    %get3A_8 = vector.shape_cast %get3A_7 : vector<1x1000x1xf32> to vector<1000x1xf32>
    %add3A = arith.addf %get3A_3, %get3A_8 : vector<1000x1xf32>
    %get3A_9 = arith.constant 0 : index
    %get3A_10 = arith.constant 0 : index
    %get3A_11 = arith.constant 64 : index
    %get3A_12 = vector.load %arg3[%get3A_9, %get3A_10, %get3A_11] : memref<2x1000x128xf32, #tpu.memory_space<vmem>>, vector<1x1000x1xf32>
    %get3A_13 = vector.shape_cast %get3A_12 : vector<1x1000x1xf32> to vector<1000x1xf32>
    %get3A_14 = arith.constant 1 : index
    %get3A_15 = arith.constant 0 : index
    %get3A_16 = arith.constant 64 : index
    %get3A_17 = vector.load %arg3[%get3A_14, %get3A_15, %get3A_16] : memref<2x1000x128xf32, #tpu.memory_space<vmem>>, vector<1x1000x1xf32>
    %get3A_18 = vector.shape_cast %get3A_17 : vector<1x1000x1xf32> to vector<1000x1xf32>
    %add3A_19 = arith.addf %get3A_13, %get3A_18 : vector<1000x1xf32>
    %max3A = arith.constant 1.000000e+00 : f32
    %max3A_20 = vector.broadcast %max3A : f32 to vector<1000x1xf32>
    %max3A_21 = arith.maximumf %add3A, %max3A_20 : vector<1000x1xf32>
    %rsqrt3A = math.rsqrt %max3A_21 : vector<1000x1xf32>
    %max3A_22 = arith.constant 1.000000e+00 : f32
    %max3A_23 = vector.broadcast %max3A_22 : f32 to vector<1000x1xf32>
    %max3A_24 = arith.maximumf %add3A_19, %max3A_23 : vector<1000x1xf32>
    %rsqrt3A_25 = math.rsqrt %max3A_24 : vector<1000x1xf32>
    %get3A_26 = arith.constant 0 : index
    %get3A_27 = arith.constant 0 : index
    %get3A_28 = vector.load %arg1[%get3A_26, %get3A_27] : memref<1000x128xf32, #tpu.memory_space<vmem>>, vector<1000x128xf32>
    %mul3A = vector.broadcast %rsqrt3A : vector<1000x1xf32> to vector<1000x128xf32>
    %mul3A_29 = arith.mulf %get3A_28, %mul3A : vector<1000x128xf32>
    %swap3A = arith.constant 0 : index
    %swap3A_30 = arith.constant 0 : index
    %swap3A_31 = vector.load %arg4[%swap3A, %swap3A_30] : memref<1000x128xf32, #tpu.memory_space<vmem>>, vector<1000x128xf32>
    tpu.vector_store %arg4[%swap3A, %swap3A_30], %mul3A_29 {strides = array<i32>} : memref<1000x128xf32, #tpu.memory_space<vmem>>, vector<1000x128xf32>,
    %get3A_32 = arith.constant 0 : index
    %get3A_33 = arith.constant 0 : index
    %get3A_34 = vector.load %arg2[%get3A_32, %get3A_33] : memref<1000x128xf32, #tpu.memory_space<vmem>>, vector<1000x128xf32>
    %mul3A_35 = vector.broadcast %rsqrt3A : vector<1000x1xf32> to vector<1000x128xf32>
    %mul3A_36 = arith.mulf %get3A_34, %mul3A_35 : vector<1000x128xf32>
    %swap3A_37 = arith.constant 0 : index
    %swap3A_38 = arith.constant 0 : index
    %swap3A_39 = vector.load %arg5[%swap3A_37, %swap3A_38] : memref<1000x128xf32, #tpu.memory_space<vmem>>, vector<1000x128xf32>
    tpu.vector_store %arg5[%swap3A_37, %swap3A_38], %mul3A_36 {strides = array<i32>} : memref<1000x128xf32, #tpu.memory_space<vmem>>, vector<1000x128xf32>,
    %mul3A_40 = arith.mulf %rsqrt3A_25, %rsqrt3A : vector<1000x1xf32>
    %swap3A_41 = arith.constant 0 : index
    %swap3A_42 = arith.constant 0 : index
    %swap3A_43 = vector.load %arg6[%swap3A_41, %swap3A_42] : memref<1000x1xf32, #tpu.memory_space<vmem>>, vector<1000x1xf32>
    tpu.vector_store %arg6[%swap3A_41, %swap3A_42], %mul3A_40 {strides = array<i32>} : memref<1000x1xf32, #tpu.memory_space<vmem>>, vector<1000x1xf32>,
    %swap3A_44 = arith.constant 0 : index
    %swap3A_45 = arith.constant 0 : index
    %swap3A_46 = vector.load %arg7[%swap3A_44, %swap3A_45] : memref<1000x1xf32, #tpu.memory_space<vmem>>, vector<1000x1xf32>
    tpu.vector_store %arg7[%swap3A_44, %swap3A_45], %rsqrt3A_25 {strides = array<i32>} : memref<1000x1xf32, #tpu.memory_space<vmem>>, vector<1000x1xf32>,
    return
  }
  func.func @transform_0(%arg0: i32) -> (i32, i32) {
    %c0_i32 = arith.constant 0 : i32
    %c0_i32_0 = arith.constant 0 : i32
    return %arg0, %c0_i32 : i32, i32
  }
  func.func @transform_1(%arg0: i32) -> (i32, i32) {
    %c0_i32 = arith.constant 0 : i32
    %c0_i32_0 = arith.constant 0 : i32
    return %arg0, %c0_i32 : i32, i32
  }
  func.func @transform_2(%arg0: i32) -> (i32, i32, i32) {
    %c0_i32 = arith.constant 0 : i32
    %c0_i32_0 = arith.constant 0 : i32
    %c0_i32_1 = arith.constant 0 : i32
    return %c0_i32, %arg0, %c0_i32_0 : i32, i32, i32
  }
  func.func @transform_3(%arg0: i32) -> (i32, i32) {
    %c0_i32 = arith.constant 0 : i32
    %c0_i32_0 = arith.constant 0 : i32
    return %arg0, %c0_i32 : i32, i32
  }
  func.func @transform_4(%arg0: i32) -> (i32, i32) {
    %c0_i32 = arith.constant 0 : i32
    %c0_i32_0 = arith.constant 0 : i32
    return %arg0, %c0_i32 : i32, i32
  }
  func.func @transform_5(%arg0: i32) -> (i32, i32) {
    %c0_i32 = arith.constant 0 : i32
    %c0_i32_0 = arith.constant 0 : i32
    return %arg0, %c0_i32 : i32, i32
  }
  func.func @transform_6(%arg0: i32) -> (i32, i32) {
    %c0_i32 = arith.constant 0 : i32
    %c0_i32_0 = arith.constant 0 : i32
    return %arg0, %c0_i32 : i32, i32
  }
}

module attributes {stable_mosaic.version = 14 : i64} {
  func.func @_tc_mid2_body(%arg0: i32, %arg1: memref<2x1000x128xf32, #tpu.memory_space<vmem>>, %arg2: memref<1000x128xf32, #tpu.memory_space<vmem>>, %arg3: memref<128x128xf32, #tpu.memory_space<vmem>>, %arg4: memref<128x128xf32, #tpu.memory_space<vmem>>, %arg5: memref<1000x1xf32, #tpu.memory_space<vmem>>, %arg6: memref<1000x128xf32, #tpu.memory_space<vmem>>) attributes {dimension_semantics = [#tpu.dimension_semantics<arbitrary>], iteration_bounds = array<i64: 10>, scalar_prefetch = 0 : i64, scratch_operands = 0 : i64, tpu.core_type = #tpu.core_type<tc>, window_params = [{transform_indices = @transform_0, window_bounds = array<i64: 2, 1000, 128>}, {transform_indices = @transform_1, window_bounds = array<i64: 1000, 128>}, {pipeline_mode = #tpu.pipeline_mode<synchronous>, transform_indices = @transform_2, window_bounds = array<i64: 128, 128>}, {pipeline_mode = #tpu.pipeline_mode<synchronous>, transform_indices = @transform_3, window_bounds = array<i64: 128, 128>}, {transform_indices = @transform_4, window_bounds = array<i64: 1000, 1>}, {transform_indices = @transform_5, window_bounds = array<i64: 1000, 128>}]} {
    %get3A = arith.constant 0 : index
    %get3A_0 = arith.constant 0 : index
    %get3A_1 = arith.constant 0 : index
    %get3A_2 = vector.load %arg1[%get3A, %get3A_0, %get3A_1] : memref<2x1000x128xf32, #tpu.memory_space<vmem>>, vector<1x1000x128xf32>
    %get3A_3 = vector.shape_cast %get3A_2 : vector<1x1000x128xf32> to vector<1000x128xf32>
    %get3A_4 = arith.constant 1 : index
    %get3A_5 = arith.constant 0 : index
    %get3A_6 = arith.constant 0 : index
    %get3A_7 = vector.load %arg1[%get3A_4, %get3A_5, %get3A_6] : memref<2x1000x128xf32, #tpu.memory_space<vmem>>, vector<1x1000x128xf32>
    %get3A_8 = vector.shape_cast %get3A_7 : vector<1x1000x128xf32> to vector<1000x128xf32>
    %add3A = arith.addf %get3A_3, %get3A_8 : vector<1000x128xf32>
    %max3A = arith.constant 0.000000e+00 : f32
    %max3A_9 = vector.broadcast %max3A : f32 to vector<1000x128xf32>
    %max3A_10 = arith.maximumf %add3A, %max3A_9 : vector<1000x128xf32>
    %get3A_11 = arith.constant 0 : index
    %get3A_12 = arith.constant 0 : index
    %get3A_13 = vector.load %arg5[%get3A_11, %get3A_12] : memref<1000x1xf32, #tpu.memory_space<vmem>>, vector<1000x1xf32>
    %mul3A = vector.broadcast %get3A_13 : vector<1000x1xf32> to vector<1000x128xf32>
    %mul3A_14 = arith.mulf %max3A_10, %mul3A : vector<1000x128xf32>
    %get3A_15 = arith.constant 0 : index
    %get3A_16 = arith.constant 0 : index
    %get3A_17 = vector.load %arg3[%get3A_15, %get3A_16] : memref<128x128xf32, #tpu.memory_space<vmem>>, vector<128x128xf32>
    %dot_general3A = arith.constant dense<0.000000e+00> : vector<1000x128xf32>
    %dot_general3A_18 = tpu.matmul %mul3A_14, %get3A_17, %dot_general3A {dimension_numbers = #tpu.dot_dimension_numbers<[1], [0], [0], [1], [0, 0, 1, 1], [], []>, transpose_lhs_hint = false} : vector<1000x128xf32>, vector<128x128xf32>, vector<1000x128xf32> -> vector<1000x128xf32>
    %get3A_19 = arith.constant 0 : index
    %get3A_20 = arith.constant 0 : index
    %get3A_21 = vector.load %arg2[%get3A_19, %get3A_20] : memref<1000x128xf32, #tpu.memory_space<vmem>>, vector<1000x128xf32>
    %get3A_22 = arith.constant 0 : index
    %get3A_23 = arith.constant 0 : index
    %get3A_24 = vector.load %arg4[%get3A_22, %get3A_23] : memref<128x128xf32, #tpu.memory_space<vmem>>, vector<128x128xf32>
    %dot_general3A_25 = arith.constant dense<0.000000e+00> : vector<1000x128xf32>
    %dot_general3A_26 = tpu.matmul %get3A_21, %get3A_24, %dot_general3A_25 {dimension_numbers = #tpu.dot_dimension_numbers<[1], [0], [0], [1], [0, 0, 1, 1], [], []>, transpose_lhs_hint = false} : vector<1000x128xf32>, vector<128x128xf32>, vector<1000x128xf32> -> vector<1000x128xf32>
    %add3A_27 = arith.addf %dot_general3A_18, %dot_general3A_26 : vector<1000x128xf32>
    %swap3A = arith.constant 0 : index
    %swap3A_28 = arith.constant 0 : index
    %swap3A_29 = vector.load %arg6[%swap3A, %swap3A_28] : memref<1000x128xf32, #tpu.memory_space<vmem>>, vector<1000x128xf32>
    tpu.vector_store %arg6[%swap3A, %swap3A_28], %add3A_27 {strides = array<i32>} : memref<1000x128xf32, #tpu.memory_space<vmem>>, vector<1000x128xf32>,
    return
  }
  func.func @transform_0(%arg0: i32) -> (i32, i32, i32) {
    %c0_i32 = arith.constant 0 : i32
    %c0_i32_0 = arith.constant 0 : i32
    %c0_i32_1 = arith.constant 0 : i32
    return %c0_i32, %arg0, %c0_i32_0 : i32, i32, i32
  }
  func.func @transform_1(%arg0: i32) -> (i32, i32) {
    %c0_i32 = arith.constant 0 : i32
    %c0_i32_0 = arith.constant 0 : i32
    return %arg0, %c0_i32 : i32, i32
  }
  func.func @transform_2(%arg0: i32) -> (i32, i32) {
    %c0_i32 = arith.constant 0 : i32
    %c0_i32_0 = arith.constant 0 : i32
    %c0_i32_1 = arith.constant 0 : i32
    return %c0_i32, %c0_i32_0 : i32, i32
  }
  func.func @transform_3(%arg0: i32) -> (i32, i32) {
    %c0_i32 = arith.constant 0 : i32
    %c0_i32_0 = arith.constant 0 : i32
    %c0_i32_1 = arith.constant 0 : i32
    return %c0_i32, %c0_i32_0 : i32, i32
  }
  func.func @transform_4(%arg0: i32) -> (i32, i32) {
    %c0_i32 = arith.constant 0 : i32
    %c0_i32_0 = arith.constant 0 : i32
    return %arg0, %c0_i32 : i32, i32
  }
  func.func @transform_5(%arg0: i32) -> (i32, i32) {
    %c0_i32 = arith.constant 0 : i32
    %c0_i32_0 = arith.constant 0 : i32
    return %arg0, %c0_i32 : i32, i32
  }
}

module attributes {stable_mosaic.version = 14 : i64} {
  func.func @_tc_mid3_body(%arg0: i32, %arg1: memref<2x1000x128xf32, #tpu.memory_space<vmem>>, %arg2: memref<128x128xf32, #tpu.memory_space<vmem>>, %arg3: memref<1000x1xf32, #tpu.memory_space<vmem>>, %arg4: memref<1000x128xf32, #tpu.memory_space<vmem>>) attributes {dimension_semantics = [#tpu.dimension_semantics<arbitrary>], iteration_bounds = array<i64: 10>, scalar_prefetch = 0 : i64, scratch_operands = 0 : i64, tpu.core_type = #tpu.core_type<tc>, window_params = [{transform_indices = @transform_0, window_bounds = array<i64: 2, 1000, 128>}, {pipeline_mode = #tpu.pipeline_mode<synchronous>, transform_indices = @transform_1, window_bounds = array<i64: 128, 128>}, {transform_indices = @transform_2, window_bounds = array<i64: 1000, 1>}, {transform_indices = @transform_3, window_bounds = array<i64: 1000, 128>}]} {
    %get3A = arith.constant 0 : index
    %get3A_0 = arith.constant 0 : index
    %get3A_1 = arith.constant 0 : index
    %get3A_2 = vector.load %arg1[%get3A, %get3A_0, %get3A_1] : memref<2x1000x128xf32, #tpu.memory_space<vmem>>, vector<1x1000x128xf32>
    %get3A_3 = vector.shape_cast %get3A_2 : vector<1x1000x128xf32> to vector<1000x128xf32>
    %get3A_4 = arith.constant 1 : index
    %get3A_5 = arith.constant 0 : index
    %get3A_6 = arith.constant 0 : index
    %get3A_7 = vector.load %arg1[%get3A_4, %get3A_5, %get3A_6] : memref<2x1000x128xf32, #tpu.memory_space<vmem>>, vector<1x1000x128xf32>
    %get3A_8 = vector.shape_cast %get3A_7 : vector<1x1000x128xf32> to vector<1000x128xf32>
    %add3A = arith.addf %get3A_3, %get3A_8 : vector<1000x128xf32>
    %max3A = arith.constant 0.000000e+00 : f32
    %max3A_9 = vector.broadcast %max3A : f32 to vector<1000x128xf32>
    %max3A_10 = arith.maximumf %add3A, %max3A_9 : vector<1000x128xf32>
    %get3A_11 = arith.constant 0 : index
    %get3A_12 = arith.constant 0 : index
    %get3A_13 = vector.load %arg3[%get3A_11, %get3A_12] : memref<1000x1xf32, #tpu.memory_space<vmem>>, vector<1000x1xf32>
    %mul3A = vector.broadcast %get3A_13 : vector<1000x1xf32> to vector<1000x128xf32>
    %mul3A_14 = arith.mulf %max3A_10, %mul3A : vector<1000x128xf32>
    %get3A_15 = arith.constant 0 : index
    %get3A_16 = arith.constant 0 : index
    %get3A_17 = vector.load %arg2[%get3A_15, %get3A_16] : memref<128x128xf32, #tpu.memory_space<vmem>>, vector<128x128xf32>
    %dot_general3A = arith.constant dense<0.000000e+00> : vector<1000x128xf32>
    %dot_general3A_18 = tpu.matmul %mul3A_14, %get3A_17, %dot_general3A {dimension_numbers = #tpu.dot_dimension_numbers<[1], [0], [0], [1], [0, 0, 1, 1], [], []>, transpose_lhs_hint = false} : vector<1000x128xf32>, vector<128x128xf32>, vector<1000x128xf32> -> vector<1000x128xf32>
    %swap3A = arith.constant 0 : index
    %swap3A_19 = arith.constant 0 : index
    %swap3A_20 = vector.load %arg4[%swap3A, %swap3A_19] : memref<1000x128xf32, #tpu.memory_space<vmem>>, vector<1000x128xf32>
    tpu.vector_store %arg4[%swap3A, %swap3A_19], %dot_general3A_18 {strides = array<i32>} : memref<1000x128xf32, #tpu.memory_space<vmem>>, vector<1000x128xf32>,
    return
  }
  func.func @transform_0(%arg0: i32) -> (i32, i32, i32) {
    %c0_i32 = arith.constant 0 : i32
    %c0_i32_0 = arith.constant 0 : i32
    %c0_i32_1 = arith.constant 0 : i32
    return %c0_i32, %arg0, %c0_i32_0 : i32, i32, i32
  }
  func.func @transform_1(%arg0: i32) -> (i32, i32) {
    %c0_i32 = arith.constant 0 : i32
    %c0_i32_0 = arith.constant 0 : i32
    %c0_i32_1 = arith.constant 0 : i32
    return %c0_i32, %c0_i32_0 : i32, i32
  }
  func.func @transform_2(%arg0: i32) -> (i32, i32) {
    %c0_i32 = arith.constant 0 : i32
    %c0_i32_0 = arith.constant 0 : i32
    return %arg0, %c0_i32 : i32, i32
  }
  func.func @transform_3(%arg0: i32) -> (i32, i32) {
    %c0_i32 = arith.constant 0 : i32
    %c0_i32_0 = arith.constant 0 : i32
    return %arg0, %c0_i32 : i32, i32
  }
}

module attributes {stable_mosaic.version = 14 : i64} {
  func.func @_tc_final_body(%arg0: i32, %arg1: memref<2x1000x128xf32, #tpu.memory_space<vmem>>, %arg2: memref<1000x1xf32, #tpu.memory_space<vmem>>, %arg3: memref<1x128xf32, #tpu.memory_space<vmem>>) attributes {dimension_semantics = [#tpu.dimension_semantics<arbitrary>], iteration_bounds = array<i64: 10>, scalar_prefetch = 0 : i64, scratch_operands = 0 : i64, tpu.core_type = #tpu.core_type<tc>, window_params = [{transform_indices = @transform_0, window_bounds = array<i64: 2, 1000, 128>}, {transform_indices = @transform_1, window_bounds = array<i64: 1000, 1>}, {pipeline_mode = #tpu.pipeline_mode<synchronous>, transform_indices = @transform_2, window_bounds = array<i64: 1, 128>}]} {
    %get3A = arith.constant 0 : index
    %get3A_0 = arith.constant 0 : index
    %get3A_1 = arith.constant 0 : index
    %get3A_2 = vector.load %arg1[%get3A, %get3A_0, %get3A_1] : memref<2x1000x128xf32, #tpu.memory_space<vmem>>, vector<1x1000x128xf32>
    %get3A_3 = vector.shape_cast %get3A_2 : vector<1x1000x128xf32> to vector<1000x128xf32>
    %get3A_4 = arith.constant 1 : index
    %get3A_5 = arith.constant 0 : index
    %get3A_6 = arith.constant 0 : index
    %get3A_7 = vector.load %arg1[%get3A_4, %get3A_5, %get3A_6] : memref<2x1000x128xf32, #tpu.memory_space<vmem>>, vector<1x1000x128xf32>
    %get3A_8 = vector.shape_cast %get3A_7 : vector<1x1000x128xf32> to vector<1000x128xf32>
    %add3A = arith.addf %get3A_3, %get3A_8 : vector<1000x128xf32>
    %max3A = arith.constant 0.000000e+00 : f32
    %max3A_9 = vector.broadcast %max3A : f32 to vector<1000x128xf32>
    %max3A_10 = arith.maximumf %add3A, %max3A_9 : vector<1000x128xf32>
    %get3A_11 = arith.constant 0 : index
    %get3A_12 = arith.constant 0 : index
    %get3A_13 = vector.load %arg2[%get3A_11, %get3A_12] : memref<1000x1xf32, #tpu.memory_space<vmem>>, vector<1000x1xf32>
    %mul3A = vector.broadcast %get3A_13 : vector<1000x1xf32> to vector<1000x128xf32>
    %mul3A_14 = arith.mulf %max3A_10, %mul3A : vector<1000x128xf32>
    %reduce_sum3A = arith.constant dense<0.000000e+00> : vector<128xf32>
    %reduce_sum3A_15 = vector.multi_reduction <add>, %mul3A_14, %reduce_sum3A [0] : vector<1000x128xf32> to vector<128xf32>
    %broadcast_in_dim3A = vector.shape_cast %reduce_sum3A_15 : vector<128xf32> to vector<1x128xf32>
    %eq3A = arith.constant 0 : i32
    %eq3A_16 = arith.cmpi eq, %arg0, %eq3A : i32
    %convert_element_type3A = arith.extui %eq3A_16 : i1 to i32
    %cond3A = arith.constant 0 : i32
    %cond3A_17 = arith.cmpi ne, %convert_element_type3A, %cond3A : i32
    scf.if %cond3A_17 {
      %swap3A = arith.constant 0 : index
      %swap3A_22 = arith.constant 0 : index
      %swap3A_23 = vector.load %arg3[%swap3A, %swap3A_22] : memref<1x128xf32, #tpu.memory_space<vmem>>, vector<1x128xf32>
      tpu.vector_store %arg3[%swap3A, %swap3A_22], %broadcast_in_dim3A {strides = array<i32>} : memref<1x128xf32, #tpu.memory_space<vmem>>, vector<1x128xf32>,
    } else {
    }
    %ne3A = arith.constant 0 : i32
    %ne3A_18 = arith.cmpi ne, %arg0, %ne3A : i32
    %convert_element_type3A_19 = arith.extui %ne3A_18 : i1 to i32
    %cond3A_20 = arith.constant 0 : i32
    %cond3A_21 = arith.cmpi ne, %convert_element_type3A_19, %cond3A_20 : i32
    scf.if %cond3A_21 {
      %get3A_22 = arith.constant 0 : index
      %get3A_23 = arith.constant 0 : index
      %get3A_24 = vector.load %arg3[%get3A_22, %get3A_23] : memref<1x128xf32, #tpu.memory_space<vmem>>, vector<1x128xf32>
      %add3A_25 = arith.addf %get3A_24, %broadcast_in_dim3A : vector<1x128xf32>
      %swap3A = arith.constant 0 : index
      %swap3A_26 = arith.constant 0 : index
      %swap3A_27 = vector.load %arg3[%swap3A, %swap3A_26] : memref<1x128xf32, #tpu.memory_space<vmem>>, vector<1x128xf32>
      tpu.vector_store %arg3[%swap3A, %swap3A_26], %add3A_25 {strides = array<i32>} : memref<1x128xf32, #tpu.memory_space<vmem>>, vector<1x128xf32>,
    } else {
    }
    return
  }
  func.func @transform_0(%arg0: i32) -> (i32, i32, i32) {
    %c0_i32 = arith.constant 0 : i32
    %c0_i32_0 = arith.constant 0 : i32
    %c0_i32_1 = arith.constant 0 : i32
    return %c0_i32, %arg0, %c0_i32_0 : i32, i32, i32
  }
  func.func @transform_1(%arg0: i32) -> (i32, i32) {
    %c0_i32 = arith.constant 0 : i32
    %c0_i32_0 = arith.constant 0 : i32
    return %arg0, %c0_i32 : i32, i32
  }
  func.func @transform_2(%arg0: i32) -> (i32, i32) {
    %c0_i32 = arith.constant 0 : i32
    %c0_i32_0 = arith.constant 0 : i32
    %c0_i32_1 = arith.constant 0 : i32
    return %c0_i32, %c0_i32_0 : i32, i32
  }
}

</mosaic_0001>

<sc_bundles>
// kernel: kernel.11.cloned.1.call-start
scs
__scs_entry_jumppad:
0x0: {  	(pc) =	sbr.rel $0x88, $3  }
0x1: {  	(tag) =	ssettag $0x0;
	lr =	simm.s32 $0x1  }
0x2: {  	[smem:$0x3F98] =	sst lr;
	_ =	strace $0xD0000000  }
0x3: {  	_ = 	snop  }
0x4: {  	_ = 	snop  }
0x5: {  	_ = 	snop  }
0x6: {  	_ = 	snop  }
0x7: {  	_ = 	snop  }
__scs_overlays_trampoline_lowered:
0x8: {  	[smem:$0x3FA7] =	sst s0  }
0x9: {  	[smem:$0x3FA8] =	sst s1  }
0xa: {  	[smem:$0x3FA9] =	sst s2  }
0xb: {  	[smem:$0x3FAA] =	sst s3  }
0xc: {  	[smem:$0x3FAB] =	sst s4  }
0xd: {  	[smem:$0x3FAC] =	sst s5  }
0xe: {  	[smem:$0x3FAD] =	sst s6  }
0xf: {  	[smem:$0x3FAE] =	sst s7  }
0x10: {  	[smem:$0x3FAF] =	sst s8  }
0x11: {  	[smem:$0x3FB0] =	sst s9;
	s0 =	simm.s32 @!p0 $0x0  }
0x12: {  	s1 =	sld [smem:$0x3F96];
	s0 =	simm.s32 @p0 $0x1  }
0x13: {  	[smem:$0x3FB1] =	sst s0;
	s0 =	simm.s32 @!p1 $0x0  }
0x14: {  	s2 =	sld [smem:$0x3F95];
	s0 =	simm.s32 @p1 $0x1  }
0x15: {  	[smem:$0x3FB2] =	sst s0;
	s0 =	simm.s32 @!p2 $0x0  }
0x16: {  	s3 =	sld [smem:$0x3FDB];
	s0 =	simm.s32 @p2 $0x1  }
0x17: {  	s4 =	simm.s32 $0x1BF5;
	[smem:$0x3FB4] =	sst s0  }
0x18: {  	s0 =	sld [smem:$0x3F97];
	_ =	swait.ge [sflag:s4], $0x0  }
0x19: {  	s7 =	sld [smem:$0x3F98]  }
0x1a: {  	s8 =	sadd.s32 $0xFFFFE003, lr  }
0x1b: {  	s9 =	sadd.s32 $0xFFFFFEF7, lr;
	s5 =	simm.s32 $0xFFFFFFFF;
	p2 =	slt.u32 s8, $0xFFFFF086  }
0x1c: {  	p1 =	slt.u32 s9, $0xF7A;
	s5 =	simm.s32 @!p2 $0x0  }
0x1d: {  	s5 =	simm.s32 @p1 $0x1;
	p0 =	seq.s32 s7, s2  }
0x1e: {  	s7 =	smul.u32 @!p0 $0xF7A, s2;
	p2 =	seq.s32 @!p0 s5, $0x0  }
0x1f: {  	s9 =	smul.u32 $0xF7A, s1;
	s8 =	simm.s32 @!p0 $0x1BF5;
	p2 =	por !p2, p0  }
0x20: {  	[sflag:s8] =	ssyncset.s32 @!p0 $0xFFFFF086;
	s6 =	sadd.s32 @!p0 s3, s7;
	s7 =	simm.s32 @!p0 $0x108  }
0x21: {  	s3 =	sadd.s32 s3, s9;
	s6 =	sadd.s32 @!p0 $0x88, s6;
	s7 =	simm.s32 @p2 $0x1082  }
0x22: {  	[simem:s7], [sflag:s8] =	dma.local @!p0 [hbm:s6], $0xF7A  }
0x23: {  	s9 =	sor.u32 $0xD0000000, s2;
	s6 =	simm.s32 $0x108;
	_ =	swait.ge @!p0 [sflag:s8], $0x0  }
0x24: {  	s3 =	sadd.s32 $0x88, s3;
	s6 =	simm.s32 @!p1 $0x1082;
	[sflag:s4] =	ssyncset.s32 $0xFFFFF086  }
0x25: {  	[simem:s6], [sflag:s4] =	dma.local [hbm:s3], $0xF7A  }
0x26: {  	[smem:$0x3F98] =	sst s1;
	(tag) =	ssettag s2;
	_ =	strace s9  }
0x27: {  	s1 =	sld [smem:$0x3FA8]  }
0x28: {  	s2 =	sld [smem:$0x3FA9]  }
0x29: {  	s4 =	sld [smem:$0x3FAB]  }
0x2a: {  	p0 =	seq.s32 s5, $0x0;
	s5 =	sld [smem:$0x3FAC]  }
0x2b: {  	s6 =	sld [smem:$0x3FAD]  }
0x2c: {  	s7 =	sld [smem:$0x3FAE]  }
0x2d: {  	s3 =	simm.s32 $0x108;
	s8 =	sld [smem:$0x3FAF]  }
0x2e: {  	s3 =	simm.s32 @!p0 $0x1082;
	s9 =	sld [smem:$0x3FB0]  }
0x2f: {  	lr =	sadd.s32 s0, s3;
	s0 =	sld [smem:$0x3FA7]  }
0x30: {  	s3 =	sld [smem:$0x3FAA]  }
0x31: {  	[smem:$0x3FB3] =	sst s10  }
0x32: {  	s10 =	sld [smem:$0x3FB1];
	_ =	sdelay $0x3  }
0x33: {  	p0 =	seq.s32 s10, $0x1;
	s10 =	sld [smem:$0x3FB3];
	_ =	sdelay $0x3  }
0x34: {  	[smem:$0x3FB3] =	sst s10  }
0x35: {  	s10 =	sld [smem:$0x3FB2];
	_ =	sdelay $0x3  }
0x36: {  	p1 =	seq.s32 s10, $0x1;
	s10 =	sld [smem:$0x3FB3];
	_ =	sdelay $0x3  }
0x37: {  	[smem:$0x3FB3] =	sst s10  }
0x38: {  	s10 =	sld [smem:$0x3FB4]  }
0x39: {  	_ = 	snop;
	(pc) =	sbr.ind lr, $3  }
0x3a: {  	_ = 	snop  }
0x3b: {  	_ = 	snop  }
0x3c: {  	p2 =	seq.s32 s10, $0x1;
	s10 =	sld [smem:$0x3FB3]  }
0x3d: {  	_ =	shalt  }
0x3e: {  	_ =	shalt  }
0x3f: {  	_ =	shalt  }
0x40: {  	_ =	shalt  }
0x41: {  	_ =	shalt  }
0x42: {  	_ =	shalt  }
0x43: {  	_ =	shalt  }
0x44: {  	_ =	shalt  }
0x45: {  	_ =	shalt  }
0x46: {  	_ =	shalt  }
0x47: {  	_ =	shalt  }
0x48: {  	_ =	shalt  }
0x49: {  	_ =	shalt  }
0x4a: {  	_ =	shalt  }
0x4b: {  	_ =	shalt  }
0x4c: {  	_ =	shalt  }
0x4d: {  	_ =	shalt  }
0x4e: {  	_ =	shalt  }
0x4f: {  	_ =	shalt  }
0x50: {  	_ =	shalt  }
0x51: {  	_ =	shalt  }
0x52: {  	_ =	shalt  }
0x53: {  	_ =	shalt  }
0x54: {  	_ =	shalt  }
0x55: {  	_ =	shalt  }
0x56: {  	_ =	shalt  }
0x57: {  	_ =	shalt  }
0x58: {  	_ =	shalt  }
0x59: {  	_ =	shalt  }
0x5a: {  	_ =	shalt  }
0x5b: {  	_ =	shalt  }
0x5c: {  	_ =	shalt  }
0x5d: {  	_ =	shalt  }
0x5e: {  	_ =	shalt  }
0x5f: {  	_ =	shalt  }
0x60: {  	_ =	shalt  }
0x61: {  	_ =	shalt  }
0x62: {  	_ =	shalt  }
0x63: {  	_ =	shalt  }
0x64: {  	_ =	shalt  }
0x65: {  	_ =	shalt  }
0x66: {  	_ =	shalt  }
0x67: {  	_ =	shalt  }
0x68: {  	_ =	shalt  }
0x69: {  	_ =	shalt  }
0x6a: {  	_ =	shalt  }
0x6b: {  	_ =	shalt  }
0x6c: {  	_ =	shalt  }
0x6d: {  	_ =	shalt  }
0x6e: {  	_ =	shalt  }
0x6f: {  	_ =	shalt  }
0x70: {  	_ =	shalt  }
0x71: {  	_ =	shalt  }
0x72: {  	_ =	shalt  }
0x73: {  	_ =	shalt  }
0x74: {  	_ =	shalt  }
0x75: {  	_ =	shalt  }
0x76: {  	_ =	shalt  }
0x77: {  	_ =	shalt  }
0x78: {  	_ =	shalt  }
0x79: {  	_ =	shalt  }
0x7a: {  	_ =	shalt  }
0x7b: {  	_ =	shalt  }
0x7c: {  	_ =	shalt  }
0x7d: {  	_ =	shalt  }
0x7e: {  	_ =	shalt  }
0x7f: {  	_ =	shalt  }
0x80: {  	_ =	shalt  }
0x81: {  	_ =	shalt  }
0x82: {  	_ =	shalt  }
0x83: {  	_ =	shalt  }
0x84: {  	_ =	shalt  }
0x85: {  	_ =	shalt  }
0x86: {  	_ =	shalt  }
0x87: {  	_ =	shalt  }
.Lfunc_end0:
.L_simem_size_0:
called_computation_lowered:
.L_overlay_start_0:
0x88: {  	s2 =	sld [smem:$0x3FD9]  }
0x89: {  	s3 =	sld [smem:$0x3FFE];
	_ =	sdelay $0x1  }
0x8a: {  	s1 =	srdreg.scid  }
0x8b: {  	s0 =	sand.u32 $0x1, s1  }
0x8c: {  	s16 =	sshll.u32 s0, $0xA;
	s2 =	sadd.s32 s3, s2  }
0x8d: {  	s2 =	sadd.s32 s2, s16  }
0x8e: {  	[smem:$0x3FBF] =	sst s2  }
0x8f: {  	_ = 	snop  }
0x90: {  	(tm) =	ssettm $0x1  }
0x91: {  	s17 =	sld [smem:$0x3FFB];
	_ =	sdelay $0x3  }
0x92: {  	_ =	strace s17  }
0x93: {  	s2 =	sld [smem:$0x3FFC];
	_ =	sdelay $0x3  }
0x94: {  	_ =	strace s2  }
0x95: {  	s2 =	sld [smem:$0x3FFD];
	_ =	sdelay $0x3  }
0x96: {  	_ =	strace s2  }
0x97: {  	_ =	strace $0x8FFFFFFF  }
0x98: {  	s18 =	sld [smem:$0x3FDB];
	_ =	sdelay $0x1  }
0x99: {  	s19 =	simm.s32 $_scs_section_size  }
0x9a: {  	s4 =	simm.s32 $_size__tile_overlayer_lowered;
	s5 =	simm.s32 $_tile_overlayer_lowered  }
0x9b: {  	s22 =	simm.s32 $0x1BFF;
	s21 =	sshll.u32 s5, $0x1;
	s2 =	sadd.s32 s19, s18  }
0x9c: {  	s6 =	simm.s32 $0x0;
	s20 =	sshll.u32 s4, $0x1;
	s4 =	sadd.s32 s21, s2  }
0x9d: {  	[timem:s6], [sflag:s22] =	dma.local [hbm:s4], s20  }
0x9e: {  	_ =	swait.ge [sflag:s22], s20  }
0x9f: {  	s3 =	ssub.s32 $0x0, s20;
	[sflag:s22] =	ssyncset.done $0x0  }
0xa0: {  	[sflag:s22] =	ssyncadd.s32 s3;
	_ =	sdelay $0x1  }
0xa1: {  	s23 =	simm.s32 $0x1B8B  }
0xa2: {  	_ =	swait.ge [sflag:s23], $0x1  }
0xa3: {  	[sflag:s23] =	ssyncset.done $0x0  }
0xa4: {  	s25 =	simm.s32 $0x1B8E;
	s24 =	sld [smem:$0x3FFE];
	[sflag:s23] =	ssyncadd.s32 $0xFFFFFFFF  }
0xa5: {  	s26 =	simm.s32 $execute0_lowered;
	[smem:$0x3FD2] =	sst s25  }
0xa6: {  	s4 =	sshll.u32 s26, $0x1;
	_ =	strace $0x80000046;
	[dreg:$0x1] =	wrdreg $0xFFFFFFFF  }
0xa7: {  	s28 =	simm.s32 $_size_execute0_lowered;
	s2 =	sadd.s32 s2, s4;
	[dreg:$0x0] =	wrdreg $0x0  }
0xa8: {  	s4 =	sshll.u32 s28, $0x1;
	[dreg:$0x2] =	wrdreg s2  }
0xa9: {  	[dreg:$0x3] =	wrdreg s4  }
0xaa: {  	[dreg:$0x4] =	wrdreg $0xC0  }
0xab: {  	_ =	task [dreg:s6], $0x5FFFF  }
0xac: {  	[dreg:$0x1] =	wrdreg $0xFFFFFFFF  }
0xad: {  	[dreg:$0x0] =	wrdreg $0x60  }
0xae: {  	[dreg:$0x2] =	wrdreg s24  }
0xaf: {  	[dreg:$0x3] =	wrdreg $0x0  }
0xb0: {  	[dreg:$0x4] =	wrdreg $0x9  }
0xb1: {  	_ =	task.clear_ibuf [dreg:s6], $0x5FFFF;
	_ =	strace $0x90000046  }
0xb2: {  	s29 =	simm.s32 $0x9;
	_ =	strace $0x80000048  }
0xb3: {  	_ =	swait.ge [sflag:s29], $0x1  }
0xb4: {  	[sflag:s29] =	ssyncadd.s32 $0xFFFFFFFF  }
0xb5: {  	_ =	strace $0x90000048  }
0xb6: {  	_ =	sfence  }
0xb7: {  	s30 =	sld [smem:$0x0];
	_ =	sdelay $0x2  }
0xb8: {  	s31 =	sshll.u32 s1, $0xD;
	s1 =	sshrl.u32 s1, $0x2  }
0xb9: {  	s3 =	sand.u32 $0x4000, s31;
	s1 =	sadd.s32 s1, s30  }
0xba: {  	s0 =	sor.u32 s3, s0;
	s1 =	sshll.u32 s1, $0x11  }
0xbb: {  	s0 =	sor.u32 s1, s0  }
0xbc: {  	s0 =	sadd.s32 $0x8F2B, s0  }
0xbd: {  	[sflag:s0] =	ssyncadd.remote.s32 $0x1  }
0xbe: {  	_ =	sfence.sel $0xFFFF  }
0xbf: {  	[dreg:$0x0] =	wrdreg $0xFFFFFFFF;
	(pc) =	sbr.abs _section_cstart, $3  }
0xc0: {  	[dreg:$0x1] =	wrdreg $0xFFFFFFFF  }
0xc1: {  	_ =	task.clear_ibuf [dreg:s6], $0x2FFFF;
	_ =	strace $0x9FFFFFFF  }
0xc2: {  	(tm) =	ssettm $0x7FFFFFFF  }
0xc3: {  	_ =	shalt  }
tec
execute0_lowered:
.L_overlay_start_1:
0x0: {  	(tag) =	ssettag $0x1  }
0x1: {  	s0 =	rddreg [dreg:$0x0]  }
0x2: {  	s1 =	srdreg.scid;
	s2 =	rddreg [dreg:$0x1]  }
0x3: {  	s12 =	stileid.u32;
	s3 =	simm.s32 $0x0;
	s28 =	simm.s32 $0x80  }
0x4: {  	s29 =	simm.s32 $0x14200;
	s30 =	simm.s32 $0x4;
	s5 =	smul.u32 $0x14000, s12  }
0x5: {  	s31 =	simm.s32 $0x1;
	s1 =	sand.u32 $0x1, s1;
	s6 =	smul.u32 $0x50000, s12  }
0x6: {  	[smem:$0x7FF] =	sst s3;
	s7 =	sadd.s32 $0x3400, s0;
	s15 =	smul.u32 $0x2800, s12  }
0x7: {  	s4 =	smul.u32 $0x140000, s1;
	_ =	strace $0x80000047;
	s17 =	sshll.u32 s1, $0x4  }
0x8: {  	s8 =	ssub.s32 $0x2, s1;
	s1 =	smul.u32 $0x28000, s1;
	s9 =	sor.u32 s12, s17  }
0x9: {  	s18 =	sshrl.u32 s6, $0x2;
	s19 =	sshrl.u32 s8, $0x1;
	s4 =	sadd.s32 s5, s4  }
0xa: {  	s5 =	sadd.s32 $0xD400, s0;
	s11 =	smul.u32 $0x2800, s9;
	s6 =	ssub.s32 s8, s19  }
0xb: {  	s1 =	sadd.s32 s15, s1;
	s4 =	sshrl.u32 s4, $0x3;
	s12 =	smax.u32 s6, $0x1  }
0xc: {  	s25 =	sor.u32 $0x200, s1;
	s1 =	sor.u32 $0x180, s1;
	s0 =	sadd.s32 s4, s0  }
0xd: {  	s4 =	sadd.s32 s18, s2;
	s10 =	sshrl.u32 s11, $0x3;
	s13 =	sor.u32 $0x80, s11  }
0xe: {  	s14 =	sor.u32 $0x100, s11;
	s26 =	sshrl.u32 s1, $0x3;
	s1 =	simm.s32 $0x2  }
0xf: {  	s20 =	sadd.s32 $0x4000, s4;
	s21 =	sadd.s32 $0x8000, s4;
	s22 =	sadd.s32 $0xC000, s4  }
0x10: {  	s8 =	sadd.s32 $0x10000, s4;
	s9 =	sadd.s32 s5, s10;
	s10 =	sadd.s32 s7, s10  }
0x11: {  	s11 =	sadd.s32 $0x2B400, s0;
	s23 =	sshrl.u32 s13, $0x3;
	[dreg:$0x3] =	wrdreg s20  }
0x12: {  	s24 =	sshrl.u32 s14, $0x3;
	s0 =	sshrl.u32 s25, $0x3;
	[dreg:$0x4] =	wrdreg s21  }
0x13: {  	s19 =	sadd.s32 s26, s7;
	s25 =	simm.s32 $0x14080;
	[dreg:$0x5] =	wrdreg s22  }
.Ltmp0:
0x14: {  	s13 =	sadd.s32 s5, s23;
	s14 =	sadd.s32 s7, s23;
	(pc) =	sbr.rel .LBB2_1-.Ltmp0, $4  }
0x15: {  	s15 =	sadd.s32 s5, s24;
	s16 =	sadd.s32 s7, s24;
	s17 =	sadd.s32 s0, s7  }
0x16: {  	s18 =	sadd.s32 s0, s5;
	s20 =	sadd.s32 s26, s5;
	s21 =	simm.s32 $0x18200  }
0x17: {  	s22 =	simm.s32 $0x5;
	s23 =	simm.s32 $0x14000;
	s24 =	simm.s32 $0x14100  }
0x18: {  	v0 =	vimm.f32 $0.0e+00;
	v1 =	vimm.f32 $1.000000000e+00;
	s26 =	simm.s32 $0x14180;
	s0 =	simm.s32 $0x3;
	s5 =	simm.s32 $0x0  }
.LBB2_8:
0x19: {  	[spmem:s2] =	stream.indirect.scatter.add.f32 [tilespmem:s29], [sflag:$0x2], $0x80, s25, s28, $0xb8;
	[tilespmem:$0x1C200] =	vst v63  }
0x1a: {  	_ = 	snop  }
0x1b: {  	[spmem:s2] =	stream.indirect.scatter.add.f32 [tilespmem:s21], [sflag:$0x2], $0x80, s26, s28, $0xb8;
	[tilespmem:$0x1C200] =	vst v63  }
0x1c: {  	_ =	swait.ge [sflag:s1], $0x4000  }
0x1d: {  	[sflag:s1] =	ssyncset.done $0x0  }
0x1e: {  	[sflag:s1] =	ssyncadd.s32 $0xFFFFC000  }
0x1f: {  	s6 =	stileid.u32;
	_ =	swait.ge [sflag:s1], $0x4000  }
0x20: {  	s7 =	sshrl.u32 s4, $0x3;
	s5 =	sadd.s32 $0x1, s5;
	[sflag:s1] =	ssyncset.done $0x0  }
0x21: {  	s6 =	sshll.u32 s6, $0x6;
	p0 =	sne.s32 s5, s12;
	[sflag:s1] =	ssyncadd.s32 $0xFFFFC000  }
.Ltmp1:
0x22: {  	s6 =	sor.u32 $0x1C05, s6;
	[bflag:$0x0] =	sbarrier.arrive $0xFFFF;
	(pc) =	sbr.rel @!p0 .LBB2_9-.Ltmp1, $4  }
0x23: {  	[hbm:s11], [sflag:s6] =	dma.local [spmem:s7], $0x2800  }
0x24: {  	_ =	swait.ge [sflag:s22], $0x2800  }
0x25: {  	[sflag:s22] =	ssyncset.done $0x0  }
0x26: {  	[sflag:s22] =	ssyncadd.s32 $0xFFFFD800  }
.LBB2_1:
0x27: {  	s6 =	simm.s32 $0x0;
	s7 =	simm.s32 $0x200  }
.LBB2_2:
0x28: {  	p0 =	sne.s32 s7, $0xFE00;
	[tilespmem:s6+$0x18270] =	vst v0  }
0x29: {  	[tilespmem:s6+$0x18200] =	vst v0  }
0x2a: {  	[tilespmem:s6+$0x18210] =	vst v0  }
.Ltmp2:
0x2b: {  	[tilespmem:s6+$0x18220] =	vst v0;
	(pc) =	sbr.rel @p0 .LBB2_2-.Ltmp2, $4  }
0x2c: {  	[tilespmem:s6+$0x18230] =	vst v0  }
0x2d: {  	[tilespmem:s6+$0x18240] =	vst v0  }
0x2e: {  	[tilespmem:s6+$0x18250] =	vst v0  }
0x2f: {  	[tilespmem:s6+$0x18260] =	vst v0;
	s6 =	sshra.s32 s7, $0x2;
	s7 =	sadd.s32 $0x200, s7  }
0x30: {  	[tilespmem:s6+$0x18270] =	vst v0  }
0x31: {  	[tilespmem:s6+$0x18200] =	vst v0  }
0x32: {  	[tilespmem:s6+$0x18210] =	vst v0  }
0x33: {  	[tilespmem:s6+$0x18220] =	vst v0  }
0x34: {  	[tilespmem:s6+$0x18230] =	vst v0  }
0x35: {  	[tilespmem:s6+$0x18240] =	vst v0  }
0x36: {  	[tilespmem:s6+$0x18250] =	vst v0  }
0x37: {  	[tilespmem:s6+$0x18260] =	vst v0  }
0x38: {  	[spmem:s4] =	stream.linear.scatter [tilespmem:s21], [sflag:$0x5], $0x4000, $0x38;
	[tilespmem:$0x1C200] =	vst v63  }
0x39: {  	_ =	swait.ge [sflag:s22], $0x4000  }
0x3a: {  	[sflag:s22] =	ssyncset.done $0x0  }
0x3b: {  	s7 =	rddreg [dreg:$0x3];
	[sflag:s22] =	ssyncadd.s32 $0xFFFFC000  }
0x3c: {  	[spmem:s7] =	stream.linear.scatter [tilespmem:s21], [sflag:$0x5], $0x4000, $0x38;
	[tilespmem:$0x1C200] =	vst v63  }
0x3d: {  	_ =	swait.ge [sflag:s22], $0x4000  }
0x3e: {  	[sflag:s22] =	ssyncset.done $0x0  }
0x3f: {  	s7 =	rddreg [dreg:$0x4];
	[sflag:s22] =	ssyncadd.s32 $0xFFFFC000  }
0x40: {  	[spmem:s7] =	stream.linear.scatter [tilespmem:s21], [sflag:$0x5], $0x4000, $0x38;
	[tilespmem:$0x1C200] =	vst v63  }
0x41: {  	_ =	swait.ge [sflag:s22], $0x4000  }
0x42: {  	[sflag:s22] =	ssyncset.done $0x0  }
0x43: {  	s7 =	rddreg [dreg:$0x5];
	[sflag:s22] =	ssyncadd.s32 $0xFFFFC000  }
0x44: {  	[spmem:s7] =	stream.linear.scatter [tilespmem:s21], [sflag:$0x5], $0x4000, $0x38;
	[tilespmem:$0x1C200] =	vst v63  }
0x45: {  	_ =	swait.ge [sflag:s22], $0x4000  }
0x46: {  	[sflag:s22] =	ssyncset.done $0x0  }
0x47: {  	[sflag:s22] =	ssyncadd.s32 $0xFFFFC000  }
0x48: {  	[spmem:s8] =	stream.linear.scatter [tilespmem:s21], [sflag:$0x5], $0x4000, $0x38;
	[tilespmem:$0x1C200] =	vst v63  }
0x49: {  	_ =	swait.ge [sflag:s22], $0x4000  }
0x4a: {  	[sflag:s22] =	ssyncset.done $0x0  }
0x4b: {  	s6 =	simm.s32 $0x0;
	s7 =	simm.s32 $0x200;
	[sflag:s22] =	ssyncadd.s32 $0xFFFFC000  }
.LBB2_4:
0x4c: {  	p0 =	sne.s32 s7, $0xFE00;
	[tilespmem:s6+$0x14270] =	vst v0  }
0x4d: {  	[tilespmem:s6+$0x14200] =	vst v1  }
0x4e: {  	[tilespmem:s6+$0x14210] =	vst v0  }
0x4f: {  	[tilespmem:s6+$0x14220] =	vst v0  }
.Ltmp3:
0x50: {  	[tilespmem:s6+$0x14230] =	vst v0;
	(pc) =	sbr.rel @p0 .LBB2_4-.Ltmp3, $4  }
0x51: {  	[tilespmem:s6+$0x14240] =	vst v0  }
0x52: {  	[tilespmem:s6+$0x18240] =	vst v1  }
0x53: {  	[tilespmem:s6+$0x14250] =	vst v0  }
0x54: {  	[tilespmem:s6+$0x14260] =	vst v0;
	s6 =	sshra.s32 s7, $0x2;
	s7 =	sadd.s32 $0x200, s7  }
0x55: {  	[tilespmem:s6+$0x14270] =	vst v0  }
0x56: {  	[tilespmem:s6+$0x14200] =	vst v1  }
0x57: {  	[tilespmem:s6+$0x14210] =	vst v0  }
0x58: {  	[tilespmem:s6+$0x14220] =	vst v0  }
0x59: {  	[tilespmem:s6+$0x14230] =	vst v0  }
0x5a: {  	[tilespmem:s6+$0x14240] =	vst v0  }
0x5b: {  	[tilespmem:s6+$0x18240] =	vst v1  }
0x5c: {  	[tilespmem:s6+$0x14250] =	vst v0  }
0x5d: {  	[tilespmem:s6+$0x14260] =	vst v0  }
0x5e: {  	s6 =	simm.s32 $0x0;
	[bflag:$0x0] =	sbarrier.arrive $0xFFFF  }
0x5f: {  	[tilespmem:s23], [sflag:$0x5] =	stream.linear.gather [hbm4b:s9+s6], $0x80, $0x38;
	[tilespmem:$0x1C200] =	vst v63  }
0x60: {  	_ =	swait.ge [sflag:s22], $0x80  }
0x61: {  	[sflag:s22] =	ssyncset.done $0x0  }
0x62: {  	[sflag:s22] =	ssyncadd.s32 $0xFFFFFF80  }
0x63: {  	[tilespmem:s24], [sflag:$0x5] =	stream.linear.gather [hbm4b:s10+s6], $0x80, $0x38;
	[tilespmem:$0x1C200] =	vst v63  }
0x64: {  	_ =	swait.ge [sflag:s22], $0x80  }
0x65: {  	[sflag:s22] =	ssyncset.done $0x0  }
0x66: {  	[sflag:s22] =	ssyncadd.s32 $0xFFFFFF80  }
0x67: {  	[tilespmem:s25], [sflag:$0x4] =	stream.linear.gather [hbm4b:s13+s6], $0x80, $0x38;
	[tilespmem:$0x1C200] =	vst v63  }
0x68: {  	_ = 	snop  }
0x69: {  	[tilespmem:s26], [sflag:$0x4] =	stream.linear.gather [hbm4b:s14+s6], $0x80, $0x38;
	[tilespmem:$0x1C200] =	vst v63  }
0x6a: {  	_ = 	snop  }
0x6b: {  	[spmem:s2] =	stream.indirect.scatter.add.f32 [tilespmem:s29], [sflag:$0x1], $0x80, s23, s28, $0xb8;
	[tilespmem:$0x1C200] =	vst v63  }
0x6c: {  	_ = 	snop  }
0x6d: {  	[spmem:s2] =	stream.indirect.scatter.add.f32 [tilespmem:s21], [sflag:$0x1], $0x80, s24, s28, $0xb8;
	[tilespmem:$0x1C200] =	vst v63  }
0x6e: {  	_ =	swait.ge [sflag:s30], $0x80  }
0x6f: {  	[sflag:s30] =	ssyncset.done $0x0  }
0x70: {  	[sflag:s30] =	ssyncadd.s32 $0xFFFFFF80  }
0x71: {  	_ =	swait.ge [sflag:s30], $0x80  }
0x72: {  	[sflag:s30] =	ssyncset.done $0x0  }
0x73: {  	[sflag:s30] =	ssyncadd.s32 $0xFFFFFF80  }
0x74: {  	_ =	swait.ge [sflag:s31], $0x4000  }
0x75: {  	[sflag:s31] =	ssyncset.done $0x0  }
0x76: {  	[sflag:s31] =	ssyncadd.s32 $0xFFFFC000  }
0x77: {  	_ =	swait.ge [sflag:s31], $0x4000  }
0x78: {  	[sflag:s31] =	ssyncset.done $0x0  }
0x79: {  	[sflag:s31] =	ssyncadd.s32 $0xFFFFC000  }
0x7a: {  	[tilespmem:s23], [sflag:$0x3] =	stream.linear.gather [hbm4b:s15+s6], $0x80, $0x38;
	[tilespmem:$0x1C200] =	vst v63  }
0x7b: {  	_ = 	snop  }
0x7c: {  	[tilespmem:s24], [sflag:$0x3] =	stream.linear.gather [hbm4b:s16+s6], $0x80, $0x38;
	[tilespmem:$0x1C200] =	vst v63  }
0x7d: {  	_ = 	snop  }
0x7e: {  	[spmem:s2] =	stream.indirect.scatter.add.f32 [tilespmem:s29], [sflag:$0x2], $0x80, s25, s28, $0xb8;
	[tilespmem:$0x1C200] =	vst v63  }
0x7f: {  	_ = 	snop  }
0x80: {  	[spmem:s2] =	stream.indirect.scatter.add.f32 [tilespmem:s21], [sflag:$0x2], $0x80, s26, s28, $0xb8;
	[tilespmem:$0x1C200] =	vst v63  }
0x81: {  	_ =	swait.ge [sflag:s0], $0x80  }
0x82: {  	[sflag:s0] =	ssyncset.done $0x0  }
0x83: {  	[sflag:s0] =	ssyncadd.s32 $0xFFFFFF80  }
0x84: {  	_ =	swait.ge [sflag:s0], $0x80  }
0x85: {  	[sflag:s0] =	ssyncset.done $0x0  }
0x86: {  	[sflag:s0] =	ssyncadd.s32 $0xFFFFFF80  }
.LBB2_6:
0x87: {  	_ =	swait.ge [sflag:s1], $0x4000  }
0x88: {  	[sflag:s1] =	ssyncset.done $0x0  }
0x89: {  	[sflag:s1] =	ssyncadd.s32 $0xFFFFC000  }
0x8a: {  	_ =	swait.ge [sflag:s1], $0x4000  }
0x8b: {  	[sflag:s1] =	ssyncset.done $0x0  }
0x8c: {  	s7 =	sadd.s32 s6, s20;
	[sflag:s1] =	ssyncadd.s32 $0xFFFFC000  }
0x8d: {  	[tilespmem:s25], [sflag:$0x4] =	stream.linear.gather [hbm4b:s7+s3], $0x80, $0x38;
	[tilespmem:$0x1C200] =	vst v63  }
0x8e: {  	s7 =	sadd.s32 s6, s19  }
0x8f: {  	[tilespmem:s26], [sflag:$0x4] =	stream.linear.gather [hbm4b:s7+s3], $0x80, $0x38;
	[tilespmem:$0x1C200] =	vst v63  }
0x90: {  	_ = 	snop  }
0x91: {  	[spmem:s2] =	stream.indirect.scatter.add.f32 [tilespmem:s29], [sflag:$0x1], $0x80, s23, s28, $0xb8;
	[tilespmem:$0x1C200] =	vst v63  }
0x92: {  	_ = 	snop  }
0x93: {  	[spmem:s2] =	stream.indirect.scatter.add.f32 [tilespmem:s21], [sflag:$0x1], $0x80, s24, s28, $0xb8;
	[tilespmem:$0x1C200] =	vst v63  }
0x94: {  	_ =	swait.ge [sflag:s30], $0x80  }
0x95: {  	[sflag:s30] =	ssyncset.done $0x0  }
0x96: {  	[sflag:s30] =	ssyncadd.s32 $0xFFFFFF80  }
0x97: {  	_ =	swait.ge [sflag:s30], $0x80  }
0x98: {  	[sflag:s30] =	ssyncset.done $0x0  }
0x99: {  	[sflag:s30] =	ssyncadd.s32 $0xFFFFFF80  }
0x9a: {  	p0 =	seq.s32 s6, $0x4C0;
	_ =	swait.ge [sflag:s31], $0x4000  }
.Ltmp4:
0x9b: {  	[sflag:s31] =	ssyncset.done $0x0;
	(pc) =	sbr.rel @p0 .LBB2_8-.Ltmp4, $4  }
0x9c: {  	[sflag:s31] =	ssyncadd.s32 $0xFFFFC000  }
0x9d: {  	_ =	swait.ge [sflag:s31], $0x4000  }
0x9e: {  	[sflag:s31] =	ssyncset.done $0x0  }
0x9f: {  	[sflag:s31] =	ssyncadd.s32 $0xFFFFC000  }
0xa0: {  	s7 =	sadd.s32 s6, s18  }
0xa1: {  	[tilespmem:s23], [sflag:$0x3] =	stream.linear.gather [hbm4b:s7+s3], $0x80, $0x38;
	[tilespmem:$0x1C200] =	vst v63  }
0xa2: {  	s7 =	sadd.s32 s6, s17  }
0xa3: {  	[tilespmem:s24], [sflag:$0x3] =	stream.linear.gather [hbm4b:s7+s3], $0x80, $0x38;
	[tilespmem:$0x1C200] =	vst v63  }
0xa4: {  	_ = 	snop  }
0xa5: {  	[spmem:s2] =	stream.indirect.scatter.add.f32 [tilespmem:s29], [sflag:$0x2], $0x80, s25, s28, $0xb8;
	[tilespmem:$0x1C200] =	vst v63  }
0xa6: {  	_ = 	snop  }
0xa7: {  	[spmem:s2] =	stream.indirect.scatter.add.f32 [tilespmem:s21], [sflag:$0x2], $0x80, s26, s28, $0xb8;
	[tilespmem:$0x1C200] =	vst v63  }
0xa8: {  	_ =	swait.ge [sflag:s0], $0x80  }
.Ltmp5:
0xa9: {  	[sflag:s0] =	ssyncset.done $0x0;
	(pc) =	sbr.rel .LBB2_6-.Ltmp5, $4  }
0xaa: {  	[sflag:s0] =	ssyncadd.s32 $0xFFFFFF80  }
0xab: {  	_ =	swait.ge [sflag:s0], $0x80  }
0xac: {  	[sflag:s0] =	ssyncset.done $0x0  }
0xad: {  	s6 =	sadd.s32 $0x20, s6;
	[sflag:s0] =	ssyncadd.s32 $0xFFFFFF80  }
.LBB2_9:
0xae: {  	_ =	sfence.sel $0x180000  }
0xaf: {  	[bflag:$0x0] =	sbarrier.arrive $0xFFFF  }
0xb0: {  	_ =	strace $0x90000047  }
0xb1: {  	s0 =	stileid.u32;
	[bflag:$0x2] =	sbarrier.arrive $0xFFFF  }
0xb2: {  	p0 =	sne.s32 s0, $0x0;
	s0 =	rddreg [dreg:$0x2]  }
0xb3: {  	s0 =	sadd.s32 @!p0 $0x100000, s0  }
0xb4: {  	[sflag:s0] =	ssyncadd.tile.s32 @!p0 $0x1;
	_ =	shalt  }
.Lfunc_end2:
_tile_overlayer_lowered:
.L_overlay_start_2:
0xb5: {  	(tag) =	ssettag $0x2  }
0xb6: {  	s0 =	rddreg [dreg:$0x0];
	s2 =	stileid.u32  }
0xb7: {  	s1 =	rddreg [dreg:$0x1];
	p0 =	sne.s32 s2, $0x0  }
0xb8: {  	s3 =	rddreg [dreg:$0x2];
	[bflag:$0x3] =	sbarrier.arrive $0xFFFF;
	s2 =	simm.s32 @!p0 $0x1C05  }
0xb9: {  	[timem:s3], [sflag:s2] =	dma.local @!p0 [hbm:s0], s1  }
0xba: {  	s0 =	simm.s32 @!p0 $0x5  }
0xbb: {  	_ =	swait.ge @!p0 [sflag:s0], s1  }
0xbc: {  	s1 =	ssub.s32 @!p0 $0x0, s1;
	[sflag:s0] =	ssyncset.done @!p0 $0x0  }
0xbd: {  	[sflag:s0] =	ssyncadd.s32 @!p0 s1  }
0xbe: {  	[bflag:$0x3] =	sbarrier.arrive $0xFFFF  }
0xbf: {  	_ =	shalt  }

// kernel: kernel.14.cloned.1.call-start
scs
__scs_entry_jumppad:
0x0: {  	(pc) =	sbr.rel $0x88, $3  }
0x1: {  	(tag) =	ssettag $0x0;
	lr =	simm.s32 $0x1  }
0x2: {  	[smem:$0x3F98] =	sst lr;
	_ =	strace $0xD0000000  }
0x3: {  	_ = 	snop  }
0x4: {  	_ = 	snop  }
0x5: {  	_ = 	snop  }
0x6: {  	_ = 	snop  }
0x7: {  	_ = 	snop  }
__scs_overlays_trampoline_lowered:
0x8: {  	[smem:$0x3FA7] =	sst s0  }
0x9: {  	[smem:$0x3FA8] =	sst s1  }
0xa: {  	[smem:$0x3FA9] =	sst s2  }
0xb: {  	[smem:$0x3FAA] =	sst s3  }
0xc: {  	[smem:$0x3FAB] =	sst s4  }
0xd: {  	[smem:$0x3FAC] =	sst s5  }
0xe: {  	[smem:$0x3FAD] =	sst s6  }
0xf: {  	[smem:$0x3FAE] =	sst s7  }
0x10: {  	[smem:$0x3FAF] =	sst s8  }
0x11: {  	[smem:$0x3FB0] =	sst s9;
	s0 =	simm.s32 @!p0 $0x0  }
0x12: {  	s1 =	sld [smem:$0x3F96];
	s0 =	simm.s32 @p0 $0x1  }
0x13: {  	[smem:$0x3FB1] =	sst s0;
	s0 =	simm.s32 @!p1 $0x0  }
0x14: {  	s2 =	sld [smem:$0x3F95];
	s0 =	simm.s32 @p1 $0x1  }
0x15: {  	[smem:$0x3FB2] =	sst s0;
	s0 =	simm.s32 @!p2 $0x0  }
0x16: {  	s3 =	sld [smem:$0x3FDB];
	s0 =	simm.s32 @p2 $0x1  }
0x17: {  	s4 =	simm.s32 $0x1BF5;
	[smem:$0x3FB4] =	sst s0  }
0x18: {  	s0 =	sld [smem:$0x3F97];
	_ =	swait.ge [sflag:s4], $0x0  }
0x19: {  	s7 =	sld [smem:$0x3F98]  }
0x1a: {  	s8 =	sadd.s32 $0xFFFFE003, lr  }
0x1b: {  	s9 =	sadd.s32 $0xFFFFFEF7, lr;
	s5 =	simm.s32 $0xFFFFFFFF;
	p2 =	slt.u32 s8, $0xFFFFF086  }
0x1c: {  	p1 =	slt.u32 s9, $0xF7A;
	s5 =	simm.s32 @!p2 $0x0  }
0x1d: {  	s5 =	simm.s32 @p1 $0x1;
	p0 =	seq.s32 s7, s2  }
0x1e: {  	s7 =	smul.u32 @!p0 $0xF7A, s2;
	p2 =	seq.s32 @!p0 s5, $0x0  }
0x1f: {  	s9 =	smul.u32 $0xF7A, s1;
	s8 =	simm.s32 @!p0 $0x1BF5;
	p2 =	por !p2, p0  }
0x20: {  	[sflag:s8] =	ssyncset.s32 @!p0 $0xFFFFF086;
	s6 =	sadd.s32 @!p0 s3, s7;
	s7 =	simm.s32 @!p0 $0x108  }
0x21: {  	s3 =	sadd.s32 s3, s9;
	s6 =	sadd.s32 @!p0 $0x88, s6;
	s7 =	simm.s32 @p2 $0x1082  }
0x22: {  	[simem:s7], [sflag:s8] =	dma.local @!p0 [hbm:s6], $0xF7A  }
0x23: {  	s9 =	sor.u32 $0xD0000000, s2;
	s6 =	simm.s32 $0x108;
	_ =	swait.ge @!p0 [sflag:s8], $0x0  }
0x24: {  	s3 =	sadd.s32 $0x88, s3;
	s6 =	simm.s32 @!p1 $0x1082;
	[sflag:s4] =	ssyncset.s32 $0xFFFFF086  }
0x25: {  	[simem:s6], [sflag:s4] =	dma.local [hbm:s3], $0xF7A  }
0x26: {  	[smem:$0x3F98] =	sst s1;
	(tag) =	ssettag s2;
	_ =	strace s9  }
0x27: {  	s1 =	sld [smem:$0x3FA8]  }
0x28: {  	s2 =	sld [smem:$0x3FA9]  }
0x29: {  	s4 =	sld [smem:$0x3FAB]  }
0x2a: {  	p0 =	seq.s32 s5, $0x0;
	s5 =	sld [smem:$0x3FAC]  }
0x2b: {  	s6 =	sld [smem:$0x3FAD]  }
0x2c: {  	s7 =	sld [smem:$0x3FAE]  }
0x2d: {  	s3 =	simm.s32 $0x108;
	s8 =	sld [smem:$0x3FAF]  }
0x2e: {  	s3 =	simm.s32 @!p0 $0x1082;
	s9 =	sld [smem:$0x3FB0]  }
0x2f: {  	lr =	sadd.s32 s0, s3;
	s0 =	sld [smem:$0x3FA7]  }
0x30: {  	s3 =	sld [smem:$0x3FAA]  }
0x31: {  	[smem:$0x3FB3] =	sst s10  }
0x32: {  	s10 =	sld [smem:$0x3FB1];
	_ =	sdelay $0x3  }
0x33: {  	p0 =	seq.s32 s10, $0x1;
	s10 =	sld [smem:$0x3FB3];
	_ =	sdelay $0x3  }
0x34: {  	[smem:$0x3FB3] =	sst s10  }
0x35: {  	s10 =	sld [smem:$0x3FB2];
	_ =	sdelay $0x3  }
0x36: {  	p1 =	seq.s32 s10, $0x1;
	s10 =	sld [smem:$0x3FB3];
	_ =	sdelay $0x3  }
0x37: {  	[smem:$0x3FB3] =	sst s10  }
0x38: {  	s10 =	sld [smem:$0x3FB4]  }
0x39: {  	_ = 	snop;
	(pc) =	sbr.ind lr, $3  }
0x3a: {  	_ = 	snop  }
0x3b: {  	_ = 	snop  }
0x3c: {  	p2 =	seq.s32 s10, $0x1;
	s10 =	sld [smem:$0x3FB3]  }
0x3d: {  	_ =	shalt  }
0x3e: {  	_ =	shalt  }
0x3f: {  	_ =	shalt  }
0x40: {  	_ =	shalt  }
0x41: {  	_ =	shalt  }
0x42: {  	_ =	shalt  }
0x43: {  	_ =	shalt  }
0x44: {  	_ =	shalt  }
0x45: {  	_ =	shalt  }
0x46: {  	_ =	shalt  }
0x47: {  	_ =	shalt  }
0x48: {  	_ =	shalt  }
0x49: {  	_ =	shalt  }
0x4a: {  	_ =	shalt  }
0x4b: {  	_ =	shalt  }
0x4c: {  	_ =	shalt  }
0x4d: {  	_ =	shalt  }
0x4e: {  	_ =	shalt  }
0x4f: {  	_ =	shalt  }
0x50: {  	_ =	shalt  }
0x51: {  	_ =	shalt  }
0x52: {  	_ =	shalt  }
0x53: {  	_ =	shalt  }
0x54: {  	_ =	shalt  }
0x55: {  	_ =	shalt  }
0x56: {  	_ =	shalt  }
0x57: {  	_ =	shalt  }
0x58: {  	_ =	shalt  }
0x59: {  	_ =	shalt  }
0x5a: {  	_ =	shalt  }
0x5b: {  	_ =	shalt  }
0x5c: {  	_ =	shalt  }
0x5d: {  	_ =	shalt  }
0x5e: {  	_ =	shalt  }
0x5f: {  	_ =	shalt  }
0x60: {  	_ =	shalt  }
0x61: {  	_ =	shalt  }
0x62: {  	_ =	shalt  }
0x63: {  	_ =	shalt  }
0x64: {  	_ =	shalt  }
0x65: {  	_ =	shalt  }
0x66: {  	_ =	shalt  }
0x67: {  	_ =	shalt  }
0x68: {  	_ =	shalt  }
0x69: {  	_ =	shalt  }
0x6a: {  	_ =	shalt  }
0x6b: {  	_ =	shalt  }
0x6c: {  	_ =	shalt  }
0x6d: {  	_ =	shalt  }
0x6e: {  	_ =	shalt  }
0x6f: {  	_ =	shalt  }
0x70: {  	_ =	shalt  }
0x71: {  	_ =	shalt  }
0x72: {  	_ =	shalt  }
0x73: {  	_ =	shalt  }
0x74: {  	_ =	shalt  }
0x75: {  	_ =	shalt  }
0x76: {  	_ =	shalt  }
0x77: {  	_ =	shalt  }
0x78: {  	_ =	shalt  }
0x79: {  	_ =	shalt  }
0x7a: {  	_ =	shalt  }
0x7b: {  	_ =	shalt  }
0x7c: {  	_ =	shalt  }
0x7d: {  	_ =	shalt  }
0x7e: {  	_ =	shalt  }
0x7f: {  	_ =	shalt  }
0x80: {  	_ =	shalt  }
0x81: {  	_ =	shalt  }
0x82: {  	_ =	shalt  }
0x83: {  	_ =	shalt  }
0x84: {  	_ =	shalt  }
0x85: {  	_ =	shalt  }
0x86: {  	_ =	shalt  }
0x87: {  	_ =	shalt  }
.Lfunc_end0:
.L_simem_size_0:
called_computation.1_lowered:
.L_overlay_start_0:
0x88: {  	s2 =	sld [smem:$0x3FD9]  }
0x89: {  	s3 =	sld [smem:$0x3FFE];
	_ =	sdelay $0x1  }
0x8a: {  	s1 =	srdreg.scid  }
0x8b: {  	s0 =	sand.u32 $0x1, s1  }
0x8c: {  	s16 =	sshll.u32 s0, $0xA;
	s2 =	sadd.s32 s3, s2  }
0x8d: {  	s2 =	sadd.s32 s2, s16  }
0x8e: {  	[smem:$0x3FBF] =	sst s2  }
0x8f: {  	_ = 	snop  }
0x90: {  	(tm) =	ssettm $0x1  }
0x91: {  	s17 =	sld [smem:$0x3FFB];
	_ =	sdelay $0x3  }
0x92: {  	_ =	strace s17  }
0x93: {  	s2 =	sld [smem:$0x3FFC];
	_ =	sdelay $0x3  }
0x94: {  	_ =	strace s2  }
0x95: {  	s2 =	sld [smem:$0x3FFD];
	_ =	sdelay $0x3  }
0x96: {  	_ =	strace s2  }
0x97: {  	_ =	strace $0x8FFFFFFF  }
0x98: {  	s18 =	sld [smem:$0x3FDB];
	_ =	sdelay $0x1  }
0x99: {  	s19 =	simm.s32 $_scs_section_size  }
0x9a: {  	s4 =	simm.s32 $_size__tile_overlayer_lowered;
	s5 =	simm.s32 $_tile_overlayer_lowered  }
0x9b: {  	s22 =	simm.s32 $0x1BFF;
	s21 =	sshll.u32 s5, $0x1;
	s2 =	sadd.s32 s19, s18  }
0x9c: {  	s6 =	simm.s32 $0x0;
	s20 =	sshll.u32 s4, $0x1;
	s4 =	sadd.s32 s21, s2  }
0x9d: {  	[timem:s6], [sflag:s22] =	dma.local [hbm:s4], s20  }
0x9e: {  	_ =	swait.ge [sflag:s22], s20  }
0x9f: {  	s3 =	ssub.s32 $0x0, s20;
	[sflag:s22] =	ssyncset.done $0x0  }
0xa0: {  	[sflag:s22] =	ssyncadd.s32 s3;
	_ =	sdelay $0x1  }
0xa1: {  	s23 =	simm.s32 $0x1B8B  }
0xa2: {  	_ =	swait.ge [sflag:s23], $0x1  }
0xa3: {  	[sflag:s23] =	ssyncset.done $0x0  }
0xa4: {  	s25 =	simm.s32 $0x1B8E;
	s24 =	sld [smem:$0x3FFE];
	[sflag:s23] =	ssyncadd.s32 $0xFFFFFFFF  }
0xa5: {  	s26 =	simm.s32 $execute0_lowered;
	[smem:$0x3FD2] =	sst s25  }
0xa6: {  	s4 =	sshll.u32 s26, $0x1;
	_ =	strace $0x80000049;
	[dreg:$0x1] =	wrdreg $0xFFFFFFFF  }
0xa7: {  	s28 =	simm.s32 $_size_execute0_lowered;
	s2 =	sadd.s32 s2, s4;
	[dreg:$0x0] =	wrdreg $0x0  }
0xa8: {  	s4 =	sshll.u32 s28, $0x1;
	[dreg:$0x2] =	wrdreg s2  }
0xa9: {  	[dreg:$0x3] =	wrdreg s4  }
0xaa: {  	[dreg:$0x4] =	wrdreg $0xC0  }
0xab: {  	_ =	task [dreg:s6], $0x5FFFF  }
0xac: {  	[dreg:$0x1] =	wrdreg $0xFFFFFFFF  }
0xad: {  	[dreg:$0x0] =	wrdreg $0x60  }
0xae: {  	[dreg:$0x2] =	wrdreg s24  }
0xaf: {  	[dreg:$0x3] =	wrdreg $0x0  }
0xb0: {  	[dreg:$0x4] =	wrdreg $0x9  }
0xb1: {  	_ =	task.clear_ibuf [dreg:s6], $0x5FFFF;
	_ =	strace $0x90000049  }
0xb2: {  	s29 =	simm.s32 $0x9;
	_ =	strace $0x8000004B  }
0xb3: {  	_ =	swait.ge [sflag:s29], $0x1  }
0xb4: {  	[sflag:s29] =	ssyncadd.s32 $0xFFFFFFFF  }
0xb5: {  	_ =	strace $0x9000004B  }
0xb6: {  	_ =	sfence  }
0xb7: {  	s30 =	sld [smem:$0x0];
	_ =	sdelay $0x2  }
0xb8: {  	s31 =	sshll.u32 s1, $0xD;
	s1 =	sshrl.u32 s1, $0x2  }
0xb9: {  	s3 =	sand.u32 $0x4000, s31;
	s1 =	sadd.s32 s1, s30  }
0xba: {  	s0 =	sor.u32 s3, s0;
	s1 =	sshll.u32 s1, $0x11  }
0xbb: {  	s0 =	sor.u32 s1, s0  }
0xbc: {  	s0 =	sadd.s32 $0x8F2B, s0  }
0xbd: {  	[sflag:s0] =	ssyncadd.remote.s32 $0x1  }
0xbe: {  	_ =	sfence.sel $0xFFFF  }
0xbf: {  	[dreg:$0x0] =	wrdreg $0xFFFFFFFF;
	(pc) =	sbr.abs _section_cstart, $3  }
0xc0: {  	[dreg:$0x1] =	wrdreg $0xFFFFFFFF  }
0xc1: {  	_ =	task.clear_ibuf [dreg:s6], $0x2FFFF;
	_ =	strace $0x9FFFFFFF  }
0xc2: {  	(tm) =	ssettm $0x7FFFFFFF  }
0xc3: {  	_ =	shalt  }
tec
execute0_lowered:
.L_overlay_start_1:
0x0: {  	(tag) =	ssettag $0x1  }
0x1: {  	s0 =	rddreg [dreg:$0x0]  }
0x2: {  	s1 =	rddreg [dreg:$0x1];
	s2 =	srdreg.scid;
	s3 =	simm.s32 $0x0  }
0x3: {  	s10 =	stileid.u32;
	s28 =	simm.s32 $0x14180;
	s29 =	simm.s32 $0x14300  }
0x4: {  	s30 =	simm.s32 $0x1;
	s31 =	simm.s32 $0x6;
	s7 =	smul.u32 $0x14000, s10  }
0x5: {  	s2 =	sand.u32 $0x1, s2;
	[smem:$0x7FF] =	sst s3;
	s9 =	smul.u32 $0x50000, s10  }
0x6: {  	s4 =	sadd.s32 $0x2B400, s0;
	s5 =	sadd.s32 $0x21400, s0;
	s6 =	smul.u32 $0x140000, s2  }
0x7: {  	_ =	strace $0x8000004A;
	s17 =	sshll.u32 s2, $0x4;
	s2 =	ssub.s32 $0x2, s2  }
0x8: {  	s10 =	sor.u32 s10, s17;
	s18 =	sshrl.u32 s9, $0x2;
	s19 =	sshrl.u32 s2, $0x1  }
0x9: {  	s7 =	sadd.s32 s7, s6;
	s6 =	sadd.s32 $0x17400, s0;
	s10 =	smul.u32 $0x2800, s10  }
0xa: {  	s2 =	ssub.s32 s2, s19;
	s8 =	sshrl.u32 s7, $0x3;
	s7 =	sadd.s32 $0x7B400, s0  }
0xb: {  	s26 =	smax.u32 s2, $0x1;
	s0 =	sadd.s32 s8, s0;
	s8 =	sadd.s32 s18, s1  }
0xc: {  	s2 =	simm.s32 $0x3;
	[dreg:$0xb] =	wrdreg s26;
	s20 =	sadd.s32 $0x4000, s8  }
0xd: {  	s24 =	sshrl.u32 s10, $0x3;
	s21 =	sadd.s32 $0x8000, s8;
	[dreg:$0x3] =	wrdreg s20  }
0xe: {  	s16 =	sor.u32 $0x80, s10;
	s22 =	sadd.s32 $0xC000, s8;
	[dreg:$0x4] =	wrdreg s21  }
0xf: {  	s17 =	sor.u32 $0x100, s10;
	s23 =	sadd.s32 $0x10000, s8;
	[dreg:$0x5] =	wrdreg s22  }
0x10: {  	s26 =	simm.s32 $0x14080;
	s11 =	sadd.s32 s5, s24;
	[dreg:$0x6] =	wrdreg s23  }
0x11: {  	s10 =	simm.s32 $0x5;
	s25 =	sadd.s32 s6, s24;
	[dreg:$0x7] =	wrdreg s11  }
.Ltmp0:
0x12: {  	s9 =	sadd.s32 s7, s24;
	[dreg:$0x8] =	wrdreg s25;
	(pc) =	sbr.rel .LBB2_1-.Ltmp0, $4  }
0x13: {  	s0 =	sadd.s32 $0x85400, s0;
	s24 =	simm.s32 $0x2;
	[dreg:$0x9] =	wrdreg s9  }
0x14: {  	[dreg:$0xa] =	wrdreg s0;
	s20 =	simm.s32 $0x14400;
	s21 =	simm.s32 $0x7  }
0x15: {  	s22 =	simm.s32 $0x14000;
	s23 =	simm.s32 $0x14100;
	s25 =	simm.s32 $0x80  }
0x16: {  	v0 =	vimm.f32 $0.0e+00;
	s0 =	simm.s32 $0x18400;
	s9 =	simm.s32 $0x4;
	s11 =	simm.s32 $0x0  }
.LBB2_10:
0x17: {  	_ =	swait.ge [sflag:s9], $0x4000  }
0x18: {  	[sflag:s9] =	ssyncset.done $0x0  }
0x19: {  	s12 =	stileid.u32;
	[sflag:s9] =	ssyncadd.s32 $0xFFFFC000  }
0x1a: {  	s12 =	sshll.u32 s12, $0x6;
	[bflag:$0x0] =	sbarrier.arrive $0xFFFF  }
0x1b: {  	s13 =	sshrl.u32 s8, $0x3;
	s12 =	sor.u32 $0x1C07, s12;
	s14 =	rddreg [dreg:$0xa]  }
0x1c: {  	[hbm:s14], [sflag:s12] =	dma.local [spmem:s13], $0x2800  }
0x1d: {  	_ =	swait.ge [sflag:s21], $0x2800  }
0x1e: {  	s11 =	sadd.s32 $0x1, s11;
	s19 =	rddreg [dreg:$0xb]  }
0x1f: {  	p0 =	sne.s32 s11, s19  }
.Ltmp1:
0x20: {  	_ = 	snop;
	(pc) =	sbr.rel @!p0 .LBB2_11-.Ltmp1, $3  }
0x21: {  	_ =	sdelay $0x1  }
0x22: {  	[sflag:s21] =	ssyncset.done $0x0  }
0x23: {  	[sflag:s21] =	ssyncadd.s32 $0xFFFFD800  }
.LBB2_1:
0x24: {  	s12 =	simm.s32 $0x0;
	s13 =	simm.s32 $0x200  }
.LBB2_2:
0x25: {  	p0 =	sne.s32 s13, $0xFE00;
	[tilespmem:s12+$0x14470] =	vst v0  }
0x26: {  	[tilespmem:s12+$0x14400] =	vst v0  }
0x27: {  	[tilespmem:s12+$0x14410] =	vst v0  }
.Ltmp2:
0x28: {  	[tilespmem:s12+$0x14420] =	vst v0;
	(pc) =	sbr.rel @p0 .LBB2_2-.Ltmp2, $4  }
0x29: {  	[tilespmem:s12+$0x14430] =	vst v0  }
0x2a: {  	[tilespmem:s12+$0x14440] =	vst v0  }
0x2b: {  	[tilespmem:s12+$0x14450] =	vst v0  }
0x2c: {  	[tilespmem:s12+$0x14460] =	vst v0;
	s12 =	sshra.s32 s13, $0x2;
	s13 =	sadd.s32 $0x200, s13  }
0x2d: {  	[tilespmem:s12+$0x14470] =	vst v0  }
0x2e: {  	[tilespmem:s12+$0x14400] =	vst v0  }
0x2f: {  	[tilespmem:s12+$0x14410] =	vst v0  }
0x30: {  	[tilespmem:s12+$0x14420] =	vst v0  }
0x31: {  	[tilespmem:s12+$0x14430] =	vst v0  }
0x32: {  	[tilespmem:s12+$0x14440] =	vst v0  }
0x33: {  	[tilespmem:s12+$0x14450] =	vst v0  }
0x34: {  	[tilespmem:s12+$0x14460] =	vst v0  }
0x35: {  	[spmem:s8] =	stream.linear.scatter [tilespmem:s20], [sflag:$0x7], $0x4000, $0x38;
	[tilespmem:$0x1C400] =	vst v63  }
0x36: {  	_ =	swait.ge [sflag:s21], $0x4000  }
0x37: {  	[sflag:s21] =	ssyncset.done $0x0  }
0x38: {  	s19 =	rddreg [dreg:$0x3];
	[sflag:s21] =	ssyncadd.s32 $0xFFFFC000  }
0x39: {  	[spmem:s19] =	stream.linear.scatter [tilespmem:s20], [sflag:$0x7], $0x4000, $0x38;
	[tilespmem:$0x1C400] =	vst v63  }
0x3a: {  	_ =	swait.ge [sflag:s21], $0x4000  }
0x3b: {  	[sflag:s21] =	ssyncset.done $0x0  }
0x3c: {  	s13 =	rddreg [dreg:$0x4];
	[sflag:s21] =	ssyncadd.s32 $0xFFFFC000  }
0x3d: {  	[spmem:s13] =	stream.linear.scatter [tilespmem:s20], [sflag:$0x7], $0x4000, $0x38;
	[tilespmem:$0x1C400] =	vst v63  }
0x3e: {  	_ =	swait.ge [sflag:s21], $0x4000  }
0x3f: {  	[sflag:s21] =	ssyncset.done $0x0  }
0x40: {  	s14 =	rddreg [dreg:$0x5];
	[sflag:s21] =	ssyncadd.s32 $0xFFFFC000  }
0x41: {  	[spmem:s14] =	stream.linear.scatter [tilespmem:s20], [sflag:$0x7], $0x4000, $0x38;
	[tilespmem:$0x1C400] =	vst v63  }
0x42: {  	_ =	swait.ge [sflag:s21], $0x4000  }
0x43: {  	[sflag:s21] =	ssyncset.done $0x0  }
0x44: {  	s15 =	rddreg [dreg:$0x6];
	[sflag:s21] =	ssyncadd.s32 $0xFFFFC000  }
0x45: {  	[spmem:s15] =	stream.linear.scatter [tilespmem:s20], [sflag:$0x7], $0x4000, $0x38;
	[tilespmem:$0x1C400] =	vst v63  }
0x46: {  	_ =	swait.ge [sflag:s21], $0x4000  }
0x47: {  	[sflag:s21] =	ssyncset.done $0x0  }
0x48: {  	[sflag:s21] =	ssyncadd.s32 $0xFFFFC000  }
0x49: {  	[bflag:$0x0] =	sbarrier.arrive $0xFFFF  }
0x4a: {  	s12 =	simm.s32 $0x0;
	s13 =	rddreg [dreg:$0x7]  }
0x4b: {  	[tilespmem:s22], [sflag:$0x7] =	stream.linear.gather [hbm4b:s13+s12], $0x80, $0x38;
	[tilespmem:$0x1C400] =	vst v63  }
0x4c: {  	_ =	swait.ge [sflag:s21], $0x80  }
0x4d: {  	[sflag:s21] =	ssyncset.done $0x0  }
0x4e: {  	s18 =	rddreg [dreg:$0x8];
	[sflag:s21] =	ssyncadd.s32 $0xFFFFFF80  }
0x4f: {  	[tilespmem:s23], [sflag:$0x7] =	stream.linear.gather [hbm4b:s18+s12], $0x80, $0x38;
	[tilespmem:$0x1C400] =	vst v63  }
0x50: {  	_ =	swait.ge [sflag:s21], $0x80  }
0x51: {  	[sflag:s21] =	ssyncset.done $0x0  }
0x52: {  	s14 =	simm.s32 $0x14200;
	s19 =	rddreg [dreg:$0x9];
	[sflag:s21] =	ssyncadd.s32 $0xFFFFFF80  }
0x53: {  	[tilespmem:s14], [sflag:$0x7] =	stream.linear.gather [hbm4b:s19+s12], $0x80, $0x38;
	[tilespmem:$0x1C400] =	vst v63  }
0x54: {  	_ =	swait.ge [sflag:s21], $0x80  }
0x55: {  	[sflag:s21] =	ssyncset.done $0x0  }
0x56: {  	[sflag:s21] =	ssyncadd.s32 $0xFFFFFF80  }
0x57: {  	[tilespmem:s20], [sflag:$0x1] =	stream.indirect.gather [hbm4b:s4+s25], $0x80, s22, s25, $0xb8;
	[tilespmem:$0x1C400] =	vst v63  }
.LBB2_4:
0x58: {  	s13 =	sshll.u32 s12, $0x8  }
0x59: {  	s14 =	sadd.s32 s13, s16  }
0x5a: {  	s14 =	sshrl.u32 s14, $0x3  }
0x5b: {  	s15 =	sadd.s32 s5, s14  }
0x5c: {  	[tilespmem:s26], [sflag:$0x6] =	stream.linear.gather [hbm4b:s15+s3], $0x80, $0x38;
	[tilespmem:$0x1C400] =	vst v63  }
0x5d: {  	s19 =	sadd.s32 s6, s14  }
0x5e: {  	[tilespmem:s28], [sflag:$0x6] =	stream.linear.gather [hbm4b:s19+s3], $0x80, $0x38;
	[tilespmem:$0x1C400] =	vst v63  }
0x5f: {  	s14 =	sadd.s32 s7, s14  }
0x60: {  	[tilespmem:s29], [sflag:$0x6] =	stream.linear.gather [hbm4b:s14+s3], $0x80, $0x38;
	[tilespmem:$0x1C400] =	vst v63  }
0x61: {  	_ =	swait.ge [sflag:s30], $0x4000  }
0x62: {  	[sflag:s30] =	ssyncset.done $0x0  }
0x63: {  	s15 =	simm.s32 $0x14201;
	[sflag:s30] =	ssyncadd.s32 $0xFFFFC000  }
0x64: {  	s14 =	simm.s32 $0x14480;
	v5 =	vld.msk [tilespmem:s15+$0xFFFFFFFF ss:$0x0], $0xffff  }
0x65: {  	v2 =	vld [tilespmem:s14+$0xFFFFFFF0]  }
0x66: {  	v6 =	vld [tilespmem:s14+$0xFFFFFF80]  }
0x67: {  	v7 =	vld [tilespmem:s14+$0xFFFFFFA0]  }
0x68: {  	v8 =	vld [tilespmem:s14+$0xFFFFFFB0]  }
0x69: {  	v3 =	vld [tilespmem:s14+$0xFFFFFFD0]  }
0x6a: {  	v10 =	vld [tilespmem:s14+$0xFFFFFF90];
	v11 =	vmul.f32 v2, v5  }
0x6b: {  	v9 =	vld [tilespmem:s14+$0xFFFFFFE0];
	v6 =	vmul.f32 v5, v6  }
0x6c: {  	v4 =	vld [tilespmem:s14+$0xFFFFFFC0];
	v7 =	vmul.f32 v7, v5;
	[tilespmem:s14+$0xFFFFFFF0] =	vst v11  }
0x6d: {  	v8 =	vmul.f32 v8, v5;
	[tilespmem:s14+$0xFFFFFF80] =	vst v6  }
0x6e: {  	v3 =	vmul.f32 v3, v5;
	[tilespmem:s14+$0xFFFFFFA0] =	vst v7  }
0x6f: {  	v6 =	vmul.f32 v10, v5;
	[tilespmem:s14+$0xFFFFFFB0] =	vst v8  }
0x70: {  	v1 =	vld [tilespmem:s14+$0x0];
	v7 =	vmul.f32 v9, v5;
	[tilespmem:s14+$0xFFFFFFD0] =	vst v3  }
0x71: {  	v2 =	vld [tilespmem:s14+$0x10];
	v3 =	vmul.f32 v4, v5;
	[tilespmem:s14+$0xFFFFFF90] =	vst v6  }
0x72: {  	v5 =	vld [tilespmem:s14+$0x50];
	[tilespmem:s14+$0xFFFFFFE0] =	vst v7  }
0x73: {  	v4 =	vld [tilespmem:s14+$0x60];
	[tilespmem:s14+$0xFFFFFFC0] =	vst v3  }
0x74: {  	s18 =	simm.s32 $0x0;
	s19 =	simm.s32 $0x14480;
	v3 =	vld.msk [tilespmem:s15+$0x0 ss:$0x0], $0xffff  }
.LBB2_5:
0x75: {  	s18 =	sadd.s32 $0x2, s18;
	v6 =	vld [tilespmem:s14+$0x30];
	s19 =	sadd.s32 $0x100, s19;
	s15 =	sadd.s32 $0x2, s15  }
0x76: {  	p0 =	slt.u32 s18, $0x7E;
	v7 =	vld [tilespmem:s14+$0x20]  }
0x77: {  	v8 =	vld [tilespmem:s14+$0x40]  }
0x78: {  	v9 =	vld [tilespmem:s14+$0x70];
	_ =	sdelay $0x1  }
0x79: {  	v1 =	vmul.f32 v3, v1;
	v2 =	vmul.f32 v2, v3  }
0x7a: {  	v6 =	vmul.f32 v6, v3;
	v7 =	vmul.f32 v7, v3  }
0x7b: {  	v5 =	vmul.f32 v5, v3;
	[tilespmem:s14+$0x0] =	vst v1;
	v8 =	vmul.f32 v8, v3  }
0x7c: {  	v4 =	vmul.f32 v4, v3;
	v1 =	vld [tilespmem:s19+$0x0];
	[tilespmem:s14+$0x30] =	vst v6;
	v3 =	vmul.f32 v9, v3  }
0x7d: {  	[tilespmem:s14+$0x40] =	vst v8  }
0x7e: {  	v6 =	vld [tilespmem:s19+$0xFFFFFFD0];
	[tilespmem:s14+$0x50] =	vst v5  }
0x7f: {  	v5 =	vld [tilespmem:s19+$0xFFFFFFC0];
	[tilespmem:s14+$0x20] =	vst v7  }
0x80: {  	v7 =	vld [tilespmem:s19+$0xFFFFFFB0];
	[tilespmem:s14+$0x60] =	vst v4  }
0x81: {  	v4 =	vld [tilespmem:s19+$0xFFFFFFE0];
	[tilespmem:s14+$0x10] =	vst v2  }
0x82: {  	v8 =	vld [tilespmem:s19+$0xFFFFFF80];
	[tilespmem:s14+$0x70] =	vst v3;
	s14 =	smov.u32 s19  }
0x83: {  	v3 =	vld.msk [tilespmem:s15+$0xFFFFFFFF ss:$0x0], $0xffff  }
0x84: {  	v9 =	vld [tilespmem:s19+$0xFFFFFFF0]  }
0x85: {  	v10 =	vld [tilespmem:s19+$0xFFFFFFA0]  }
0x86: {  	v11 =	vld [tilespmem:s19+$0xFFFFFF90]  }
0x87: {  	v2 =	vld [tilespmem:s19+$0x10];
	_ =	sdelay $0x1  }
0x88: {  	v8 =	vmul.f32 v3, v8;
	v9 =	vmul.f32 v9, v3  }
0x89: {  	v4 =	vmul.f32 v4, v3;
	v10 =	vmul.f32 v10, v3  }
0x8a: {  	v7 =	vmul.f32 v7, v3;
	v11 =	vmul.f32 v11, v3;
	[tilespmem:s19+$0xFFFFFFF0] =	vst v9  }
0x8b: {  	[tilespmem:s19+$0xFFFFFF80] =	vst v8;
	v8 =	vmul.f32 v5, v3;
	v3 =	vmul.f32 v6, v3  }
0x8c: {  	[tilespmem:s19+$0xFFFFFFA0] =	vst v10  }
0x8d: {  	[tilespmem:s19+$0xFFFFFFB0] =	vst v7  }
.Ltmp3:
0x8e: {  	[tilespmem:s19+$0xFFFFFFD0] =	vst v3;
	(pc) =	sbr.rel @p0 .LBB2_5-.Ltmp3, $4  }
0x8f: {  	[tilespmem:s19+$0xFFFFFF90] =	vst v11  }
0x90: {  	[tilespmem:s19+$0xFFFFFFE0] =	vst v4;
	v5 =	vld [tilespmem:s19+$0x50]  }
0x91: {  	[tilespmem:s19+$0xFFFFFFC0] =	vst v8;
	v4 =	vld [tilespmem:s19+$0x60]  }
0x92: {  	v3 =	vld.msk [tilespmem:s15+$0x0 ss:$0x0], $0xffff  }
0x93: {  	_ =	sdelay $0x1  }
0x94: {  	v6 =	vld [tilespmem:s14+$0x30]  }
0x95: {  	v7 =	vld [tilespmem:s14+$0x40]  }
0x96: {  	v8 =	vld [tilespmem:s14+$0x20];
	v1 =	vmul.f32 v3, v1  }
0x97: {  	v5 =	vmul.f32 v5, v3  }
0x98: {  	v9 =	vld [tilespmem:s14+$0x70];
	v2 =	vmul.f32 v2, v3;
	[tilespmem:s14+$0x0] =	vst v1  }
0x99: {  	v6 =	vmul.f32 v6, v3;
	[tilespmem:s14+$0x50] =	vst v5  }
0x9a: {  	v1 =	vmul.f32 v7, v3;
	[tilespmem:s14+$0x10] =	vst v2  }
0x9b: {  	[tilespmem:s14+$0x30] =	vst v6;
	v6 =	vmul.f32 v8, v3  }
0x9c: {  	[tilespmem:s14+$0x40] =	vst v1;
	v1 =	vmul.f32 v4, v3  }
0x9d: {  	v3 =	vmul.f32 v9, v3;
	[tilespmem:s14+$0x20] =	vst v6  }
0x9e: {  	p0 =	seq.s32 s12, $0x0;
	[tilespmem:s14+$0x60] =	vst v1  }
0x9f: {  	[tilespmem:s14+$0x70] =	vst v3;
	s14 =	simm.s32 @!p0 $0x4  }
0xa0: {  	[spmem:s1] =	stream.indirect.scatter.add.f32 [tilespmem:s20], [sflag:$0x3], $0x80, s23, s25, $0xb8;
	[tilespmem:$0x1C400] =	vst v63  }
0xa1: {  	_ =	swait.ge @!p0 [sflag:s14], $0x4000  }
0xa2: {  	[sflag:s14] =	ssyncset.done @!p0 $0x0  }
0xa3: {  	[sflag:s14] =	ssyncadd.s32 @!p0 $0xFFFFC000  }
0xa4: {  	_ =	swait.ge [sflag:s31], $0x80  }
0xa5: {  	[sflag:s31] =	ssyncset.done $0x0  }
0xa6: {  	[sflag:s31] =	ssyncadd.s32 $0xFFFFFF80  }
0xa7: {  	_ =	swait.ge [sflag:s31], $0x80  }
0xa8: {  	[sflag:s31] =	ssyncset.done $0x0  }
0xa9: {  	[sflag:s31] =	ssyncadd.s32 $0xFFFFFF80  }
0xaa: {  	p0 =	seq.s32 s12, $0x27;
	_ =	swait.ge [sflag:s31], $0x80  }
0xab: {  	s13 =	sadd.s32 @!p0 s13, s17;
	[sflag:s31] =	ssyncset.done $0x0  }
0xac: {  	s13 =	sshrl.u32 @!p0 s13, $0x3;
	[sflag:s31] =	ssyncadd.s32 $0xFFFFFF80  }
0xad: {  	[tilespmem:s0], [sflag:$0x2] =	stream.indirect.gather [hbm4b:s4+s25], $0x80, s26, s25, $0xb8;
	[tilespmem:$0x1C400] =	vst v63  }
0xae: {  	s15 =	simm.s32 @!p0 $0x0;
	s18 =	simm.s32 @!p0 $0x14000;
	s14 =	sadd.s32 @!p0 s5, s13  }
0xaf: {  	[tilespmem:s18], [sflag:$0x5] =	stream.linear.gather @!p0 [hbm4b:s14+s15], $0x80, $0x38;
	[tilespmem:$0x1C400] =	vst v63  }
0xb0: {  	s14 =	sadd.s32 @!p0 s6, s13;
	s18 =	simm.s32 @!p0 $0x14100  }
0xb1: {  	[tilespmem:s18], [sflag:$0x5] =	stream.linear.gather @!p0 [hbm4b:s14+s15], $0x80, $0x38;
	[tilespmem:$0x1C400] =	vst v63  }
0xb2: {  	s13 =	sadd.s32 @!p0 s7, s13;
	s14 =	simm.s32 @!p0 $0x14200  }
0xb3: {  	[tilespmem:s14], [sflag:$0x5] =	stream.linear.gather @!p0 [hbm4b:s13+s15], $0x80, $0x38;
	[tilespmem:$0x1C400] =	vst v63  }
0xb4: {  	_ =	swait.ge [sflag:s24], $0x4000  }
0xb5: {  	[sflag:s24] =	ssyncset.done $0x0  }
0xb6: {  	s14 =	simm.s32 $0x14301;
	[sflag:s24] =	ssyncadd.s32 $0xFFFFC000  }
0xb7: {  	s13 =	simm.s32 $0x18480;
	v5 =	vld.msk [tilespmem:s14+$0xFFFFFFFF ss:$0x0], $0xffff  }
0xb8: {  	v2 =	vld [tilespmem:s13+$0xFFFFFFF0]  }
0xb9: {  	v6 =	vld [tilespmem:s13+$0xFFFFFF80]  }
0xba: {  	v7 =	vld [tilespmem:s13+$0xFFFFFFA0]  }
0xbb: {  	v62 =	vld [tilespmem:s13+$0xFFFFFFB0]  }
0xbc: {  	v3 =	vld [tilespmem:s13+$0xFFFFFFD0]  }
0xbd: {  	v10 =	vld [tilespmem:s13+$0xFFFFFF90];
	v11 =	vmul.f32 v2, v5  }
0xbe: {  	v63 =	vld [tilespmem:s13+$0xFFFFFFE0];
	v6 =	vmul.f32 v5, v6  }
0xbf: {  	v4 =	vld [tilespmem:s13+$0xFFFFFFC0];
	v7 =	vmul.f32 v7, v5;
	[tilespmem:s13+$0xFFFFFFF0] =	vst v11  }
0xc0: {  	v8 =	vmul.f32 v62, v5;
	[tilespmem:s13+$0xFFFFFF80] =	vst v6  }
0xc1: {  	v3 =	vmul.f32 v3, v5;
	[tilespmem:s13+$0xFFFFFFA0] =	vst v7  }
0xc2: {  	v6 =	vmul.f32 v10, v5;
	[tilespmem:s13+$0xFFFFFFB0] =	vst v8  }
0xc3: {  	v1 =	vld [tilespmem:s13+$0x0];
	v7 =	vmul.f32 v63, v5;
	[tilespmem:s13+$0xFFFFFFD0] =	vst v3  }
0xc4: {  	v2 =	vld [tilespmem:s13+$0x10];
	v3 =	vmul.f32 v4, v5;
	[tilespmem:s13+$0xFFFFFF90] =	vst v6  }
0xc5: {  	v5 =	vld [tilespmem:s13+$0x50];
	[tilespmem:s13+$0xFFFFFFE0] =	vst v7  }
0xc6: {  	v4 =	vld [tilespmem:s13+$0x60];
	[tilespmem:s13+$0xFFFFFFC0] =	vst v3  }
0xc7: {  	s18 =	simm.s32 $0x18480;
	s15 =	simm.s32 $0x0;
	v3 =	vld.msk [tilespmem:s14+$0x0 ss:$0x0], $0xffff  }
.LBB2_7:
0xc8: {  	s15 =	sadd.s32 $0x2, s15;
	v6 =	vld [tilespmem:s13+$0x30];
	s18 =	sadd.s32 $0x100, s18;
	s14 =	sadd.s32 $0x2, s14  }
0xc9: {  	p1 =	slt.u32 s15, $0x7E;
	v7 =	vld [tilespmem:s13+$0x20]  }
0xca: {  	v8 =	vld [tilespmem:s13+$0x40]  }
0xcb: {  	v9 =	vld [tilespmem:s13+$0x70];
	_ =	sdelay $0x1  }
0xcc: {  	v1 =	vmul.f32 v3, v1;
	v2 =	vmul.f32 v2, v3  }
0xcd: {  	v6 =	vmul.f32 v6, v3;
	v7 =	vmul.f32 v7, v3  }
0xce: {  	v5 =	vmul.f32 v5, v3;
	[tilespmem:s13+$0x0] =	vst v1;
	v8 =	vmul.f32 v8, v3  }
0xcf: {  	v4 =	vmul.f32 v4, v3;
	v1 =	vld [tilespmem:s18+$0x0];
	[tilespmem:s13+$0x30] =	vst v6;
	v3 =	vmul.f32 v9, v3  }
0xd0: {  	[tilespmem:s13+$0x40] =	vst v8  }
0xd1: {  	v6 =	vld [tilespmem:s18+$0xFFFFFFD0];
	[tilespmem:s13+$0x50] =	vst v5  }
0xd2: {  	v5 =	vld [tilespmem:s18+$0xFFFFFFC0];
	[tilespmem:s13+$0x20] =	vst v7  }
0xd3: {  	v7 =	vld [tilespmem:s18+$0xFFFFFFB0];
	[tilespmem:s13+$0x60] =	vst v4  }
0xd4: {  	v4 =	vld [tilespmem:s18+$0xFFFFFFE0];
	[tilespmem:s13+$0x10] =	vst v2  }
0xd5: {  	v8 =	vld [tilespmem:s18+$0xFFFFFF80];
	[tilespmem:s13+$0x70] =	vst v3;
	s13 =	smov.u32 s18  }
0xd6: {  	v3 =	vld.msk [tilespmem:s14+$0xFFFFFFFF ss:$0x0], $0xffff  }
0xd7: {  	v9 =	vld [tilespmem:s18+$0xFFFFFFF0]  }
0xd8: {  	v10 =	vld [tilespmem:s18+$0xFFFFFFA0]  }
0xd9: {  	v11 =	vld [tilespmem:s18+$0xFFFFFF90]  }
0xda: {  	v2 =	vld [tilespmem:s18+$0x10];
	_ =	sdelay $0x1  }
0xdb: {  	v8 =	vmul.f32 v3, v8;
	v9 =	vmul.f32 v9, v3  }
0xdc: {  	v4 =	vmul.f32 v4, v3;
	v10 =	vmul.f32 v10, v3  }
0xdd: {  	v7 =	vmul.f32 v7, v3;
	v11 =	vmul.f32 v11, v3;
	[tilespmem:s18+$0xFFFFFFF0] =	vst v9  }
0xde: {  	[tilespmem:s18+$0xFFFFFF80] =	vst v8;
	v8 =	vmul.f32 v5, v3;
	v3 =	vmul.f32 v6, v3  }
0xdf: {  	[tilespmem:s18+$0xFFFFFFA0] =	vst v10  }
0xe0: {  	[tilespmem:s18+$0xFFFFFFB0] =	vst v7  }
.Ltmp4:
0xe1: {  	[tilespmem:s18+$0xFFFFFFD0] =	vst v3;
	(pc) =	sbr.rel @p1 .LBB2_7-.Ltmp4, $4  }
0xe2: {  	[tilespmem:s18+$0xFFFFFF90] =	vst v11  }
0xe3: {  	[tilespmem:s18+$0xFFFFFFE0] =	vst v4;
	v5 =	vld [tilespmem:s18+$0x50]  }
0xe4: {  	[tilespmem:s18+$0xFFFFFFC0] =	vst v8;
	v4 =	vld [tilespmem:s18+$0x60]  }
0xe5: {  	v3 =	vld.msk [tilespmem:s14+$0x0 ss:$0x0], $0xffff  }
0xe6: {  	_ =	sdelay $0x1  }
0xe7: {  	v6 =	vld [tilespmem:s13+$0x30]  }
0xe8: {  	v7 =	vld [tilespmem:s13+$0x40]  }
0xe9: {  	v8 =	vld [tilespmem:s13+$0x20];
	v1 =	vmul.f32 v3, v1  }
0xea: {  	v5 =	vmul.f32 v5, v3  }
0xeb: {  	v9 =	vld [tilespmem:s13+$0x70];
	v2 =	vmul.f32 v2, v3;
	[tilespmem:s13+$0x0] =	vst v1  }
0xec: {  	v6 =	vmul.f32 v6, v3;
	[tilespmem:s13+$0x50] =	vst v5  }
0xed: {  	v1 =	vmul.f32 v7, v3;
	[tilespmem:s13+$0x10] =	vst v2  }
0xee: {  	v63 =	vmul.f32 v8, v3;
	[tilespmem:s13+$0x30] =	vst v6  }
0xef: {  	[tilespmem:s13+$0x40] =	vst v1;
	v1 =	vmul.f32 v4, v3  }
0xf0: {  	[tilespmem:s13+$0x20] =	vst v63;
	v3 =	vmul.f32 v9, v3  }
0xf1: {  	[tilespmem:s13+$0x60] =	vst v1  }
.Ltmp5:
0xf2: {  	[tilespmem:s13+$0x70] =	vst v3;
	(pc) =	sbr.rel @p0 .LBB2_10-.Ltmp5, $4  }
0xf3: {  	[spmem:s1] =	stream.indirect.scatter.add.f32 [tilespmem:s0], [sflag:$0x4], $0x80, s28, s25, $0xb8;
	[tilespmem:$0x1C400] =	vst v63  }
0xf4: {  	_ =	swait.ge [sflag:s2], $0x4000  }
0xf5: {  	[sflag:s2] =	ssyncset.done $0x0  }
0xf6: {  	[sflag:s2] =	ssyncadd.s32 $0xFFFFC000  }
0xf7: {  	_ =	swait.ge [sflag:s10], $0x80  }
0xf8: {  	[sflag:s10] =	ssyncset.done $0x0  }
0xf9: {  	[sflag:s10] =	ssyncadd.s32 $0xFFFFFF80  }
0xfa: {  	_ =	swait.ge [sflag:s10], $0x80  }
0xfb: {  	[sflag:s10] =	ssyncset.done $0x0  }
.Ltmp6:
0xfc: {  	[sflag:s10] =	ssyncadd.s32 $0xFFFFFF80;
	(pc) =	sbr.rel .LBB2_4-.Ltmp6, $4  }
0xfd: {  	_ =	swait.ge [sflag:s10], $0x80  }
0xfe: {  	[sflag:s10] =	ssyncset.done $0x0  }
0xff: {  	s12 =	sadd.s32 $0x1, s12;
	[sflag:s10] =	ssyncadd.s32 $0xFFFFFF80  }
0x100: {  	[tilespmem:s20], [sflag:$0x1] =	stream.indirect.gather [hbm4b:s4+s25], $0x80, s22, s25, $0xb8;
	[tilespmem:$0x1C400] =	vst v63  }
.LBB2_11:
0x101: {  	_ =	sfence.sel $0x180000  }
0x102: {  	[bflag:$0x0] =	sbarrier.arrive $0xFFFF  }
0x103: {  	_ =	strace $0x9000004A  }
0x104: {  	s0 =	stileid.u32;
	[bflag:$0x2] =	sbarrier.arrive $0xFFFF  }
0x105: {  	p0 =	sne.s32 s0, $0x0;
	s0 =	rddreg [dreg:$0x2]  }
0x106: {  	s0 =	sadd.s32 @!p0 $0x100000, s0  }
0x107: {  	[sflag:s0] =	ssyncadd.tile.s32 @!p0 $0x1;
	_ =	shalt  }
.Lfunc_end2:
_tile_overlayer_lowered:
.L_overlay_start_2:
0x108: {  	(tag) =	ssettag $0x2  }
0x109: {  	s0 =	rddreg [dreg:$0x0];
	s2 =	stileid.u32  }
0x10a: {  	s1 =	rddreg [dreg:$0x1];
	p0 =	sne.s32 s2, $0x0  }
0x10b: {  	s3 =	rddreg [dreg:$0x2];
	[bflag:$0x3] =	sbarrier.arrive $0xFFFF;
	s2 =	simm.s32 @!p0 $0x1C07  }
0x10c: {  	[timem:s3], [sflag:s2] =	dma.local @!p0 [hbm:s0], s1  }
0x10d: {  	s0 =	simm.s32 @!p0 $0x7  }
0x10e: {  	_ =	swait.ge @!p0 [sflag:s0], s1  }
0x10f: {  	s1 =	ssub.s32 @!p0 $0x0, s1;
	[sflag:s0] =	ssyncset.done @!p0 $0x0  }
0x110: {  	[sflag:s0] =	ssyncadd.s32 @!p0 s1  }
0x111: {  	[bflag:$0x3] =	sbarrier.arrive $0xFFFF  }
0x112: {  	_ =	shalt  }

// kernel: kernel.17.cloned.1.call-start
scs
__scs_entry_jumppad:
0x0: {  	(pc) =	sbr.rel $0x88, $3  }
0x1: {  	(tag) =	ssettag $0x0;
	lr =	simm.s32 $0x1  }
0x2: {  	[smem:$0x3F98] =	sst lr;
	_ =	strace $0xD0000000  }
0x3: {  	_ = 	snop  }
0x4: {  	_ = 	snop  }
0x5: {  	_ = 	snop  }
0x6: {  	_ = 	snop  }
0x7: {  	_ = 	snop  }
__scs_overlays_trampoline_lowered:
0x8: {  	[smem:$0x3FA7] =	sst s0  }
0x9: {  	[smem:$0x3FA8] =	sst s1  }
0xa: {  	[smem:$0x3FA9] =	sst s2  }
0xb: {  	[smem:$0x3FAA] =	sst s3  }
0xc: {  	[smem:$0x3FAB] =	sst s4  }
0xd: {  	[smem:$0x3FAC] =	sst s5  }
0xe: {  	[smem:$0x3FAD] =	sst s6  }
0xf: {  	[smem:$0x3FAE] =	sst s7  }
0x10: {  	[smem:$0x3FAF] =	sst s8  }
0x11: {  	[smem:$0x3FB0] =	sst s9;
	s0 =	simm.s32 @!p0 $0x0  }
0x12: {  	s1 =	sld [smem:$0x3F96];
	s0 =	simm.s32 @p0 $0x1  }
0x13: {  	[smem:$0x3FB1] =	sst s0;
	s0 =	simm.s32 @!p1 $0x0  }
0x14: {  	s2 =	sld [smem:$0x3F95];
	s0 =	simm.s32 @p1 $0x1  }
0x15: {  	[smem:$0x3FB2] =	sst s0;
	s0 =	simm.s32 @!p2 $0x0  }
0x16: {  	s3 =	sld [smem:$0x3FDB];
	s0 =	simm.s32 @p2 $0x1  }
0x17: {  	s4 =	simm.s32 $0x1BF5;
	[smem:$0x3FB4] =	sst s0  }
0x18: {  	s0 =	sld [smem:$0x3F97];
	_ =	swait.ge [sflag:s4], $0x0  }
0x19: {  	s7 =	sld [smem:$0x3F98]  }
0x1a: {  	s8 =	sadd.s32 $0xFFFFE003, lr  }
0x1b: {  	s9 =	sadd.s32 $0xFFFFFEF7, lr;
	s5 =	simm.s32 $0xFFFFFFFF;
	p2 =	slt.u32 s8, $0xFFFFF086  }
0x1c: {  	p1 =	slt.u32 s9, $0xF7A;
	s5 =	simm.s32 @!p2 $0x0  }
0x1d: {  	s5 =	simm.s32 @p1 $0x1;
	p0 =	seq.s32 s7, s2  }
0x1e: {  	s7 =	smul.u32 @!p0 $0xF7A, s2;
	p2 =	seq.s32 @!p0 s5, $0x0  }
0x1f: {  	s9 =	smul.u32 $0xF7A, s1;
	s8 =	simm.s32 @!p0 $0x1BF5;
	p2 =	por !p2, p0  }
0x20: {  	[sflag:s8] =	ssyncset.s32 @!p0 $0xFFFFF086;
	s6 =	sadd.s32 @!p0 s3, s7;
	s7 =	simm.s32 @!p0 $0x108  }
0x21: {  	s3 =	sadd.s32 s3, s9;
	s6 =	sadd.s32 @!p0 $0x88, s6;
	s7 =	simm.s32 @p2 $0x1082  }
0x22: {  	[simem:s7], [sflag:s8] =	dma.local @!p0 [hbm:s6], $0xF7A  }
0x23: {  	s9 =	sor.u32 $0xD0000000, s2;
	s6 =	simm.s32 $0x108;
	_ =	swait.ge @!p0 [sflag:s8], $0x0  }
0x24: {  	s3 =	sadd.s32 $0x88, s3;
	s6 =	simm.s32 @!p1 $0x1082;
	[sflag:s4] =	ssyncset.s32 $0xFFFFF086  }
0x25: {  	[simem:s6], [sflag:s4] =	dma.local [hbm:s3], $0xF7A  }
0x26: {  	[smem:$0x3F98] =	sst s1;
	(tag) =	ssettag s2;
	_ =	strace s9  }
0x27: {  	s1 =	sld [smem:$0x3FA8]  }
0x28: {  	s2 =	sld [smem:$0x3FA9]  }
0x29: {  	s4 =	sld [smem:$0x3FAB]  }
0x2a: {  	p0 =	seq.s32 s5, $0x0;
	s5 =	sld [smem:$0x3FAC]  }
0x2b: {  	s6 =	sld [smem:$0x3FAD]  }
0x2c: {  	s7 =	sld [smem:$0x3FAE]  }
0x2d: {  	s3 =	simm.s32 $0x108;
	s8 =	sld [smem:$0x3FAF]  }
0x2e: {  	s3 =	simm.s32 @!p0 $0x1082;
	s9 =	sld [smem:$0x3FB0]  }
0x2f: {  	lr =	sadd.s32 s0, s3;
	s0 =	sld [smem:$0x3FA7]  }
0x30: {  	s3 =	sld [smem:$0x3FAA]  }
0x31: {  	[smem:$0x3FB3] =	sst s10  }
0x32: {  	s10 =	sld [smem:$0x3FB1];
	_ =	sdelay $0x3  }
0x33: {  	p0 =	seq.s32 s10, $0x1;
	s10 =	sld [smem:$0x3FB3];
	_ =	sdelay $0x3  }
0x34: {  	[smem:$0x3FB3] =	sst s10  }
0x35: {  	s10 =	sld [smem:$0x3FB2];
	_ =	sdelay $0x3  }
0x36: {  	p1 =	seq.s32 s10, $0x1;
	s10 =	sld [smem:$0x3FB3];
	_ =	sdelay $0x3  }
0x37: {  	[smem:$0x3FB3] =	sst s10  }
0x38: {  	s10 =	sld [smem:$0x3FB4]  }
0x39: {  	_ = 	snop;
	(pc) =	sbr.ind lr, $3  }
0x3a: {  	_ = 	snop  }
0x3b: {  	_ = 	snop  }
0x3c: {  	p2 =	seq.s32 s10, $0x1;
	s10 =	sld [smem:$0x3FB3]  }
0x3d: {  	_ =	shalt  }
0x3e: {  	_ =	shalt  }
0x3f: {  	_ =	shalt  }
0x40: {  	_ =	shalt  }
0x41: {  	_ =	shalt  }
0x42: {  	_ =	shalt  }
0x43: {  	_ =	shalt  }
0x44: {  	_ =	shalt  }
0x45: {  	_ =	shalt  }
0x46: {  	_ =	shalt  }
0x47: {  	_ =	shalt  }
0x48: {  	_ =	shalt  }
0x49: {  	_ =	shalt  }
0x4a: {  	_ =	shalt  }
0x4b: {  	_ =	shalt  }
0x4c: {  	_ =	shalt  }
0x4d: {  	_ =	shalt  }
0x4e: {  	_ =	shalt  }
0x4f: {  	_ =	shalt  }
0x50: {  	_ =	shalt  }
0x51: {  	_ =	shalt  }
0x52: {  	_ =	shalt  }
0x53: {  	_ =	shalt  }
0x54: {  	_ =	shalt  }
0x55: {  	_ =	shalt  }
0x56: {  	_ =	shalt  }
0x57: {  	_ =	shalt  }
0x58: {  	_ =	shalt  }
0x59: {  	_ =	shalt  }
0x5a: {  	_ =	shalt  }
0x5b: {  	_ =	shalt  }
0x5c: {  	_ =	shalt  }
0x5d: {  	_ =	shalt  }
0x5e: {  	_ =	shalt  }
0x5f: {  	_ =	shalt  }
0x60: {  	_ =	shalt  }
0x61: {  	_ =	shalt  }
0x62: {  	_ =	shalt  }
0x63: {  	_ =	shalt  }
0x64: {  	_ =	shalt  }
0x65: {  	_ =	shalt  }
0x66: {  	_ =	shalt  }
0x67: {  	_ =	shalt  }
0x68: {  	_ =	shalt  }
0x69: {  	_ =	shalt  }
0x6a: {  	_ =	shalt  }
0x6b: {  	_ =	shalt  }
0x6c: {  	_ =	shalt  }
0x6d: {  	_ =	shalt  }
0x6e: {  	_ =	shalt  }
0x6f: {  	_ =	shalt  }
0x70: {  	_ =	shalt  }
0x71: {  	_ =	shalt  }
0x72: {  	_ =	shalt  }
0x73: {  	_ =	shalt  }
0x74: {  	_ =	shalt  }
0x75: {  	_ =	shalt  }
0x76: {  	_ =	shalt  }
0x77: {  	_ =	shalt  }
0x78: {  	_ =	shalt  }
0x79: {  	_ =	shalt  }
0x7a: {  	_ =	shalt  }
0x7b: {  	_ =	shalt  }
0x7c: {  	_ =	shalt  }
0x7d: {  	_ =	shalt  }
0x7e: {  	_ =	shalt  }
0x7f: {  	_ =	shalt  }
0x80: {  	_ =	shalt  }
0x81: {  	_ =	shalt  }
0x82: {  	_ =	shalt  }
0x83: {  	_ =	shalt  }
0x84: {  	_ =	shalt  }
0x85: {  	_ =	shalt  }
0x86: {  	_ =	shalt  }
0x87: {  	_ =	shalt  }
.Lfunc_end0:
.L_simem_size_0:
called_computation.2_lowered:
.L_overlay_start_0:
0x88: {  	s2 =	sld [smem:$0x3FD9]  }
0x89: {  	s3 =	sld [smem:$0x3FFE];
	_ =	sdelay $0x1  }
0x8a: {  	s1 =	srdreg.scid  }
0x8b: {  	s0 =	sand.u32 $0x1, s1  }
0x8c: {  	s16 =	sshll.u32 s0, $0xA;
	s2 =	sadd.s32 s3, s2  }
0x8d: {  	s2 =	sadd.s32 s2, s16  }
0x8e: {  	[smem:$0x3FBF] =	sst s2  }
0x8f: {  	_ = 	snop  }
0x90: {  	(tm) =	ssettm $0x1  }
0x91: {  	s17 =	sld [smem:$0x3FFB];
	_ =	sdelay $0x3  }
0x92: {  	_ =	strace s17  }
0x93: {  	s2 =	sld [smem:$0x3FFC];
	_ =	sdelay $0x3  }
0x94: {  	_ =	strace s2  }
0x95: {  	s2 =	sld [smem:$0x3FFD];
	_ =	sdelay $0x3  }
0x96: {  	_ =	strace s2  }
0x97: {  	_ =	strace $0x8FFFFFFF  }
0x98: {  	s18 =	sld [smem:$0x3FDB];
	_ =	sdelay $0x1  }
0x99: {  	s19 =	simm.s32 $_scs_section_size  }
0x9a: {  	s4 =	simm.s32 $_size__tile_overlayer_lowered;
	s5 =	simm.s32 $_tile_overlayer_lowered  }
0x9b: {  	s22 =	simm.s32 $0x1BFF;
	s21 =	sshll.u32 s5, $0x1;
	s2 =	sadd.s32 s19, s18  }
0x9c: {  	s6 =	simm.s32 $0x0;
	s20 =	sshll.u32 s4, $0x1;
	s4 =	sadd.s32 s21, s2  }
0x9d: {  	[timem:s6], [sflag:s22] =	dma.local [hbm:s4], s20  }
0x9e: {  	_ =	swait.ge [sflag:s22], s20  }
0x9f: {  	s3 =	ssub.s32 $0x0, s20;
	[sflag:s22] =	ssyncset.done $0x0  }
0xa0: {  	[sflag:s22] =	ssyncadd.s32 s3;
	_ =	sdelay $0x1  }
0xa1: {  	s23 =	simm.s32 $0x1B8B  }
0xa2: {  	_ =	swait.ge [sflag:s23], $0x1  }
0xa3: {  	[sflag:s23] =	ssyncset.done $0x0  }
0xa4: {  	s25 =	simm.s32 $0x1B8E;
	s24 =	sld [smem:$0x3FFE];
	[sflag:s23] =	ssyncadd.s32 $0xFFFFFFFF  }
0xa5: {  	s26 =	simm.s32 $execute0_lowered;
	[smem:$0x3FD2] =	sst s25  }
0xa6: {  	s4 =	sshll.u32 s26, $0x1;
	_ =	strace $0x8000004C;
	[dreg:$0x1] =	wrdreg $0xFFFFFFFF  }
0xa7: {  	s28 =	simm.s32 $_size_execute0_lowered;
	s2 =	sadd.s32 s2, s4;
	[dreg:$0x0] =	wrdreg $0x0  }
0xa8: {  	s4 =	sshll.u32 s28, $0x1;
	[dreg:$0x2] =	wrdreg s2  }
0xa9: {  	[dreg:$0x3] =	wrdreg s4  }
0xaa: {  	[dreg:$0x4] =	wrdreg $0xC0  }
0xab: {  	_ =	task [dreg:s6], $0x5FFFF  }
0xac: {  	[dreg:$0x1] =	wrdreg $0xFFFFFFFF  }
0xad: {  	[dreg:$0x0] =	wrdreg $0x60  }
0xae: {  	[dreg:$0x2] =	wrdreg s24  }
0xaf: {  	[dreg:$0x3] =	wrdreg $0x0  }
0xb0: {  	[dreg:$0x4] =	wrdreg $0x9  }
0xb1: {  	_ =	task.clear_ibuf [dreg:s6], $0x5FFFF;
	_ =	strace $0x9000004C  }
0xb2: {  	s29 =	simm.s32 $0x9;
	_ =	strace $0x8000004E  }
0xb3: {  	_ =	swait.ge [sflag:s29], $0x1  }
0xb4: {  	[sflag:s29] =	ssyncadd.s32 $0xFFFFFFFF  }
0xb5: {  	_ =	strace $0x9000004E  }
0xb6: {  	_ =	sfence  }
0xb7: {  	s30 =	sld [smem:$0x0];
	_ =	sdelay $0x2  }
0xb8: {  	s31 =	sshll.u32 s1, $0xD;
	s1 =	sshrl.u32 s1, $0x2  }
0xb9: {  	s3 =	sand.u32 $0x4000, s31;
	s1 =	sadd.s32 s1, s30  }
0xba: {  	s0 =	sor.u32 s3, s0;
	s1 =	sshll.u32 s1, $0x11  }
0xbb: {  	s0 =	sor.u32 s1, s0  }
0xbc: {  	s0 =	sadd.s32 $0x8F2B, s0  }
0xbd: {  	[sflag:s0] =	ssyncadd.remote.s32 $0x1  }
0xbe: {  	_ =	sfence.sel $0xFFFF  }
0xbf: {  	[dreg:$0x0] =	wrdreg $0xFFFFFFFF;
	(pc) =	sbr.abs _section_cstart, $3  }
0xc0: {  	[dreg:$0x1] =	wrdreg $0xFFFFFFFF  }
0xc1: {  	_ =	task.clear_ibuf [dreg:s6], $0x2FFFF;
	_ =	strace $0x9FFFFFFF  }
0xc2: {  	(tm) =	ssettm $0x7FFFFFFF  }
0xc3: {  	_ =	shalt  }
tec
execute0_lowered:
.L_overlay_start_1:
0x0: {  	(tag) =	ssettag $0x1  }
0x1: {  	s0 =	rddreg [dreg:$0x0]  }
0x2: {  	s1 =	rddreg [dreg:$0x1];
	s2 =	srdreg.scid;
	s3 =	simm.s32 $0x0  }
0x3: {  	s10 =	stileid.u32;
	s28 =	simm.s32 $0x14180;
	s29 =	simm.s32 $0x14300  }
0x4: {  	s30 =	simm.s32 $0x1;
	s31 =	simm.s32 $0x6;
	s7 =	smul.u32 $0x14000, s10  }
0x5: {  	s2 =	sand.u32 $0x1, s2;
	[smem:$0x7FF] =	sst s3;
	s9 =	smul.u32 $0x50000, s10  }
0x6: {  	s4 =	sadd.s32 $0x2B400, s0;
	s5 =	sadd.s32 $0x21400, s0;
	s6 =	smul.u32 $0x140000, s2  }
0x7: {  	_ =	strace $0x8000004D;
	s17 =	sshll.u32 s2, $0x4;
	s2 =	ssub.s32 $0x2, s2  }
0x8: {  	s10 =	sor.u32 s10, s17;
	s18 =	sshrl.u32 s9, $0x2;
	s19 =	sshrl.u32 s2, $0x1  }
0x9: {  	s7 =	sadd.s32 s7, s6;
	s6 =	sadd.s32 $0x17400, s0;
	s10 =	smul.u32 $0x2800, s10  }
0xa: {  	s2 =	ssub.s32 s2, s19;
	s8 =	sshrl.u32 s7, $0x3;
	s7 =	sadd.s32 $0x7B400, s0  }
0xb: {  	s26 =	smax.u32 s2, $0x1;
	s0 =	sadd.s32 s8, s0;
	s8 =	sadd.s32 s18, s1  }
0xc: {  	s2 =	simm.s32 $0x3;
	[dreg:$0xb] =	wrdreg s26;
	s20 =	sadd.s32 $0x4000, s8  }
0xd: {  	s24 =	sshrl.u32 s10, $0x3;
	s21 =	sadd.s32 $0x8000, s8;
	[dreg:$0x3] =	wrdreg s20  }
0xe: {  	s16 =	sor.u32 $0x80, s10;
	s22 =	sadd.s32 $0xC000, s8;
	[dreg:$0x4] =	wrdreg s21  }
0xf: {  	s17 =	sor.u32 $0x100, s10;
	s23 =	sadd.s32 $0x10000, s8;
	[dreg:$0x5] =	wrdreg s22  }
0x10: {  	s26 =	simm.s32 $0x14080;
	s11 =	sadd.s32 s5, s24;
	[dreg:$0x6] =	wrdreg s23  }
0x11: {  	s10 =	simm.s32 $0x5;
	s25 =	sadd.s32 s6, s24;
	[dreg:$0x7] =	wrdreg s11  }
.Ltmp0:
0x12: {  	s9 =	sadd.s32 s7, s24;
	[dreg:$0x8] =	wrdreg s25;
	(pc) =	sbr.rel .LBB2_1-.Ltmp0, $4  }
0x13: {  	s0 =	sadd.s32 $0x85400, s0;
	s24 =	simm.s32 $0x2;
	[dreg:$0x9] =	wrdreg s9  }
0x14: {  	[dreg:$0xa] =	wrdreg s0;
	s20 =	simm.s32 $0x14400;
	s21 =	simm.s32 $0x7  }
0x15: {  	s22 =	simm.s32 $0x14000;
	s23 =	simm.s32 $0x14100;
	s25 =	simm.s32 $0x80  }
0x16: {  	v0 =	vimm.f32 $0.0e+00;
	s0 =	simm.s32 $0x18400;
	s9 =	simm.s32 $0x4;
	s11 =	simm.s32 $0x0  }
.LBB2_10:
0x17: {  	_ =	swait.ge [sflag:s9], $0x4000  }
0x18: {  	[sflag:s9] =	ssyncset.done $0x0  }
0x19: {  	s12 =	stileid.u32;
	[sflag:s9] =	ssyncadd.s32 $0xFFFFC000  }
0x1a: {  	s12 =	sshll.u32 s12, $0x6;
	[bflag:$0x0] =	sbarrier.arrive $0xFFFF  }
0x1b: {  	s13 =	sshrl.u32 s8, $0x3;
	s12 =	sor.u32 $0x1C07, s12;
	s14 =	rddreg [dreg:$0xa]  }
0x1c: {  	[hbm:s14], [sflag:s12] =	dma.local [spmem:s13], $0x2800  }
0x1d: {  	_ =	swait.ge [sflag:s21], $0x2800  }
0x1e: {  	s11 =	sadd.s32 $0x1, s11;
	s19 =	rddreg [dreg:$0xb]  }
0x1f: {  	p0 =	sne.s32 s11, s19  }
.Ltmp1:
0x20: {  	_ = 	snop;
	(pc) =	sbr.rel @!p0 .LBB2_11-.Ltmp1, $3  }
0x21: {  	_ =	sdelay $0x1  }
0x22: {  	[sflag:s21] =	ssyncset.done $0x0  }
0x23: {  	[sflag:s21] =	ssyncadd.s32 $0xFFFFD800  }
.LBB2_1:
0x24: {  	s12 =	simm.s32 $0x0;
	s13 =	simm.s32 $0x200  }
.LBB2_2:
0x25: {  	p0 =	sne.s32 s13, $0xFE00;
	[tilespmem:s12+$0x14470] =	vst v0  }
0x26: {  	[tilespmem:s12+$0x14400] =	vst v0  }
0x27: {  	[tilespmem:s12+$0x14410] =	vst v0  }
.Ltmp2:
0x28: {  	[tilespmem:s12+$0x14420] =	vst v0;
	(pc) =	sbr.rel @p0 .LBB2_2-.Ltmp2, $4  }
0x29: {  	[tilespmem:s12+$0x14430] =	vst v0  }
0x2a: {  	[tilespmem:s12+$0x14440] =	vst v0  }
0x2b: {  	[tilespmem:s12+$0x14450] =	vst v0  }
0x2c: {  	[tilespmem:s12+$0x14460] =	vst v0;
	s12 =	sshra.s32 s13, $0x2;
	s13 =	sadd.s32 $0x200, s13  }
0x2d: {  	[tilespmem:s12+$0x14470] =	vst v0  }
0x2e: {  	[tilespmem:s12+$0x14400] =	vst v0  }
0x2f: {  	[tilespmem:s12+$0x14410] =	vst v0  }
0x30: {  	[tilespmem:s12+$0x14420] =	vst v0  }
0x31: {  	[tilespmem:s12+$0x14430] =	vst v0  }
0x32: {  	[tilespmem:s12+$0x14440] =	vst v0  }
0x33: {  	[tilespmem:s12+$0x14450] =	vst v0  }
0x34: {  	[tilespmem:s12+$0x14460] =	vst v0  }
0x35: {  	[spmem:s8] =	stream.linear.scatter [tilespmem:s20], [sflag:$0x7], $0x4000, $0x38;
	[tilespmem:$0x1C400] =	vst v63  }
0x36: {  	_ =	swait.ge [sflag:s21], $0x4000  }
0x37: {  	[sflag:s21] =	ssyncset.done $0x0  }
0x38: {  	s19 =	rddreg [dreg:$0x3];
	[sflag:s21] =	ssyncadd.s32 $0xFFFFC000  }
0x39: {  	[spmem:s19] =	stream.linear.scatter [tilespmem:s20], [sflag:$0x7], $0x4000, $0x38;
	[tilespmem:$0x1C400] =	vst v63  }
0x3a: {  	_ =	swait.ge [sflag:s21], $0x4000  }
0x3b: {  	[sflag:s21] =	ssyncset.done $0x0  }
0x3c: {  	s13 =	rddreg [dreg:$0x4];
	[sflag:s21] =	ssyncadd.s32 $0xFFFFC000  }
0x3d: {  	[spmem:s13] =	stream.linear.scatter [tilespmem:s20], [sflag:$0x7], $0x4000, $0x38;
	[tilespmem:$0x1C400] =	vst v63  }
0x3e: {  	_ =	swait.ge [sflag:s21], $0x4000  }
0x3f: {  	[sflag:s21] =	ssyncset.done $0x0  }
0x40: {  	s14 =	rddreg [dreg:$0x5];
	[sflag:s21] =	ssyncadd.s32 $0xFFFFC000  }
0x41: {  	[spmem:s14] =	stream.linear.scatter [tilespmem:s20], [sflag:$0x7], $0x4000, $0x38;
	[tilespmem:$0x1C400] =	vst v63  }
0x42: {  	_ =	swait.ge [sflag:s21], $0x4000  }
0x43: {  	[sflag:s21] =	ssyncset.done $0x0  }
0x44: {  	s15 =	rddreg [dreg:$0x6];
	[sflag:s21] =	ssyncadd.s32 $0xFFFFC000  }
0x45: {  	[spmem:s15] =	stream.linear.scatter [tilespmem:s20], [sflag:$0x7], $0x4000, $0x38;
	[tilespmem:$0x1C400] =	vst v63  }
0x46: {  	_ =	swait.ge [sflag:s21], $0x4000  }
0x47: {  	[sflag:s21] =	ssyncset.done $0x0  }
0x48: {  	[sflag:s21] =	ssyncadd.s32 $0xFFFFC000  }
0x49: {  	[bflag:$0x0] =	sbarrier.arrive $0xFFFF  }
0x4a: {  	s12 =	simm.s32 $0x0;
	s13 =	rddreg [dreg:$0x7]  }
0x4b: {  	[tilespmem:s22], [sflag:$0x7] =	stream.linear.gather [hbm4b:s13+s12], $0x80, $0x38;
	[tilespmem:$0x1C400] =	vst v63  }
0x4c: {  	_ =	swait.ge [sflag:s21], $0x80  }
0x4d: {  	[sflag:s21] =	ssyncset.done $0x0  }
0x4e: {  	s18 =	rddreg [dreg:$0x8];
	[sflag:s21] =	ssyncadd.s32 $0xFFFFFF80  }
0x4f: {  	[tilespmem:s23], [sflag:$0x7] =	stream.linear.gather [hbm4b:s18+s12], $0x80, $0x38;
	[tilespmem:$0x1C400] =	vst v63  }
0x50: {  	_ =	swait.ge [sflag:s21], $0x80  }
0x51: {  	[sflag:s21] =	ssyncset.done $0x0  }
0x52: {  	s14 =	simm.s32 $0x14200;
	s19 =	rddreg [dreg:$0x9];
	[sflag:s21] =	ssyncadd.s32 $0xFFFFFF80  }
0x53: {  	[tilespmem:s14], [sflag:$0x7] =	stream.linear.gather [hbm4b:s19+s12], $0x80, $0x38;
	[tilespmem:$0x1C400] =	vst v63  }
0x54: {  	_ =	swait.ge [sflag:s21], $0x80  }
0x55: {  	[sflag:s21] =	ssyncset.done $0x0  }
0x56: {  	[sflag:s21] =	ssyncadd.s32 $0xFFFFFF80  }
0x57: {  	[tilespmem:s20], [sflag:$0x1] =	stream.indirect.gather [hbm4b:s4+s25], $0x80, s22, s25, $0xb8;
	[tilespmem:$0x1C400] =	vst v63  }
.LBB2_4:
0x58: {  	s13 =	sshll.u32 s12, $0x8  }
0x59: {  	s14 =	sadd.s32 s13, s16  }
0x5a: {  	s14 =	sshrl.u32 s14, $0x3  }
0x5b: {  	s15 =	sadd.s32 s5, s14  }
0x5c: {  	[tilespmem:s26], [sflag:$0x6] =	stream.linear.gather [hbm4b:s15+s3], $0x80, $0x38;
	[tilespmem:$0x1C400] =	vst v63  }
0x5d: {  	s19 =	sadd.s32 s6, s14  }
0x5e: {  	[tilespmem:s28], [sflag:$0x6] =	stream.linear.gather [hbm4b:s19+s3], $0x80, $0x38;
	[tilespmem:$0x1C400] =	vst v63  }
0x5f: {  	s14 =	sadd.s32 s7, s14  }
0x60: {  	[tilespmem:s29], [sflag:$0x6] =	stream.linear.gather [hbm4b:s14+s3], $0x80, $0x38;
	[tilespmem:$0x1C400] =	vst v63  }
0x61: {  	_ =	swait.ge [sflag:s30], $0x4000  }
0x62: {  	[sflag:s30] =	ssyncset.done $0x0  }
0x63: {  	s15 =	simm.s32 $0x14201;
	[sflag:s30] =	ssyncadd.s32 $0xFFFFC000  }
0x64: {  	s14 =	simm.s32 $0x14480;
	v5 =	vld.msk [tilespmem:s15+$0xFFFFFFFF ss:$0x0], $0xffff  }
0x65: {  	v2 =	vld [tilespmem:s14+$0xFFFFFFF0]  }
0x66: {  	v6 =	vld [tilespmem:s14+$0xFFFFFF80]  }
0x67: {  	v7 =	vld [tilespmem:s14+$0xFFFFFFA0]  }
0x68: {  	v8 =	vld [tilespmem:s14+$0xFFFFFFB0]  }
0x69: {  	v3 =	vld [tilespmem:s14+$0xFFFFFFD0]  }
0x6a: {  	v10 =	vld [tilespmem:s14+$0xFFFFFF90];
	v11 =	vmul.f32 v2, v5  }
0x6b: {  	v9 =	vld [tilespmem:s14+$0xFFFFFFE0];
	v6 =	vmul.f32 v5, v6  }
0x6c: {  	v4 =	vld [tilespmem:s14+$0xFFFFFFC0];
	v7 =	vmul.f32 v7, v5;
	[tilespmem:s14+$0xFFFFFFF0] =	vst v11  }
0x6d: {  	v8 =	vmul.f32 v8, v5;
	[tilespmem:s14+$0xFFFFFF80] =	vst v6  }
0x6e: {  	v3 =	vmul.f32 v3, v5;
	[tilespmem:s14+$0xFFFFFFA0] =	vst v7  }
0x6f: {  	v6 =	vmul.f32 v10, v5;
	[tilespmem:s14+$0xFFFFFFB0] =	vst v8  }
0x70: {  	v1 =	vld [tilespmem:s14+$0x0];
	v7 =	vmul.f32 v9, v5;
	[tilespmem:s14+$0xFFFFFFD0] =	vst v3  }
0x71: {  	v2 =	vld [tilespmem:s14+$0x10];
	v3 =	vmul.f32 v4, v5;
	[tilespmem:s14+$0xFFFFFF90] =	vst v6  }
0x72: {  	v5 =	vld [tilespmem:s14+$0x50];
	[tilespmem:s14+$0xFFFFFFE0] =	vst v7  }
0x73: {  	v4 =	vld [tilespmem:s14+$0x60];
	[tilespmem:s14+$0xFFFFFFC0] =	vst v3  }
0x74: {  	s18 =	simm.s32 $0x0;
	s19 =	simm.s32 $0x14480;
	v3 =	vld.msk [tilespmem:s15+$0x0 ss:$0x0], $0xffff  }
.LBB2_5:
0x75: {  	s18 =	sadd.s32 $0x2, s18;
	v6 =	vld [tilespmem:s14+$0x30];
	s19 =	sadd.s32 $0x100, s19;
	s15 =	sadd.s32 $0x2, s15  }
0x76: {  	p0 =	slt.u32 s18, $0x7E;
	v7 =	vld [tilespmem:s14+$0x20]  }
0x77: {  	v8 =	vld [tilespmem:s14+$0x40]  }
0x78: {  	v9 =	vld [tilespmem:s14+$0x70];
	_ =	sdelay $0x1  }
0x79: {  	v1 =	vmul.f32 v3, v1;
	v2 =	vmul.f32 v2, v3  }
0x7a: {  	v6 =	vmul.f32 v6, v3;
	v7 =	vmul.f32 v7, v3  }
0x7b: {  	v5 =	vmul.f32 v5, v3;
	[tilespmem:s14+$0x0] =	vst v1;
	v8 =	vmul.f32 v8, v3  }
0x7c: {  	v4 =	vmul.f32 v4, v3;
	v1 =	vld [tilespmem:s19+$0x0];
	[tilespmem:s14+$0x30] =	vst v6;
	v3 =	vmul.f32 v9, v3  }
0x7d: {  	[tilespmem:s14+$0x40] =	vst v8  }
0x7e: {  	v6 =	vld [tilespmem:s19+$0xFFFFFFD0];
	[tilespmem:s14+$0x50] =	vst v5  }
0x7f: {  	v5 =	vld [tilespmem:s19+$0xFFFFFFC0];
	[tilespmem:s14+$0x20] =	vst v7  }
0x80: {  	v7 =	vld [tilespmem:s19+$0xFFFFFFB0];
	[tilespmem:s14+$0x60] =	vst v4  }
0x81: {  	v4 =	vld [tilespmem:s19+$0xFFFFFFE0];
	[tilespmem:s14+$0x10] =	vst v2  }
0x82: {  	v8 =	vld [tilespmem:s19+$0xFFFFFF80];
	[tilespmem:s14+$0x70] =	vst v3;
	s14 =	smov.u32 s19  }
0x83: {  	v3 =	vld.msk [tilespmem:s15+$0xFFFFFFFF ss:$0x0], $0xffff  }
0x84: {  	v9 =	vld [tilespmem:s19+$0xFFFFFFF0]  }
0x85: {  	v10 =	vld [tilespmem:s19+$0xFFFFFFA0]  }
0x86: {  	v11 =	vld [tilespmem:s19+$0xFFFFFF90]  }
0x87: {  	v2 =	vld [tilespmem:s19+$0x10];
	_ =	sdelay $0x1  }
0x88: {  	v8 =	vmul.f32 v3, v8;
	v9 =	vmul.f32 v9, v3  }
0x89: {  	v4 =	vmul.f32 v4, v3;
	v10 =	vmul.f32 v10, v3  }
0x8a: {  	v7 =	vmul.f32 v7, v3;
	v11 =	vmul.f32 v11, v3;
	[tilespmem:s19+$0xFFFFFFF0] =	vst v9  }
0x8b: {  	[tilespmem:s19+$0xFFFFFF80] =	vst v8;
	v8 =	vmul.f32 v5, v3;
	v3 =	vmul.f32 v6, v3  }
0x8c: {  	[tilespmem:s19+$0xFFFFFFA0] =	vst v10  }
0x8d: {  	[tilespmem:s19+$0xFFFFFFB0] =	vst v7  }
.Ltmp3:
0x8e: {  	[tilespmem:s19+$0xFFFFFFD0] =	vst v3;
	(pc) =	sbr.rel @p0 .LBB2_5-.Ltmp3, $4  }
0x8f: {  	[tilespmem:s19+$0xFFFFFF90] =	vst v11  }
0x90: {  	[tilespmem:s19+$0xFFFFFFE0] =	vst v4;
	v5 =	vld [tilespmem:s19+$0x50]  }
0x91: {  	[tilespmem:s19+$0xFFFFFFC0] =	vst v8;
	v4 =	vld [tilespmem:s19+$0x60]  }
0x92: {  	v3 =	vld.msk [tilespmem:s15+$0x0 ss:$0x0], $0xffff  }
0x93: {  	_ =	sdelay $0x1  }
0x94: {  	v6 =	vld [tilespmem:s14+$0x30]  }
0x95: {  	v7 =	vld [tilespmem:s14+$0x40]  }
0x96: {  	v8 =	vld [tilespmem:s14+$0x20];
	v1 =	vmul.f32 v3, v1  }
0x97: {  	v5 =	vmul.f32 v5, v3  }
0x98: {  	v9 =	vld [tilespmem:s14+$0x70];
	v2 =	vmul.f32 v2, v3;
	[tilespmem:s14+$0x0] =	vst v1  }
0x99: {  	v6 =	vmul.f32 v6, v3;
	[tilespmem:s14+$0x50] =	vst v5  }
0x9a: {  	v1 =	vmul.f32 v7, v3;
	[tilespmem:s14+$0x10] =	vst v2  }
0x9b: {  	[tilespmem:s14+$0x30] =	vst v6;
	v6 =	vmul.f32 v8, v3  }
0x9c: {  	[tilespmem:s14+$0x40] =	vst v1;
	v1 =	vmul.f32 v4, v3  }
0x9d: {  	v3 =	vmul.f32 v9, v3;
	[tilespmem:s14+$0x20] =	vst v6  }
0x9e: {  	p0 =	seq.s32 s12, $0x0;
	[tilespmem:s14+$0x60] =	vst v1  }
0x9f: {  	[tilespmem:s14+$0x70] =	vst v3;
	s14 =	simm.s32 @!p0 $0x4  }
0xa0: {  	[spmem:s1] =	stream.indirect.scatter.add.f32 [tilespmem:s20], [sflag:$0x3], $0x80, s23, s25, $0xb8;
	[tilespmem:$0x1C400] =	vst v63  }
0xa1: {  	_ =	swait.ge @!p0 [sflag:s14], $0x4000  }
0xa2: {  	[sflag:s14] =	ssyncset.done @!p0 $0x0  }
0xa3: {  	[sflag:s14] =	ssyncadd.s32 @!p0 $0xFFFFC000  }
0xa4: {  	_ =	swait.ge [sflag:s31], $0x80  }
0xa5: {  	[sflag:s31] =	ssyncset.done $0x0  }
0xa6: {  	[sflag:s31] =	ssyncadd.s32 $0xFFFFFF80  }
0xa7: {  	_ =	swait.ge [sflag:s31], $0x80  }
0xa8: {  	[sflag:s31] =	ssyncset.done $0x0  }
0xa9: {  	[sflag:s31] =	ssyncadd.s32 $0xFFFFFF80  }
0xaa: {  	p0 =	seq.s32 s12, $0x27;
	_ =	swait.ge [sflag:s31], $0x80  }
0xab: {  	s13 =	sadd.s32 @!p0 s13, s17;
	[sflag:s31] =	ssyncset.done $0x0  }
0xac: {  	s13 =	sshrl.u32 @!p0 s13, $0x3;
	[sflag:s31] =	ssyncadd.s32 $0xFFFFFF80  }
0xad: {  	[tilespmem:s0], [sflag:$0x2] =	stream.indirect.gather [hbm4b:s4+s25], $0x80, s26, s25, $0xb8;
	[tilespmem:$0x1C400] =	vst v63  }
0xae: {  	s15 =	simm.s32 @!p0 $0x0;
	s18 =	simm.s32 @!p0 $0x14000;
	s14 =	sadd.s32 @!p0 s5, s13  }
0xaf: {  	[tilespmem:s18], [sflag:$0x5] =	stream.linear.gather @!p0 [hbm4b:s14+s15], $0x80, $0x38;
	[tilespmem:$0x1C400] =	vst v63  }
0xb0: {  	s14 =	sadd.s32 @!p0 s6, s13;
	s18 =	simm.s32 @!p0 $0x14100  }
0xb1: {  	[tilespmem:s18], [sflag:$0x5] =	stream.linear.gather @!p0 [hbm4b:s14+s15], $0x80, $0x38;
	[tilespmem:$0x1C400] =	vst v63  }
0xb2: {  	s13 =	sadd.s32 @!p0 s7, s13;
	s14 =	simm.s32 @!p0 $0x14200  }
0xb3: {  	[tilespmem:s14], [sflag:$0x5] =	stream.linear.gather @!p0 [hbm4b:s13+s15], $0x80, $0x38;
	[tilespmem:$0x1C400] =	vst v63  }
0xb4: {  	_ =	swait.ge [sflag:s24], $0x4000  }
0xb5: {  	[sflag:s24] =	ssyncset.done $0x0  }
0xb6: {  	s14 =	simm.s32 $0x14301;
	[sflag:s24] =	ssyncadd.s32 $0xFFFFC000  }
0xb7: {  	s13 =	simm.s32 $0x18480;
	v5 =	vld.msk [tilespmem:s14+$0xFFFFFFFF ss:$0x0], $0xffff  }
0xb8: {  	v2 =	vld [tilespmem:s13+$0xFFFFFFF0]  }
0xb9: {  	v6 =	vld [tilespmem:s13+$0xFFFFFF80]  }
0xba: {  	v7 =	vld [tilespmem:s13+$0xFFFFFFA0]  }
0xbb: {  	v62 =	vld [tilespmem:s13+$0xFFFFFFB0]  }
0xbc: {  	v3 =	vld [tilespmem:s13+$0xFFFFFFD0]  }
0xbd: {  	v10 =	vld [tilespmem:s13+$0xFFFFFF90];
	v11 =	vmul.f32 v2, v5  }
0xbe: {  	v63 =	vld [tilespmem:s13+$0xFFFFFFE0];
	v6 =	vmul.f32 v5, v6  }
0xbf: {  	v4 =	vld [tilespmem:s13+$0xFFFFFFC0];
	v7 =	vmul.f32 v7, v5;
	[tilespmem:s13+$0xFFFFFFF0] =	vst v11  }
0xc0: {  	v8 =	vmul.f32 v62, v5;
	[tilespmem:s13+$0xFFFFFF80] =	vst v6  }
0xc1: {  	v3 =	vmul.f32 v3, v5;
	[tilespmem:s13+$0xFFFFFFA0] =	vst v7  }
0xc2: {  	v6 =	vmul.f32 v10, v5;
	[tilespmem:s13+$0xFFFFFFB0] =	vst v8  }
0xc3: {  	v1 =	vld [tilespmem:s13+$0x0];
	v7 =	vmul.f32 v63, v5;
	[tilespmem:s13+$0xFFFFFFD0] =	vst v3  }
0xc4: {  	v2 =	vld [tilespmem:s13+$0x10];
	v3 =	vmul.f32 v4, v5;
	[tilespmem:s13+$0xFFFFFF90] =	vst v6  }
0xc5: {  	v5 =	vld [tilespmem:s13+$0x50];
	[tilespmem:s13+$0xFFFFFFE0] =	vst v7  }
0xc6: {  	v4 =	vld [tilespmem:s13+$0x60];
	[tilespmem:s13+$0xFFFFFFC0] =	vst v3  }
0xc7: {  	s18 =	simm.s32 $0x18480;
	s15 =	simm.s32 $0x0;
	v3 =	vld.msk [tilespmem:s14+$0x0 ss:$0x0], $0xffff  }
.LBB2_7:
0xc8: {  	s15 =	sadd.s32 $0x2, s15;
	v6 =	vld [tilespmem:s13+$0x30];
	s18 =	sadd.s32 $0x100, s18;
	s14 =	sadd.s32 $0x2, s14  }
0xc9: {  	p1 =	slt.u32 s15, $0x7E;
	v7 =	vld [tilespmem:s13+$0x20]  }
0xca: {  	v8 =	vld [tilespmem:s13+$0x40]  }
0xcb: {  	v9 =	vld [tilespmem:s13+$0x70];
	_ =	sdelay $0x1  }
0xcc: {  	v1 =	vmul.f32 v3, v1;
	v2 =	vmul.f32 v2, v3  }
0xcd: {  	v6 =	vmul.f32 v6, v3;
	v7 =	vmul.f32 v7, v3  }
0xce: {  	v5 =	vmul.f32 v5, v3;
	[tilespmem:s13+$0x0] =	vst v1;
	v8 =	vmul.f32 v8, v3  }
0xcf: {  	v4 =	vmul.f32 v4, v3;
	v1 =	vld [tilespmem:s18+$0x0];
	[tilespmem:s13+$0x30] =	vst v6;
	v3 =	vmul.f32 v9, v3  }
0xd0: {  	[tilespmem:s13+$0x40] =	vst v8  }
0xd1: {  	v6 =	vld [tilespmem:s18+$0xFFFFFFD0];
	[tilespmem:s13+$0x50] =	vst v5  }
0xd2: {  	v5 =	vld [tilespmem:s18+$0xFFFFFFC0];
	[tilespmem:s13+$0x20] =	vst v7  }
0xd3: {  	v7 =	vld [tilespmem:s18+$0xFFFFFFB0];
	[tilespmem:s13+$0x60] =	vst v4  }
0xd4: {  	v4 =	vld [tilespmem:s18+$0xFFFFFFE0];
	[tilespmem:s13+$0x10] =	vst v2  }
0xd5: {  	v8 =	vld [tilespmem:s18+$0xFFFFFF80];
	[tilespmem:s13+$0x70] =	vst v3;
	s13 =	smov.u32 s18  }
0xd6: {  	v3 =	vld.msk [tilespmem:s14+$0xFFFFFFFF ss:$0x0], $0xffff  }
0xd7: {  	v9 =	vld [tilespmem:s18+$0xFFFFFFF0]  }
0xd8: {  	v10 =	vld [tilespmem:s18+$0xFFFFFFA0]  }
0xd9: {  	v11 =	vld [tilespmem:s18+$0xFFFFFF90]  }
0xda: {  	v2 =	vld [tilespmem:s18+$0x10];
	_ =	sdelay $0x1  }
0xdb: {  	v8 =	vmul.f32 v3, v8;
	v9 =	vmul.f32 v9, v3  }
0xdc: {  	v4 =	vmul.f32 v4, v3;
	v10 =	vmul.f32 v10, v3  }
0xdd: {  	v7 =	vmul.f32 v7, v3;
	v11 =	vmul.f32 v11, v3;
	[tilespmem:s18+$0xFFFFFFF0] =	vst v9  }
0xde: {  	[tilespmem:s18+$0xFFFFFF80] =	vst v8;
	v8 =	vmul.f32 v5, v3;
	v3 =	vmul.f32 v6, v3  }
0xdf: {  	[tilespmem:s18+$0xFFFFFFA0] =	vst v10  }
0xe0: {  	[tilespmem:s18+$0xFFFFFFB0] =	vst v7  }
.Ltmp4:
0xe1: {  	[tilespmem:s18+$0xFFFFFFD0] =	vst v3;
	(pc) =	sbr.rel @p1 .LBB2_7-.Ltmp4, $4  }
0xe2: {  	[tilespmem:s18+$0xFFFFFF90] =	vst v11  }
0xe3: {  	[tilespmem:s18+$0xFFFFFFE0] =	vst v4;
	v5 =	vld [tilespmem:s18+$0x50]  }
0xe4: {  	[tilespmem:s18+$0xFFFFFFC0] =	vst v8;
	v4 =	vld [tilespmem:s18+$0x60]  }
0xe5: {  	v3 =	vld.msk [tilespmem:s14+$0x0 ss:$0x0], $0xffff  }
0xe6: {  	_ =	sdelay $0x1  }
0xe7: {  	v6 =	vld [tilespmem:s13+$0x30]  }
0xe8: {  	v7 =	vld [tilespmem:s13+$0x40]  }
0xe9: {  	v8 =	vld [tilespmem:s13+$0x20];
	v1 =	vmul.f32 v3, v1  }
0xea: {  	v5 =	vmul.f32 v5, v3  }
0xeb: {  	v9 =	vld [tilespmem:s13+$0x70];
	v2 =	vmul.f32 v2, v3;
	[tilespmem:s13+$0x0] =	vst v1  }
0xec: {  	v6 =	vmul.f32 v6, v3;
	[tilespmem:s13+$0x50] =	vst v5  }
0xed: {  	v1 =	vmul.f32 v7, v3;
	[tilespmem:s13+$0x10] =	vst v2  }
0xee: {  	v63 =	vmul.f32 v8, v3;
	[tilespmem:s13+$0x30] =	vst v6  }
0xef: {  	[tilespmem:s13+$0x40] =	vst v1;
	v1 =	vmul.f32 v4, v3  }
0xf0: {  	[tilespmem:s13+$0x20] =	vst v63;
	v3 =	vmul.f32 v9, v3  }
0xf1: {  	[tilespmem:s13+$0x60] =	vst v1  }
.Ltmp5:
0xf2: {  	[tilespmem:s13+$0x70] =	vst v3;
	(pc) =	sbr.rel @p0 .LBB2_10-.Ltmp5, $4  }
0xf3: {  	[spmem:s1] =	stream.indirect.scatter.add.f32 [tilespmem:s0], [sflag:$0x4], $0x80, s28, s25, $0xb8;
	[tilespmem:$0x1C400] =	vst v63  }
0xf4: {  	_ =	swait.ge [sflag:s2], $0x4000  }
0xf5: {  	[sflag:s2] =	ssyncset.done $0x0  }
0xf6: {  	[sflag:s2] =	ssyncadd.s32 $0xFFFFC000  }
0xf7: {  	_ =	swait.ge [sflag:s10], $0x80  }
0xf8: {  	[sflag:s10] =	ssyncset.done $0x0  }
0xf9: {  	[sflag:s10] =	ssyncadd.s32 $0xFFFFFF80  }
0xfa: {  	_ =	swait.ge [sflag:s10], $0x80  }
0xfb: {  	[sflag:s10] =	ssyncset.done $0x0  }
.Ltmp6:
0xfc: {  	[sflag:s10] =	ssyncadd.s32 $0xFFFFFF80;
	(pc) =	sbr.rel .LBB2_4-.Ltmp6, $4  }
0xfd: {  	_ =	swait.ge [sflag:s10], $0x80  }
0xfe: {  	[sflag:s10] =	ssyncset.done $0x0  }
0xff: {  	s12 =	sadd.s32 $0x1, s12;
	[sflag:s10] =	ssyncadd.s32 $0xFFFFFF80  }
0x100: {  	[tilespmem:s20], [sflag:$0x1] =	stream.indirect.gather [hbm4b:s4+s25], $0x80, s22, s25, $0xb8;
	[tilespmem:$0x1C400] =	vst v63  }
.LBB2_11:
0x101: {  	_ =	sfence.sel $0x180000  }
0x102: {  	[bflag:$0x0] =	sbarrier.arrive $0xFFFF  }
0x103: {  	_ =	strace $0x9000004D  }
0x104: {  	s0 =	stileid.u32;
	[bflag:$0x2] =	sbarrier.arrive $0xFFFF  }
0x105: {  	p0 =	sne.s32 s0, $0x0;
	s0 =	rddreg [dreg:$0x2]  }
0x106: {  	s0 =	sadd.s32 @!p0 $0x100000, s0  }
0x107: {  	[sflag:s0] =	ssyncadd.tile.s32 @!p0 $0x1;
	_ =	shalt  }
.Lfunc_end2:
_tile_overlayer_lowered:
.L_overlay_start_2:
0x108: {  	(tag) =	ssettag $0x2  }
0x109: {  	s0 =	rddreg [dreg:$0x0];
	s2 =	stileid.u32  }
0x10a: {  	s1 =	rddreg [dreg:$0x1];
	p0 =	sne.s32 s2, $0x0  }
0x10b: {  	s3 =	rddreg [dreg:$0x2];
	[bflag:$0x3] =	sbarrier.arrive $0xFFFF;
	s2 =	simm.s32 @!p0 $0x1C07  }
0x10c: {  	[timem:s3], [sflag:s2] =	dma.local @!p0 [hbm:s0], s1  }
0x10d: {  	s0 =	simm.s32 @!p0 $0x7  }
0x10e: {  	_ =	swait.ge @!p0 [sflag:s0], s1  }
0x10f: {  	s1 =	ssub.s32 @!p0 $0x0, s1;
	[sflag:s0] =	ssyncset.done @!p0 $0x0  }
0x110: {  	[sflag:s0] =	ssyncadd.s32 @!p0 s1  }
0x111: {  	[bflag:$0x3] =	sbarrier.arrive $0xFFFF  }
0x112: {  	_ =	shalt  }

// kernel: kernel.20.cloned.1.call-start
scs
__scs_entry_jumppad:
0x0: {  	(pc) =	sbr.rel $0x88, $3  }
0x1: {  	(tag) =	ssettag $0x0;
	lr =	simm.s32 $0x1  }
0x2: {  	[smem:$0x3F98] =	sst lr;
	_ =	strace $0xD0000000  }
0x3: {  	_ = 	snop  }
0x4: {  	_ = 	snop  }
0x5: {  	_ = 	snop  }
0x6: {  	_ = 	snop  }
0x7: {  	_ = 	snop  }
__scs_overlays_trampoline_lowered:
0x8: {  	[smem:$0x3FA7] =	sst s0  }
0x9: {  	[smem:$0x3FA8] =	sst s1  }
0xa: {  	[smem:$0x3FA9] =	sst s2  }
0xb: {  	[smem:$0x3FAA] =	sst s3  }
0xc: {  	[smem:$0x3FAB] =	sst s4  }
0xd: {  	[smem:$0x3FAC] =	sst s5  }
0xe: {  	[smem:$0x3FAD] =	sst s6  }
0xf: {  	[smem:$0x3FAE] =	sst s7  }
0x10: {  	[smem:$0x3FAF] =	sst s8  }
0x11: {  	[smem:$0x3FB0] =	sst s9;
	s0 =	simm.s32 @!p0 $0x0  }
0x12: {  	s1 =	sld [smem:$0x3F96];
	s0 =	simm.s32 @p0 $0x1  }
0x13: {  	[smem:$0x3FB1] =	sst s0;
	s0 =	simm.s32 @!p1 $0x0  }
0x14: {  	s2 =	sld [smem:$0x3F95];
	s0 =	simm.s32 @p1 $0x1  }
0x15: {  	[smem:$0x3FB2] =	sst s0;
	s0 =	simm.s32 @!p2 $0x0  }
0x16: {  	s3 =	sld [smem:$0x3FDB];
	s0 =	simm.s32 @p2 $0x1  }
0x17: {  	s4 =	simm.s32 $0x1BF5;
	[smem:$0x3FB4] =	sst s0  }
0x18: {  	s0 =	sld [smem:$0x3F97];
	_ =	swait.ge [sflag:s4], $0x0  }
0x19: {  	s7 =	sld [smem:$0x3F98]  }
0x1a: {  	s8 =	sadd.s32 $0xFFFFE003, lr  }
0x1b: {  	s9 =	sadd.s32 $0xFFFFFEF7, lr;
	s5 =	simm.s32 $0xFFFFFFFF;
	p2 =	slt.u32 s8, $0xFFFFF086  }
0x1c: {  	p1 =	slt.u32 s9, $0xF7A;
	s5 =	simm.s32 @!p2 $0x0  }
0x1d: {  	s5 =	simm.s32 @p1 $0x1;
	p0 =	seq.s32 s7, s2  }
0x1e: {  	s7 =	smul.u32 @!p0 $0xF7A, s2;
	p2 =	seq.s32 @!p0 s5, $0x0  }
0x1f: {  	s9 =	smul.u32 $0xF7A, s1;
	s8 =	simm.s32 @!p0 $0x1BF5;
	p2 =	por !p2, p0  }
0x20: {  	[sflag:s8] =	ssyncset.s32 @!p0 $0xFFFFF086;
	s6 =	sadd.s32 @!p0 s3, s7;
	s7 =	simm.s32 @!p0 $0x108  }
0x21: {  	s3 =	sadd.s32 s3, s9;
	s6 =	sadd.s32 @!p0 $0x88, s6;
	s7 =	simm.s32 @p2 $0x1082  }
0x22: {  	[simem:s7], [sflag:s8] =	dma.local @!p0 [hbm:s6], $0xF7A  }
0x23: {  	s9 =	sor.u32 $0xD0000000, s2;
	s6 =	simm.s32 $0x108;
	_ =	swait.ge @!p0 [sflag:s8], $0x0  }
0x24: {  	s3 =	sadd.s32 $0x88, s3;
	s6 =	simm.s32 @!p1 $0x1082;
	[sflag:s4] =	ssyncset.s32 $0xFFFFF086  }
0x25: {  	[simem:s6], [sflag:s4] =	dma.local [hbm:s3], $0xF7A  }
0x26: {  	[smem:$0x3F98] =	sst s1;
	(tag) =	ssettag s2;
	_ =	strace s9  }
0x27: {  	s1 =	sld [smem:$0x3FA8]  }
0x28: {  	s2 =	sld [smem:$0x3FA9]  }
0x29: {  	s4 =	sld [smem:$0x3FAB]  }
0x2a: {  	p0 =	seq.s32 s5, $0x0;
	s5 =	sld [smem:$0x3FAC]  }
0x2b: {  	s6 =	sld [smem:$0x3FAD]  }
0x2c: {  	s7 =	sld [smem:$0x3FAE]  }
0x2d: {  	s3 =	simm.s32 $0x108;
	s8 =	sld [smem:$0x3FAF]  }
0x2e: {  	s3 =	simm.s32 @!p0 $0x1082;
	s9 =	sld [smem:$0x3FB0]  }
0x2f: {  	lr =	sadd.s32 s0, s3;
	s0 =	sld [smem:$0x3FA7]  }
0x30: {  	s3 =	sld [smem:$0x3FAA]  }
0x31: {  	[smem:$0x3FB3] =	sst s10  }
0x32: {  	s10 =	sld [smem:$0x3FB1];
	_ =	sdelay $0x3  }
0x33: {  	p0 =	seq.s32 s10, $0x1;
	s10 =	sld [smem:$0x3FB3];
	_ =	sdelay $0x3  }
0x34: {  	[smem:$0x3FB3] =	sst s10  }
0x35: {  	s10 =	sld [smem:$0x3FB2];
	_ =	sdelay $0x3  }
0x36: {  	p1 =	seq.s32 s10, $0x1;
	s10 =	sld [smem:$0x3FB3];
	_ =	sdelay $0x3  }
0x37: {  	[smem:$0x3FB3] =	sst s10  }
0x38: {  	s10 =	sld [smem:$0x3FB4]  }
0x39: {  	_ = 	snop;
	(pc) =	sbr.ind lr, $3  }
0x3a: {  	_ = 	snop  }
0x3b: {  	_ = 	snop  }
0x3c: {  	p2 =	seq.s32 s10, $0x1;
	s10 =	sld [smem:$0x3FB3]  }
0x3d: {  	_ =	shalt  }
0x3e: {  	_ =	shalt  }
0x3f: {  	_ =	shalt  }
0x40: {  	_ =	shalt  }
0x41: {  	_ =	shalt  }
0x42: {  	_ =	shalt  }
0x43: {  	_ =	shalt  }
0x44: {  	_ =	shalt  }
0x45: {  	_ =	shalt  }
0x46: {  	_ =	shalt  }
0x47: {  	_ =	shalt  }
0x48: {  	_ =	shalt  }
0x49: {  	_ =	shalt  }
0x4a: {  	_ =	shalt  }
0x4b: {  	_ =	shalt  }
0x4c: {  	_ =	shalt  }
0x4d: {  	_ =	shalt  }
0x4e: {  	_ =	shalt  }
0x4f: {  	_ =	shalt  }
0x50: {  	_ =	shalt  }
0x51: {  	_ =	shalt  }
0x52: {  	_ =	shalt  }
0x53: {  	_ =	shalt  }
0x54: {  	_ =	shalt  }
0x55: {  	_ =	shalt  }
0x56: {  	_ =	shalt  }
0x57: {  	_ =	shalt  }
0x58: {  	_ =	shalt  }
0x59: {  	_ =	shalt  }
0x5a: {  	_ =	shalt  }
0x5b: {  	_ =	shalt  }
0x5c: {  	_ =	shalt  }
0x5d: {  	_ =	shalt  }
0x5e: {  	_ =	shalt  }
0x5f: {  	_ =	shalt  }
0x60: {  	_ =	shalt  }
0x61: {  	_ =	shalt  }
0x62: {  	_ =	shalt  }
0x63: {  	_ =	shalt  }
0x64: {  	_ =	shalt  }
0x65: {  	_ =	shalt  }
0x66: {  	_ =	shalt  }
0x67: {  	_ =	shalt  }
0x68: {  	_ =	shalt  }
0x69: {  	_ =	shalt  }
0x6a: {  	_ =	shalt  }
0x6b: {  	_ =	shalt  }
0x6c: {  	_ =	shalt  }
0x6d: {  	_ =	shalt  }
0x6e: {  	_ =	shalt  }
0x6f: {  	_ =	shalt  }
0x70: {  	_ =	shalt  }
0x71: {  	_ =	shalt  }
0x72: {  	_ =	shalt  }
0x73: {  	_ =	shalt  }
0x74: {  	_ =	shalt  }
0x75: {  	_ =	shalt  }
0x76: {  	_ =	shalt  }
0x77: {  	_ =	shalt  }
0x78: {  	_ =	shalt  }
0x79: {  	_ =	shalt  }
0x7a: {  	_ =	shalt  }
0x7b: {  	_ =	shalt  }
0x7c: {  	_ =	shalt  }
0x7d: {  	_ =	shalt  }
0x7e: {  	_ =	shalt  }
0x7f: {  	_ =	shalt  }
0x80: {  	_ =	shalt  }
0x81: {  	_ =	shalt  }
0x82: {  	_ =	shalt  }
0x83: {  	_ =	shalt  }
0x84: {  	_ =	shalt  }
0x85: {  	_ =	shalt  }
0x86: {  	_ =	shalt  }
0x87: {  	_ =	shalt  }
.Lfunc_end0:
.L_simem_size_0:
called_computation.3_lowered:
.L_overlay_start_0:
0x88: {  	s2 =	sld [smem:$0x3FD9]  }
0x89: {  	s3 =	sld [smem:$0x3FFE];
	_ =	sdelay $0x1  }
0x8a: {  	s1 =	srdreg.scid  }
0x8b: {  	s0 =	sand.u32 $0x1, s1  }
0x8c: {  	s16 =	sshll.u32 s0, $0xA;
	s2 =	sadd.s32 s3, s2  }
0x8d: {  	s2 =	sadd.s32 s2, s16  }
0x8e: {  	[smem:$0x3FBF] =	sst s2  }
0x8f: {  	_ = 	snop  }
0x90: {  	(tm) =	ssettm $0x1  }
0x91: {  	s17 =	sld [smem:$0x3FFB];
	_ =	sdelay $0x3  }
0x92: {  	_ =	strace s17  }
0x93: {  	s2 =	sld [smem:$0x3FFC];
	_ =	sdelay $0x3  }
0x94: {  	_ =	strace s2  }
0x95: {  	s2 =	sld [smem:$0x3FFD];
	_ =	sdelay $0x3  }
0x96: {  	_ =	strace s2  }
0x97: {  	_ =	strace $0x8FFFFFFF  }
0x98: {  	s18 =	sld [smem:$0x3FDB];
	_ =	sdelay $0x1  }
0x99: {  	s19 =	simm.s32 $_scs_section_size  }
0x9a: {  	s4 =	simm.s32 $_size__tile_overlayer_lowered;
	s5 =	simm.s32 $_tile_overlayer_lowered  }
0x9b: {  	s22 =	simm.s32 $0x1BFF;
	s21 =	sshll.u32 s5, $0x1;
	s2 =	sadd.s32 s19, s18  }
0x9c: {  	s6 =	simm.s32 $0x0;
	s20 =	sshll.u32 s4, $0x1;
	s4 =	sadd.s32 s21, s2  }
0x9d: {  	[timem:s6], [sflag:s22] =	dma.local [hbm:s4], s20  }
0x9e: {  	_ =	swait.ge [sflag:s22], s20  }
0x9f: {  	s3 =	ssub.s32 $0x0, s20;
	[sflag:s22] =	ssyncset.done $0x0  }
0xa0: {  	[sflag:s22] =	ssyncadd.s32 s3;
	_ =	sdelay $0x1  }
0xa1: {  	s23 =	simm.s32 $0x1B8B  }
0xa2: {  	_ =	swait.ge [sflag:s23], $0x1  }
0xa3: {  	[sflag:s23] =	ssyncset.done $0x0  }
0xa4: {  	s25 =	simm.s32 $0x1B8E;
	s24 =	sld [smem:$0x3FFE];
	[sflag:s23] =	ssyncadd.s32 $0xFFFFFFFF  }
0xa5: {  	s26 =	simm.s32 $execute0_lowered;
	[smem:$0x3FD2] =	sst s25  }
0xa6: {  	s4 =	sshll.u32 s26, $0x1;
	_ =	strace $0x8000004F;
	[dreg:$0x1] =	wrdreg $0xFFFFFFFF  }
0xa7: {  	s28 =	simm.s32 $_size_execute0_lowered;
	s2 =	sadd.s32 s2, s4;
	[dreg:$0x0] =	wrdreg $0x0  }
0xa8: {  	s4 =	sshll.u32 s28, $0x1;
	[dreg:$0x2] =	wrdreg s2  }
0xa9: {  	[dreg:$0x3] =	wrdreg s4  }
0xaa: {  	[dreg:$0x4] =	wrdreg $0xC0  }
0xab: {  	_ =	task [dreg:s6], $0x5FFFF  }
0xac: {  	[dreg:$0x1] =	wrdreg $0xFFFFFFFF  }
0xad: {  	[dreg:$0x0] =	wrdreg $0x60  }
0xae: {  	[dreg:$0x2] =	wrdreg s24  }
0xaf: {  	[dreg:$0x3] =	wrdreg $0x0  }
0xb0: {  	[dreg:$0x4] =	wrdreg $0x9  }
0xb1: {  	_ =	task.clear_ibuf [dreg:s6], $0x5FFFF;
	_ =	strace $0x9000004F  }
0xb2: {  	s29 =	simm.s32 $0x9;
	_ =	strace $0x80000051  }
0xb3: {  	_ =	swait.ge [sflag:s29], $0x1  }
0xb4: {  	[sflag:s29] =	ssyncadd.s32 $0xFFFFFFFF  }
0xb5: {  	_ =	strace $0x90000051  }
0xb6: {  	_ =	sfence  }
0xb7: {  	s30 =	sld [smem:$0x0];
	_ =	sdelay $0x2  }
0xb8: {  	s31 =	sshll.u32 s1, $0xD;
	s1 =	sshrl.u32 s1, $0x2  }
0xb9: {  	s3 =	sand.u32 $0x4000, s31;
	s1 =	sadd.s32 s1, s30  }
0xba: {  	s0 =	sor.u32 s3, s0;
	s1 =	sshll.u32 s1, $0x11  }
0xbb: {  	s0 =	sor.u32 s1, s0  }
0xbc: {  	s0 =	sadd.s32 $0x8F2B, s0  }
0xbd: {  	[sflag:s0] =	ssyncadd.remote.s32 $0x1  }
0xbe: {  	_ =	sfence.sel $0xFFFF  }
0xbf: {  	[dreg:$0x0] =	wrdreg $0xFFFFFFFF;
	(pc) =	sbr.abs _section_cstart, $3  }
0xc0: {  	[dreg:$0x1] =	wrdreg $0xFFFFFFFF  }
0xc1: {  	_ =	task.clear_ibuf [dreg:s6], $0x2FFFF;
	_ =	strace $0x9FFFFFFF  }
0xc2: {  	(tm) =	ssettm $0x7FFFFFFF  }
0xc3: {  	_ =	shalt  }
tec
execute0_lowered:
.L_overlay_start_1:
0x0: {  	(tag) =	ssettag $0x1  }
0x1: {  	s0 =	rddreg [dreg:$0x0]  }
0x2: {  	s1 =	rddreg [dreg:$0x1];
	s2 =	srdreg.scid;
	s3 =	simm.s32 $0x0  }
0x3: {  	s10 =	stileid.u32;
	s28 =	simm.s32 $0x14180;
	s29 =	simm.s32 $0x14300  }
0x4: {  	s30 =	simm.s32 $0x1;
	s31 =	simm.s32 $0x6;
	s7 =	smul.u32 $0x14000, s10  }
0x5: {  	s2 =	sand.u32 $0x1, s2;
	[smem:$0x7FF] =	sst s3;
	s9 =	smul.u32 $0x50000, s10  }
0x6: {  	s4 =	sadd.s32 $0x2B400, s0;
	s5 =	sadd.s32 $0x21400, s0;
	s6 =	smul.u32 $0x140000, s2  }
0x7: {  	_ =	strace $0x80000050;
	s17 =	sshll.u32 s2, $0x4;
	s2 =	ssub.s32 $0x2, s2  }
0x8: {  	s10 =	sor.u32 s10, s17;
	s18 =	sshrl.u32 s9, $0x2;
	s19 =	sshrl.u32 s2, $0x1  }
0x9: {  	s7 =	sadd.s32 s7, s6;
	s6 =	sadd.s32 $0x17400, s0;
	s10 =	smul.u32 $0x2800, s10  }
0xa: {  	s2 =	ssub.s32 s2, s19;
	s8 =	sshrl.u32 s7, $0x3;
	s7 =	sadd.s32 $0x7B400, s0  }
0xb: {  	s26 =	smax.u32 s2, $0x1;
	s0 =	sadd.s32 s8, s0;
	s8 =	sadd.s32 s18, s1  }
0xc: {  	s2 =	simm.s32 $0x3;
	[dreg:$0xb] =	wrdreg s26;
	s20 =	sadd.s32 $0x4000, s8  }
0xd: {  	s24 =	sshrl.u32 s10, $0x3;
	s21 =	sadd.s32 $0x8000, s8;
	[dreg:$0x3] =	wrdreg s20  }
0xe: {  	s16 =	sor.u32 $0x80, s10;
	s22 =	sadd.s32 $0xC000, s8;
	[dreg:$0x4] =	wrdreg s21  }
0xf: {  	s17 =	sor.u32 $0x100, s10;
	s23 =	sadd.s32 $0x10000, s8;
	[dreg:$0x5] =	wrdreg s22  }
0x10: {  	s26 =	simm.s32 $0x14080;
	s11 =	sadd.s32 s5, s24;
	[dreg:$0x6] =	wrdreg s23  }
0x11: {  	s10 =	simm.s32 $0x5;
	s25 =	sadd.s32 s6, s24;
	[dreg:$0x7] =	wrdreg s11  }
.Ltmp0:
0x12: {  	s9 =	sadd.s32 s7, s24;
	[dreg:$0x8] =	wrdreg s25;
	(pc) =	sbr.rel .LBB2_1-.Ltmp0, $4  }
0x13: {  	s0 =	sadd.s32 $0x85400, s0;
	s24 =	simm.s32 $0x2;
	[dreg:$0x9] =	wrdreg s9  }
0x14: {  	[dreg:$0xa] =	wrdreg s0;
	s20 =	simm.s32 $0x14400;
	s21 =	simm.s32 $0x7  }
0x15: {  	s22 =	simm.s32 $0x14000;
	s23 =	simm.s32 $0x14100;
	s25 =	simm.s32 $0x80  }
0x16: {  	v0 =	vimm.f32 $0.0e+00;
	s0 =	simm.s32 $0x18400;
	s9 =	simm.s32 $0x4;
	s11 =	simm.s32 $0x0  }
.LBB2_10:
0x17: {  	_ =	swait.ge [sflag:s9], $0x4000  }
0x18: {  	[sflag:s9] =	ssyncset.done $0x0  }
0x19: {  	s12 =	stileid.u32;
	[sflag:s9] =	ssyncadd.s32 $0xFFFFC000  }
0x1a: {  	s12 =	sshll.u32 s12, $0x6;
	[bflag:$0x0] =	sbarrier.arrive $0xFFFF  }
0x1b: {  	s13 =	sshrl.u32 s8, $0x3;
	s12 =	sor.u32 $0x1C07, s12;
	s14 =	rddreg [dreg:$0xa]  }
0x1c: {  	[hbm:s14], [sflag:s12] =	dma.local [spmem:s13], $0x2800  }
0x1d: {  	_ =	swait.ge [sflag:s21], $0x2800  }
0x1e: {  	s11 =	sadd.s32 $0x1, s11;
	s19 =	rddreg [dreg:$0xb]  }
0x1f: {  	p0 =	sne.s32 s11, s19  }
.Ltmp1:
0x20: {  	_ = 	snop;
	(pc) =	sbr.rel @!p0 .LBB2_11-.Ltmp1, $3  }
0x21: {  	_ =	sdelay $0x1  }
0x22: {  	[sflag:s21] =	ssyncset.done $0x0  }
0x23: {  	[sflag:s21] =	ssyncadd.s32 $0xFFFFD800  }
.LBB2_1:
0x24: {  	s12 =	simm.s32 $0x0;
	s13 =	simm.s32 $0x200  }
.LBB2_2:
0x25: {  	p0 =	sne.s32 s13, $0xFE00;
	[tilespmem:s12+$0x14470] =	vst v0  }
0x26: {  	[tilespmem:s12+$0x14400] =	vst v0  }
0x27: {  	[tilespmem:s12+$0x14410] =	vst v0  }
.Ltmp2:
0x28: {  	[tilespmem:s12+$0x14420] =	vst v0;
	(pc) =	sbr.rel @p0 .LBB2_2-.Ltmp2, $4  }
0x29: {  	[tilespmem:s12+$0x14430] =	vst v0  }
0x2a: {  	[tilespmem:s12+$0x14440] =	vst v0  }
0x2b: {  	[tilespmem:s12+$0x14450] =	vst v0  }
0x2c: {  	[tilespmem:s12+$0x14460] =	vst v0;
	s12 =	sshra.s32 s13, $0x2;
	s13 =	sadd.s32 $0x200, s13  }
0x2d: {  	[tilespmem:s12+$0x14470] =	vst v0  }
0x2e: {  	[tilespmem:s12+$0x14400] =	vst v0  }
0x2f: {  	[tilespmem:s12+$0x14410] =	vst v0  }
0x30: {  	[tilespmem:s12+$0x14420] =	vst v0  }
0x31: {  	[tilespmem:s12+$0x14430] =	vst v0  }
0x32: {  	[tilespmem:s12+$0x14440] =	vst v0  }
0x33: {  	[tilespmem:s12+$0x14450] =	vst v0  }
0x34: {  	[tilespmem:s12+$0x14460] =	vst v0  }
0x35: {  	[spmem:s8] =	stream.linear.scatter [tilespmem:s20], [sflag:$0x7], $0x4000, $0x38;
	[tilespmem:$0x1C400] =	vst v63  }
0x36: {  	_ =	swait.ge [sflag:s21], $0x4000  }
0x37: {  	[sflag:s21] =	ssyncset.done $0x0  }
0x38: {  	s19 =	rddreg [dreg:$0x3];
	[sflag:s21] =	ssyncadd.s32 $0xFFFFC000  }
0x39: {  	[spmem:s19] =	stream.linear.scatter [tilespmem:s20], [sflag:$0x7], $0x4000, $0x38;
	[tilespmem:$0x1C400] =	vst v63  }
0x3a: {  	_ =	swait.ge [sflag:s21], $0x4000  }
0x3b: {  	[sflag:s21] =	ssyncset.done $0x0  }
0x3c: {  	s13 =	rddreg [dreg:$0x4];
	[sflag:s21] =	ssyncadd.s32 $0xFFFFC000  }
0x3d: {  	[spmem:s13] =	stream.linear.scatter [tilespmem:s20], [sflag:$0x7], $0x4000, $0x38;
	[tilespmem:$0x1C400] =	vst v63  }
0x3e: {  	_ =	swait.ge [sflag:s21], $0x4000  }
0x3f: {  	[sflag:s21] =	ssyncset.done $0x0  }
0x40: {  	s14 =	rddreg [dreg:$0x5];
	[sflag:s21] =	ssyncadd.s32 $0xFFFFC000  }
0x41: {  	[spmem:s14] =	stream.linear.scatter [tilespmem:s20], [sflag:$0x7], $0x4000, $0x38;
	[tilespmem:$0x1C400] =	vst v63  }
0x42: {  	_ =	swait.ge [sflag:s21], $0x4000  }
0x43: {  	[sflag:s21] =	ssyncset.done $0x0  }
0x44: {  	s15 =	rddreg [dreg:$0x6];
	[sflag:s21] =	ssyncadd.s32 $0xFFFFC000  }
0x45: {  	[spmem:s15] =	stream.linear.scatter [tilespmem:s20], [sflag:$0x7], $0x4000, $0x38;
	[tilespmem:$0x1C400] =	vst v63  }
0x46: {  	_ =	swait.ge [sflag:s21], $0x4000  }
0x47: {  	[sflag:s21] =	ssyncset.done $0x0  }
0x48: {  	[sflag:s21] =	ssyncadd.s32 $0xFFFFC000  }
0x49: {  	[bflag:$0x0] =	sbarrier.arrive $0xFFFF  }
0x4a: {  	s12 =	simm.s32 $0x0;
	s13 =	rddreg [dreg:$0x7]  }
0x4b: {  	[tilespmem:s22], [sflag:$0x7] =	stream.linear.gather [hbm4b:s13+s12], $0x80, $0x38;
	[tilespmem:$0x1C400] =	vst v63  }
0x4c: {  	_ =	swait.ge [sflag:s21], $0x80  }
0x4d: {  	[sflag:s21] =	ssyncset.done $0x0  }
0x4e: {  	s18 =	rddreg [dreg:$0x8];
	[sflag:s21] =	ssyncadd.s32 $0xFFFFFF80  }
0x4f: {  	[tilespmem:s23], [sflag:$0x7] =	stream.linear.gather [hbm4b:s18+s12], $0x80, $0x38;
	[tilespmem:$0x1C400] =	vst v63  }
0x50: {  	_ =	swait.ge [sflag:s21], $0x80  }
0x51: {  	[sflag:s21] =	ssyncset.done $0x0  }
0x52: {  	s14 =	simm.s32 $0x14200;
	s19 =	rddreg [dreg:$0x9];
	[sflag:s21] =	ssyncadd.s32 $0xFFFFFF80  }
0x53: {  	[tilespmem:s14], [sflag:$0x7] =	stream.linear.gather [hbm4b:s19+s12], $0x80, $0x38;
	[tilespmem:$0x1C400] =	vst v63  }
0x54: {  	_ =	swait.ge [sflag:s21], $0x80  }
0x55: {  	[sflag:s21] =	ssyncset.done $0x0  }
0x56: {  	[sflag:s21] =	ssyncadd.s32 $0xFFFFFF80  }
0x57: {  	[tilespmem:s20], [sflag:$0x1] =	stream.indirect.gather [hbm4b:s4+s25], $0x80, s22, s25, $0xb8;
	[tilespmem:$0x1C400] =	vst v63  }
.LBB2_4:
0x58: {  	s13 =	sshll.u32 s12, $0x8  }
0x59: {  	s14 =	sadd.s32 s13, s16  }
0x5a: {  	s14 =	sshrl.u32 s14, $0x3  }
0x5b: {  	s15 =	sadd.s32 s5, s14  }
0x5c: {  	[tilespmem:s26], [sflag:$0x6] =	stream.linear.gather [hbm4b:s15+s3], $0x80, $0x38;
	[tilespmem:$0x1C400] =	vst v63  }
0x5d: {  	s19 =	sadd.s32 s6, s14  }
0x5e: {  	[tilespmem:s28], [sflag:$0x6] =	stream.linear.gather [hbm4b:s19+s3], $0x80, $0x38;
	[tilespmem:$0x1C400] =	vst v63  }
0x5f: {  	s14 =	sadd.s32 s7, s14  }
0x60: {  	[tilespmem:s29], [sflag:$0x6] =	stream.linear.gather [hbm4b:s14+s3], $0x80, $0x38;
	[tilespmem:$0x1C400] =	vst v63  }
0x61: {  	_ =	swait.ge [sflag:s30], $0x4000  }
0x62: {  	[sflag:s30] =	ssyncset.done $0x0  }
0x63: {  	s15 =	simm.s32 $0x14201;
	[sflag:s30] =	ssyncadd.s32 $0xFFFFC000  }
0x64: {  	s14 =	simm.s32 $0x14480;
	v5 =	vld.msk [tilespmem:s15+$0xFFFFFFFF ss:$0x0], $0xffff  }
0x65: {  	v2 =	vld [tilespmem:s14+$0xFFFFFFF0]  }
0x66: {  	v6 =	vld [tilespmem:s14+$0xFFFFFF80]  }
0x67: {  	v7 =	vld [tilespmem:s14+$0xFFFFFFA0]  }
0x68: {  	v8 =	vld [tilespmem:s14+$0xFFFFFFB0]  }
0x69: {  	v3 =	vld [tilespmem:s14+$0xFFFFFFD0]  }
0x6a: {  	v10 =	vld [tilespmem:s14+$0xFFFFFF90];
	v11 =	vmul.f32 v2, v5  }
0x6b: {  	v9 =	vld [tilespmem:s14+$0xFFFFFFE0];
	v6 =	vmul.f32 v5, v6  }
0x6c: {  	v4 =	vld [tilespmem:s14+$0xFFFFFFC0];
	v7 =	vmul.f32 v7, v5;
	[tilespmem:s14+$0xFFFFFFF0] =	vst v11  }
0x6d: {  	v8 =	vmul.f32 v8, v5;
	[tilespmem:s14+$0xFFFFFF80] =	vst v6  }
0x6e: {  	v3 =	vmul.f32 v3, v5;
	[tilespmem:s14+$0xFFFFFFA0] =	vst v7  }
0x6f: {  	v6 =	vmul.f32 v10, v5;
	[tilespmem:s14+$0xFFFFFFB0] =	vst v8  }
0x70: {  	v1 =	vld [tilespmem:s14+$0x0];
	v7 =	vmul.f32 v9, v5;
	[tilespmem:s14+$0xFFFFFFD0] =	vst v3  }
0x71: {  	v2 =	vld [tilespmem:s14+$0x10];
	v3 =	vmul.f32 v4, v5;
	[tilespmem:s14+$0xFFFFFF90] =	vst v6  }
0x72: {  	v5 =	vld [tilespmem:s14+$0x50];
	[tilespmem:s14+$0xFFFFFFE0] =	vst v7  }
0x73: {  	v4 =	vld [tilespmem:s14+$0x60];
	[tilespmem:s14+$0xFFFFFFC0] =	vst v3  }
0x74: {  	s18 =	simm.s32 $0x0;
	s19 =	simm.s32 $0x14480;
	v3 =	vld.msk [tilespmem:s15+$0x0 ss:$0x0], $0xffff  }
.LBB2_5:
0x75: {  	s18 =	sadd.s32 $0x2, s18;
	v6 =	vld [tilespmem:s14+$0x30];
	s19 =	sadd.s32 $0x100, s19;
	s15 =	sadd.s32 $0x2, s15  }
0x76: {  	p0 =	slt.u32 s18, $0x7E;
	v7 =	vld [tilespmem:s14+$0x20]  }
0x77: {  	v8 =	vld [tilespmem:s14+$0x40]  }
0x78: {  	v9 =	vld [tilespmem:s14+$0x70];
	_ =	sdelay $0x1  }
0x79: {  	v1 =	vmul.f32 v3, v1;
	v2 =	vmul.f32 v2, v3  }
0x7a: {  	v6 =	vmul.f32 v6, v3;
	v7 =	vmul.f32 v7, v3  }
0x7b: {  	v5 =	vmul.f32 v5, v3;
	[tilespmem:s14+$0x0] =	vst v1;
	v8 =	vmul.f32 v8, v3  }
0x7c: {  	v4 =	vmul.f32 v4, v3;
	v1 =	vld [tilespmem:s19+$0x0];
	[tilespmem:s14+$0x30] =	vst v6;
	v3 =	vmul.f32 v9, v3  }
0x7d: {  	[tilespmem:s14+$0x40] =	vst v8  }
0x7e: {  	v6 =	vld [tilespmem:s19+$0xFFFFFFD0];
	[tilespmem:s14+$0x50] =	vst v5  }
0x7f: {  	v5 =	vld [tilespmem:s19+$0xFFFFFFC0];
	[tilespmem:s14+$0x20] =	vst v7  }
0x80: {  	v7 =	vld [tilespmem:s19+$0xFFFFFFB0];
	[tilespmem:s14+$0x60] =	vst v4  }
0x81: {  	v4 =	vld [tilespmem:s19+$0xFFFFFFE0];
	[tilespmem:s14+$0x10] =	vst v2  }
0x82: {  	v8 =	vld [tilespmem:s19+$0xFFFFFF80];
	[tilespmem:s14+$0x70] =	vst v3;
	s14 =	smov.u32 s19  }
0x83: {  	v3 =	vld.msk [tilespmem:s15+$0xFFFFFFFF ss:$0x0], $0xffff  }
0x84: {  	v9 =	vld [tilespmem:s19+$0xFFFFFFF0]  }
0x85: {  	v10 =	vld [tilespmem:s19+$0xFFFFFFA0]  }
0x86: {  	v11 =	vld [tilespmem:s19+$0xFFFFFF90]  }
0x87: {  	v2 =	vld [tilespmem:s19+$0x10];
	_ =	sdelay $0x1  }
0x88: {  	v8 =	vmul.f32 v3, v8;
	v9 =	vmul.f32 v9, v3  }
0x89: {  	v4 =	vmul.f32 v4, v3;
	v10 =	vmul.f32 v10, v3  }
0x8a: {  	v7 =	vmul.f32 v7, v3;
	v11 =	vmul.f32 v11, v3;
	[tilespmem:s19+$0xFFFFFFF0] =	vst v9  }
0x8b: {  	[tilespmem:s19+$0xFFFFFF80] =	vst v8;
	v8 =	vmul.f32 v5, v3;
	v3 =	vmul.f32 v6, v3  }
0x8c: {  	[tilespmem:s19+$0xFFFFFFA0] =	vst v10  }
0x8d: {  	[tilespmem:s19+$0xFFFFFFB0] =	vst v7  }
.Ltmp3:
0x8e: {  	[tilespmem:s19+$0xFFFFFFD0] =	vst v3;
	(pc) =	sbr.rel @p0 .LBB2_5-.Ltmp3, $4  }
0x8f: {  	[tilespmem:s19+$0xFFFFFF90] =	vst v11  }
0x90: {  	[tilespmem:s19+$0xFFFFFFE0] =	vst v4;
	v5 =	vld [tilespmem:s19+$0x50]  }
0x91: {  	[tilespmem:s19+$0xFFFFFFC0] =	vst v8;
	v4 =	vld [tilespmem:s19+$0x60]  }
0x92: {  	v3 =	vld.msk [tilespmem:s15+$0x0 ss:$0x0], $0xffff  }
0x93: {  	_ =	sdelay $0x1  }
0x94: {  	v6 =	vld [tilespmem:s14+$0x30]  }
0x95: {  	v7 =	vld [tilespmem:s14+$0x40]  }
0x96: {  	v8 =	vld [tilespmem:s14+$0x20];
	v1 =	vmul.f32 v3, v1  }
0x97: {  	v5 =	vmul.f32 v5, v3  }
0x98: {  	v9 =	vld [tilespmem:s14+$0x70];
	v2 =	vmul.f32 v2, v3;
	[tilespmem:s14+$0x0] =	vst v1  }
0x99: {  	v6 =	vmul.f32 v6, v3;
	[tilespmem:s14+$0x50] =	vst v5  }
0x9a: {  	v1 =	vmul.f32 v7, v3;
	[tilespmem:s14+$0x10] =	vst v2  }
0x9b: {  	[tilespmem:s14+$0x30] =	vst v6;
	v6 =	vmul.f32 v8, v3  }
0x9c: {  	[tilespmem:s14+$0x40] =	vst v1;
	v1 =	vmul.f32 v4, v3  }
0x9d: {  	v3 =	vmul.f32 v9, v3;
	[tilespmem:s14+$0x20] =	vst v6  }
0x9e: {  	p0 =	seq.s32 s12, $0x0;
	[tilespmem:s14+$0x60] =	vst v1  }
0x9f: {  	[tilespmem:s14+$0x70] =	vst v3;
	s14 =	simm.s32 @!p0 $0x4  }
0xa0: {  	[spmem:s1] =	stream.indirect.scatter.add.f32 [tilespmem:s20], [sflag:$0x3], $0x80, s23, s25, $0xb8;
	[tilespmem:$0x1C400] =	vst v63  }
0xa1: {  	_ =	swait.ge @!p0 [sflag:s14], $0x4000  }
0xa2: {  	[sflag:s14] =	ssyncset.done @!p0 $0x0  }
0xa3: {  	[sflag:s14] =	ssyncadd.s32 @!p0 $0xFFFFC000  }
0xa4: {  	_ =	swait.ge [sflag:s31], $0x80  }
0xa5: {  	[sflag:s31] =	ssyncset.done $0x0  }
0xa6: {  	[sflag:s31] =	ssyncadd.s32 $0xFFFFFF80  }
0xa7: {  	_ =	swait.ge [sflag:s31], $0x80  }
0xa8: {  	[sflag:s31] =	ssyncset.done $0x0  }
0xa9: {  	[sflag:s31] =	ssyncadd.s32 $0xFFFFFF80  }
0xaa: {  	p0 =	seq.s32 s12, $0x27;
	_ =	swait.ge [sflag:s31], $0x80  }
0xab: {  	s13 =	sadd.s32 @!p0 s13, s17;
	[sflag:s31] =	ssyncset.done $0x0  }
0xac: {  	s13 =	sshrl.u32 @!p0 s13, $0x3;
	[sflag:s31] =	ssyncadd.s32 $0xFFFFFF80  }
0xad: {  	[tilespmem:s0], [sflag:$0x2] =	stream.indirect.gather [hbm4b:s4+s25], $0x80, s26, s25, $0xb8;
	[tilespmem:$0x1C400] =	vst v63  }
0xae: {  	s15 =	simm.s32 @!p0 $0x0;
	s18 =	simm.s32 @!p0 $0x14000;
	s14 =	sadd.s32 @!p0 s5, s13  }
0xaf: {  	[tilespmem:s18], [sflag:$0x5] =	stream.linear.gather @!p0 [hbm4b:s14+s15], $0x80, $0x38;
	[tilespmem:$0x1C400] =	vst v63  }
0xb0: {  	s14 =	sadd.s32 @!p0 s6, s13;
	s18 =	simm.s32 @!p0 $0x14100  }
0xb1: {  	[tilespmem:s18], [sflag:$0x5] =	stream.linear.gather @!p0 [hbm4b:s14+s15], $0x80, $0x38;
	[tilespmem:$0x1C400] =	vst v63  }
0xb2: {  	s13 =	sadd.s32 @!p0 s7, s13;
	s14 =	simm.s32 @!p0 $0x14200  }
0xb3: {  	[tilespmem:s14], [sflag:$0x5] =	stream.linear.gather @!p0 [hbm4b:s13+s15], $0x80, $0x38;
	[tilespmem:$0x1C400] =	vst v63  }
0xb4: {  	_ =	swait.ge [sflag:s24], $0x4000  }
0xb5: {  	[sflag:s24] =	ssyncset.done $0x0  }
0xb6: {  	s14 =	simm.s32 $0x14301;
	[sflag:s24] =	ssyncadd.s32 $0xFFFFC000  }
0xb7: {  	s13 =	simm.s32 $0x18480;
	v5 =	vld.msk [tilespmem:s14+$0xFFFFFFFF ss:$0x0], $0xffff  }
0xb8: {  	v2 =	vld [tilespmem:s13+$0xFFFFFFF0]  }
0xb9: {  	v6 =	vld [tilespmem:s13+$0xFFFFFF80]  }
0xba: {  	v7 =	vld [tilespmem:s13+$0xFFFFFFA0]  }
0xbb: {  	v62 =	vld [tilespmem:s13+$0xFFFFFFB0]  }
0xbc: {  	v3 =	vld [tilespmem:s13+$0xFFFFFFD0]  }
0xbd: {  	v10 =	vld [tilespmem:s13+$0xFFFFFF90];
	v11 =	vmul.f32 v2, v5  }
0xbe: {  	v63 =	vld [tilespmem:s13+$0xFFFFFFE0];
	v6 =	vmul.f32 v5, v6  }
0xbf: {  	v4 =	vld [tilespmem:s13+$0xFFFFFFC0];
	v7 =	vmul.f32 v7, v5;
	[tilespmem:s13+$0xFFFFFFF0] =	vst v11  }
0xc0: {  	v8 =	vmul.f32 v62, v5;
	[tilespmem:s13+$0xFFFFFF80] =	vst v6  }
0xc1: {  	v3 =	vmul.f32 v3, v5;
	[tilespmem:s13+$0xFFFFFFA0] =	vst v7  }
0xc2: {  	v6 =	vmul.f32 v10, v5;
	[tilespmem:s13+$0xFFFFFFB0] =	vst v8  }
0xc3: {  	v1 =	vld [tilespmem:s13+$0x0];
	v7 =	vmul.f32 v63, v5;
	[tilespmem:s13+$0xFFFFFFD0] =	vst v3  }
0xc4: {  	v2 =	vld [tilespmem:s13+$0x10];
	v3 =	vmul.f32 v4, v5;
	[tilespmem:s13+$0xFFFFFF90] =	vst v6  }
0xc5: {  	v5 =	vld [tilespmem:s13+$0x50];
	[tilespmem:s13+$0xFFFFFFE0] =	vst v7  }
0xc6: {  	v4 =	vld [tilespmem:s13+$0x60];
	[tilespmem:s13+$0xFFFFFFC0] =	vst v3  }
0xc7: {  	s18 =	simm.s32 $0x18480;
	s15 =	simm.s32 $0x0;
	v3 =	vld.msk [tilespmem:s14+$0x0 ss:$0x0], $0xffff  }
.LBB2_7:
0xc8: {  	s15 =	sadd.s32 $0x2, s15;
	v6 =	vld [tilespmem:s13+$0x30];
	s18 =	sadd.s32 $0x100, s18;
	s14 =	sadd.s32 $0x2, s14  }
0xc9: {  	p1 =	slt.u32 s15, $0x7E;
	v7 =	vld [tilespmem:s13+$0x20]  }
0xca: {  	v8 =	vld [tilespmem:s13+$0x40]  }
0xcb: {  	v9 =	vld [tilespmem:s13+$0x70];
	_ =	sdelay $0x1  }
0xcc: {  	v1 =	vmul.f32 v3, v1;
	v2 =	vmul.f32 v2, v3  }
0xcd: {  	v6 =	vmul.f32 v6, v3;
	v7 =	vmul.f32 v7, v3  }
0xce: {  	v5 =	vmul.f32 v5, v3;
	[tilespmem:s13+$0x0] =	vst v1;
	v8 =	vmul.f32 v8, v3  }
0xcf: {  	v4 =	vmul.f32 v4, v3;
	v1 =	vld [tilespmem:s18+$0x0];
	[tilespmem:s13+$0x30] =	vst v6;
	v3 =	vmul.f32 v9, v3  }
0xd0: {  	[tilespmem:s13+$0x40] =	vst v8  }
0xd1: {  	v6 =	vld [tilespmem:s18+$0xFFFFFFD0];
	[tilespmem:s13+$0x50] =	vst v5  }
0xd2: {  	v5 =	vld [tilespmem:s18+$0xFFFFFFC0];
	[tilespmem:s13+$0x20] =	vst v7  }
0xd3: {  	v7 =	vld [tilespmem:s18+$0xFFFFFFB0];
	[tilespmem:s13+$0x60] =	vst v4  }
0xd4: {  	v4 =	vld [tilespmem:s18+$0xFFFFFFE0];
	[tilespmem:s13+$0x10] =	vst v2  }
0xd5: {  	v8 =	vld [tilespmem:s18+$0xFFFFFF80];
	[tilespmem:s13+$0x70] =	vst v3;
	s13 =	smov.u32 s18  }
0xd6: {  	v3 =	vld.msk [tilespmem:s14+$0xFFFFFFFF ss:$0x0], $0xffff  }
0xd7: {  	v9 =	vld [tilespmem:s18+$0xFFFFFFF0]  }
0xd8: {  	v10 =	vld [tilespmem:s18+$0xFFFFFFA0]  }
0xd9: {  	v11 =	vld [tilespmem:s18+$0xFFFFFF90]  }
0xda: {  	v2 =	vld [tilespmem:s18+$0x10];
	_ =	sdelay $0x1  }
0xdb: {  	v8 =	vmul.f32 v3, v8;
	v9 =	vmul.f32 v9, v3  }
0xdc: {  	v4 =	vmul.f32 v4, v3;
	v10 =	vmul.f32 v10, v3  }
0xdd: {  	v7 =	vmul.f32 v7, v3;
	v11 =	vmul.f32 v11, v3;
	[tilespmem:s18+$0xFFFFFFF0] =	vst v9  }
0xde: {  	[tilespmem:s18+$0xFFFFFF80] =	vst v8;
	v8 =	vmul.f32 v5, v3;
	v3 =	vmul.f32 v6, v3  }
0xdf: {  	[tilespmem:s18+$0xFFFFFFA0] =	vst v10  }
0xe0: {  	[tilespmem:s18+$0xFFFFFFB0] =	vst v7  }
.Ltmp4:
0xe1: {  	[tilespmem:s18+$0xFFFFFFD0] =	vst v3;
	(pc) =	sbr.rel @p1 .LBB2_7-.Ltmp4, $4  }
0xe2: {  	[tilespmem:s18+$0xFFFFFF90] =	vst v11  }
0xe3: {  	[tilespmem:s18+$0xFFFFFFE0] =	vst v4;
	v5 =	vld [tilespmem:s18+$0x50]  }
0xe4: {  	[tilespmem:s18+$0xFFFFFFC0] =	vst v8;
	v4 =	vld [tilespmem:s18+$0x60]  }
0xe5: {  	v3 =	vld.msk [tilespmem:s14+$0x0 ss:$0x0], $0xffff  }
0xe6: {  	_ =	sdelay $0x1  }
0xe7: {  	v6 =	vld [tilespmem:s13+$0x30]  }
0xe8: {  	v7 =	vld [tilespmem:s13+$0x40]  }
0xe9: {  	v8 =	vld [tilespmem:s13+$0x20];
	v1 =	vmul.f32 v3, v1  }
0xea: {  	v5 =	vmul.f32 v5, v3  }
0xeb: {  	v9 =	vld [tilespmem:s13+$0x70];
	v2 =	vmul.f32 v2, v3;
	[tilespmem:s13+$0x0] =	vst v1  }
0xec: {  	v6 =	vmul.f32 v6, v3;
	[tilespmem:s13+$0x50] =	vst v5  }
0xed: {  	v1 =	vmul.f32 v7, v3;
	[tilespmem:s13+$0x10] =	vst v2  }
0xee: {  	v63 =	vmul.f32 v8, v3;
	[tilespmem:s13+$0x30] =	vst v6  }
0xef: {  	[tilespmem:s13+$0x40] =	vst v1;
	v1 =	vmul.f32 v4, v3  }
0xf0: {  	[tilespmem:s13+$0x20] =	vst v63;
	v3 =	vmul.f32 v9, v3  }
0xf1: {  	[tilespmem:s13+$0x60] =	vst v1  }
.Ltmp5:
0xf2: {  	[tilespmem:s13+$0x70] =	vst v3;
	(pc) =	sbr.rel @p0 .LBB2_10-.Ltmp5, $4  }
0xf3: {  	[spmem:s1] =	stream.indirect.scatter.add.f32 [tilespmem:s0], [sflag:$0x4], $0x80, s28, s25, $0xb8;
	[tilespmem:$0x1C400] =	vst v63  }
0xf4: {  	_ =	swait.ge [sflag:s2], $0x4000  }
0xf5: {  	[sflag:s2] =	ssyncset.done $0x0  }
0xf6: {  	[sflag:s2] =	ssyncadd.s32 $0xFFFFC000  }
0xf7: {  	_ =	swait.ge [sflag:s10], $0x80  }
0xf8: {  	[sflag:s10] =	ssyncset.done $0x0  }
0xf9: {  	[sflag:s10] =	ssyncadd.s32 $0xFFFFFF80  }
0xfa: {  	_ =	swait.ge [sflag:s10], $0x80  }
0xfb: {  	[sflag:s10] =	ssyncset.done $0x0  }
.Ltmp6:
0xfc: {  	[sflag:s10] =	ssyncadd.s32 $0xFFFFFF80;
	(pc) =	sbr.rel .LBB2_4-.Ltmp6, $4  }
0xfd: {  	_ =	swait.ge [sflag:s10], $0x80  }
0xfe: {  	[sflag:s10] =	ssyncset.done $0x0  }
0xff: {  	s12 =	sadd.s32 $0x1, s12;
	[sflag:s10] =	ssyncadd.s32 $0xFFFFFF80  }
0x100: {  	[tilespmem:s20], [sflag:$0x1] =	stream.indirect.gather [hbm4b:s4+s25], $0x80, s22, s25, $0xb8;
	[tilespmem:$0x1C400] =	vst v63  }
.LBB2_11:
0x101: {  	_ =	sfence.sel $0x180000  }
0x102: {  	[bflag:$0x0] =	sbarrier.arrive $0xFFFF  }
0x103: {  	_ =	strace $0x90000050  }
0x104: {  	s0 =	stileid.u32;
	[bflag:$0x2] =	sbarrier.arrive $0xFFFF  }
0x105: {  	p0 =	sne.s32 s0, $0x0;
	s0 =	rddreg [dreg:$0x2]  }
0x106: {  	s0 =	sadd.s32 @!p0 $0x100000, s0  }
0x107: {  	[sflag:s0] =	ssyncadd.tile.s32 @!p0 $0x1;
	_ =	shalt  }
.Lfunc_end2:
_tile_overlayer_lowered:
.L_overlay_start_2:
0x108: {  	(tag) =	ssettag $0x2  }
0x109: {  	s0 =	rddreg [dreg:$0x0];
	s2 =	stileid.u32  }
0x10a: {  	s1 =	rddreg [dreg:$0x1];
	p0 =	sne.s32 s2, $0x0  }
0x10b: {  	s3 =	rddreg [dreg:$0x2];
	[bflag:$0x3] =	sbarrier.arrive $0xFFFF;
	s2 =	simm.s32 @!p0 $0x1C07  }
0x10c: {  	[timem:s3], [sflag:s2] =	dma.local @!p0 [hbm:s0], s1  }
0x10d: {  	s0 =	simm.s32 @!p0 $0x7  }
0x10e: {  	_ =	swait.ge @!p0 [sflag:s0], s1  }
0x10f: {  	s1 =	ssub.s32 @!p0 $0x0, s1;
	[sflag:s0] =	ssyncset.done @!p0 $0x0  }
0x110: {  	[sflag:s0] =	ssyncadd.s32 @!p0 s1  }
0x111: {  	[bflag:$0x3] =	sbarrier.arrive $0xFFFF  }
0x112: {  	_ =	shalt  }

</sc_bundles>
